<compile_context>
chip_gen: v7x
topology: tpu7x:2x2x1
jax: 0.10.2.dev20260603
libtpu: 0.0.44.dev20260713+nightly
codegen_flags: <defaults>
</compile_context>

<pallas_src>
import functools

import jax
import jax.numpy as jnp
from jax import lax
from jax.experimental import pallas as pl
from jax.experimental.pallas import tpu as pltpu
from jax.experimental.pallas import tpu_sc as plsc

F32 = jnp.float32

_NC = 2
_NS = 16
_NW = _NC * _NS
_LANES = 16
_BLK = 128


def _silu(x):
    return x * lax.logistic(x)


def _dot(a, b):
    return jnp.dot(a, b, preferred_element_type=F32)




@functools.lru_cache(maxsize=None)
def _make_gather_add(n, e, h):
    assert e % _BLK == 0
    nblk = e // _BLK
    per_w = -(-nblk // _NW)
    mesh = plsc.VectorSubcoreMesh(core_axis_name="c", subcore_axis_name="s",
                                  num_cores=_NC, num_subcores=_NS)

    @functools.partial(
        pl.kernel,
        out_type=jax.ShapeDtypeStruct((e, h), F32),
        mesh=mesh,
        scratch_types=[
            pltpu.VMEM((_BLK,), jnp.int32),
            pltpu.VMEM((_BLK,), jnp.int32),
            pltpu.VMEM((_BLK, h), F32),
            pltpu.VMEM((_BLK, h), F32),
            pltpu.SemaphoreType.DMA,
            pltpu.SemaphoreType.DMA,
        ],
    )
    def gather_add(hs_hbm, ht_hbm, row_hbm, col_hbm, out_hbm,
                   idxa, idxb, bufa, bufb, sema, semb):
        c = lax.axis_index("c")
        s = lax.axis_index("s")
        wid = s * _NC + c

        @pl.loop(0, per_w)
        def _chunks(k):
            blk = k * _NW + wid

            @pl.when(blk < nblk)
            def _():
                base = blk * _BLK
                pltpu.sync_copy(row_hbm.at[pl.ds(base, _BLK)], idxa)
                pltpu.sync_copy(col_hbm.at[pl.ds(base, _BLK)], idxb)
                cpa = pltpu.async_copy(hs_hbm.at[idxa], bufa, sema)
                cpb = pltpu.async_copy(ht_hbm.at[idxb], bufb, semb)
                cpa.wait()
                cpb.wait()

                @pl.loop(0, _BLK)
                def _rows(i):
                    for j in range(h // _LANES):
                        sl = pl.ds(j * _LANES, _LANES)
                        bufa[i, sl] = bufa[i, sl] + bufb[i, sl]

                pltpu.sync_copy(bufa, out_hbm.at[pl.ds(base, _BLK)])

    return gather_add


def _npad(n):
    return -(-n // (_NS * _BLK)) * (_NS * _BLK)


@functools.lru_cache(maxsize=None)
def _make_scatter_add(n, e, h):
    assert e % _BLK == 0
    nblk = e // _BLK
    per_w = -(-nblk // _NW)
    npad = _npad(n)
    rows_per_tile = npad // _NS
    nchunks = rows_per_tile // _BLK
    chunk = _BLK
    mesh = plsc.VectorSubcoreMesh(core_axis_name="c", subcore_axis_name="s",
                                  num_cores=_NC, num_subcores=_NS)

    @functools.partial(
        pl.kernel,
        out_type=jax.ShapeDtypeStruct((_NC * npad, h), F32),
        mesh=mesh,
        scratch_types=[
            pltpu.VMEM((_BLK,), jnp.int32),
            pltpu.VMEM((_BLK, h), F32),
            pltpu.VMEM_SHARED((npad, h), F32),
        ],
    )
    def scatter_add(mij_hbm, row_hbm, out_hbm, idxv, buf, shared):
        c = lax.axis_index("c")
        s = lax.axis_index("s")
        wid = s * _NC + c

        @pl.loop(0, _BLK)
        def _zrows(i):
            for j in range(h // _LANES):
                buf[i, pl.ds(j * _LANES, _LANES)] = jnp.zeros((_LANES,), F32)

        for t in range(nchunks):
            pltpu.sync_copy(
                buf.at[pl.ds(0, chunk)],
                shared.at[pl.ds(s * rows_per_tile + t * chunk, chunk)],
            )
        plsc.subcore_barrier()

        @pl.loop(0, per_w)
        def _chunks(k):
            blk = k * _NW + wid

            @pl.when(blk < nblk)
            def _():
                base = blk * _BLK
                pltpu.sync_copy(row_hbm.at[pl.ds(base, _BLK)], idxv)
                pltpu.sync_copy(mij_hbm.at[pl.ds(base, _BLK)], buf)
                pltpu.sync_copy(buf, shared.at[idxv], add=True)

        plsc.subcore_barrier()

        for t in range(nchunks):
            off = s * rows_per_tile + t * chunk
            pltpu.sync_copy(shared.at[pl.ds(off, chunk)], buf.at[pl.ds(0, chunk)])
            pltpu.sync_copy(buf.at[pl.ds(0, chunk)], out_hbm.at[pl.ds(c * npad + off, chunk)])

    return scatter_add



_NB = 2000
_EB = 4000


def _embed_prep_body(x_ref, ew, eb, w1s, w1t, h0_ref, hs_ref, ht_ref):
    h0 = _dot(x_ref[...], ew[...]) + eb[...]
    h0_ref[...] = h0
    hs_ref[...] = _dot(h0, w1s[...])
    ht_ref[...] = _dot(h0, w1t[...])


def _edge_mlp_body(pp_ref, ea_ref, me, be, w2, b2, out_ref):
    pre = pp_ref[...] + _dot(ea_ref[...], me[...]) + be[...]
    m = _dot(_silu(pre), w2[...]) + b2[...]
    out_ref[...] = _silu(m)


def _node_update_body(h_ref, agg_ref, w1h, w1a, b1, w2, b2, w1s_n, w1t_n,
                      hn_ref, hs_ref, ht_ref):
    hcur = h_ref[...]
    agg = agg_ref[0] + agg_ref[1]
    u = _dot(hcur, w1h[...]) + _dot(agg, w1a[...]) + b1[...]
    hn = hcur + _dot(_silu(u), w2[...]) + b2[...]
    hn_ref[...] = hn
    hs_ref[...] = _dot(hn, w1s_n[...])
    ht_ref[...] = _dot(hn, w1t_n[...])


def _node_final_body(h_ref, agg_ref, w1h, w1a, b1, w2, b2,
                     ndw1, ndb1, ndw2, ndb2, gdw1, gdb1, gdw2, gdb2,
                     out_ref):
    hcur = h_ref[...]
    agg = agg_ref[0] + agg_ref[1]
    u = _dot(hcur, w1h[...]) + _dot(agg, w1a[...]) + b1[...]
    hn = hcur + _dot(_silu(u), w2[...]) + b2[...]
    t = _silu(_dot(hn, ndw1[...]) + ndb1[...])
    hd = _dot(t, ndw2[...]) + ndb2[...]
    p = _dot(hd, gdw1[...]) + gdb1[...]
    p = p / (1.0 + jnp.abs(p))
    sblk = _dot(p, gdw2[...]) + gdb2[...]
    part = jnp.sum(sblk).reshape(1, 1)

    @pl.when(pl.program_id(0) == 0)
    def _():
        out_ref[...] = jnp.zeros_like(out_ref)

    out_ref[...] += part


def _full(shape):
    return pl.BlockSpec(shape, lambda i: (0,) * len(shape))


def _rows_spec(nb, h):
    return pl.BlockSpec((nb, h), lambda i: (i, 0))




def kernel(h, edge_attr, node_mask, edge_mask, params, edges):
    b, n, d = h.shape
    e = edges.shape[1]
    hh = params['emb_w'].shape[1]

    hf = h.reshape(n, d)
    ea = edge_attr.reshape(e, -1)
    de = ea.shape[1]
    row = edges[0, :, 0]
    col = edges[0, :, 1]

    layers = params['layers']
    nl = len(layers)

    w1s = [p['e_w1'][:hh] for p in layers]
    w1t = [p['e_w1'][hh:2 * hh] for p in layers]
    me = [params['eemb_w'] @ p['e_w1'][2 * hh:] for p in layers]
    be = [(params['eemb_b'] @ p['e_w1'][2 * hh:] + p['e_b1']).reshape(1, hh)
          for p in layers]

    gather_add = _make_gather_add(n, e, hh)
    scatter_add = _make_scatter_add(n, e, hh)

    ngrid = n // _NB
    egrid = e // _EB

    h0, hs, ht = pl.pallas_call(
        _embed_prep_body,
        grid=(ngrid,),
        in_specs=[
            _rows_spec(_NB, d),
            _full((d, hh)), _full((1, hh)),
            _full((hh, hh)), _full((hh, hh)),
        ],
        out_specs=[_rows_spec(_NB, hh)] * 3,
        out_shape=[jax.ShapeDtypeStruct((n, hh), F32)] * 3,
    )(hf, params['emb_w'], params['emb_b'].reshape(1, hh), w1s[0], w1t[0])

    edge_mlp = pl.pallas_call(
        _edge_mlp_body,
        grid=(egrid,),
        in_specs=[
            _rows_spec(_EB, hh),
            _rows_spec(_EB, de),
            _full((de, hh)), _full((1, hh)),
            _full((hh, hh)), _full((1, hh)),
        ],
        out_specs=_rows_spec(_EB, hh),
        out_shape=jax.ShapeDtypeStruct((e, hh), F32),
    )

    hcur = h0
    out = None
    for l in range(nl):
        p = layers[l]
        pre = gather_add(hs, ht, row, col)
        mij = edge_mlp(pre, ea, me[l], be[l], p['e_w2'],
                       p['e_b2'].reshape(1, hh))
        aggp = scatter_add(mij, row).reshape(_NC, _npad(n), hh)

        agg_spec = pl.BlockSpec((_NC, _NB, hh), lambda i: (0, i, 0))
        if l < nl - 1:
            pn = layers[l + 1]
            hcur, hs, ht = pl.pallas_call(
                _node_update_body,
                grid=(ngrid,),
                in_specs=[
                    _rows_spec(_NB, hh), agg_spec,
                    _full((hh, hh)), _full((hh, hh)), _full((1, hh)),
                    _full((hh, hh)), _full((1, hh)),
                    _full((hh, hh)), _full((hh, hh)),
                ],
                out_specs=[_rows_spec(_NB, hh)] * 3,
                out_shape=[jax.ShapeDtypeStruct((n, hh), F32)] * 3,
            )(hcur, aggp,
              p['n_w1'][:hh], p['n_w1'][hh:], p['n_b1'].reshape(1, hh),
              p['n_w2'], p['n_b2'].reshape(1, hh),
              w1s[l + 1], w1t[l + 1])
        else:
            out = pl.pallas_call(
                _node_final_body,
                grid=(ngrid,),
                in_specs=[
                    _rows_spec(_NB, hh), agg_spec,
                    _full((hh, hh)), _full((hh, hh)), _full((1, hh)),
                    _full((hh, hh)), _full((1, hh)),
                    _full((hh, hh)), _full((1, hh)),
                    _full((hh, hh)), _full((1, hh)),
                    _full((hh, hh)), _full((1, hh)),
                    _full((hh, 1)), _full((1, 1)),
                ],
                out_specs=_full((1, 1)),
                out_shape=jax.ShapeDtypeStruct((1, 1), F32),
            )(hcur, aggp,
              p['n_w1'][:hh], p['n_w1'][hh:], p['n_b1'].reshape(1, hh),
              p['n_w2'], p['n_b2'].reshape(1, hh),
              params['nd_w1'], params['nd_b1'].reshape(1, hh),
              params['nd_w2'], params['nd_b2'].reshape(1, hh),
              params['gd_w1'], params['gd_b1'].reshape(1, hh),
              params['gd_w2'], params['gd_b2'].reshape(1, 1))

    return out

# --- scband reference (transcript-rebuilt; emitter-appended) ---
"""Pipeline reference for scband-topological-gnn-3015067042089 (READ-ONLY COPY).

The authoritative reference and input builder live on the scoring server;
editing this copy changes nothing except your own understanding.
"""

import jax, jax.numpy as jnp
import numpy as np

B, N, E, D_IN, D_EDGE, H, L = 1, 10000, 160000, 128, 16, 128, 4

def _lin(x, w, b):
    return jnp.matmul(x, w) + b

def _silu(x):
    return x * jax.nn.sigmoid(x)

def _init_linear(key, fan_in, fan_out):
    k1, k2 = jax.random.split(key)
    lim = 1.0 / np.sqrt(fan_in)
    w = jax.random.uniform(k1, (fan_in, fan_out), minval=-lim, maxval=lim, dtype=jnp.float32)
    b = jax.random.uniform(k2, (fan_out,), minval=-lim, maxval=lim, dtype=jnp.float32)
    return w, b

def setup_inputs(seed: int = 0) -> dict:
    key = jax.random.key(seed)
    ks = jax.random.split(key, 40)
    h = jax.random.normal(ks[0], (B, N, D_IN), dtype=jnp.float32)
    edges = jax.random.randint(ks[1], (B, E, 2), 0, N, dtype=jnp.int32)
    edge_attr = jax.random.normal(ks[2], (B, E, D_EDGE), dtype=jnp.float32)
    node_mask = jnp.ones((B, N, 1), dtype=jnp.float32)
    edge_mask = jnp.ones((B, E, 1), dtype=jnp.float32)
    params = {}
    params['emb_w'], params['emb_b'] = _init_linear(ks[3], D_IN, H)
    params['eemb_w'], params['eemb_b'] = _init_linear(ks[4], D_EDGE, H)
    layers = []
    for i in range(L):
        base = 5 + i * 4
        p = {}
        p['e_w1'], p['e_b1'] = _init_linear(ks[base], 2 * H + H, H)
        p['e_w2'], p['e_b2'] = _init_linear(ks[base + 1], H, H)
        p['n_w1'], p['n_b1'] = _init_linear(ks[base + 2], H + H, H)
        p['n_w2'], p['n_b2'] = _init_linear(ks[base + 3], H, H)
        layers.append(p)
    params['layers'] = layers
    params['nd_w1'], params['nd_b1'] = _init_linear(ks[30], H, H)
    params['nd_w2'], params['nd_b2'] = _init_linear(ks[31], H, H)
    params['gd_w1'], params['gd_b1'] = _init_linear(ks[32], H, H)
    params['gd_w2'], params['gd_b2'] = _init_linear(ks[33], H, 1)
    return {'h': h, 'edge_attr': edge_attr, 'node_mask': node_mask, 'edge_mask': edge_mask, 'params': params, 'edges': edges}

def _gcl(h, edges, edge_attr, node_mask, edge_mask, p):
    b, n, d = h.shape
    e = edges.shape[1]
    row = edges[:, :, 0]
    col = edges[:, :, 1]
    offsets = (jnp.arange(b, dtype=row.dtype) * n)[:, None]
    row_idx = (row + offsets).reshape(-1)
    col_idx = (col + offsets).reshape(-1)
    h_flat = h.reshape(-1, d)
    src = jnp.take(h_flat, row_idx, axis=0).reshape(b, e, d) * edge_mask
    tgt = jnp.take(h_flat, col_idx, axis=0).reshape(b, e, d) * edge_mask
    inp = jnp.concatenate([src, tgt, edge_attr], axis=2)
    mij = _silu(_lin(_silu(_lin(inp, p['e_w1'], p['e_b1'])), p['e_w2'], p['e_b2']))
    out = mij * edge_mask
    f = out.shape[2]
    agg = jnp.zeros((b * n, f), dtype=h.dtype).at[row_idx].add(out.reshape(-1, f)).reshape(b, n, f)
    agg = jnp.concatenate([h, agg], axis=2)
    h = h + _lin(_silu(_lin(agg, p['n_w1'], p['n_b1'])), p['n_w2'], p['n_b2'])
    if node_mask is not None:
        h = h * node_mask
    return h, mij

def _model(h, edge_attr, node_mask, edge_mask, params, edges):
    h = _lin(h, params['emb_w'], params['emb_b'])
    h = h * node_mask
    e = _lin(edge_attr, params['eemb_w'], params['eemb_b'])
    for p in params['layers']:
        h, _ = _gcl(h, edges, e, node_mask, edge_mask, p)
    h = _lin(_silu(_lin(h, params['nd_w1'], params['nd_b1'])), params['nd_w2'], params['nd_b2'])
    h = h * node_mask
    pred = _lin(h, params['gd_w1'], params['gd_b1'])
    pred = pred / (1.0 + jnp.abs(pred))
    pred = _lin(pred, params['gd_w2'], params['gd_b2'])
    pred = pred * node_mask
    return jnp.sum(pred, axis=1)

def reference(h, edge_attr, node_mask, edge_mask, params, edges):
    return _model(h, edge_attr, node_mask, edge_mask, params, edges)

if __name__ == "__main__":
    import jax
    _d = setup_inputs()
    print(jax.jit(kernel)(*tuple(_d.values())))

</pallas_src>

<mosaic_0001>
#map = affine_map<(d0, d1) -> (0, 0)>
#map1 = affine_map<(d0, d1) -> (0)>
module attributes {stable_mosaic.version = 14 : i64} {
  func.func @gather_add(%arg0: i32, %arg1: i32, %arg2: memref<10000x128xf32, #tpu.memory_space<hbm>>, %arg3: memref<10000x128xf32, #tpu.memory_space<hbm>>, %arg4: memref<160000xi32, #tpu.memory_space<hbm>>, %arg5: memref<160000xi32, #tpu.memory_space<hbm>>, %arg6: memref<160000x128xf32, #tpu.memory_space<hbm>>, %arg7: memref<128xi32, #tpu.memory_space<vmem>>, %arg8: memref<128xi32, #tpu.memory_space<vmem>>, %arg9: memref<128x128xf32, #tpu.memory_space<vmem>>, %arg10: memref<128x128xf32, #tpu.memory_space<vmem>>, %arg11: memref<!tpu.dma_semaphore, #tpu.memory_space<semaphore_mem>>, %arg12: memref<!tpu.dma_semaphore, #tpu.memory_space<semaphore_mem>>) attributes {dimension_semantics = [#tpu.dimension_semantics<core_parallel>, #tpu.dimension_semantics<subcore_parallel>], iteration_bounds = array<i64: 2, 16>, scalar_prefetch = 0 : i64, scratch_operands = 6 : i64, tpu.core_type = #tpu.core_type<sc_vector_subcore>, window_params = [{transform_indices = #map}, {transform_indices = #map}, {transform_indices = #map1}, {transform_indices = #map1}, {transform_indices = #map}]} {
    %mul3A = arith.constant 2 : i32
    %mul3A_0 = arith.muli %arg1, %mul3A : i32
    %add3A = arith.addi %mul3A_0, %arg0 : i32
    %scan3A = arith.constant 0 : i32
    %scan3A_1 = arith.constant 40 : i32
    %scan3A_2 = arith.addi %scan3A, %scan3A_1 : i32
    %scan3A_3 = arith.constant 1 : i32
    scf.for %scan3A_5 = %scan3A to %scan3A_2 step %scan3A_3  : i32 {
      %mul3A_6 = arith.constant 1 : i32
      %mul3A_7 = arith.muli %scan3A_5, %mul3A_6 : i32
      %add3A_8 = arith.constant 0 : i32
      %add3A_9 = arith.addi %add3A_8, %mul3A_7 : i32
      %mul3A_10 = arith.constant 32 : i32
      %mul3A_11 = arith.muli %add3A_9, %mul3A_10 : i32
      %add3A_12 = arith.addi %mul3A_11, %add3A : i32
      %lt3A = arith.constant 1250 : i32
      %lt3A_13 = arith.cmpi slt, %add3A_12, %lt3A : i32
      %convert_element_type3A = arith.extui %lt3A_13 : i1 to i32
      %cond3A = arith.constant 0 : i32
      %cond3A_14 = arith.cmpi ne, %convert_element_type3A, %cond3A : i32
      scf.if %cond3A_14 {
        %mul3A_15 = arith.constant 128 : i32
        %mul3A_16 = arith.muli %add3A_12, %mul3A_15 : i32
        "tpu.region"() ({
          %run_scoped3A = tpu.sem_alloc : memref<!tpu.dma_semaphore, #tpu.memory_space<semaphore_mem>>
          %dma_start3A_32 = tpu.memref_slice %arg4[%mul3A_16] : memref<160000xi32, #tpu.memory_space<hbm>> -> memref<128xi32, #tpu.memory_space<hbm>>
          %dma_start3A_33 = tpu.memref_slice %arg4[%mul3A_16] : memref<160000xi32, #tpu.memory_space<hbm>> -> memref<128xi32, #tpu.memory_space<hbm>>
          tpu.enqueue_dma source(%dma_start3A_33 : memref<128xi32, #tpu.memory_space<hbm>>) target(%arg7 : memref<128xi32, #tpu.memory_space<vmem>>) target_semaphore(%run_scoped3A : memref<!tpu.dma_semaphore, #tpu.memory_space<semaphore_mem>>)
          %dma_wait3A_34 = tpu.memref_slice %arg4[%mul3A_16] : memref<160000xi32, #tpu.memory_space<hbm>> -> memref<128xi32, #tpu.memory_space<hbm>>
          %dma_wait3A_35 = tpu.memref_slice %arg4[%mul3A_16] : memref<160000xi32, #tpu.memory_space<hbm>> -> memref<128xi32, #tpu.memory_space<hbm>>
          tpu.wait_dma2 semaphore(%run_scoped3A : memref<!tpu.dma_semaphore, #tpu.memory_space<semaphore_mem>>) src(%dma_wait3A_35 : memref<128xi32, #tpu.memory_space<hbm>>) dst(%arg7 : memref<128xi32, #tpu.memory_space<vmem>>)
          tpu.yield
        }) : () -> ()
        "tpu.region"() ({
          %run_scoped3A = tpu.sem_alloc : memref<!tpu.dma_semaphore, #tpu.memory_space<semaphore_mem>>
          %dma_start3A_32 = tpu.memref_slice %arg5[%mul3A_16] : memref<160000xi32, #tpu.memory_space<hbm>> -> memref<128xi32, #tpu.memory_space<hbm>>
          %dma_start3A_33 = tpu.memref_slice %arg5[%mul3A_16] : memref<160000xi32, #tpu.memory_space<hbm>> -> memref<128xi32, #tpu.memory_space<hbm>>
          tpu.enqueue_dma source(%dma_start3A_33 : memref<128xi32, #tpu.memory_space<hbm>>) target(%arg8 : memref<128xi32, #tpu.memory_space<vmem>>) target_semaphore(%run_scoped3A : memref<!tpu.dma_semaphore, #tpu.memory_space<semaphore_mem>>)
          %dma_wait3A_34 = tpu.memref_slice %arg5[%mul3A_16] : memref<160000xi32, #tpu.memory_space<hbm>> -> memref<128xi32, #tpu.memory_space<hbm>>
          %dma_wait3A_35 = tpu.memref_slice %arg5[%mul3A_16] : memref<160000xi32, #tpu.memory_space<hbm>> -> memref<128xi32, #tpu.memory_space<hbm>>
          tpu.wait_dma2 semaphore(%run_scoped3A : memref<!tpu.dma_semaphore, #tpu.memory_space<semaphore_mem>>) src(%dma_wait3A_35 : memref<128xi32, #tpu.memory_space<hbm>>) dst(%arg8 : memref<128xi32, #tpu.memory_space<vmem>>)
          tpu.yield
        }) : () -> ()
        %dma_start3A = arith.constant 0 : i32
        %dma_start3A_17 = arith.constant 0 : i32
        %dma_start3A_18 = tpu.memref_slice %arg2[%dma_start3A, %dma_start3A_17] : memref<10000x128xf32, #tpu.memory_space<hbm>> -> memref<10000x128xf32, #tpu.memory_space<hbm>>
        tpu.enqueue_indirect_dma source(%dma_start3A_18 : memref<10000x128xf32, #tpu.memory_space<hbm>>) target(%arg9 : memref<128x128xf32, #tpu.memory_space<vmem>>) offsets(%arg7 : memref<128xi32, #tpu.memory_space<vmem>>) semaphore(%arg11 : memref<!tpu.dma_semaphore, #tpu.memory_space<semaphore_mem>>)
        %dma_start3A_19 = arith.constant 0 : i32
        %dma_start3A_20 = arith.constant 0 : i32
        %dma_start3A_21 = tpu.memref_slice %arg3[%dma_start3A_19, %dma_start3A_20] : memref<10000x128xf32, #tpu.memory_space<hbm>> -> memref<10000x128xf32, #tpu.memory_space<hbm>>
        tpu.enqueue_indirect_dma source(%dma_start3A_21 : memref<10000x128xf32, #tpu.memory_space<hbm>>) target(%arg10 : memref<128x128xf32, #tpu.memory_space<vmem>>) offsets(%arg8 : memref<128xi32, #tpu.memory_space<vmem>>) semaphore(%arg12 : memref<!tpu.dma_semaphore, #tpu.memory_space<semaphore_mem>>)
        %dma_wait3A = arith.constant 0 : i32
        %dma_wait3A_22 = arith.constant 0 : i32
        %dma_wait3A_23 = tpu.memref_slice %arg2[%dma_wait3A, %dma_wait3A_22] : memref<10000x128xf32, #tpu.memory_space<hbm>> -> memref<10000x128xf32, #tpu.memory_space<hbm>>
        tpu.wait_indirect_dma semaphore(%arg11 : memref<!tpu.dma_semaphore, #tpu.memory_space<semaphore_mem>>) src(%dma_wait3A_23 : memref<10000x128xf32, #tpu.memory_space<hbm>>) dst(%arg9 : memref<128x128xf32, #tpu.memory_space<vmem>>)
        %dma_wait3A_24 = arith.constant 0 : i32
        %dma_wait3A_25 = arith.constant 0 : i32
        %dma_wait3A_26 = tpu.memref_slice %arg3[%dma_wait3A_24, %dma_wait3A_25] : memref<10000x128xf32, #tpu.memory_space<hbm>> -> memref<10000x128xf32, #tpu.memory_space<hbm>>
        tpu.wait_indirect_dma semaphore(%arg12 : memref<!tpu.dma_semaphore, #tpu.memory_space<semaphore_mem>>) src(%dma_wait3A_26 : memref<10000x128xf32, #tpu.memory_space<hbm>>) dst(%arg10 : memref<128x128xf32, #tpu.memory_space<vmem>>)
        %scan3A_27 = arith.constant 0 : i32
        %scan3A_28 = arith.constant 128 : i32
        %scan3A_29 = arith.addi %scan3A_27, %scan3A_28 : i32
        %scan3A_30 = arith.constant 1 : i32
        scf.for %scan3A_32 = %scan3A_27 to %scan3A_29 step %scan3A_30  : i32 {
          %mul3A_33 = arith.constant 1 : i32
          %mul3A_34 = arith.muli %scan3A_32, %mul3A_33 : i32
          %add3A_35 = arith.constant 0 : i32
          %add3A_36 = arith.addi %add3A_35, %mul3A_34 : i32
          %get3A = arith.index_cast %add3A_36 : i32 to index
          %get3A_37 = arith.constant 0 : index
          %get3A_38 = tpu.vector_load %arg9[%get3A, %get3A_37] {strides = array<i32>} : memref<128x128xf32, #tpu.memory_space<vmem>>, vector<1x16xf32>,
          %get3A_39 = vector.shape_cast %get3A_38 : vector<1x16xf32> to vector<16xf32>
          %get3A_40 = arith.index_cast %add3A_36 : i32 to index
          %get3A_41 = arith.constant 0 : index
          %get3A_42 = tpu.vector_load %arg10[%get3A_40, %get3A_41] {strides = array<i32>} : memref<128x128xf32, #tpu.memory_space<vmem>>, vector<1x16xf32>,
          %get3A_43 = vector.shape_cast %get3A_42 : vector<1x16xf32> to vector<16xf32>
          %add3A_44 = arith.addf %get3A_39, %get3A_43 : vector<16xf32>
          %swap3A = arith.index_cast %add3A_36 : i32 to index
          %swap3A_45 = arith.constant 0 : index
          %swap3A_46 = tpu.vector_load %arg9[%swap3A, %swap3A_45] {strides = array<i32>} : memref<128x128xf32, #tpu.memory_space<vmem>>, vector<1x16xf32>,
          %swap3A_47 = vector.shape_cast %swap3A_46 : vector<1x16xf32> to vector<16xf32>
          %swap3A_48 = vector.shape_cast %add3A_44 : vector<16xf32> to vector<1x16xf32>
          tpu.vector_store %arg9[%swap3A, %swap3A_45], %swap3A_48 {strides = array<i32>} : memref<128x128xf32, #tpu.memory_space<vmem>>, vector<1x16xf32>,
          %get3A_49 = arith.index_cast %add3A_36 : i32 to index
          %get3A_50 = arith.constant 16 : index
          %get3A_51 = tpu.vector_load %arg9[%get3A_49, %get3A_50] {strides = array<i32>} : memref<128x128xf32, #tpu.memory_space<vmem>>, vector<1x16xf32>,
          %get3A_52 = vector.shape_cast %get3A_51 : vector<1x16xf32> to vector<16xf32>
          %get3A_53 = arith.index_cast %add3A_36 : i32 to index
          %get3A_54 = arith.constant 16 : index
          %get3A_55 = tpu.vector_load %arg10[%get3A_53, %get3A_54] {strides = array<i32>} : memref<128x128xf32, #tpu.memory_space<vmem>>, vector<1x16xf32>,
          %get3A_56 = vector.shape_cast %get3A_55 : vector<1x16xf32> to vector<16xf32>
          %add3A_57 = arith.addf %get3A_52, %get3A_56 : vector<16xf32>
          %swap3A_58 = arith.index_cast %add3A_36 : i32 to index
          %swap3A_59 = arith.constant 16 : index
          %swap3A_60 = tpu.vector_load %arg9[%swap3A_58, %swap3A_59] {strides = array<i32>} : memref<128x128xf32, #tpu.memory_space<vmem>>, vector<1x16xf32>,
          %swap3A_61 = vector.shape_cast %swap3A_60 : vector<1x16xf32> to vector<16xf32>
          %swap3A_62 = vector.shape_cast %add3A_57 : vector<16xf32> to vector<1x16xf32>
          tpu.vector_store %arg9[%swap3A_58, %swap3A_59], %swap3A_62 {strides = array<i32>} : memref<128x128xf32, #tpu.memory_space<vmem>>, vector<1x16xf32>,
          %get3A_63 = arith.index_cast %add3A_36 : i32 to index
          %get3A_64 = arith.constant 32 : index
          %get3A_65 = tpu.vector_load %arg9[%get3A_63, %get3A_64] {strides = array<i32>} : memref<128x128xf32, #tpu.memory_space<vmem>>, vector<1x16xf32>,
          %get3A_66 = vector.shape_cast %get3A_65 : vector<1x16xf32> to vector<16xf32>
          %get3A_67 = arith.index_cast %add3A_36 : i32 to index
          %get3A_68 = arith.constant 32 : index
          %get3A_69 = tpu.vector_load %arg10[%get3A_67, %get3A_68] {strides = array<i32>} : memref<128x128xf32, #tpu.memory_space<vmem>>, vector<1x16xf32>,
          %get3A_70 = vector.shape_cast %get3A_69 : vector<1x16xf32> to vector<16xf32>
          %add3A_71 = arith.addf %get3A_66, %get3A_70 : vector<16xf32>
          %swap3A_72 = arith.index_cast %add3A_36 : i32 to index
          %swap3A_73 = arith.constant 32 : index
          %swap3A_74 = tpu.vector_load %arg9[%swap3A_72, %swap3A_73] {strides = array<i32>} : memref<128x128xf32, #tpu.memory_space<vmem>>, vector<1x16xf32>,
          %swap3A_75 = vector.shape_cast %swap3A_74 : vector<1x16xf32> to vector<16xf32>
          %swap3A_76 = vector.shape_cast %add3A_71 : vector<16xf32> to vector<1x16xf32>
          tpu.vector_store %arg9[%swap3A_72, %swap3A_73], %swap3A_76 {strides = array<i32>} : memref<128x128xf32, #tpu.memory_space<vmem>>, vector<1x16xf32>,
          %get3A_77 = arith.index_cast %add3A_36 : i32 to index
          %get3A_78 = arith.constant 48 : index
          %get3A_79 = tpu.vector_load %arg9[%get3A_77, %get3A_78] {strides = array<i32>} : memref<128x128xf32, #tpu.memory_space<vmem>>, vector<1x16xf32>,
          %get3A_80 = vector.shape_cast %get3A_79 : vector<1x16xf32> to vector<16xf32>
          %get3A_81 = arith.index_cast %add3A_36 : i32 to index
          %get3A_82 = arith.constant 48 : index
          %get3A_83 = tpu.vector_load %arg10[%get3A_81, %get3A_82] {strides = array<i32>} : memref<128x128xf32, #tpu.memory_space<vmem>>, vector<1x16xf32>,
          %get3A_84 = vector.shape_cast %get3A_83 : vector<1x16xf32> to vector<16xf32>
          %add3A_85 = arith.addf %get3A_80, %get3A_84 : vector<16xf32>
          %swap3A_86 = arith.index_cast %add3A_36 : i32 to index
          %swap3A_87 = arith.constant 48 : index
          %swap3A_88 = tpu.vector_load %arg9[%swap3A_86, %swap3A_87] {strides = array<i32>} : memref<128x128xf32, #tpu.memory_space<vmem>>, vector<1x16xf32>,
          %swap3A_89 = vector.shape_cast %swap3A_88 : vector<1x16xf32> to vector<16xf32>
          %swap3A_90 = vector.shape_cast %add3A_85 : vector<16xf32> to vector<1x16xf32>
          tpu.vector_store %arg9[%swap3A_86, %swap3A_87], %swap3A_90 {strides = array<i32>} : memref<128x128xf32, #tpu.memory_space<vmem>>, vector<1x16xf32>,
          %get3A_91 = arith.index_cast %add3A_36 : i32 to index
          %get3A_92 = arith.constant 64 : index
          %get3A_93 = tpu.vector_load %arg9[%get3A_91, %get3A_92] {strides = array<i32>} : memref<128x128xf32, #tpu.memory_space<vmem>>, vector<1x16xf32>,
          %get3A_94 = vector.shape_cast %get3A_93 : vector<1x16xf32> to vector<16xf32>
          %get3A_95 = arith.index_cast %add3A_36 : i32 to index
          %get3A_96 = arith.constant 64 : index
          %get3A_97 = tpu.vector_load %arg10[%get3A_95, %get3A_96] {strides = array<i32>} : memref<128x128xf32, #tpu.memory_space<vmem>>, vector<1x16xf32>,
          %get3A_98 = vector.shape_cast %get3A_97 : vector<1x16xf32> to vector<16xf32>
          %add3A_99 = arith.addf %get3A_94, %get3A_98 : vector<16xf32>
          %swap3A_100 = arith.index_cast %add3A_36 : i32 to index
          %swap3A_101 = arith.constant 64 : index
          %swap3A_102 = tpu.vector_load %arg9[%swap3A_100, %swap3A_101] {strides = array<i32>} : memref<128x128xf32, #tpu.memory_space<vmem>>, vector<1x16xf32>,
          %swap3A_103 = vector.shape_cast %swap3A_102 : vector<1x16xf32> to vector<16xf32>
          %swap3A_104 = vector.shape_cast %add3A_99 : vector<16xf32> to vector<1x16xf32>
          tpu.vector_store %arg9[%swap3A_100, %swap3A_101], %swap3A_104 {strides = array<i32>} : memref<128x128xf32, #tpu.memory_space<vmem>>, vector<1x16xf32>,
          %get3A_105 = arith.index_cast %add3A_36 : i32 to index
          %get3A_106 = arith.constant 80 : index
          %get3A_107 = tpu.vector_load %arg9[%get3A_105, %get3A_106] {strides = array<i32>} : memref<128x128xf32, #tpu.memory_space<vmem>>, vector<1x16xf32>,
          %get3A_108 = vector.shape_cast %get3A_107 : vector<1x16xf32> to vector<16xf32>
          %get3A_109 = arith.index_cast %add3A_36 : i32 to index
          %get3A_110 = arith.constant 80 : index
          %get3A_111 = tpu.vector_load %arg10[%get3A_109, %get3A_110] {strides = array<i32>} : memref<128x128xf32, #tpu.memory_space<vmem>>, vector<1x16xf32>,
          %get3A_112 = vector.shape_cast %get3A_111 : vector<1x16xf32> to vector<16xf32>
          %add3A_113 = arith.addf %get3A_108, %get3A_112 : vector<16xf32>
          %swap3A_114 = arith.index_cast %add3A_36 : i32 to index
          %swap3A_115 = arith.constant 80 : index
          %swap3A_116 = tpu.vector_load %arg9[%swap3A_114, %swap3A_115] {strides = array<i32>} : memref<128x128xf32, #tpu.memory_space<vmem>>, vector<1x16xf32>,
          %swap3A_117 = vector.shape_cast %swap3A_116 : vector<1x16xf32> to vector<16xf32>
          %swap3A_118 = vector.shape_cast %add3A_113 : vector<16xf32> to vector<1x16xf32>
          tpu.vector_store %arg9[%swap3A_114, %swap3A_115], %swap3A_118 {strides = array<i32>} : memref<128x128xf32, #tpu.memory_space<vmem>>, vector<1x16xf32>,
          %get3A_119 = arith.index_cast %add3A_36 : i32 to index
          %get3A_120 = arith.constant 96 : index
          %get3A_121 = tpu.vector_load %arg9[%get3A_119, %get3A_120] {strides = array<i32>} : memref<128x128xf32, #tpu.memory_space<vmem>>, vector<1x16xf32>,
          %get3A_122 = vector.shape_cast %get3A_121 : vector<1x16xf32> to vector<16xf32>
          %get3A_123 = arith.index_cast %add3A_36 : i32 to index
          %get3A_124 = arith.constant 96 : index
          %get3A_125 = tpu.vector_load %arg10[%get3A_123, %get3A_124] {strides = array<i32>} : memref<128x128xf32, #tpu.memory_space<vmem>>, vector<1x16xf32>,
          %get3A_126 = vector.shape_cast %get3A_125 : vector<1x16xf32> to vector<16xf32>
          %add3A_127 = arith.addf %get3A_122, %get3A_126 : vector<16xf32>
          %swap3A_128 = arith.index_cast %add3A_36 : i32 to index
          %swap3A_129 = arith.constant 96 : index
          %swap3A_130 = tpu.vector_load %arg9[%swap3A_128, %swap3A_129] {strides = array<i32>} : memref<128x128xf32, #tpu.memory_space<vmem>>, vector<1x16xf32>,
          %swap3A_131 = vector.shape_cast %swap3A_130 : vector<1x16xf32> to vector<16xf32>
          %swap3A_132 = vector.shape_cast %add3A_127 : vector<16xf32> to vector<1x16xf32>
          tpu.vector_store %arg9[%swap3A_128, %swap3A_129], %swap3A_132 {strides = array<i32>} : memref<128x128xf32, #tpu.memory_space<vmem>>, vector<1x16xf32>,
          %get3A_133 = arith.index_cast %add3A_36 : i32 to index
          %get3A_134 = arith.constant 112 : index
          %get3A_135 = tpu.vector_load %arg9[%get3A_133, %get3A_134] {strides = array<i32>} : memref<128x128xf32, #tpu.memory_space<vmem>>, vector<1x16xf32>,
          %get3A_136 = vector.shape_cast %get3A_135 : vector<1x16xf32> to vector<16xf32>
          %get3A_137 = arith.index_cast %add3A_36 : i32 to index
          %get3A_138 = arith.constant 112 : index
          %get3A_139 = tpu.vector_load %arg10[%get3A_137, %get3A_138] {strides = array<i32>} : memref<128x128xf32, #tpu.memory_space<vmem>>, vector<1x16xf32>,
          %get3A_140 = vector.shape_cast %get3A_139 : vector<1x16xf32> to vector<16xf32>
          %add3A_141 = arith.addf %get3A_136, %get3A_140 : vector<16xf32>
          %swap3A_142 = arith.index_cast %add3A_36 : i32 to index
          %swap3A_143 = arith.constant 112 : index
          %swap3A_144 = tpu.vector_load %arg9[%swap3A_142, %swap3A_143] {strides = array<i32>} : memref<128x128xf32, #tpu.memory_space<vmem>>, vector<1x16xf32>,
          %swap3A_145 = vector.shape_cast %swap3A_144 : vector<1x16xf32> to vector<16xf32>
          %swap3A_146 = vector.shape_cast %add3A_141 : vector<16xf32> to vector<1x16xf32>
          tpu.vector_store %arg9[%swap3A_142, %swap3A_143], %swap3A_146 {strides = array<i32>} : memref<128x128xf32, #tpu.memory_space<vmem>>, vector<1x16xf32>,
        }
        %scan3A_31 = arith.constant 128 : i32
        "tpu.region"() ({
          %run_scoped3A = tpu.sem_alloc : memref<!tpu.dma_semaphore, #tpu.memory_space<semaphore_mem>>
          %dma_start3A_32 = arith.constant 0 : i32
          %dma_start3A_33 = tpu.memref_slice %arg6[%mul3A_16, %dma_start3A_32] : memref<160000x128xf32, #tpu.memory_space<hbm>> -> memref<128x128xf32, #tpu.memory_space<hbm>>
          %dma_start3A_34 = arith.constant 0 : i32
          %dma_start3A_35 = tpu.memref_slice %arg6[%mul3A_16, %dma_start3A_34] : memref<160000x128xf32, #tpu.memory_space<hbm>> -> memref<128x128xf32, #tpu.memory_space<hbm>>
          tpu.enqueue_dma source(%arg9 : memref<128x128xf32, #tpu.memory_space<vmem>>) target(%dma_start3A_35 : memref<128x128xf32, #tpu.memory_space<hbm>>) target_semaphore(%run_scoped3A : memref<!tpu.dma_semaphore, #tpu.memory_space<semaphore_mem>>)
          %dma_wait3A_36 = arith.constant 0 : i32
          %dma_wait3A_37 = tpu.memref_slice %arg6[%mul3A_16, %dma_wait3A_36] : memref<160000x128xf32, #tpu.memory_space<hbm>> -> memref<128x128xf32, #tpu.memory_space<hbm>>
          %dma_wait3A_38 = arith.constant 0 : i32
          %dma_wait3A_39 = tpu.memref_slice %arg6[%mul3A_16, %dma_wait3A_38] : memref<160000x128xf32, #tpu.memory_space<hbm>> -> memref<128x128xf32, #tpu.memory_space<hbm>>
          tpu.wait_dma2 semaphore(%run_scoped3A : memref<!tpu.dma_semaphore, #tpu.memory_space<semaphore_mem>>) src(%arg9 : memref<128x128xf32, #tpu.memory_space<vmem>>) dst(%dma_wait3A_39 : memref<128x128xf32, #tpu.memory_space<hbm>>)
          tpu.yield
        }) : () -> ()
      } else {
      }
    }
    %scan3A_4 = arith.constant 40 : i32
    return
  }
}

#map = affine_map<(d0, d1) -> (0, 0)>
#map1 = affine_map<(d0, d1) -> (0)>
module attributes {stable_mosaic.version = 14 : i64} {
  func.func @gather_add(%arg0: i32, %arg1: i32, %arg2: memref<10000x128xf32, #tpu.memory_space<hbm>>, %arg3: memref<10000x128xf32, #tpu.memory_space<hbm>>, %arg4: memref<160000xi32, #tpu.memory_space<hbm>>, %arg5: memref<160000xi32, #tpu.memory_space<hbm>>, %arg6: memref<160000x128xf32, #tpu.memory_space<hbm>>, %arg7: memref<128xi32, #tpu.memory_space<vmem>>, %arg8: memref<128xi32, #tpu.memory_space<vmem>>, %arg9: memref<128x128xf32, #tpu.memory_space<vmem>>, %arg10: memref<128x128xf32, #tpu.memory_space<vmem>>, %arg11: memref<!tpu.dma_semaphore, #tpu.memory_space<semaphore_mem>>, %arg12: memref<!tpu.dma_semaphore, #tpu.memory_space<semaphore_mem>>) attributes {dimension_semantics = [#tpu.dimension_semantics<core_parallel>, #tpu.dimension_semantics<subcore_parallel>], iteration_bounds = array<i64: 2, 16>, scalar_prefetch = 0 : i64, scratch_operands = 6 : i64, tpu.core_type = #tpu.core_type<sc_vector_subcore>, window_params = [{transform_indices = #map}, {transform_indices = #map}, {transform_indices = #map1}, {transform_indices = #map1}, {transform_indices = #map}]} {
    %mul3A = arith.constant 2 : i32
    %mul3A_0 = arith.muli %arg1, %mul3A : i32
    %add3A = arith.addi %mul3A_0, %arg0 : i32
    %scan3A = arith.constant 0 : i32
    %scan3A_1 = arith.constant 40 : i32
    %scan3A_2 = arith.addi %scan3A, %scan3A_1 : i32
    %scan3A_3 = arith.constant 1 : i32
    scf.for %scan3A_5 = %scan3A to %scan3A_2 step %scan3A_3  : i32 {
      %mul3A_6 = arith.constant 1 : i32
      %mul3A_7 = arith.muli %scan3A_5, %mul3A_6 : i32
      %add3A_8 = arith.constant 0 : i32
      %add3A_9 = arith.addi %add3A_8, %mul3A_7 : i32
      %mul3A_10 = arith.constant 32 : i32
      %mul3A_11 = arith.muli %add3A_9, %mul3A_10 : i32
      %add3A_12 = arith.addi %mul3A_11, %add3A : i32
      %lt3A = arith.constant 1250 : i32
      %lt3A_13 = arith.cmpi slt, %add3A_12, %lt3A : i32
      %convert_element_type3A = arith.extui %lt3A_13 : i1 to i32
      %cond3A = arith.constant 0 : i32
      %cond3A_14 = arith.cmpi ne, %convert_element_type3A, %cond3A : i32
      scf.if %cond3A_14 {
        %mul3A_15 = arith.constant 128 : i32
        %mul3A_16 = arith.muli %add3A_12, %mul3A_15 : i32
        "tpu.region"() ({
          %run_scoped3A = tpu.sem_alloc : memref<!tpu.dma_semaphore, #tpu.memory_space<semaphore_mem>>
          %dma_start3A_32 = tpu.memref_slice %arg4[%mul3A_16] : memref<160000xi32, #tpu.memory_space<hbm>> -> memref<128xi32, #tpu.memory_space<hbm>>
          %dma_start3A_33 = tpu.memref_slice %arg4[%mul3A_16] : memref<160000xi32, #tpu.memory_space<hbm>> -> memref<128xi32, #tpu.memory_space<hbm>>
          tpu.enqueue_dma source(%dma_start3A_33 : memref<128xi32, #tpu.memory_space<hbm>>) target(%arg7 : memref<128xi32, #tpu.memory_space<vmem>>) target_semaphore(%run_scoped3A : memref<!tpu.dma_semaphore, #tpu.memory_space<semaphore_mem>>)
          %dma_wait3A_34 = tpu.memref_slice %arg4[%mul3A_16] : memref<160000xi32, #tpu.memory_space<hbm>> -> memref<128xi32, #tpu.memory_space<hbm>>
          %dma_wait3A_35 = tpu.memref_slice %arg4[%mul3A_16] : memref<160000xi32, #tpu.memory_space<hbm>> -> memref<128xi32, #tpu.memory_space<hbm>>
          tpu.wait_dma2 semaphore(%run_scoped3A : memref<!tpu.dma_semaphore, #tpu.memory_space<semaphore_mem>>) src(%dma_wait3A_35 : memref<128xi32, #tpu.memory_space<hbm>>) dst(%arg7 : memref<128xi32, #tpu.memory_space<vmem>>)
          tpu.yield
        }) : () -> ()
        "tpu.region"() ({
          %run_scoped3A = tpu.sem_alloc : memref<!tpu.dma_semaphore, #tpu.memory_space<semaphore_mem>>
          %dma_start3A_32 = tpu.memref_slice %arg5[%mul3A_16] : memref<160000xi32, #tpu.memory_space<hbm>> -> memref<128xi32, #tpu.memory_space<hbm>>
          %dma_start3A_33 = tpu.memref_slice %arg5[%mul3A_16] : memref<160000xi32, #tpu.memory_space<hbm>> -> memref<128xi32, #tpu.memory_space<hbm>>
          tpu.enqueue_dma source(%dma_start3A_33 : memref<128xi32, #tpu.memory_space<hbm>>) target(%arg8 : memref<128xi32, #tpu.memory_space<vmem>>) target_semaphore(%run_scoped3A : memref<!tpu.dma_semaphore, #tpu.memory_space<semaphore_mem>>)
          %dma_wait3A_34 = tpu.memref_slice %arg5[%mul3A_16] : memref<160000xi32, #tpu.memory_space<hbm>> -> memref<128xi32, #tpu.memory_space<hbm>>
          %dma_wait3A_35 = tpu.memref_slice %arg5[%mul3A_16] : memref<160000xi32, #tpu.memory_space<hbm>> -> memref<128xi32, #tpu.memory_space<hbm>>
          tpu.wait_dma2 semaphore(%run_scoped3A : memref<!tpu.dma_semaphore, #tpu.memory_space<semaphore_mem>>) src(%dma_wait3A_35 : memref<128xi32, #tpu.memory_space<hbm>>) dst(%arg8 : memref<128xi32, #tpu.memory_space<vmem>>)
          tpu.yield
        }) : () -> ()
        %dma_start3A = arith.constant 0 : i32
        %dma_start3A_17 = arith.constant 0 : i32
        %dma_start3A_18 = tpu.memref_slice %arg2[%dma_start3A, %dma_start3A_17] : memref<10000x128xf32, #tpu.memory_space<hbm>> -> memref<10000x128xf32, #tpu.memory_space<hbm>>
        tpu.enqueue_indirect_dma source(%dma_start3A_18 : memref<10000x128xf32, #tpu.memory_space<hbm>>) target(%arg9 : memref<128x128xf32, #tpu.memory_space<vmem>>) offsets(%arg7 : memref<128xi32, #tpu.memory_space<vmem>>) semaphore(%arg11 : memref<!tpu.dma_semaphore, #tpu.memory_space<semaphore_mem>>)
        %dma_start3A_19 = arith.constant 0 : i32
        %dma_start3A_20 = arith.constant 0 : i32
        %dma_start3A_21 = tpu.memref_slice %arg3[%dma_start3A_19, %dma_start3A_20] : memref<10000x128xf32, #tpu.memory_space<hbm>> -> memref<10000x128xf32, #tpu.memory_space<hbm>>
        tpu.enqueue_indirect_dma source(%dma_start3A_21 : memref<10000x128xf32, #tpu.memory_space<hbm>>) target(%arg10 : memref<128x128xf32, #tpu.memory_space<vmem>>) offsets(%arg8 : memref<128xi32, #tpu.memory_space<vmem>>) semaphore(%arg12 : memref<!tpu.dma_semaphore, #tpu.memory_space<semaphore_mem>>)
        %dma_wait3A = arith.constant 0 : i32
        %dma_wait3A_22 = arith.constant 0 : i32
        %dma_wait3A_23 = tpu.memref_slice %arg2[%dma_wait3A, %dma_wait3A_22] : memref<10000x128xf32, #tpu.memory_space<hbm>> -> memref<10000x128xf32, #tpu.memory_space<hbm>>
        tpu.wait_indirect_dma semaphore(%arg11 : memref<!tpu.dma_semaphore, #tpu.memory_space<semaphore_mem>>) src(%dma_wait3A_23 : memref<10000x128xf32, #tpu.memory_space<hbm>>) dst(%arg9 : memref<128x128xf32, #tpu.memory_space<vmem>>)
        %dma_wait3A_24 = arith.constant 0 : i32
        %dma_wait3A_25 = arith.constant 0 : i32
        %dma_wait3A_26 = tpu.memref_slice %arg3[%dma_wait3A_24, %dma_wait3A_25] : memref<10000x128xf32, #tpu.memory_space<hbm>> -> memref<10000x128xf32, #tpu.memory_space<hbm>>
        tpu.wait_indirect_dma semaphore(%arg12 : memref<!tpu.dma_semaphore, #tpu.memory_space<semaphore_mem>>) src(%dma_wait3A_26 : memref<10000x128xf32, #tpu.memory_space<hbm>>) dst(%arg10 : memref<128x128xf32, #tpu.memory_space<vmem>>)
        %scan3A_27 = arith.constant 0 : i32
        %scan3A_28 = arith.constant 128 : i32
        %scan3A_29 = arith.addi %scan3A_27, %scan3A_28 : i32
        %scan3A_30 = arith.constant 1 : i32
        scf.for %scan3A_32 = %scan3A_27 to %scan3A_29 step %scan3A_30  : i32 {
          %mul3A_33 = arith.constant 1 : i32
          %mul3A_34 = arith.muli %scan3A_32, %mul3A_33 : i32
          %add3A_35 = arith.constant 0 : i32
          %add3A_36 = arith.addi %add3A_35, %mul3A_34 : i32
          %get3A = arith.index_cast %add3A_36 : i32 to index
          %get3A_37 = arith.constant 0 : index
          %get3A_38 = tpu.vector_load %arg9[%get3A, %get3A_37] {strides = array<i32>} : memref<128x128xf32, #tpu.memory_space<vmem>>, vector<1x16xf32>,
          %get3A_39 = vector.shape_cast %get3A_38 : vector<1x16xf32> to vector<16xf32>
          %get3A_40 = arith.index_cast %add3A_36 : i32 to index
          %get3A_41 = arith.constant 0 : index
          %get3A_42 = tpu.vector_load %arg10[%get3A_40, %get3A_41] {strides = array<i32>} : memref<128x128xf32, #tpu.memory_space<vmem>>, vector<1x16xf32>,
          %get3A_43 = vector.shape_cast %get3A_42 : vector<1x16xf32> to vector<16xf32>
          %add3A_44 = arith.addf %get3A_39, %get3A_43 : vector<16xf32>
          %swap3A = arith.index_cast %add3A_36 : i32 to index
          %swap3A_45 = arith.constant 0 : index
          %swap3A_46 = tpu.vector_load %arg9[%swap3A, %swap3A_45] {strides = array<i32>} : memref<128x128xf32, #tpu.memory_space<vmem>>, vector<1x16xf32>,
          %swap3A_47 = vector.shape_cast %swap3A_46 : vector<1x16xf32> to vector<16xf32>
          %swap3A_48 = vector.shape_cast %add3A_44 : vector<16xf32> to vector<1x16xf32>
          tpu.vector_store %arg9[%swap3A, %swap3A_45], %swap3A_48 {strides = array<i32>} : memref<128x128xf32, #tpu.memory_space<vmem>>, vector<1x16xf32>,
          %get3A_49 = arith.index_cast %add3A_36 : i32 to index
          %get3A_50 = arith.constant 16 : index
          %get3A_51 = tpu.vector_load %arg9[%get3A_49, %get3A_50] {strides = array<i32>} : memref<128x128xf32, #tpu.memory_space<vmem>>, vector<1x16xf32>,
          %get3A_52 = vector.shape_cast %get3A_51 : vector<1x16xf32> to vector<16xf32>
          %get3A_53 = arith.index_cast %add3A_36 : i32 to index
          %get3A_54 = arith.constant 16 : index
          %get3A_55 = tpu.vector_load %arg10[%get3A_53, %get3A_54] {strides = array<i32>} : memref<128x128xf32, #tpu.memory_space<vmem>>, vector<1x16xf32>,
          %get3A_56 = vector.shape_cast %get3A_55 : vector<1x16xf32> to vector<16xf32>
          %add3A_57 = arith.addf %get3A_52, %get3A_56 : vector<16xf32>
          %swap3A_58 = arith.index_cast %add3A_36 : i32 to index
          %swap3A_59 = arith.constant 16 : index
          %swap3A_60 = tpu.vector_load %arg9[%swap3A_58, %swap3A_59] {strides = array<i32>} : memref<128x128xf32, #tpu.memory_space<vmem>>, vector<1x16xf32>,
          %swap3A_61 = vector.shape_cast %swap3A_60 : vector<1x16xf32> to vector<16xf32>
          %swap3A_62 = vector.shape_cast %add3A_57 : vector<16xf32> to vector<1x16xf32>
          tpu.vector_store %arg9[%swap3A_58, %swap3A_59], %swap3A_62 {strides = array<i32>} : memref<128x128xf32, #tpu.memory_space<vmem>>, vector<1x16xf32>,
          %get3A_63 = arith.index_cast %add3A_36 : i32 to index
          %get3A_64 = arith.constant 32 : index
          %get3A_65 = tpu.vector_load %arg9[%get3A_63, %get3A_64] {strides = array<i32>} : memref<128x128xf32, #tpu.memory_space<vmem>>, vector<1x16xf32>,
          %get3A_66 = vector.shape_cast %get3A_65 : vector<1x16xf32> to vector<16xf32>
          %get3A_67 = arith.index_cast %add3A_36 : i32 to index
          %get3A_68 = arith.constant 32 : index
          %get3A_69 = tpu.vector_load %arg10[%get3A_67, %get3A_68] {strides = array<i32>} : memref<128x128xf32, #tpu.memory_space<vmem>>, vector<1x16xf32>,
          %get3A_70 = vector.shape_cast %get3A_69 : vector<1x16xf32> to vector<16xf32>
          %add3A_71 = arith.addf %get3A_66, %get3A_70 : vector<16xf32>
          %swap3A_72 = arith.index_cast %add3A_36 : i32 to index
          %swap3A_73 = arith.constant 32 : index
          %swap3A_74 = tpu.vector_load %arg9[%swap3A_72, %swap3A_73] {strides = array<i32>} : memref<128x128xf32, #tpu.memory_space<vmem>>, vector<1x16xf32>,
          %swap3A_75 = vector.shape_cast %swap3A_74 : vector<1x16xf32> to vector<16xf32>
          %swap3A_76 = vector.shape_cast %add3A_71 : vector<16xf32> to vector<1x16xf32>
          tpu.vector_store %arg9[%swap3A_72, %swap3A_73], %swap3A_76 {strides = array<i32>} : memref<128x128xf32, #tpu.memory_space<vmem>>, vector<1x16xf32>,
          %get3A_77 = arith.index_cast %add3A_36 : i32 to index
          %get3A_78 = arith.constant 48 : index
          %get3A_79 = tpu.vector_load %arg9[%get3A_77, %get3A_78] {strides = array<i32>} : memref<128x128xf32, #tpu.memory_space<vmem>>, vector<1x16xf32>,
          %get3A_80 = vector.shape_cast %get3A_79 : vector<1x16xf32> to vector<16xf32>
          %get3A_81 = arith.index_cast %add3A_36 : i32 to index
          %get3A_82 = arith.constant 48 : index
          %get3A_83 = tpu.vector_load %arg10[%get3A_81, %get3A_82] {strides = array<i32>} : memref<128x128xf32, #tpu.memory_space<vmem>>, vector<1x16xf32>,
          %get3A_84 = vector.shape_cast %get3A_83 : vector<1x16xf32> to vector<16xf32>
          %add3A_85 = arith.addf %get3A_80, %get3A_84 : vector<16xf32>
          %swap3A_86 = arith.index_cast %add3A_36 : i32 to index
          %swap3A_87 = arith.constant 48 : index
          %swap3A_88 = tpu.vector_load %arg9[%swap3A_86, %swap3A_87] {strides = array<i32>} : memref<128x128xf32, #tpu.memory_space<vmem>>, vector<1x16xf32>,
          %swap3A_89 = vector.shape_cast %swap3A_88 : vector<1x16xf32> to vector<16xf32>
          %swap3A_90 = vector.shape_cast %add3A_85 : vector<16xf32> to vector<1x16xf32>
          tpu.vector_store %arg9[%swap3A_86, %swap3A_87], %swap3A_90 {strides = array<i32>} : memref<128x128xf32, #tpu.memory_space<vmem>>, vector<1x16xf32>,
          %get3A_91 = arith.index_cast %add3A_36 : i32 to index
          %get3A_92 = arith.constant 64 : index
          %get3A_93 = tpu.vector_load %arg9[%get3A_91, %get3A_92] {strides = array<i32>} : memref<128x128xf32, #tpu.memory_space<vmem>>, vector<1x16xf32>,
          %get3A_94 = vector.shape_cast %get3A_93 : vector<1x16xf32> to vector<16xf32>
          %get3A_95 = arith.index_cast %add3A_36 : i32 to index
          %get3A_96 = arith.constant 64 : index
          %get3A_97 = tpu.vector_load %arg10[%get3A_95, %get3A_96] {strides = array<i32>} : memref<128x128xf32, #tpu.memory_space<vmem>>, vector<1x16xf32>,
          %get3A_98 = vector.shape_cast %get3A_97 : vector<1x16xf32> to vector<16xf32>
          %add3A_99 = arith.addf %get3A_94, %get3A_98 : vector<16xf32>
          %swap3A_100 = arith.index_cast %add3A_36 : i32 to index
          %swap3A_101 = arith.constant 64 : index
          %swap3A_102 = tpu.vector_load %arg9[%swap3A_100, %swap3A_101] {strides = array<i32>} : memref<128x128xf32, #tpu.memory_space<vmem>>, vector<1x16xf32>,
          %swap3A_103 = vector.shape_cast %swap3A_102 : vector<1x16xf32> to vector<16xf32>
          %swap3A_104 = vector.shape_cast %add3A_99 : vector<16xf32> to vector<1x16xf32>
          tpu.vector_store %arg9[%swap3A_100, %swap3A_101], %swap3A_104 {strides = array<i32>} : memref<128x128xf32, #tpu.memory_space<vmem>>, vector<1x16xf32>,
          %get3A_105 = arith.index_cast %add3A_36 : i32 to index
          %get3A_106 = arith.constant 80 : index
          %get3A_107 = tpu.vector_load %arg9[%get3A_105, %get3A_106] {strides = array<i32>} : memref<128x128xf32, #tpu.memory_space<vmem>>, vector<1x16xf32>,
          %get3A_108 = vector.shape_cast %get3A_107 : vector<1x16xf32> to vector<16xf32>
          %get3A_109 = arith.index_cast %add3A_36 : i32 to index
          %get3A_110 = arith.constant 80 : index
          %get3A_111 = tpu.vector_load %arg10[%get3A_109, %get3A_110] {strides = array<i32>} : memref<128x128xf32, #tpu.memory_space<vmem>>, vector<1x16xf32>,
          %get3A_112 = vector.shape_cast %get3A_111 : vector<1x16xf32> to vector<16xf32>
          %add3A_113 = arith.addf %get3A_108, %get3A_112 : vector<16xf32>
          %swap3A_114 = arith.index_cast %add3A_36 : i32 to index
          %swap3A_115 = arith.constant 80 : index
          %swap3A_116 = tpu.vector_load %arg9[%swap3A_114, %swap3A_115] {strides = array<i32>} : memref<128x128xf32, #tpu.memory_space<vmem>>, vector<1x16xf32>,
          %swap3A_117 = vector.shape_cast %swap3A_116 : vector<1x16xf32> to vector<16xf32>
          %swap3A_118 = vector.shape_cast %add3A_113 : vector<16xf32> to vector<1x16xf32>
          tpu.vector_store %arg9[%swap3A_114, %swap3A_115], %swap3A_118 {strides = array<i32>} : memref<128x128xf32, #tpu.memory_space<vmem>>, vector<1x16xf32>,
          %get3A_119 = arith.index_cast %add3A_36 : i32 to index
          %get3A_120 = arith.constant 96 : index
          %get3A_121 = tpu.vector_load %arg9[%get3A_119, %get3A_120] {strides = array<i32>} : memref<128x128xf32, #tpu.memory_space<vmem>>, vector<1x16xf32>,
          %get3A_122 = vector.shape_cast %get3A_121 : vector<1x16xf32> to vector<16xf32>
          %get3A_123 = arith.index_cast %add3A_36 : i32 to index
          %get3A_124 = arith.constant 96 : index
          %get3A_125 = tpu.vector_load %arg10[%get3A_123, %get3A_124] {strides = array<i32>} : memref<128x128xf32, #tpu.memory_space<vmem>>, vector<1x16xf32>,
          %get3A_126 = vector.shape_cast %get3A_125 : vector<1x16xf32> to vector<16xf32>
          %add3A_127 = arith.addf %get3A_122, %get3A_126 : vector<16xf32>
          %swap3A_128 = arith.index_cast %add3A_36 : i32 to index
          %swap3A_129 = arith.constant 96 : index
          %swap3A_130 = tpu.vector_load %arg9[%swap3A_128, %swap3A_129] {strides = array<i32>} : memref<128x128xf32, #tpu.memory_space<vmem>>, vector<1x16xf32>,
          %swap3A_131 = vector.shape_cast %swap3A_130 : vector<1x16xf32> to vector<16xf32>
          %swap3A_132 = vector.shape_cast %add3A_127 : vector<16xf32> to vector<1x16xf32>
          tpu.vector_store %arg9[%swap3A_128, %swap3A_129], %swap3A_132 {strides = array<i32>} : memref<128x128xf32, #tpu.memory_space<vmem>>, vector<1x16xf32>,
          %get3A_133 = arith.index_cast %add3A_36 : i32 to index
          %get3A_134 = arith.constant 112 : index
          %get3A_135 = tpu.vector_load %arg9[%get3A_133, %get3A_134] {strides = array<i32>} : memref<128x128xf32, #tpu.memory_space<vmem>>, vector<1x16xf32>,
          %get3A_136 = vector.shape_cast %get3A_135 : vector<1x16xf32> to vector<16xf32>
          %get3A_137 = arith.index_cast %add3A_36 : i32 to index
          %get3A_138 = arith.constant 112 : index
          %get3A_139 = tpu.vector_load %arg10[%get3A_137, %get3A_138] {strides = array<i32>} : memref<128x128xf32, #tpu.memory_space<vmem>>, vector<1x16xf32>,
          %get3A_140 = vector.shape_cast %get3A_139 : vector<1x16xf32> to vector<16xf32>
          %add3A_141 = arith.addf %get3A_136, %get3A_140 : vector<16xf32>
          %swap3A_142 = arith.index_cast %add3A_36 : i32 to index
          %swap3A_143 = arith.constant 112 : index
          %swap3A_144 = tpu.vector_load %arg9[%swap3A_142, %swap3A_143] {strides = array<i32>} : memref<128x128xf32, #tpu.memory_space<vmem>>, vector<1x16xf32>,
          %swap3A_145 = vector.shape_cast %swap3A_144 : vector<1x16xf32> to vector<16xf32>
          %swap3A_146 = vector.shape_cast %add3A_141 : vector<16xf32> to vector<1x16xf32>
          tpu.vector_store %arg9[%swap3A_142, %swap3A_143], %swap3A_146 {strides = array<i32>} : memref<128x128xf32, #tpu.memory_space<vmem>>, vector<1x16xf32>,
        }
        %scan3A_31 = arith.constant 128 : i32
        "tpu.region"() ({
          %run_scoped3A = tpu.sem_alloc : memref<!tpu.dma_semaphore, #tpu.memory_space<semaphore_mem>>
          %dma_start3A_32 = arith.constant 0 : i32
          %dma_start3A_33 = tpu.memref_slice %arg6[%mul3A_16, %dma_start3A_32] : memref<160000x128xf32, #tpu.memory_space<hbm>> -> memref<128x128xf32, #tpu.memory_space<hbm>>
          %dma_start3A_34 = arith.constant 0 : i32
          %dma_start3A_35 = tpu.memref_slice %arg6[%mul3A_16, %dma_start3A_34] : memref<160000x128xf32, #tpu.memory_space<hbm>> -> memref<128x128xf32, #tpu.memory_space<hbm>>
          tpu.enqueue_dma source(%arg9 : memref<128x128xf32, #tpu.memory_space<vmem>>) target(%dma_start3A_35 : memref<128x128xf32, #tpu.memory_space<hbm>>) target_semaphore(%run_scoped3A : memref<!tpu.dma_semaphore, #tpu.memory_space<semaphore_mem>>)
          %dma_wait3A_36 = arith.constant 0 : i32
          %dma_wait3A_37 = tpu.memref_slice %arg6[%mul3A_16, %dma_wait3A_36] : memref<160000x128xf32, #tpu.memory_space<hbm>> -> memref<128x128xf32, #tpu.memory_space<hbm>>
          %dma_wait3A_38 = arith.constant 0 : i32
          %dma_wait3A_39 = tpu.memref_slice %arg6[%mul3A_16, %dma_wait3A_38] : memref<160000x128xf32, #tpu.memory_space<hbm>> -> memref<128x128xf32, #tpu.memory_space<hbm>>
          tpu.wait_dma2 semaphore(%run_scoped3A : memref<!tpu.dma_semaphore, #tpu.memory_space<semaphore_mem>>) src(%arg9 : memref<128x128xf32, #tpu.memory_space<vmem>>) dst(%dma_wait3A_39 : memref<128x128xf32, #tpu.memory_space<hbm>>)
          tpu.yield
        }) : () -> ()
      } else {
      }
    }
    %scan3A_4 = arith.constant 40 : i32
    return
  }
}

#map = affine_map<(d0, d1) -> (0, 0)>
#map1 = affine_map<(d0, d1) -> (0)>
module attributes {stable_mosaic.version = 14 : i64} {
  func.func @scatter_add(%arg0: i32, %arg1: i32, %arg2: memref<160000x128xf32, #tpu.memory_space<hbm>>, %arg3: memref<160000xi32, #tpu.memory_space<hbm>>, %arg4: memref<20480x128xf32, #tpu.memory_space<hbm>>, %arg5: memref<128xi32, #tpu.memory_space<vmem>>, %arg6: memref<128x128xf32, #tpu.memory_space<vmem>>, %arg7: memref<10240x128xf32, #tpu.memory_space<vmem_shared>>) attributes {dimension_semantics = [#tpu.dimension_semantics<core_parallel>, #tpu.dimension_semantics<subcore_parallel>], iteration_bounds = array<i64: 2, 16>, scalar_prefetch = 0 : i64, scratch_operands = 3 : i64, tpu.core_type = #tpu.core_type<sc_vector_subcore>, window_params = [{transform_indices = #map}, {transform_indices = #map1}, {transform_indices = #map}]} {
    %mul3A = arith.constant 2 : i32
    %mul3A_0 = arith.muli %arg1, %mul3A : i32
    %add3A = arith.addi %mul3A_0, %arg0 : i32
    %scan3A = arith.constant 0 : i32
    %scan3A_1 = arith.constant 128 : i32
    %scan3A_2 = arith.addi %scan3A, %scan3A_1 : i32
    %scan3A_3 = arith.constant 1 : i32
    scf.for %scan3A_66 = %scan3A to %scan3A_2 step %scan3A_3  : i32 {
      %mul3A_67 = arith.constant 1 : i32
      %mul3A_68 = arith.muli %scan3A_66, %mul3A_67 : i32
      %add3A_69 = arith.constant 0 : i32
      %add3A_70 = arith.addi %add3A_69, %mul3A_68 : i32
      %broadcast_in_dim3A = arith.constant 0.000000e+00 : f32
      %broadcast_in_dim3A_71 = vector.broadcast %broadcast_in_dim3A : f32 to vector<16xf32>
      %swap3A = arith.index_cast %add3A_70 : i32 to index
      %swap3A_72 = arith.constant 0 : index
      %swap3A_73 = tpu.vector_load %arg6[%swap3A, %swap3A_72] {strides = array<i32>} : memref<128x128xf32, #tpu.memory_space<vmem>>, vector<1x16xf32>,
      %swap3A_74 = vector.shape_cast %swap3A_73 : vector<1x16xf32> to vector<16xf32>
      %swap3A_75 = vector.shape_cast %broadcast_in_dim3A_71 : vector<16xf32> to vector<1x16xf32>
      tpu.vector_store %arg6[%swap3A, %swap3A_72], %swap3A_75 {strides = array<i32>} : memref<128x128xf32, #tpu.memory_space<vmem>>, vector<1x16xf32>,
      %broadcast_in_dim3A_76 = arith.constant 0.000000e+00 : f32
      %broadcast_in_dim3A_77 = vector.broadcast %broadcast_in_dim3A_76 : f32 to vector<16xf32>
      %swap3A_78 = arith.index_cast %add3A_70 : i32 to index
      %swap3A_79 = arith.constant 16 : index
      %swap3A_80 = tpu.vector_load %arg6[%swap3A_78, %swap3A_79] {strides = array<i32>} : memref<128x128xf32, #tpu.memory_space<vmem>>, vector<1x16xf32>,
      %swap3A_81 = vector.shape_cast %swap3A_80 : vector<1x16xf32> to vector<16xf32>
      %swap3A_82 = vector.shape_cast %broadcast_in_dim3A_77 : vector<16xf32> to vector<1x16xf32>
      tpu.vector_store %arg6[%swap3A_78, %swap3A_79], %swap3A_82 {strides = array<i32>} : memref<128x128xf32, #tpu.memory_space<vmem>>, vector<1x16xf32>,
      %broadcast_in_dim3A_83 = arith.constant 0.000000e+00 : f32
      %broadcast_in_dim3A_84 = vector.broadcast %broadcast_in_dim3A_83 : f32 to vector<16xf32>
      %swap3A_85 = arith.index_cast %add3A_70 : i32 to index
      %swap3A_86 = arith.constant 32 : index
      %swap3A_87 = tpu.vector_load %arg6[%swap3A_85, %swap3A_86] {strides = array<i32>} : memref<128x128xf32, #tpu.memory_space<vmem>>, vector<1x16xf32>,
      %swap3A_88 = vector.shape_cast %swap3A_87 : vector<1x16xf32> to vector<16xf32>
      %swap3A_89 = vector.shape_cast %broadcast_in_dim3A_84 : vector<16xf32> to vector<1x16xf32>
      tpu.vector_store %arg6[%swap3A_85, %swap3A_86], %swap3A_89 {strides = array<i32>} : memref<128x128xf32, #tpu.memory_space<vmem>>, vector<1x16xf32>,
      %broadcast_in_dim3A_90 = arith.constant 0.000000e+00 : f32
      %broadcast_in_dim3A_91 = vector.broadcast %broadcast_in_dim3A_90 : f32 to vector<16xf32>
      %swap3A_92 = arith.index_cast %add3A_70 : i32 to index
      %swap3A_93 = arith.constant 48 : index
      %swap3A_94 = tpu.vector_load %arg6[%swap3A_92, %swap3A_93] {strides = array<i32>} : memref<128x128xf32, #tpu.memory_space<vmem>>, vector<1x16xf32>,
      %swap3A_95 = vector.shape_cast %swap3A_94 : vector<1x16xf32> to vector<16xf32>
      %swap3A_96 = vector.shape_cast %broadcast_in_dim3A_91 : vector<16xf32> to vector<1x16xf32>
      tpu.vector_store %arg6[%swap3A_92, %swap3A_93], %swap3A_96 {strides = array<i32>} : memref<128x128xf32, #tpu.memory_space<vmem>>, vector<1x16xf32>,
      %broadcast_in_dim3A_97 = arith.constant 0.000000e+00 : f32
      %broadcast_in_dim3A_98 = vector.broadcast %broadcast_in_dim3A_97 : f32 to vector<16xf32>
      %swap3A_99 = arith.index_cast %add3A_70 : i32 to index
      %swap3A_100 = arith.constant 64 : index
      %swap3A_101 = tpu.vector_load %arg6[%swap3A_99, %swap3A_100] {strides = array<i32>} : memref<128x128xf32, #tpu.memory_space<vmem>>, vector<1x16xf32>,
      %swap3A_102 = vector.shape_cast %swap3A_101 : vector<1x16xf32> to vector<16xf32>
      %swap3A_103 = vector.shape_cast %broadcast_in_dim3A_98 : vector<16xf32> to vector<1x16xf32>
      tpu.vector_store %arg6[%swap3A_99, %swap3A_100], %swap3A_103 {strides = array<i32>} : memref<128x128xf32, #tpu.memory_space<vmem>>, vector<1x16xf32>,
      %broadcast_in_dim3A_104 = arith.constant 0.000000e+00 : f32
      %broadcast_in_dim3A_105 = vector.broadcast %broadcast_in_dim3A_104 : f32 to vector<16xf32>
      %swap3A_106 = arith.index_cast %add3A_70 : i32 to index
      %swap3A_107 = arith.constant 80 : index
      %swap3A_108 = tpu.vector_load %arg6[%swap3A_106, %swap3A_107] {strides = array<i32>} : memref<128x128xf32, #tpu.memory_space<vmem>>, vector<1x16xf32>,
      %swap3A_109 = vector.shape_cast %swap3A_108 : vector<1x16xf32> to vector<16xf32>
      %swap3A_110 = vector.shape_cast %broadcast_in_dim3A_105 : vector<16xf32> to vector<1x16xf32>
      tpu.vector_store %arg6[%swap3A_106, %swap3A_107], %swap3A_110 {strides = array<i32>} : memref<128x128xf32, #tpu.memory_space<vmem>>, vector<1x16xf32>,
      %broadcast_in_dim3A_111 = arith.constant 0.000000e+00 : f32
      %broadcast_in_dim3A_112 = vector.broadcast %broadcast_in_dim3A_111 : f32 to vector<16xf32>
      %swap3A_113 = arith.index_cast %add3A_70 : i32 to index
      %swap3A_114 = arith.constant 96 : index
      %swap3A_115 = tpu.vector_load %arg6[%swap3A_113, %swap3A_114] {strides = array<i32>} : memref<128x128xf32, #tpu.memory_space<vmem>>, vector<1x16xf32>,
      %swap3A_116 = vector.shape_cast %swap3A_115 : vector<1x16xf32> to vector<16xf32>
      %swap3A_117 = vector.shape_cast %broadcast_in_dim3A_112 : vector<16xf32> to vector<1x16xf32>
      tpu.vector_store %arg6[%swap3A_113, %swap3A_114], %swap3A_117 {strides = array<i32>} : memref<128x128xf32, #tpu.memory_space<vmem>>, vector<1x16xf32>,
      %broadcast_in_dim3A_118 = arith.constant 0.000000e+00 : f32
      %broadcast_in_dim3A_119 = vector.broadcast %broadcast_in_dim3A_118 : f32 to vector<16xf32>
      %swap3A_120 = arith.index_cast %add3A_70 : i32 to index
      %swap3A_121 = arith.constant 112 : index
      %swap3A_122 = tpu.vector_load %arg6[%swap3A_120, %swap3A_121] {strides = array<i32>} : memref<128x128xf32, #tpu.memory_space<vmem>>, vector<1x16xf32>,
      %swap3A_123 = vector.shape_cast %swap3A_122 : vector<1x16xf32> to vector<16xf32>
      %swap3A_124 = vector.shape_cast %broadcast_in_dim3A_119 : vector<16xf32> to vector<1x16xf32>
      tpu.vector_store %arg6[%swap3A_120, %swap3A_121], %swap3A_124 {strides = array<i32>} : memref<128x128xf32, #tpu.memory_space<vmem>>, vector<1x16xf32>,
    }
    %scan3A_4 = arith.constant 128 : i32
    %mul3A_5 = arith.constant 640 : i32
    %mul3A_6 = arith.muli %arg1, %mul3A_5 : i32
    %add3A_7 = arith.constant 0 : i32
    %add3A_8 = arith.addi %mul3A_6, %add3A_7 : i32
    "tpu.region"() ({
      %run_scoped3A = tpu.sem_alloc : memref<!tpu.dma_semaphore, #tpu.memory_space<semaphore_mem>>
      %dma_start3A = arith.constant 0 : i32
      %dma_start3A_66 = arith.constant 0 : i32
      %dma_start3A_67 = tpu.memref_slice %arg6[%dma_start3A, %dma_start3A_66] : memref<128x128xf32, #tpu.memory_space<vmem>> -> memref<128x128xf32, #tpu.memory_space<vmem>>
      %dma_start3A_68 = arith.constant 0 : i32
      %dma_start3A_69 = tpu.memref_slice %arg7[%add3A_8, %dma_start3A_68] : memref<10240x128xf32, #tpu.memory_space<vmem_shared>> -> memref<128x128xf32, #tpu.memory_space<vmem_shared>>
      %dma_start3A_70 = arith.constant 0 : i32
      %dma_start3A_71 = tpu.memref_slice %arg7[%add3A_8, %dma_start3A_70] : memref<10240x128xf32, #tpu.memory_space<vmem_shared>> -> memref<128x128xf32, #tpu.memory_space<vmem_shared>>
      %dma_start3A_72 = arith.constant 0 : i32
      %dma_start3A_73 = arith.constant 0 : i32
      %dma_start3A_74 = tpu.memref_slice %arg6[%dma_start3A_72, %dma_start3A_73] : memref<128x128xf32, #tpu.memory_space<vmem>> -> memref<128x128xf32, #tpu.memory_space<vmem>>
      tpu.enqueue_dma source(%dma_start3A_74 : memref<128x128xf32, #tpu.memory_space<vmem>>) target(%dma_start3A_71 : memref<128x128xf32, #tpu.memory_space<vmem_shared>>) target_semaphore(%run_scoped3A : memref<!tpu.dma_semaphore, #tpu.memory_space<semaphore_mem>>)
      %dma_wait3A = arith.constant 0 : i32
      %dma_wait3A_75 = arith.constant 0 : i32
      %dma_wait3A_76 = tpu.memref_slice %arg6[%dma_wait3A, %dma_wait3A_75] : memref<128x128xf32, #tpu.memory_space<vmem>> -> memref<128x128xf32, #tpu.memory_space<vmem>>
      %dma_wait3A_77 = arith.constant 0 : i32
      %dma_wait3A_78 = tpu.memref_slice %arg7[%add3A_8, %dma_wait3A_77] : memref<10240x128xf32, #tpu.memory_space<vmem_shared>> -> memref<128x128xf32, #tpu.memory_space<vmem_shared>>
      %dma_wait3A_79 = arith.constant 0 : i32
      %dma_wait3A_80 = tpu.memref_slice %arg7[%add3A_8, %dma_wait3A_79] : memref<10240x128xf32, #tpu.memory_space<vmem_shared>> -> memref<128x128xf32, #tpu.memory_space<vmem_shared>>
      %dma_wait3A_81 = arith.constant 0 : i32
      %dma_wait3A_82 = arith.constant 0 : i32
      %dma_wait3A_83 = tpu.memref_slice %arg6[%dma_wait3A_81, %dma_wait3A_82] : memref<128x128xf32, #tpu.memory_space<vmem>> -> memref<128x128xf32, #tpu.memory_space<vmem>>
      tpu.wait_dma2 semaphore(%run_scoped3A : memref<!tpu.dma_semaphore, #tpu.memory_space<semaphore_mem>>) src(%dma_wait3A_83 : memref<128x128xf32, #tpu.memory_space<vmem>>) dst(%dma_wait3A_80 : memref<128x128xf32, #tpu.memory_space<vmem_shared>>)
      tpu.yield
    }) : () -> ()
    %mul3A_9 = arith.constant 640 : i32
    %mul3A_10 = arith.muli %arg1, %mul3A_9 : i32
    %add3A_11 = arith.constant 128 : i32
    %add3A_12 = arith.addi %mul3A_10, %add3A_11 : i32
    "tpu.region"() ({
      %run_scoped3A = tpu.sem_alloc : memref<!tpu.dma_semaphore, #tpu.memory_space<semaphore_mem>>
      %dma_start3A = arith.constant 0 : i32
      %dma_start3A_66 = arith.constant 0 : i32
      %dma_start3A_67 = tpu.memref_slice %arg6[%dma_start3A, %dma_start3A_66] : memref<128x128xf32, #tpu.memory_space<vmem>> -> memref<128x128xf32, #tpu.memory_space<vmem>>
      %dma_start3A_68 = arith.constant 0 : i32
      %dma_start3A_69 = tpu.memref_slice %arg7[%add3A_12, %dma_start3A_68] : memref<10240x128xf32, #tpu.memory_space<vmem_shared>> -> memref<128x128xf32, #tpu.memory_space<vmem_shared>>
      %dma_start3A_70 = arith.constant 0 : i32
      %dma_start3A_71 = tpu.memref_slice %arg7[%add3A_12, %dma_start3A_70] : memref<10240x128xf32, #tpu.memory_space<vmem_shared>> -> memref<128x128xf32, #tpu.memory_space<vmem_shared>>
      %dma_start3A_72 = arith.constant 0 : i32
      %dma_start3A_73 = arith.constant 0 : i32
      %dma_start3A_74 = tpu.memref_slice %arg6[%dma_start3A_72, %dma_start3A_73] : memref<128x128xf32, #tpu.memory_space<vmem>> -> memref<128x128xf32, #tpu.memory_space<vmem>>
      tpu.enqueue_dma source(%dma_start3A_74 : memref<128x128xf32, #tpu.memory_space<vmem>>) target(%dma_start3A_71 : memref<128x128xf32, #tpu.memory_space<vmem_shared>>) target_semaphore(%run_scoped3A : memref<!tpu.dma_semaphore, #tpu.memory_space<semaphore_mem>>)
      %dma_wait3A = arith.constant 0 : i32
      %dma_wait3A_75 = arith.constant 0 : i32
      %dma_wait3A_76 = tpu.memref_slice %arg6[%dma_wait3A, %dma_wait3A_75] : memref<128x128xf32, #tpu.memory_space<vmem>> -> memref<128x128xf32, #tpu.memory_space<vmem>>
      %dma_wait3A_77 = arith.constant 0 : i32
      %dma_wait3A_78 = tpu.memref_slice %arg7[%add3A_12, %dma_wait3A_77] : memref<10240x128xf32, #tpu.memory_space<vmem_shared>> -> memref<128x128xf32, #tpu.memory_space<vmem_shared>>
      %dma_wait3A_79 = arith.constant 0 : i32
      %dma_wait3A_80 = tpu.memref_slice %arg7[%add3A_12, %dma_wait3A_79] : memref<10240x128xf32, #tpu.memory_space<vmem_shared>> -> memref<128x128xf32, #tpu.memory_space<vmem_shared>>
      %dma_wait3A_81 = arith.constant 0 : i32
      %dma_wait3A_82 = arith.constant 0 : i32
      %dma_wait3A_83 = tpu.memref_slice %arg6[%dma_wait3A_81, %dma_wait3A_82] : memref<128x128xf32, #tpu.memory_space<vmem>> -> memref<128x128xf32, #tpu.memory_space<vmem>>
      tpu.wait_dma2 semaphore(%run_scoped3A : memref<!tpu.dma_semaphore, #tpu.memory_space<semaphore_mem>>) src(%dma_wait3A_83 : memref<128x128xf32, #tpu.memory_space<vmem>>) dst(%dma_wait3A_80 : memref<128x128xf32, #tpu.memory_space<vmem_shared>>)
      tpu.yield
    }) : () -> ()
    %mul3A_13 = arith.constant 640 : i32
    %mul3A_14 = arith.muli %arg1, %mul3A_13 : i32
    %add3A_15 = arith.constant 256 : i32
    %add3A_16 = arith.addi %mul3A_14, %add3A_15 : i32
    "tpu.region"() ({
      %run_scoped3A = tpu.sem_alloc : memref<!tpu.dma_semaphore, #tpu.memory_space<semaphore_mem>>
      %dma_start3A = arith.constant 0 : i32
      %dma_start3A_66 = arith.constant 0 : i32
      %dma_start3A_67 = tpu.memref_slice %arg6[%dma_start3A, %dma_start3A_66] : memref<128x128xf32, #tpu.memory_space<vmem>> -> memref<128x128xf32, #tpu.memory_space<vmem>>
      %dma_start3A_68 = arith.constant 0 : i32
      %dma_start3A_69 = tpu.memref_slice %arg7[%add3A_16, %dma_start3A_68] : memref<10240x128xf32, #tpu.memory_space<vmem_shared>> -> memref<128x128xf32, #tpu.memory_space<vmem_shared>>
      %dma_start3A_70 = arith.constant 0 : i32
      %dma_start3A_71 = tpu.memref_slice %arg7[%add3A_16, %dma_start3A_70] : memref<10240x128xf32, #tpu.memory_space<vmem_shared>> -> memref<128x128xf32, #tpu.memory_space<vmem_shared>>
      %dma_start3A_72 = arith.constant 0 : i32
      %dma_start3A_73 = arith.constant 0 : i32
      %dma_start3A_74 = tpu.memref_slice %arg6[%dma_start3A_72, %dma_start3A_73] : memref<128x128xf32, #tpu.memory_space<vmem>> -> memref<128x128xf32, #tpu.memory_space<vmem>>
      tpu.enqueue_dma source(%dma_start3A_74 : memref<128x128xf32, #tpu.memory_space<vmem>>) target(%dma_start3A_71 : memref<128x128xf32, #tpu.memory_space<vmem_shared>>) target_semaphore(%run_scoped3A : memref<!tpu.dma_semaphore, #tpu.memory_space<semaphore_mem>>)
      %dma_wait3A = arith.constant 0 : i32
      %dma_wait3A_75 = arith.constant 0 : i32
      %dma_wait3A_76 = tpu.memref_slice %arg6[%dma_wait3A, %dma_wait3A_75] : memref<128x128xf32, #tpu.memory_space<vmem>> -> memref<128x128xf32, #tpu.memory_space<vmem>>
      %dma_wait3A_77 = arith.constant 0 : i32
      %dma_wait3A_78 = tpu.memref_slice %arg7[%add3A_16, %dma_wait3A_77] : memref<10240x128xf32, #tpu.memory_space<vmem_shared>> -> memref<128x128xf32, #tpu.memory_space<vmem_shared>>
      %dma_wait3A_79 = arith.constant 0 : i32
      %dma_wait3A_80 = tpu.memref_slice %arg7[%add3A_16, %dma_wait3A_79] : memref<10240x128xf32, #tpu.memory_space<vmem_shared>> -> memref<128x128xf32, #tpu.memory_space<vmem_shared>>
      %dma_wait3A_81 = arith.constant 0 : i32
      %dma_wait3A_82 = arith.constant 0 : i32
      %dma_wait3A_83 = tpu.memref_slice %arg6[%dma_wait3A_81, %dma_wait3A_82] : memref<128x128xf32, #tpu.memory_space<vmem>> -> memref<128x128xf32, #tpu.memory_space<vmem>>
      tpu.wait_dma2 semaphore(%run_scoped3A : memref<!tpu.dma_semaphore, #tpu.memory_space<semaphore_mem>>) src(%dma_wait3A_83 : memref<128x128xf32, #tpu.memory_space<vmem>>) dst(%dma_wait3A_80 : memref<128x128xf32, #tpu.memory_space<vmem_shared>>)
      tpu.yield
    }) : () -> ()
    %mul3A_17 = arith.constant 640 : i32
    %mul3A_18 = arith.muli %arg1, %mul3A_17 : i32
    %add3A_19 = arith.constant 384 : i32
    %add3A_20 = arith.addi %mul3A_18, %add3A_19 : i32
    "tpu.region"() ({
      %run_scoped3A = tpu.sem_alloc : memref<!tpu.dma_semaphore, #tpu.memory_space<semaphore_mem>>
      %dma_start3A = arith.constant 0 : i32
      %dma_start3A_66 = arith.constant 0 : i32
      %dma_start3A_67 = tpu.memref_slice %arg6[%dma_start3A, %dma_start3A_66] : memref<128x128xf32, #tpu.memory_space<vmem>> -> memref<128x128xf32, #tpu.memory_space<vmem>>
      %dma_start3A_68 = arith.constant 0 : i32
      %dma_start3A_69 = tpu.memref_slice %arg7[%add3A_20, %dma_start3A_68] : memref<10240x128xf32, #tpu.memory_space<vmem_shared>> -> memref<128x128xf32, #tpu.memory_space<vmem_shared>>
      %dma_start3A_70 = arith.constant 0 : i32
      %dma_start3A_71 = tpu.memref_slice %arg7[%add3A_20, %dma_start3A_70] : memref<10240x128xf32, #tpu.memory_space<vmem_shared>> -> memref<128x128xf32, #tpu.memory_space<vmem_shared>>
      %dma_start3A_72 = arith.constant 0 : i32
      %dma_start3A_73 = arith.constant 0 : i32
      %dma_start3A_74 = tpu.memref_slice %arg6[%dma_start3A_72, %dma_start3A_73] : memref<128x128xf32, #tpu.memory_space<vmem>> -> memref<128x128xf32, #tpu.memory_space<vmem>>
      tpu.enqueue_dma source(%dma_start3A_74 : memref<128x128xf32, #tpu.memory_space<vmem>>) target(%dma_start3A_71 : memref<128x128xf32, #tpu.memory_space<vmem_shared>>) target_semaphore(%run_scoped3A : memref<!tpu.dma_semaphore, #tpu.memory_space<semaphore_mem>>)
      %dma_wait3A = arith.constant 0 : i32
      %dma_wait3A_75 = arith.constant 0 : i32
      %dma_wait3A_76 = tpu.memref_slice %arg6[%dma_wait3A, %dma_wait3A_75] : memref<128x128xf32, #tpu.memory_space<vmem>> -> memref<128x128xf32, #tpu.memory_space<vmem>>
      %dma_wait3A_77 = arith.constant 0 : i32
      %dma_wait3A_78 = tpu.memref_slice %arg7[%add3A_20, %dma_wait3A_77] : memref<10240x128xf32, #tpu.memory_space<vmem_shared>> -> memref<128x128xf32, #tpu.memory_space<vmem_shared>>
      %dma_wait3A_79 = arith.constant 0 : i32
      %dma_wait3A_80 = tpu.memref_slice %arg7[%add3A_20, %dma_wait3A_79] : memref<10240x128xf32, #tpu.memory_space<vmem_shared>> -> memref<128x128xf32, #tpu.memory_space<vmem_shared>>
      %dma_wait3A_81 = arith.constant 0 : i32
      %dma_wait3A_82 = arith.constant 0 : i32
      %dma_wait3A_83 = tpu.memref_slice %arg6[%dma_wait3A_81, %dma_wait3A_82] : memref<128x128xf32, #tpu.memory_space<vmem>> -> memref<128x128xf32, #tpu.memory_space<vmem>>
      tpu.wait_dma2 semaphore(%run_scoped3A : memref<!tpu.dma_semaphore, #tpu.memory_space<semaphore_mem>>) src(%dma_wait3A_83 : memref<128x128xf32, #tpu.memory_space<vmem>>) dst(%dma_wait3A_80 : memref<128x128xf32, #tpu.memory_space<vmem_shared>>)
      tpu.yield
    }) : () -> ()
    %mul3A_21 = arith.constant 640 : i32
    %mul3A_22 = arith.muli %arg1, %mul3A_21 : i32
    %add3A_23 = arith.constant 512 : i32
    %add3A_24 = arith.addi %mul3A_22, %add3A_23 : i32
    "tpu.region"() ({
      %run_scoped3A = tpu.sem_alloc : memref<!tpu.dma_semaphore, #tpu.memory_space<semaphore_mem>>
      %dma_start3A = arith.constant 0 : i32
      %dma_start3A_66 = arith.constant 0 : i32
      %dma_start3A_67 = tpu.memref_slice %arg6[%dma_start3A, %dma_start3A_66] : memref<128x128xf32, #tpu.memory_space<vmem>> -> memref<128x128xf32, #tpu.memory_space<vmem>>
      %dma_start3A_68 = arith.constant 0 : i32
      %dma_start3A_69 = tpu.memref_slice %arg7[%add3A_24, %dma_start3A_68] : memref<10240x128xf32, #tpu.memory_space<vmem_shared>> -> memref<128x128xf32, #tpu.memory_space<vmem_shared>>
      %dma_start3A_70 = arith.constant 0 : i32
      %dma_start3A_71 = tpu.memref_slice %arg7[%add3A_24, %dma_start3A_70] : memref<10240x128xf32, #tpu.memory_space<vmem_shared>> -> memref<128x128xf32, #tpu.memory_space<vmem_shared>>
      %dma_start3A_72 = arith.constant 0 : i32
      %dma_start3A_73 = arith.constant 0 : i32
      %dma_start3A_74 = tpu.memref_slice %arg6[%dma_start3A_72, %dma_start3A_73] : memref<128x128xf32, #tpu.memory_space<vmem>> -> memref<128x128xf32, #tpu.memory_space<vmem>>
      tpu.enqueue_dma source(%dma_start3A_74 : memref<128x128xf32, #tpu.memory_space<vmem>>) target(%dma_start3A_71 : memref<128x128xf32, #tpu.memory_space<vmem_shared>>) target_semaphore(%run_scoped3A : memref<!tpu.dma_semaphore, #tpu.memory_space<semaphore_mem>>)
      %dma_wait3A = arith.constant 0 : i32
      %dma_wait3A_75 = arith.constant 0 : i32
      %dma_wait3A_76 = tpu.memref_slice %arg6[%dma_wait3A, %dma_wait3A_75] : memref<128x128xf32, #tpu.memory_space<vmem>> -> memref<128x128xf32, #tpu.memory_space<vmem>>
      %dma_wait3A_77 = arith.constant 0 : i32
      %dma_wait3A_78 = tpu.memref_slice %arg7[%add3A_24, %dma_wait3A_77] : memref<10240x128xf32, #tpu.memory_space<vmem_shared>> -> memref<128x128xf32, #tpu.memory_space<vmem_shared>>
      %dma_wait3A_79 = arith.constant 0 : i32
      %dma_wait3A_80 = tpu.memref_slice %arg7[%add3A_24, %dma_wait3A_79] : memref<10240x128xf32, #tpu.memory_space<vmem_shared>> -> memref<128x128xf32, #tpu.memory_space<vmem_shared>>
      %dma_wait3A_81 = arith.constant 0 : i32
      %dma_wait3A_82 = arith.constant 0 : i32
      %dma_wait3A_83 = tpu.memref_slice %arg6[%dma_wait3A_81, %dma_wait3A_82] : memref<128x128xf32, #tpu.memory_space<vmem>> -> memref<128x128xf32, #tpu.memory_space<vmem>>
      tpu.wait_dma2 semaphore(%run_scoped3A : memref<!tpu.dma_semaphore, #tpu.memory_space<semaphore_mem>>) src(%dma_wait3A_83 : memref<128x128xf32, #tpu.memory_space<vmem>>) dst(%dma_wait3A_80 : memref<128x128xf32, #tpu.memory_space<vmem_shared>>)
      tpu.yield
    }) : () -> ()
    %barrier3A = arith.constant 0 : index
    tpu.barrier barrier_id(%barrier3A)
    %scan3A_25 = arith.constant 0 : i32
    %scan3A_26 = arith.constant 40 : i32
    %scan3A_27 = arith.addi %scan3A_25, %scan3A_26 : i32
    %scan3A_28 = arith.constant 1 : i32
    scf.for %scan3A_66 = %scan3A_25 to %scan3A_27 step %scan3A_28  : i32 {
      %mul3A_67 = arith.constant 1 : i32
      %mul3A_68 = arith.muli %scan3A_66, %mul3A_67 : i32
      %add3A_69 = arith.constant 0 : i32
      %add3A_70 = arith.addi %add3A_69, %mul3A_68 : i32
      %mul3A_71 = arith.constant 32 : i32
      %mul3A_72 = arith.muli %add3A_70, %mul3A_71 : i32
      %add3A_73 = arith.addi %mul3A_72, %add3A : i32
      %lt3A = arith.constant 1250 : i32
      %lt3A_74 = arith.cmpi slt, %add3A_73, %lt3A : i32
      %convert_element_type3A = arith.extui %lt3A_74 : i1 to i32
      %cond3A = arith.constant 0 : i32
      %cond3A_75 = arith.cmpi ne, %convert_element_type3A, %cond3A : i32
      scf.if %cond3A_75 {
        %mul3A_76 = arith.constant 128 : i32
        %mul3A_77 = arith.muli %add3A_73, %mul3A_76 : i32
        "tpu.region"() ({
          %run_scoped3A = tpu.sem_alloc : memref<!tpu.dma_semaphore, #tpu.memory_space<semaphore_mem>>
          %dma_start3A = tpu.memref_slice %arg3[%mul3A_77] : memref<160000xi32, #tpu.memory_space<hbm>> -> memref<128xi32, #tpu.memory_space<hbm>>
          %dma_start3A_78 = tpu.memref_slice %arg3[%mul3A_77] : memref<160000xi32, #tpu.memory_space<hbm>> -> memref<128xi32, #tpu.memory_space<hbm>>
          tpu.enqueue_dma source(%dma_start3A_78 : memref<128xi32, #tpu.memory_space<hbm>>) target(%arg5 : memref<128xi32, #tpu.memory_space<vmem>>) target_semaphore(%run_scoped3A : memref<!tpu.dma_semaphore, #tpu.memory_space<semaphore_mem>>)
          %dma_wait3A = tpu.memref_slice %arg3[%mul3A_77] : memref<160000xi32, #tpu.memory_space<hbm>> -> memref<128xi32, #tpu.memory_space<hbm>>
          %dma_wait3A_79 = tpu.memref_slice %arg3[%mul3A_77] : memref<160000xi32, #tpu.memory_space<hbm>> -> memref<128xi32, #tpu.memory_space<hbm>>
          tpu.wait_dma2 semaphore(%run_scoped3A : memref<!tpu.dma_semaphore, #tpu.memory_space<semaphore_mem>>) src(%dma_wait3A_79 : memref<128xi32, #tpu.memory_space<hbm>>) dst(%arg5 : memref<128xi32, #tpu.memory_space<vmem>>)
          tpu.yield
        }) : () -> ()
        "tpu.region"() ({
          %run_scoped3A = tpu.sem_alloc : memref<!tpu.dma_semaphore, #tpu.memory_space<semaphore_mem>>
          %dma_start3A = arith.constant 0 : i32
          %dma_start3A_78 = tpu.memref_slice %arg2[%mul3A_77, %dma_start3A] : memref<160000x128xf32, #tpu.memory_space<hbm>> -> memref<128x128xf32, #tpu.memory_space<hbm>>
          %dma_start3A_79 = arith.constant 0 : i32
          %dma_start3A_80 = tpu.memref_slice %arg2[%mul3A_77, %dma_start3A_79] : memref<160000x128xf32, #tpu.memory_space<hbm>> -> memref<128x128xf32, #tpu.memory_space<hbm>>
          tpu.enqueue_dma source(%dma_start3A_80 : memref<128x128xf32, #tpu.memory_space<hbm>>) target(%arg6 : memref<128x128xf32, #tpu.memory_space<vmem>>) target_semaphore(%run_scoped3A : memref<!tpu.dma_semaphore, #tpu.memory_space<semaphore_mem>>)
          %dma_wait3A = arith.constant 0 : i32
          %dma_wait3A_81 = tpu.memref_slice %arg2[%mul3A_77, %dma_wait3A] : memref<160000x128xf32, #tpu.memory_space<hbm>> -> memref<128x128xf32, #tpu.memory_space<hbm>>
          %dma_wait3A_82 = arith.constant 0 : i32
          %dma_wait3A_83 = tpu.memref_slice %arg2[%mul3A_77, %dma_wait3A_82] : memref<160000x128xf32, #tpu.memory_space<hbm>> -> memref<128x128xf32, #tpu.memory_space<hbm>>
          tpu.wait_dma2 semaphore(%run_scoped3A : memref<!tpu.dma_semaphore, #tpu.memory_space<semaphore_mem>>) src(%dma_wait3A_83 : memref<128x128xf32, #tpu.memory_space<hbm>>) dst(%arg6 : memref<128x128xf32, #tpu.memory_space<vmem>>)
          tpu.yield
        }) : () -> ()
        "tpu.region"() ({
          %run_scoped3A = tpu.sem_alloc : memref<!tpu.dma_semaphore, #tpu.memory_space<semaphore_mem>>
          %dma_start3A = arith.constant 0 : i32
          %dma_start3A_78 = arith.constant 0 : i32
          %dma_start3A_79 = tpu.memref_slice %arg7[%dma_start3A, %dma_start3A_78] : memref<10240x128xf32, #tpu.memory_space<vmem_shared>> -> memref<10240x128xf32, #tpu.memory_space<vmem_shared>>
          tpu.enqueue_indirect_dma source(%arg6 : memref<128x128xf32, #tpu.memory_space<vmem>>) target(%dma_start3A_79 : memref<10240x128xf32, #tpu.memory_space<vmem_shared>>) offsets(%arg5 : memref<128xi32, #tpu.memory_space<vmem>>) semaphore(%run_scoped3A : memref<!tpu.dma_semaphore, #tpu.memory_space<semaphore_mem>>) {add = true}
          %dma_wait3A = arith.constant 0 : i32
          %dma_wait3A_80 = arith.constant 0 : i32
          %dma_wait3A_81 = tpu.memref_slice %arg7[%dma_wait3A, %dma_wait3A_80] : memref<10240x128xf32, #tpu.memory_space<vmem_shared>> -> memref<10240x128xf32, #tpu.memory_space<vmem_shared>>
          tpu.wait_indirect_dma semaphore(%run_scoped3A : memref<!tpu.dma_semaphore, #tpu.memory_space<semaphore_mem>>) src(%arg6 : memref<128x128xf32, #tpu.memory_space<vmem>>) dst(%dma_wait3A_81 : memref<10240x128xf32, #tpu.memory_space<vmem_shared>>)
          tpu.yield
        }) : () -> ()
      } else {
      }
    }
    %scan3A_29 = arith.constant 40 : i32
    %barrier3A_30 = arith.constant 0 : index
    tpu.barrier barrier_id(%barrier3A_30)
    %mul3A_31 = arith.constant 640 : i32
    %mul3A_32 = arith.muli %arg1, %mul3A_31 : i32
    %add3A_33 = arith.constant 0 : i32
    %add3A_34 = arith.addi %mul3A_32, %add3A_33 : i32
    "tpu.region"() ({
      %run_scoped3A = tpu.sem_alloc : memref<!tpu.dma_semaphore, #tpu.memory_space<semaphore_mem>>
      %dma_start3A = arith.constant 0 : i32
      %dma_start3A_66 = arith.constant 0 : i32
      %dma_start3A_67 = tpu.memref_slice %arg6[%dma_start3A, %dma_start3A_66] : memref<128x128xf32, #tpu.memory_space<vmem>> -> memref<128x128xf32, #tpu.memory_space<vmem>>
      %dma_start3A_68 = arith.constant 0 : i32
      %dma_start3A_69 = tpu.memref_slice %arg7[%add3A_34, %dma_start3A_68] : memref<10240x128xf32, #tpu.memory_space<vmem_shared>> -> memref<128x128xf32, #tpu.memory_space<vmem_shared>>
      %dma_start3A_70 = arith.constant 0 : i32
      %dma_start3A_71 = arith.constant 0 : i32
      %dma_start3A_72 = tpu.memref_slice %arg6[%dma_start3A_70, %dma_start3A_71] : memref<128x128xf32, #tpu.memory_space<vmem>> -> memref<128x128xf32, #tpu.memory_space<vmem>>
      %dma_start3A_73 = arith.constant 0 : i32
      %dma_start3A_74 = tpu.memref_slice %arg7[%add3A_34, %dma_start3A_73] : memref<10240x128xf32, #tpu.memory_space<vmem_shared>> -> memref<128x128xf32, #tpu.memory_space<vmem_shared>>
      tpu.enqueue_dma source(%dma_start3A_74 : memref<128x128xf32, #tpu.memory_space<vmem_shared>>) target(%dma_start3A_72 : memref<128x128xf32, #tpu.memory_space<vmem>>) target_semaphore(%run_scoped3A : memref<!tpu.dma_semaphore, #tpu.memory_space<semaphore_mem>>)
      %dma_wait3A = arith.constant 0 : i32
      %dma_wait3A_75 = arith.constant 0 : i32
      %dma_wait3A_76 = tpu.memref_slice %arg6[%dma_wait3A, %dma_wait3A_75] : memref<128x128xf32, #tpu.memory_space<vmem>> -> memref<128x128xf32, #tpu.memory_space<vmem>>
      %dma_wait3A_77 = arith.constant 0 : i32
      %dma_wait3A_78 = tpu.memref_slice %arg7[%add3A_34, %dma_wait3A_77] : memref<10240x128xf32, #tpu.memory_space<vmem_shared>> -> memref<128x128xf32, #tpu.memory_space<vmem_shared>>
      %dma_wait3A_79 = arith.constant 0 : i32
      %dma_wait3A_80 = arith.constant 0 : i32
      %dma_wait3A_81 = tpu.memref_slice %arg6[%dma_wait3A_79, %dma_wait3A_80] : memref<128x128xf32, #tpu.memory_space<vmem>> -> memref<128x128xf32, #tpu.memory_space<vmem>>
      %dma_wait3A_82 = arith.constant 0 : i32
      %dma_wait3A_83 = tpu.memref_slice %arg7[%add3A_34, %dma_wait3A_82] : memref<10240x128xf32, #tpu.memory_space<vmem_shared>> -> memref<128x128xf32, #tpu.memory_space<vmem_shared>>
      tpu.wait_dma2 semaphore(%run_scoped3A : memref<!tpu.dma_semaphore, #tpu.memory_space<semaphore_mem>>) src(%dma_wait3A_83 : memref<128x128xf32, #tpu.memory_space<vmem_shared>>) dst(%dma_wait3A_81 : memref<128x128xf32, #tpu.memory_space<vmem>>)
      tpu.yield
    }) : () -> ()
    %mul3A_35 = arith.constant 10240 : i32
    %mul3A_36 = arith.muli %arg0, %mul3A_35 : i32
    %add3A_37 = arith.addi %mul3A_36, %add3A_34 : i32
    "tpu.region"() ({
      %run_scoped3A = tpu.sem_alloc : memref<!tpu.dma_semaphore, #tpu.memory_space<semaphore_mem>>
      %dma_start3A = arith.constant 0 : i32
      %dma_start3A_66 = arith.constant 0 : i32
      %dma_start3A_67 = tpu.memref_slice %arg6[%dma_start3A, %dma_start3A_66] : memref<128x128xf32, #tpu.memory_space<vmem>> -> memref<128x128xf32, #tpu.memory_space<vmem>>
      %dma_start3A_68 = arith.constant 0 : i32
      %dma_start3A_69 = tpu.memref_slice %arg4[%add3A_37, %dma_start3A_68] : memref<20480x128xf32, #tpu.memory_space<hbm>> -> memref<128x128xf32, #tpu.memory_space<hbm>>
      %dma_start3A_70 = arith.constant 0 : i32
      %dma_start3A_71 = tpu.memref_slice %arg4[%add3A_37, %dma_start3A_70] : memref<20480x128xf32, #tpu.memory_space<hbm>> -> memref<128x128xf32, #tpu.memory_space<hbm>>
      %dma_start3A_72 = arith.constant 0 : i32
      %dma_start3A_73 = arith.constant 0 : i32
      %dma_start3A_74 = tpu.memref_slice %arg6[%dma_start3A_72, %dma_start3A_73] : memref<128x128xf32, #tpu.memory_space<vmem>> -> memref<128x128xf32, #tpu.memory_space<vmem>>
      tpu.enqueue_dma source(%dma_start3A_74 : memref<128x128xf32, #tpu.memory_space<vmem>>) target(%dma_start3A_71 : memref<128x128xf32, #tpu.memory_space<hbm>>) target_semaphore(%run_scoped3A : memref<!tpu.dma_semaphore, #tpu.memory_space<semaphore_mem>>)
      %dma_wait3A = arith.constant 0 : i32
      %dma_wait3A_75 = arith.constant 0 : i32
      %dma_wait3A_76 = tpu.memref_slice %arg6[%dma_wait3A, %dma_wait3A_75] : memref<128x128xf32, #tpu.memory_space<vmem>> -> memref<128x128xf32, #tpu.memory_space<vmem>>
      %dma_wait3A_77 = arith.constant 0 : i32
      %dma_wait3A_78 = tpu.memref_slice %arg4[%add3A_37, %dma_wait3A_77] : memref<20480x128xf32, #tpu.memory_space<hbm>> -> memref<128x128xf32, #tpu.memory_space<hbm>>
      %dma_wait3A_79 = arith.constant 0 : i32
      %dma_wait3A_80 = tpu.memref_slice %arg4[%add3A_37, %dma_wait3A_79] : memref<20480x128xf32, #tpu.memory_space<hbm>> -> memref<128x128xf32, #tpu.memory_space<hbm>>
      %dma_wait3A_81 = arith.constant 0 : i32
      %dma_wait3A_82 = arith.constant 0 : i32
      %dma_wait3A_83 = tpu.memref_slice %arg6[%dma_wait3A_81, %dma_wait3A_82] : memref<128x128xf32, #tpu.memory_space<vmem>> -> memref<128x128xf32, #tpu.memory_space<vmem>>
      tpu.wait_dma2 semaphore(%run_scoped3A : memref<!tpu.dma_semaphore, #tpu.memory_space<semaphore_mem>>) src(%dma_wait3A_83 : memref<128x128xf32, #tpu.memory_space<vmem>>) dst(%dma_wait3A_80 : memref<128x128xf32, #tpu.memory_space<hbm>>)
      tpu.yield
    }) : () -> ()
    %mul3A_38 = arith.constant 640 : i32
    %mul3A_39 = arith.muli %arg1, %mul3A_38 : i32
    %add3A_40 = arith.constant 128 : i32
    %add3A_41 = arith.addi %mul3A_39, %add3A_40 : i32
    "tpu.region"() ({
      %run_scoped3A = tpu.sem_alloc : memref<!tpu.dma_semaphore, #tpu.memory_space<semaphore_mem>>
      %dma_start3A = arith.constant 0 : i32
      %dma_start3A_66 = arith.constant 0 : i32
      %dma_start3A_67 = tpu.memref_slice %arg6[%dma_start3A, %dma_start3A_66] : memref<128x128xf32, #tpu.memory_space<vmem>> -> memref<128x128xf32, #tpu.memory_space<vmem>>
      %dma_start3A_68 = arith.constant 0 : i32
      %dma_start3A_69 = tpu.memref_slice %arg7[%add3A_41, %dma_start3A_68] : memref<10240x128xf32, #tpu.memory_space<vmem_shared>> -> memref<128x128xf32, #tpu.memory_space<vmem_shared>>
      %dma_start3A_70 = arith.constant 0 : i32
      %dma_start3A_71 = arith.constant 0 : i32
      %dma_start3A_72 = tpu.memref_slice %arg6[%dma_start3A_70, %dma_start3A_71] : memref<128x128xf32, #tpu.memory_space<vmem>> -> memref<128x128xf32, #tpu.memory_space<vmem>>
      %dma_start3A_73 = arith.constant 0 : i32
      %dma_start3A_74 = tpu.memref_slice %arg7[%add3A_41, %dma_start3A_73] : memref<10240x128xf32, #tpu.memory_space<vmem_shared>> -> memref<128x128xf32, #tpu.memory_space<vmem_shared>>
      tpu.enqueue_dma source(%dma_start3A_74 : memref<128x128xf32, #tpu.memory_space<vmem_shared>>) target(%dma_start3A_72 : memref<128x128xf32, #tpu.memory_space<vmem>>) target_semaphore(%run_scoped3A : memref<!tpu.dma_semaphore, #tpu.memory_space<semaphore_mem>>)
      %dma_wait3A = arith.constant 0 : i32
      %dma_wait3A_75 = arith.constant 0 : i32
      %dma_wait3A_76 = tpu.memref_slice %arg6[%dma_wait3A, %dma_wait3A_75] : memref<128x128xf32, #tpu.memory_space<vmem>> -> memref<128x128xf32, #tpu.memory_space<vmem>>
      %dma_wait3A_77 = arith.constant 0 : i32
      %dma_wait3A_78 = tpu.memref_slice %arg7[%add3A_41, %dma_wait3A_77] : memref<10240x128xf32, #tpu.memory_space<vmem_shared>> -> memref<128x128xf32, #tpu.memory_space<vmem_shared>>
      %dma_wait3A_79 = arith.constant 0 : i32
      %dma_wait3A_80 = arith.constant 0 : i32
      %dma_wait3A_81 = tpu.memref_slice %arg6[%dma_wait3A_79, %dma_wait3A_80] : memref<128x128xf32, #tpu.memory_space<vmem>> -> memref<128x128xf32, #tpu.memory_space<vmem>>
      %dma_wait3A_82 = arith.constant 0 : i32
      %dma_wait3A_83 = tpu.memref_slice %arg7[%add3A_41, %dma_wait3A_82] : memref<10240x128xf32, #tpu.memory_space<vmem_shared>> -> memref<128x128xf32, #tpu.memory_space<vmem_shared>>
      tpu.wait_dma2 semaphore(%run_scoped3A : memref<!tpu.dma_semaphore, #tpu.memory_space<semaphore_mem>>) src(%dma_wait3A_83 : memref<128x128xf32, #tpu.memory_space<vmem_shared>>) dst(%dma_wait3A_81 : memref<128x128xf32, #tpu.memory_space<vmem>>)
      tpu.yield
    }) : () -> ()
    %mul3A_42 = arith.constant 10240 : i32
    %mul3A_43 = arith.muli %arg0, %mul3A_42 : i32
    %add3A_44 = arith.addi %mul3A_43, %add3A_41 : i32
    "tpu.region"() ({
      %run_scoped3A = tpu.sem_alloc : memref<!tpu.dma_semaphore, #tpu.memory_space<semaphore_mem>>
      %dma_start3A = arith.constant 0 : i32
      %dma_start3A_66 = arith.constant 0 : i32
      %dma_start3A_67 = tpu.memref_slice %arg6[%dma_start3A, %dma_start3A_66] : memref<128x128xf32, #tpu.memory_space<vmem>> -> memref<128x128xf32, #tpu.memory_space<vmem>>
      %dma_start3A_68 = arith.constant 0 : i32
      %dma_start3A_69 = tpu.memref_slice %arg4[%add3A_44, %dma_start3A_68] : memref<20480x128xf32, #tpu.memory_space<hbm>> -> memref<128x128xf32, #tpu.memory_space<hbm>>
      %dma_start3A_70 = arith.constant 0 : i32
      %dma_start3A_71 = tpu.memref_slice %arg4[%add3A_44, %dma_start3A_70] : memref<20480x128xf32, #tpu.memory_space<hbm>> -> memref<128x128xf32, #tpu.memory_space<hbm>>
      %dma_start3A_72 = arith.constant 0 : i32
      %dma_start3A_73 = arith.constant 0 : i32
      %dma_start3A_74 = tpu.memref_slice %arg6[%dma_start3A_72, %dma_start3A_73] : memref<128x128xf32, #tpu.memory_space<vmem>> -> memref<128x128xf32, #tpu.memory_space<vmem>>
      tpu.enqueue_dma source(%dma_start3A_74 : memref<128x128xf32, #tpu.memory_space<vmem>>) target(%dma_start3A_71 : memref<128x128xf32, #tpu.memory_space<hbm>>) target_semaphore(%run_scoped3A : memref<!tpu.dma_semaphore, #tpu.memory_space<semaphore_mem>>)
      %dma_wait3A = arith.constant 0 : i32
      %dma_wait3A_75 = arith.constant 0 : i32
      %dma_wait3A_76 = tpu.memref_slice %arg6[%dma_wait3A, %dma_wait3A_75] : memref<128x128xf32, #tpu.memory_space<vmem>> -> memref<128x128xf32, #tpu.memory_space<vmem>>
      %dma_wait3A_77 = arith.constant 0 : i32
      %dma_wait3A_78 = tpu.memref_slice %arg4[%add3A_44, %dma_wait3A_77] : memref<20480x128xf32, #tpu.memory_space<hbm>> -> memref<128x128xf32, #tpu.memory_space<hbm>>
      %dma_wait3A_79 = arith.constant 0 : i32
      %dma_wait3A_80 = tpu.memref_slice %arg4[%add3A_44, %dma_wait3A_79] : memref<20480x128xf32, #tpu.memory_space<hbm>> -> memref<128x128xf32, #tpu.memory_space<hbm>>
      %dma_wait3A_81 = arith.constant 0 : i32
      %dma_wait3A_82 = arith.constant 0 : i32
      %dma_wait3A_83 = tpu.memref_slice %arg6[%dma_wait3A_81, %dma_wait3A_82] : memref<128x128xf32, #tpu.memory_space<vmem>> -> memref<128x128xf32, #tpu.memory_space<vmem>>
      tpu.wait_dma2 semaphore(%run_scoped3A : memref<!tpu.dma_semaphore, #tpu.memory_space<semaphore_mem>>) src(%dma_wait3A_83 : memref<128x128xf32, #tpu.memory_space<vmem>>) dst(%dma_wait3A_80 : memref<128x128xf32, #tpu.memory_space<hbm>>)
      tpu.yield
    }) : () -> ()
    %mul3A_45 = arith.constant 640 : i32
    %mul3A_46 = arith.muli %arg1, %mul3A_45 : i32
    %add3A_47 = arith.constant 256 : i32
    %add3A_48 = arith.addi %mul3A_46, %add3A_47 : i32
    "tpu.region"() ({
      %run_scoped3A = tpu.sem_alloc : memref<!tpu.dma_semaphore, #tpu.memory_space<semaphore_mem>>
      %dma_start3A = arith.constant 0 : i32
      %dma_start3A_66 = arith.constant 0 : i32
      %dma_start3A_67 = tpu.memref_slice %arg6[%dma_start3A, %dma_start3A_66] : memref<128x128xf32, #tpu.memory_space<vmem>> -> memref<128x128xf32, #tpu.memory_space<vmem>>
      %dma_start3A_68 = arith.constant 0 : i32
      %dma_start3A_69 = tpu.memref_slice %arg7[%add3A_48, %dma_start3A_68] : memref<10240x128xf32, #tpu.memory_space<vmem_shared>> -> memref<128x128xf32, #tpu.memory_space<vmem_shared>>
      %dma_start3A_70 = arith.constant 0 : i32
      %dma_start3A_71 = arith.constant 0 : i32
      %dma_start3A_72 = tpu.memref_slice %arg6[%dma_start3A_70, %dma_start3A_71] : memref<128x128xf32, #tpu.memory_space<vmem>> -> memref<128x128xf32, #tpu.memory_space<vmem>>
      %dma_start3A_73 = arith.constant 0 : i32
      %dma_start3A_74 = tpu.memref_slice %arg7[%add3A_48, %dma_start3A_73] : memref<10240x128xf32, #tpu.memory_space<vmem_shared>> -> memref<128x128xf32, #tpu.memory_space<vmem_shared>>
      tpu.enqueue_dma source(%dma_start3A_74 : memref<128x128xf32, #tpu.memory_space<vmem_shared>>) target(%dma_start3A_72 : memref<128x128xf32, #tpu.memory_space<vmem>>) target_semaphore(%run_scoped3A : memref<!tpu.dma_semaphore, #tpu.memory_space<semaphore_mem>>)
      %dma_wait3A = arith.constant 0 : i32
      %dma_wait3A_75 = arith.constant 0 : i32
      %dma_wait3A_76 = tpu.memref_slice %arg6[%dma_wait3A, %dma_wait3A_75] : memref<128x128xf32, #tpu.memory_space<vmem>> -> memref<128x128xf32, #tpu.memory_space<vmem>>
      %dma_wait3A_77 = arith.constant 0 : i32
      %dma_wait3A_78 = tpu.memref_slice %arg7[%add3A_48, %dma_wait3A_77] : memref<10240x128xf32, #tpu.memory_space<vmem_shared>> -> memref<128x128xf32, #tpu.memory_space<vmem_shared>>
      %dma_wait3A_79 = arith.constant 0 : i32
      %dma_wait3A_80 = arith.constant 0 : i32
      %dma_wait3A_81 = tpu.memref_slice %arg6[%dma_wait3A_79, %dma_wait3A_80] : memref<128x128xf32, #tpu.memory_space<vmem>> -> memref<128x128xf32, #tpu.memory_space<vmem>>
      %dma_wait3A_82 = arith.constant 0 : i32
      %dma_wait3A_83 = tpu.memref_slice %arg7[%add3A_48, %dma_wait3A_82] : memref<10240x128xf32, #tpu.memory_space<vmem_shared>> -> memref<128x128xf32, #tpu.memory_space<vmem_shared>>
      tpu.wait_dma2 semaphore(%run_scoped3A : memref<!tpu.dma_semaphore, #tpu.memory_space<semaphore_mem>>) src(%dma_wait3A_83 : memref<128x128xf32, #tpu.memory_space<vmem_shared>>) dst(%dma_wait3A_81 : memref<128x128xf32, #tpu.memory_space<vmem>>)
      tpu.yield
    }) : () -> ()
    %mul3A_49 = arith.constant 10240 : i32
    %mul3A_50 = arith.muli %arg0, %mul3A_49 : i32
    %add3A_51 = arith.addi %mul3A_50, %add3A_48 : i32
    "tpu.region"() ({
      %run_scoped3A = tpu.sem_alloc : memref<!tpu.dma_semaphore, #tpu.memory_space<semaphore_mem>>
      %dma_start3A = arith.constant 0 : i32
      %dma_start3A_66 = arith.constant 0 : i32
      %dma_start3A_67 = tpu.memref_slice %arg6[%dma_start3A, %dma_start3A_66] : memref<128x128xf32, #tpu.memory_space<vmem>> -> memref<128x128xf32, #tpu.memory_space<vmem>>
      %dma_start3A_68 = arith.constant 0 : i32
      %dma_start3A_69 = tpu.memref_slice %arg4[%add3A_51, %dma_start3A_68] : memref<20480x128xf32, #tpu.memory_space<hbm>> -> memref<128x128xf32, #tpu.memory_space<hbm>>
      %dma_start3A_70 = arith.constant 0 : i32
      %dma_start3A_71 = tpu.memref_slice %arg4[%add3A_51, %dma_start3A_70] : memref<20480x128xf32, #tpu.memory_space<hbm>> -> memref<128x128xf32, #tpu.memory_space<hbm>>
      %dma_start3A_72 = arith.constant 0 : i32
      %dma_start3A_73 = arith.constant 0 : i32
      %dma_start3A_74 = tpu.memref_slice %arg6[%dma_start3A_72, %dma_start3A_73] : memref<128x128xf32, #tpu.memory_space<vmem>> -> memref<128x128xf32, #tpu.memory_space<vmem>>
      tpu.enqueue_dma source(%dma_start3A_74 : memref<128x128xf32, #tpu.memory_space<vmem>>) target(%dma_start3A_71 : memref<128x128xf32, #tpu.memory_space<hbm>>) target_semaphore(%run_scoped3A : memref<!tpu.dma_semaphore, #tpu.memory_space<semaphore_mem>>)
      %dma_wait3A = arith.constant 0 : i32
      %dma_wait3A_75 = arith.constant 0 : i32
      %dma_wait3A_76 = tpu.memref_slice %arg6[%dma_wait3A, %dma_wait3A_75] : memref<128x128xf32, #tpu.memory_space<vmem>> -> memref<128x128xf32, #tpu.memory_space<vmem>>
      %dma_wait3A_77 = arith.constant 0 : i32
      %dma_wait3A_78 = tpu.memref_slice %arg4[%add3A_51, %dma_wait3A_77] : memref<20480x128xf32, #tpu.memory_space<hbm>> -> memref<128x128xf32, #tpu.memory_space<hbm>>
      %dma_wait3A_79 = arith.constant 0 : i32
      %dma_wait3A_80 = tpu.memref_slice %arg4[%add3A_51, %dma_wait3A_79] : memref<20480x128xf32, #tpu.memory_space<hbm>> -> memref<128x128xf32, #tpu.memory_space<hbm>>
      %dma_wait3A_81 = arith.constant 0 : i32
      %dma_wait3A_82 = arith.constant 0 : i32
      %dma_wait3A_83 = tpu.memref_slice %arg6[%dma_wait3A_81, %dma_wait3A_82] : memref<128x128xf32, #tpu.memory_space<vmem>> -> memref<128x128xf32, #tpu.memory_space<vmem>>
      tpu.wait_dma2 semaphore(%run_scoped3A : memref<!tpu.dma_semaphore, #tpu.memory_space<semaphore_mem>>) src(%dma_wait3A_83 : memref<128x128xf32, #tpu.memory_space<vmem>>) dst(%dma_wait3A_80 : memref<128x128xf32, #tpu.memory_space<hbm>>)
      tpu.yield
    }) : () -> ()
    %mul3A_52 = arith.constant 640 : i32
    %mul3A_53 = arith.muli %arg1, %mul3A_52 : i32
    %add3A_54 = arith.constant 384 : i32
    %add3A_55 = arith.addi %mul3A_53, %add3A_54 : i32
    "tpu.region"() ({
      %run_scoped3A = tpu.sem_alloc : memref<!tpu.dma_semaphore, #tpu.memory_space<semaphore_mem>>
      %dma_start3A = arith.constant 0 : i32
      %dma_start3A_66 = arith.constant 0 : i32
      %dma_start3A_67 = tpu.memref_slice %arg6[%dma_start3A, %dma_start3A_66] : memref<128x128xf32, #tpu.memory_space<vmem>> -> memref<128x128xf32, #tpu.memory_space<vmem>>
      %dma_start3A_68 = arith.constant 0 : i32
      %dma_start3A_69 = tpu.memref_slice %arg7[%add3A_55, %dma_start3A_68] : memref<10240x128xf32, #tpu.memory_space<vmem_shared>> -> memref<128x128xf32, #tpu.memory_space<vmem_shared>>
      %dma_start3A_70 = arith.constant 0 : i32
      %dma_start3A_71 = arith.constant 0 : i32
      %dma_start3A_72 = tpu.memref_slice %arg6[%dma_start3A_70, %dma_start3A_71] : memref<128x128xf32, #tpu.memory_space<vmem>> -> memref<128x128xf32, #tpu.memory_space<vmem>>
      %dma_start3A_73 = arith.constant 0 : i32
      %dma_start3A_74 = tpu.memref_slice %arg7[%add3A_55, %dma_start3A_73] : memref<10240x128xf32, #tpu.memory_space<vmem_shared>> -> memref<128x128xf32, #tpu.memory_space<vmem_shared>>
      tpu.enqueue_dma source(%dma_start3A_74 : memref<128x128xf32, #tpu.memory_space<vmem_shared>>) target(%dma_start3A_72 : memref<128x128xf32, #tpu.memory_space<vmem>>) target_semaphore(%run_scoped3A : memref<!tpu.dma_semaphore, #tpu.memory_space<semaphore_mem>>)
      %dma_wait3A = arith.constant 0 : i32
      %dma_wait3A_75 = arith.constant 0 : i32
      %dma_wait3A_76 = tpu.memref_slice %arg6[%dma_wait3A, %dma_wait3A_75] : memref<128x128xf32, #tpu.memory_space<vmem>> -> memref<128x128xf32, #tpu.memory_space<vmem>>
      %dma_wait3A_77 = arith.constant 0 : i32
      %dma_wait3A_78 = tpu.memref_slice %arg7[%add3A_55, %dma_wait3A_77] : memref<10240x128xf32, #tpu.memory_space<vmem_shared>> -> memref<128x128xf32, #tpu.memory_space<vmem_shared>>
      %dma_wait3A_79 = arith.constant 0 : i32
      %dma_wait3A_80 = arith.constant 0 : i32
      %dma_wait3A_81 = tpu.memref_slice %arg6[%dma_wait3A_79, %dma_wait3A_80] : memref<128x128xf32, #tpu.memory_space<vmem>> -> memref<128x128xf32, #tpu.memory_space<vmem>>
      %dma_wait3A_82 = arith.constant 0 : i32
      %dma_wait3A_83 = tpu.memref_slice %arg7[%add3A_55, %dma_wait3A_82] : memref<10240x128xf32, #tpu.memory_space<vmem_shared>> -> memref<128x128xf32, #tpu.memory_space<vmem_shared>>
      tpu.wait_dma2 semaphore(%run_scoped3A : memref<!tpu.dma_semaphore, #tpu.memory_space<semaphore_mem>>) src(%dma_wait3A_83 : memref<128x128xf32, #tpu.memory_space<vmem_shared>>) dst(%dma_wait3A_81 : memref<128x128xf32, #tpu.memory_space<vmem>>)
      tpu.yield
    }) : () -> ()
    %mul3A_56 = arith.constant 10240 : i32
    %mul3A_57 = arith.muli %arg0, %mul3A_56 : i32
    %add3A_58 = arith.addi %mul3A_57, %add3A_55 : i32
    "tpu.region"() ({
      %run_scoped3A = tpu.sem_alloc : memref<!tpu.dma_semaphore, #tpu.memory_space<semaphore_mem>>
      %dma_start3A = arith.constant 0 : i32
      %dma_start3A_66 = arith.constant 0 : i32
      %dma_start3A_67 = tpu.memref_slice %arg6[%dma_start3A, %dma_start3A_66] : memref<128x128xf32, #tpu.memory_space<vmem>> -> memref<128x128xf32, #tpu.memory_space<vmem>>
      %dma_start3A_68 = arith.constant 0 : i32
      %dma_start3A_69 = tpu.memref_slice %arg4[%add3A_58, %dma_start3A_68] : memref<20480x128xf32, #tpu.memory_space<hbm>> -> memref<128x128xf32, #tpu.memory_space<hbm>>
      %dma_start3A_70 = arith.constant 0 : i32
      %dma_start3A_71 = tpu.memref_slice %arg4[%add3A_58, %dma_start3A_70] : memref<20480x128xf32, #tpu.memory_space<hbm>> -> memref<128x128xf32, #tpu.memory_space<hbm>>
      %dma_start3A_72 = arith.constant 0 : i32
      %dma_start3A_73 = arith.constant 0 : i32
      %dma_start3A_74 = tpu.memref_slice %arg6[%dma_start3A_72, %dma_start3A_73] : memref<128x128xf32, #tpu.memory_space<vmem>> -> memref<128x128xf32, #tpu.memory_space<vmem>>
      tpu.enqueue_dma source(%dma_start3A_74 : memref<128x128xf32, #tpu.memory_space<vmem>>) target(%dma_start3A_71 : memref<128x128xf32, #tpu.memory_space<hbm>>) target_semaphore(%run_scoped3A : memref<!tpu.dma_semaphore, #tpu.memory_space<semaphore_mem>>)
      %dma_wait3A = arith.constant 0 : i32
      %dma_wait3A_75 = arith.constant 0 : i32
      %dma_wait3A_76 = tpu.memref_slice %arg6[%dma_wait3A, %dma_wait3A_75] : memref<128x128xf32, #tpu.memory_space<vmem>> -> memref<128x128xf32, #tpu.memory_space<vmem>>
      %dma_wait3A_77 = arith.constant 0 : i32
      %dma_wait3A_78 = tpu.memref_slice %arg4[%add3A_58, %dma_wait3A_77] : memref<20480x128xf32, #tpu.memory_space<hbm>> -> memref<128x128xf32, #tpu.memory_space<hbm>>
      %dma_wait3A_79 = arith.constant 0 : i32
      %dma_wait3A_80 = tpu.memref_slice %arg4[%add3A_58, %dma_wait3A_79] : memref<20480x128xf32, #tpu.memory_space<hbm>> -> memref<128x128xf32, #tpu.memory_space<hbm>>
      %dma_wait3A_81 = arith.constant 0 : i32
      %dma_wait3A_82 = arith.constant 0 : i32
      %dma_wait3A_83 = tpu.memref_slice %arg6[%dma_wait3A_81, %dma_wait3A_82] : memref<128x128xf32, #tpu.memory_space<vmem>> -> memref<128x128xf32, #tpu.memory_space<vmem>>
      tpu.wait_dma2 semaphore(%run_scoped3A : memref<!tpu.dma_semaphore, #tpu.memory_space<semaphore_mem>>) src(%dma_wait3A_83 : memref<128x128xf32, #tpu.memory_space<vmem>>) dst(%dma_wait3A_80 : memref<128x128xf32, #tpu.memory_space<hbm>>)
      tpu.yield
    }) : () -> ()
    %mul3A_59 = arith.constant 640 : i32
    %mul3A_60 = arith.muli %arg1, %mul3A_59 : i32
    %add3A_61 = arith.constant 512 : i32
    %add3A_62 = arith.addi %mul3A_60, %add3A_61 : i32
    "tpu.region"() ({
      %run_scoped3A = tpu.sem_alloc : memref<!tpu.dma_semaphore, #tpu.memory_space<semaphore_mem>>
      %dma_start3A = arith.constant 0 : i32
      %dma_start3A_66 = arith.constant 0 : i32
      %dma_start3A_67 = tpu.memref_slice %arg6[%dma_start3A, %dma_start3A_66] : memref<128x128xf32, #tpu.memory_space<vmem>> -> memref<128x128xf32, #tpu.memory_space<vmem>>
      %dma_start3A_68 = arith.constant 0 : i32
      %dma_start3A_69 = tpu.memref_slice %arg7[%add3A_62, %dma_start3A_68] : memref<10240x128xf32, #tpu.memory_space<vmem_shared>> -> memref<128x128xf32, #tpu.memory_space<vmem_shared>>
      %dma_start3A_70 = arith.constant 0 : i32
      %dma_start3A_71 = arith.constant 0 : i32
      %dma_start3A_72 = tpu.memref_slice %arg6[%dma_start3A_70, %dma_start3A_71] : memref<128x128xf32, #tpu.memory_space<vmem>> -> memref<128x128xf32, #tpu.memory_space<vmem>>
      %dma_start3A_73 = arith.constant 0 : i32
      %dma_start3A_74 = tpu.memref_slice %arg7[%add3A_62, %dma_start3A_73] : memref<10240x128xf32, #tpu.memory_space<vmem_shared>> -> memref<128x128xf32, #tpu.memory_space<vmem_shared>>
      tpu.enqueue_dma source(%dma_start3A_74 : memref<128x128xf32, #tpu.memory_space<vmem_shared>>) target(%dma_start3A_72 : memref<128x128xf32, #tpu.memory_space<vmem>>) target_semaphore(%run_scoped3A : memref<!tpu.dma_semaphore, #tpu.memory_space<semaphore_mem>>)
      %dma_wait3A = arith.constant 0 : i32
      %dma_wait3A_75 = arith.constant 0 : i32
      %dma_wait3A_76 = tpu.memref_slice %arg6[%dma_wait3A, %dma_wait3A_75] : memref<128x128xf32, #tpu.memory_space<vmem>> -> memref<128x128xf32, #tpu.memory_space<vmem>>
      %dma_wait3A_77 = arith.constant 0 : i32
      %dma_wait3A_78 = tpu.memref_slice %arg7[%add3A_62, %dma_wait3A_77] : memref<10240x128xf32, #tpu.memory_space<vmem_shared>> -> memref<128x128xf32, #tpu.memory_space<vmem_shared>>
      %dma_wait3A_79 = arith.constant 0 : i32
      %dma_wait3A_80 = arith.constant 0 : i32
      %dma_wait3A_81 = tpu.memref_slice %arg6[%dma_wait3A_79, %dma_wait3A_80] : memref<128x128xf32, #tpu.memory_space<vmem>> -> memref<128x128xf32, #tpu.memory_space<vmem>>
      %dma_wait3A_82 = arith.constant 0 : i32
      %dma_wait3A_83 = tpu.memref_slice %arg7[%add3A_62, %dma_wait3A_82] : memref<10240x128xf32, #tpu.memory_space<vmem_shared>> -> memref<128x128xf32, #tpu.memory_space<vmem_shared>>
      tpu.wait_dma2 semaphore(%run_scoped3A : memref<!tpu.dma_semaphore, #tpu.memory_space<semaphore_mem>>) src(%dma_wait3A_83 : memref<128x128xf32, #tpu.memory_space<vmem_shared>>) dst(%dma_wait3A_81 : memref<128x128xf32, #tpu.memory_space<vmem>>)
      tpu.yield
    }) : () -> ()
    %mul3A_63 = arith.constant 10240 : i32
    %mul3A_64 = arith.muli %arg0, %mul3A_63 : i32
    %add3A_65 = arith.addi %mul3A_64, %add3A_62 : i32
    "tpu.region"() ({
      %run_scoped3A = tpu.sem_alloc : memref<!tpu.dma_semaphore, #tpu.memory_space<semaphore_mem>>
      %dma_start3A = arith.constant 0 : i32
      %dma_start3A_66 = arith.constant 0 : i32
      %dma_start3A_67 = tpu.memref_slice %arg6[%dma_start3A, %dma_start3A_66] : memref<128x128xf32, #tpu.memory_space<vmem>> -> memref<128x128xf32, #tpu.memory_space<vmem>>
      %dma_start3A_68 = arith.constant 0 : i32
      %dma_start3A_69 = tpu.memref_slice %arg4[%add3A_65, %dma_start3A_68] : memref<20480x128xf32, #tpu.memory_space<hbm>> -> memref<128x128xf32, #tpu.memory_space<hbm>>
      %dma_start3A_70 = arith.constant 0 : i32
      %dma_start3A_71 = tpu.memref_slice %arg4[%add3A_65, %dma_start3A_70] : memref<20480x128xf32, #tpu.memory_space<hbm>> -> memref<128x128xf32, #tpu.memory_space<hbm>>
      %dma_start3A_72 = arith.constant 0 : i32
      %dma_start3A_73 = arith.constant 0 : i32
      %dma_start3A_74 = tpu.memref_slice %arg6[%dma_start3A_72, %dma_start3A_73] : memref<128x128xf32, #tpu.memory_space<vmem>> -> memref<128x128xf32, #tpu.memory_space<vmem>>
      tpu.enqueue_dma source(%dma_start3A_74 : memref<128x128xf32, #tpu.memory_space<vmem>>) target(%dma_start3A_71 : memref<128x128xf32, #tpu.memory_space<hbm>>) target_semaphore(%run_scoped3A : memref<!tpu.dma_semaphore, #tpu.memory_space<semaphore_mem>>)
      %dma_wait3A = arith.constant 0 : i32
      %dma_wait3A_75 = arith.constant 0 : i32
      %dma_wait3A_76 = tpu.memref_slice %arg6[%dma_wait3A, %dma_wait3A_75] : memref<128x128xf32, #tpu.memory_space<vmem>> -> memref<128x128xf32, #tpu.memory_space<vmem>>
      %dma_wait3A_77 = arith.constant 0 : i32
      %dma_wait3A_78 = tpu.memref_slice %arg4[%add3A_65, %dma_wait3A_77] : memref<20480x128xf32, #tpu.memory_space<hbm>> -> memref<128x128xf32, #tpu.memory_space<hbm>>
      %dma_wait3A_79 = arith.constant 0 : i32
      %dma_wait3A_80 = tpu.memref_slice %arg4[%add3A_65, %dma_wait3A_79] : memref<20480x128xf32, #tpu.memory_space<hbm>> -> memref<128x128xf32, #tpu.memory_space<hbm>>
      %dma_wait3A_81 = arith.constant 0 : i32
      %dma_wait3A_82 = arith.constant 0 : i32
      %dma_wait3A_83 = tpu.memref_slice %arg6[%dma_wait3A_81, %dma_wait3A_82] : memref<128x128xf32, #tpu.memory_space<vmem>> -> memref<128x128xf32, #tpu.memory_space<vmem>>
      tpu.wait_dma2 semaphore(%run_scoped3A : memref<!tpu.dma_semaphore, #tpu.memory_space<semaphore_mem>>) src(%dma_wait3A_83 : memref<128x128xf32, #tpu.memory_space<vmem>>) dst(%dma_wait3A_80 : memref<128x128xf32, #tpu.memory_space<hbm>>)
      tpu.yield
    }) : () -> ()
    return
  }
}

#map = affine_map<(d0, d1) -> (0, 0)>
#map1 = affine_map<(d0, d1) -> (0)>
module attributes {stable_mosaic.version = 14 : i64} {
  func.func @scatter_add(%arg0: i32, %arg1: i32, %arg2: memref<160000x128xf32, #tpu.memory_space<hbm>>, %arg3: memref<160000xi32, #tpu.memory_space<hbm>>, %arg4: memref<20480x128xf32, #tpu.memory_space<hbm>>, %arg5: memref<128xi32, #tpu.memory_space<vmem>>, %arg6: memref<128x128xf32, #tpu.memory_space<vmem>>, %arg7: memref<10240x128xf32, #tpu.memory_space<vmem_shared>>) attributes {dimension_semantics = [#tpu.dimension_semantics<core_parallel>, #tpu.dimension_semantics<subcore_parallel>], iteration_bounds = array<i64: 2, 16>, scalar_prefetch = 0 : i64, scratch_operands = 3 : i64, tpu.core_type = #tpu.core_type<sc_vector_subcore>, window_params = [{transform_indices = #map}, {transform_indices = #map1}, {transform_indices = #map}]} {
    %mul3A = arith.constant 2 : i32
    %mul3A_0 = arith.muli %arg1, %mul3A : i32
    %add3A = arith.addi %mul3A_0, %arg0 : i32
    %scan3A = arith.constant 0 : i32
    %scan3A_1 = arith.constant 128 : i32
    %scan3A_2 = arith.addi %scan3A, %scan3A_1 : i32
    %scan3A_3 = arith.constant 1 : i32
    scf.for %scan3A_66 = %scan3A to %scan3A_2 step %scan3A_3  : i32 {
      %mul3A_67 = arith.constant 1 : i32
      %mul3A_68 = arith.muli %scan3A_66, %mul3A_67 : i32
      %add3A_69 = arith.constant 0 : i32
      %add3A_70 = arith.addi %add3A_69, %mul3A_68 : i32
      %broadcast_in_dim3A = arith.constant 0.000000e+00 : f32
      %broadcast_in_dim3A_71 = vector.broadcast %broadcast_in_dim3A : f32 to vector<16xf32>
      %swap3A = arith.index_cast %add3A_70 : i32 to index
      %swap3A_72 = arith.constant 0 : index
      %swap3A_73 = tpu.vector_load %arg6[%swap3A, %swap3A_72] {strides = array<i32>} : memref<128x128xf32, #tpu.memory_space<vmem>>, vector<1x16xf32>,
      %swap3A_74 = vector.shape_cast %swap3A_73 : vector<1x16xf32> to vector<16xf32>
      %swap3A_75 = vector.shape_cast %broadcast_in_dim3A_71 : vector<16xf32> to vector<1x16xf32>
      tpu.vector_store %arg6[%swap3A, %swap3A_72], %swap3A_75 {strides = array<i32>} : memref<128x128xf32, #tpu.memory_space<vmem>>, vector<1x16xf32>,
      %broadcast_in_dim3A_76 = arith.constant 0.000000e+00 : f32
      %broadcast_in_dim3A_77 = vector.broadcast %broadcast_in_dim3A_76 : f32 to vector<16xf32>
      %swap3A_78 = arith.index_cast %add3A_70 : i32 to index
      %swap3A_79 = arith.constant 16 : index
      %swap3A_80 = tpu.vector_load %arg6[%swap3A_78, %swap3A_79] {strides = array<i32>} : memref<128x128xf32, #tpu.memory_space<vmem>>, vector<1x16xf32>,
      %swap3A_81 = vector.shape_cast %swap3A_80 : vector<1x16xf32> to vector<16xf32>
      %swap3A_82 = vector.shape_cast %broadcast_in_dim3A_77 : vector<16xf32> to vector<1x16xf32>
      tpu.vector_store %arg6[%swap3A_78, %swap3A_79], %swap3A_82 {strides = array<i32>} : memref<128x128xf32, #tpu.memory_space<vmem>>, vector<1x16xf32>,
      %broadcast_in_dim3A_83 = arith.constant 0.000000e+00 : f32
      %broadcast_in_dim3A_84 = vector.broadcast %broadcast_in_dim3A_83 : f32 to vector<16xf32>
      %swap3A_85 = arith.index_cast %add3A_70 : i32 to index
      %swap3A_86 = arith.constant 32 : index
      %swap3A_87 = tpu.vector_load %arg6[%swap3A_85, %swap3A_86] {strides = array<i32>} : memref<128x128xf32, #tpu.memory_space<vmem>>, vector<1x16xf32>,
      %swap3A_88 = vector.shape_cast %swap3A_87 : vector<1x16xf32> to vector<16xf32>
      %swap3A_89 = vector.shape_cast %broadcast_in_dim3A_84 : vector<16xf32> to vector<1x16xf32>
      tpu.vector_store %arg6[%swap3A_85, %swap3A_86], %swap3A_89 {strides = array<i32>} : memref<128x128xf32, #tpu.memory_space<vmem>>, vector<1x16xf32>,
      %broadcast_in_dim3A_90 = arith.constant 0.000000e+00 : f32
      %broadcast_in_dim3A_91 = vector.broadcast %broadcast_in_dim3A_90 : f32 to vector<16xf32>
      %swap3A_92 = arith.index_cast %add3A_70 : i32 to index
      %swap3A_93 = arith.constant 48 : index
      %swap3A_94 = tpu.vector_load %arg6[%swap3A_92, %swap3A_93] {strides = array<i32>} : memref<128x128xf32, #tpu.memory_space<vmem>>, vector<1x16xf32>,
      %swap3A_95 = vector.shape_cast %swap3A_94 : vector<1x16xf32> to vector<16xf32>
      %swap3A_96 = vector.shape_cast %broadcast_in_dim3A_91 : vector<16xf32> to vector<1x16xf32>
      tpu.vector_store %arg6[%swap3A_92, %swap3A_93], %swap3A_96 {strides = array<i32>} : memref<128x128xf32, #tpu.memory_space<vmem>>, vector<1x16xf32>,
      %broadcast_in_dim3A_97 = arith.constant 0.000000e+00 : f32
      %broadcast_in_dim3A_98 = vector.broadcast %broadcast_in_dim3A_97 : f32 to vector<16xf32>
      %swap3A_99 = arith.index_cast %add3A_70 : i32 to index
      %swap3A_100 = arith.constant 64 : index
      %swap3A_101 = tpu.vector_load %arg6[%swap3A_99, %swap3A_100] {strides = array<i32>} : memref<128x128xf32, #tpu.memory_space<vmem>>, vector<1x16xf32>,
      %swap3A_102 = vector.shape_cast %swap3A_101 : vector<1x16xf32> to vector<16xf32>
      %swap3A_103 = vector.shape_cast %broadcast_in_dim3A_98 : vector<16xf32> to vector<1x16xf32>
      tpu.vector_store %arg6[%swap3A_99, %swap3A_100], %swap3A_103 {strides = array<i32>} : memref<128x128xf32, #tpu.memory_space<vmem>>, vector<1x16xf32>,
      %broadcast_in_dim3A_104 = arith.constant 0.000000e+00 : f32
      %broadcast_in_dim3A_105 = vector.broadcast %broadcast_in_dim3A_104 : f32 to vector<16xf32>
      %swap3A_106 = arith.index_cast %add3A_70 : i32 to index
      %swap3A_107 = arith.constant 80 : index
      %swap3A_108 = tpu.vector_load %arg6[%swap3A_106, %swap3A_107] {strides = array<i32>} : memref<128x128xf32, #tpu.memory_space<vmem>>, vector<1x16xf32>,
      %swap3A_109 = vector.shape_cast %swap3A_108 : vector<1x16xf32> to vector<16xf32>
      %swap3A_110 = vector.shape_cast %broadcast_in_dim3A_105 : vector<16xf32> to vector<1x16xf32>
      tpu.vector_store %arg6[%swap3A_106, %swap3A_107], %swap3A_110 {strides = array<i32>} : memref<128x128xf32, #tpu.memory_space<vmem>>, vector<1x16xf32>,
      %broadcast_in_dim3A_111 = arith.constant 0.000000e+00 : f32
      %broadcast_in_dim3A_112 = vector.broadcast %broadcast_in_dim3A_111 : f32 to vector<16xf32>
      %swap3A_113 = arith.index_cast %add3A_70 : i32 to index
      %swap3A_114 = arith.constant 96 : index
      %swap3A_115 = tpu.vector_load %arg6[%swap3A_113, %swap3A_114] {strides = array<i32>} : memref<128x128xf32, #tpu.memory_space<vmem>>, vector<1x16xf32>,
      %swap3A_116 = vector.shape_cast %swap3A_115 : vector<1x16xf32> to vector<16xf32>
      %swap3A_117 = vector.shape_cast %broadcast_in_dim3A_112 : vector<16xf32> to vector<1x16xf32>
      tpu.vector_store %arg6[%swap3A_113, %swap3A_114], %swap3A_117 {strides = array<i32>} : memref<128x128xf32, #tpu.memory_space<vmem>>, vector<1x16xf32>,
      %broadcast_in_dim3A_118 = arith.constant 0.000000e+00 : f32
      %broadcast_in_dim3A_119 = vector.broadcast %broadcast_in_dim3A_118 : f32 to vector<16xf32>
      %swap3A_120 = arith.index_cast %add3A_70 : i32 to index
      %swap3A_121 = arith.constant 112 : index
      %swap3A_122 = tpu.vector_load %arg6[%swap3A_120, %swap3A_121] {strides = array<i32>} : memref<128x128xf32, #tpu.memory_space<vmem>>, vector<1x16xf32>,
      %swap3A_123 = vector.shape_cast %swap3A_122 : vector<1x16xf32> to vector<16xf32>
      %swap3A_124 = vector.shape_cast %broadcast_in_dim3A_119 : vector<16xf32> to vector<1x16xf32>
      tpu.vector_store %arg6[%swap3A_120, %swap3A_121], %swap3A_124 {strides = array<i32>} : memref<128x128xf32, #tpu.memory_space<vmem>>, vector<1x16xf32>,
    }
    %scan3A_4 = arith.constant 128 : i32
    %mul3A_5 = arith.constant 640 : i32
    %mul3A_6 = arith.muli %arg1, %mul3A_5 : i32
    %add3A_7 = arith.constant 0 : i32
    %add3A_8 = arith.addi %mul3A_6, %add3A_7 : i32
    "tpu.region"() ({
      %run_scoped3A = tpu.sem_alloc : memref<!tpu.dma_semaphore, #tpu.memory_space<semaphore_mem>>
      %dma_start3A = arith.constant 0 : i32
      %dma_start3A_66 = arith.constant 0 : i32
      %dma_start3A_67 = tpu.memref_slice %arg6[%dma_start3A, %dma_start3A_66] : memref<128x128xf32, #tpu.memory_space<vmem>> -> memref<128x128xf32, #tpu.memory_space<vmem>>
      %dma_start3A_68 = arith.constant 0 : i32
      %dma_start3A_69 = tpu.memref_slice %arg7[%add3A_8, %dma_start3A_68] : memref<10240x128xf32, #tpu.memory_space<vmem_shared>> -> memref<128x128xf32, #tpu.memory_space<vmem_shared>>
      %dma_start3A_70 = arith.constant 0 : i32
      %dma_start3A_71 = tpu.memref_slice %arg7[%add3A_8, %dma_start3A_70] : memref<10240x128xf32, #tpu.memory_space<vmem_shared>> -> memref<128x128xf32, #tpu.memory_space<vmem_shared>>
      %dma_start3A_72 = arith.constant 0 : i32
      %dma_start3A_73 = arith.constant 0 : i32
      %dma_start3A_74 = tpu.memref_slice %arg6[%dma_start3A_72, %dma_start3A_73] : memref<128x128xf32, #tpu.memory_space<vmem>> -> memref<128x128xf32, #tpu.memory_space<vmem>>
      tpu.enqueue_dma source(%dma_start3A_74 : memref<128x128xf32, #tpu.memory_space<vmem>>) target(%dma_start3A_71 : memref<128x128xf32, #tpu.memory_space<vmem_shared>>) target_semaphore(%run_scoped3A : memref<!tpu.dma_semaphore, #tpu.memory_space<semaphore_mem>>)
      %dma_wait3A = arith.constant 0 : i32
      %dma_wait3A_75 = arith.constant 0 : i32
      %dma_wait3A_76 = tpu.memref_slice %arg6[%dma_wait3A, %dma_wait3A_75] : memref<128x128xf32, #tpu.memory_space<vmem>> -> memref<128x128xf32, #tpu.memory_space<vmem>>
      %dma_wait3A_77 = arith.constant 0 : i32
      %dma_wait3A_78 = tpu.memref_slice %arg7[%add3A_8, %dma_wait3A_77] : memref<10240x128xf32, #tpu.memory_space<vmem_shared>> -> memref<128x128xf32, #tpu.memory_space<vmem_shared>>
      %dma_wait3A_79 = arith.constant 0 : i32
      %dma_wait3A_80 = tpu.memref_slice %arg7[%add3A_8, %dma_wait3A_79] : memref<10240x128xf32, #tpu.memory_space<vmem_shared>> -> memref<128x128xf32, #tpu.memory_space<vmem_shared>>
      %dma_wait3A_81 = arith.constant 0 : i32
      %dma_wait3A_82 = arith.constant 0 : i32
      %dma_wait3A_83 = tpu.memref_slice %arg6[%dma_wait3A_81, %dma_wait3A_82] : memref<128x128xf32, #tpu.memory_space<vmem>> -> memref<128x128xf32, #tpu.memory_space<vmem>>
      tpu.wait_dma2 semaphore(%run_scoped3A : memref<!tpu.dma_semaphore, #tpu.memory_space<semaphore_mem>>) src(%dma_wait3A_83 : memref<128x128xf32, #tpu.memory_space<vmem>>) dst(%dma_wait3A_80 : memref<128x128xf32, #tpu.memory_space<vmem_shared>>)
      tpu.yield
    }) : () -> ()
    %mul3A_9 = arith.constant 640 : i32
    %mul3A_10 = arith.muli %arg1, %mul3A_9 : i32
    %add3A_11 = arith.constant 128 : i32
    %add3A_12 = arith.addi %mul3A_10, %add3A_11 : i32
    "tpu.region"() ({
      %run_scoped3A = tpu.sem_alloc : memref<!tpu.dma_semaphore, #tpu.memory_space<semaphore_mem>>
      %dma_start3A = arith.constant 0 : i32
      %dma_start3A_66 = arith.constant 0 : i32
      %dma_start3A_67 = tpu.memref_slice %arg6[%dma_start3A, %dma_start3A_66] : memref<128x128xf32, #tpu.memory_space<vmem>> -> memref<128x128xf32, #tpu.memory_space<vmem>>
      %dma_start3A_68 = arith.constant 0 : i32
      %dma_start3A_69 = tpu.memref_slice %arg7[%add3A_12, %dma_start3A_68] : memref<10240x128xf32, #tpu.memory_space<vmem_shared>> -> memref<128x128xf32, #tpu.memory_space<vmem_shared>>
      %dma_start3A_70 = arith.constant 0 : i32
      %dma_start3A_71 = tpu.memref_slice %arg7[%add3A_12, %dma_start3A_70] : memref<10240x128xf32, #tpu.memory_space<vmem_shared>> -> memref<128x128xf32, #tpu.memory_space<vmem_shared>>
      %dma_start3A_72 = arith.constant 0 : i32
      %dma_start3A_73 = arith.constant 0 : i32
      %dma_start3A_74 = tpu.memref_slice %arg6[%dma_start3A_72, %dma_start3A_73] : memref<128x128xf32, #tpu.memory_space<vmem>> -> memref<128x128xf32, #tpu.memory_space<vmem>>
      tpu.enqueue_dma source(%dma_start3A_74 : memref<128x128xf32, #tpu.memory_space<vmem>>) target(%dma_start3A_71 : memref<128x128xf32, #tpu.memory_space<vmem_shared>>) target_semaphore(%run_scoped3A : memref<!tpu.dma_semaphore, #tpu.memory_space<semaphore_mem>>)
      %dma_wait3A = arith.constant 0 : i32
      %dma_wait3A_75 = arith.constant 0 : i32
      %dma_wait3A_76 = tpu.memref_slice %arg6[%dma_wait3A, %dma_wait3A_75] : memref<128x128xf32, #tpu.memory_space<vmem>> -> memref<128x128xf32, #tpu.memory_space<vmem>>
      %dma_wait3A_77 = arith.constant 0 : i32
      %dma_wait3A_78 = tpu.memref_slice %arg7[%add3A_12, %dma_wait3A_77] : memref<10240x128xf32, #tpu.memory_space<vmem_shared>> -> memref<128x128xf32, #tpu.memory_space<vmem_shared>>
      %dma_wait3A_79 = arith.constant 0 : i32
      %dma_wait3A_80 = tpu.memref_slice %arg7[%add3A_12, %dma_wait3A_79] : memref<10240x128xf32, #tpu.memory_space<vmem_shared>> -> memref<128x128xf32, #tpu.memory_space<vmem_shared>>
      %dma_wait3A_81 = arith.constant 0 : i32
      %dma_wait3A_82 = arith.constant 0 : i32
      %dma_wait3A_83 = tpu.memref_slice %arg6[%dma_wait3A_81, %dma_wait3A_82] : memref<128x128xf32, #tpu.memory_space<vmem>> -> memref<128x128xf32, #tpu.memory_space<vmem>>
      tpu.wait_dma2 semaphore(%run_scoped3A : memref<!tpu.dma_semaphore, #tpu.memory_space<semaphore_mem>>) src(%dma_wait3A_83 : memref<128x128xf32, #tpu.memory_space<vmem>>) dst(%dma_wait3A_80 : memref<128x128xf32, #tpu.memory_space<vmem_shared>>)
      tpu.yield
    }) : () -> ()
    %mul3A_13 = arith.constant 640 : i32
    %mul3A_14 = arith.muli %arg1, %mul3A_13 : i32
    %add3A_15 = arith.constant 256 : i32
    %add3A_16 = arith.addi %mul3A_14, %add3A_15 : i32
    "tpu.region"() ({
      %run_scoped3A = tpu.sem_alloc : memref<!tpu.dma_semaphore, #tpu.memory_space<semaphore_mem>>
      %dma_start3A = arith.constant 0 : i32
      %dma_start3A_66 = arith.constant 0 : i32
      %dma_start3A_67 = tpu.memref_slice %arg6[%dma_start3A, %dma_start3A_66] : memref<128x128xf32, #tpu.memory_space<vmem>> -> memref<128x128xf32, #tpu.memory_space<vmem>>
      %dma_start3A_68 = arith.constant 0 : i32
      %dma_start3A_69 = tpu.memref_slice %arg7[%add3A_16, %dma_start3A_68] : memref<10240x128xf32, #tpu.memory_space<vmem_shared>> -> memref<128x128xf32, #tpu.memory_space<vmem_shared>>
      %dma_start3A_70 = arith.constant 0 : i32
      %dma_start3A_71 = tpu.memref_slice %arg7[%add3A_16, %dma_start3A_70] : memref<10240x128xf32, #tpu.memory_space<vmem_shared>> -> memref<128x128xf32, #tpu.memory_space<vmem_shared>>
      %dma_start3A_72 = arith.constant 0 : i32
      %dma_start3A_73 = arith.constant 0 : i32
      %dma_start3A_74 = tpu.memref_slice %arg6[%dma_start3A_72, %dma_start3A_73] : memref<128x128xf32, #tpu.memory_space<vmem>> -> memref<128x128xf32, #tpu.memory_space<vmem>>
      tpu.enqueue_dma source(%dma_start3A_74 : memref<128x128xf32, #tpu.memory_space<vmem>>) target(%dma_start3A_71 : memref<128x128xf32, #tpu.memory_space<vmem_shared>>) target_semaphore(%run_scoped3A : memref<!tpu.dma_semaphore, #tpu.memory_space<semaphore_mem>>)
      %dma_wait3A = arith.constant 0 : i32
      %dma_wait3A_75 = arith.constant 0 : i32
      %dma_wait3A_76 = tpu.memref_slice %arg6[%dma_wait3A, %dma_wait3A_75] : memref<128x128xf32, #tpu.memory_space<vmem>> -> memref<128x128xf32, #tpu.memory_space<vmem>>
      %dma_wait3A_77 = arith.constant 0 : i32
      %dma_wait3A_78 = tpu.memref_slice %arg7[%add3A_16, %dma_wait3A_77] : memref<10240x128xf32, #tpu.memory_space<vmem_shared>> -> memref<128x128xf32, #tpu.memory_space<vmem_shared>>
      %dma_wait3A_79 = arith.constant 0 : i32
      %dma_wait3A_80 = tpu.memref_slice %arg7[%add3A_16, %dma_wait3A_79] : memref<10240x128xf32, #tpu.memory_space<vmem_shared>> -> memref<128x128xf32, #tpu.memory_space<vmem_shared>>
      %dma_wait3A_81 = arith.constant 0 : i32
      %dma_wait3A_82 = arith.constant 0 : i32
      %dma_wait3A_83 = tpu.memref_slice %arg6[%dma_wait3A_81, %dma_wait3A_82] : memref<128x128xf32, #tpu.memory_space<vmem>> -> memref<128x128xf32, #tpu.memory_space<vmem>>
      tpu.wait_dma2 semaphore(%run_scoped3A : memref<!tpu.dma_semaphore, #tpu.memory_space<semaphore_mem>>) src(%dma_wait3A_83 : memref<128x128xf32, #tpu.memory_space<vmem>>) dst(%dma_wait3A_80 : memref<128x128xf32, #tpu.memory_space<vmem_shared>>)
      tpu.yield
    }) : () -> ()
    %mul3A_17 = arith.constant 640 : i32
    %mul3A_18 = arith.muli %arg1, %mul3A_17 : i32
    %add3A_19 = arith.constant 384 : i32
    %add3A_20 = arith.addi %mul3A_18, %add3A_19 : i32
    "tpu.region"() ({
      %run_scoped3A = tpu.sem_alloc : memref<!tpu.dma_semaphore, #tpu.memory_space<semaphore_mem>>
      %dma_start3A = arith.constant 0 : i32
      %dma_start3A_66 = arith.constant 0 : i32
      %dma_start3A_67 = tpu.memref_slice %arg6[%dma_start3A, %dma_start3A_66] : memref<128x128xf32, #tpu.memory_space<vmem>> -> memref<128x128xf32, #tpu.memory_space<vmem>>
      %dma_start3A_68 = arith.constant 0 : i32
      %dma_start3A_69 = tpu.memref_slice %arg7[%add3A_20, %dma_start3A_68] : memref<10240x128xf32, #tpu.memory_space<vmem_shared>> -> memref<128x128xf32, #tpu.memory_space<vmem_shared>>
      %dma_start3A_70 = arith.constant 0 : i32
      %dma_start3A_71 = tpu.memref_slice %arg7[%add3A_20, %dma_start3A_70] : memref<10240x128xf32, #tpu.memory_space<vmem_shared>> -> memref<128x128xf32, #tpu.memory_space<vmem_shared>>
      %dma_start3A_72 = arith.constant 0 : i32
      %dma_start3A_73 = arith.constant 0 : i32
      %dma_start3A_74 = tpu.memref_slice %arg6[%dma_start3A_72, %dma_start3A_73] : memref<128x128xf32, #tpu.memory_space<vmem>> -> memref<128x128xf32, #tpu.memory_space<vmem>>
      tpu.enqueue_dma source(%dma_start3A_74 : memref<128x128xf32, #tpu.memory_space<vmem>>) target(%dma_start3A_71 : memref<128x128xf32, #tpu.memory_space<vmem_shared>>) target_semaphore(%run_scoped3A : memref<!tpu.dma_semaphore, #tpu.memory_space<semaphore_mem>>)
      %dma_wait3A = arith.constant 0 : i32
      %dma_wait3A_75 = arith.constant 0 : i32
      %dma_wait3A_76 = tpu.memref_slice %arg6[%dma_wait3A, %dma_wait3A_75] : memref<128x128xf32, #tpu.memory_space<vmem>> -> memref<128x128xf32, #tpu.memory_space<vmem>>
      %dma_wait3A_77 = arith.constant 0 : i32
      %dma_wait3A_78 = tpu.memref_slice %arg7[%add3A_20, %dma_wait3A_77] : memref<10240x128xf32, #tpu.memory_space<vmem_shared>> -> memref<128x128xf32, #tpu.memory_space<vmem_shared>>
      %dma_wait3A_79 = arith.constant 0 : i32
      %dma_wait3A_80 = tpu.memref_slice %arg7[%add3A_20, %dma_wait3A_79] : memref<10240x128xf32, #tpu.memory_space<vmem_shared>> -> memref<128x128xf32, #tpu.memory_space<vmem_shared>>
      %dma_wait3A_81 = arith.constant 0 : i32
      %dma_wait3A_82 = arith.constant 0 : i32
      %dma_wait3A_83 = tpu.memref_slice %arg6[%dma_wait3A_81, %dma_wait3A_82] : memref<128x128xf32, #tpu.memory_space<vmem>> -> memref<128x128xf32, #tpu.memory_space<vmem>>
      tpu.wait_dma2 semaphore(%run_scoped3A : memref<!tpu.dma_semaphore, #tpu.memory_space<semaphore_mem>>) src(%dma_wait3A_83 : memref<128x128xf32, #tpu.memory_space<vmem>>) dst(%dma_wait3A_80 : memref<128x128xf32, #tpu.memory_space<vmem_shared>>)
      tpu.yield
    }) : () -> ()
    %mul3A_21 = arith.constant 640 : i32
    %mul3A_22 = arith.muli %arg1, %mul3A_21 : i32
    %add3A_23 = arith.constant 512 : i32
    %add3A_24 = arith.addi %mul3A_22, %add3A_23 : i32
    "tpu.region"() ({
      %run_scoped3A = tpu.sem_alloc : memref<!tpu.dma_semaphore, #tpu.memory_space<semaphore_mem>>
      %dma_start3A = arith.constant 0 : i32
      %dma_start3A_66 = arith.constant 0 : i32
      %dma_start3A_67 = tpu.memref_slice %arg6[%dma_start3A, %dma_start3A_66] : memref<128x128xf32, #tpu.memory_space<vmem>> -> memref<128x128xf32, #tpu.memory_space<vmem>>
      %dma_start3A_68 = arith.constant 0 : i32
      %dma_start3A_69 = tpu.memref_slice %arg7[%add3A_24, %dma_start3A_68] : memref<10240x128xf32, #tpu.memory_space<vmem_shared>> -> memref<128x128xf32, #tpu.memory_space<vmem_shared>>
      %dma_start3A_70 = arith.constant 0 : i32
      %dma_start3A_71 = tpu.memref_slice %arg7[%add3A_24, %dma_start3A_70] : memref<10240x128xf32, #tpu.memory_space<vmem_shared>> -> memref<128x128xf32, #tpu.memory_space<vmem_shared>>
      %dma_start3A_72 = arith.constant 0 : i32
      %dma_start3A_73 = arith.constant 0 : i32
      %dma_start3A_74 = tpu.memref_slice %arg6[%dma_start3A_72, %dma_start3A_73] : memref<128x128xf32, #tpu.memory_space<vmem>> -> memref<128x128xf32, #tpu.memory_space<vmem>>
      tpu.enqueue_dma source(%dma_start3A_74 : memref<128x128xf32, #tpu.memory_space<vmem>>) target(%dma_start3A_71 : memref<128x128xf32, #tpu.memory_space<vmem_shared>>) target_semaphore(%run_scoped3A : memref<!tpu.dma_semaphore, #tpu.memory_space<semaphore_mem>>)
      %dma_wait3A = arith.constant 0 : i32
      %dma_wait3A_75 = arith.constant 0 : i32
      %dma_wait3A_76 = tpu.memref_slice %arg6[%dma_wait3A, %dma_wait3A_75] : memref<128x128xf32, #tpu.memory_space<vmem>> -> memref<128x128xf32, #tpu.memory_space<vmem>>
      %dma_wait3A_77 = arith.constant 0 : i32
      %dma_wait3A_78 = tpu.memref_slice %arg7[%add3A_24, %dma_wait3A_77] : memref<10240x128xf32, #tpu.memory_space<vmem_shared>> -> memref<128x128xf32, #tpu.memory_space<vmem_shared>>
      %dma_wait3A_79 = arith.constant 0 : i32
      %dma_wait3A_80 = tpu.memref_slice %arg7[%add3A_24, %dma_wait3A_79] : memref<10240x128xf32, #tpu.memory_space<vmem_shared>> -> memref<128x128xf32, #tpu.memory_space<vmem_shared>>
      %dma_wait3A_81 = arith.constant 0 : i32
      %dma_wait3A_82 = arith.constant 0 : i32
      %dma_wait3A_83 = tpu.memref_slice %arg6[%dma_wait3A_81, %dma_wait3A_82] : memref<128x128xf32, #tpu.memory_space<vmem>> -> memref<128x128xf32, #tpu.memory_space<vmem>>
      tpu.wait_dma2 semaphore(%run_scoped3A : memref<!tpu.dma_semaphore, #tpu.memory_space<semaphore_mem>>) src(%dma_wait3A_83 : memref<128x128xf32, #tpu.memory_space<vmem>>) dst(%dma_wait3A_80 : memref<128x128xf32, #tpu.memory_space<vmem_shared>>)
      tpu.yield
    }) : () -> ()
    %barrier3A = arith.constant 0 : index
    tpu.barrier barrier_id(%barrier3A)
    %scan3A_25 = arith.constant 0 : i32
    %scan3A_26 = arith.constant 40 : i32
    %scan3A_27 = arith.addi %scan3A_25, %scan3A_26 : i32
    %scan3A_28 = arith.constant 1 : i32
    scf.for %scan3A_66 = %scan3A_25 to %scan3A_27 step %scan3A_28  : i32 {
      %mul3A_67 = arith.constant 1 : i32
      %mul3A_68 = arith.muli %scan3A_66, %mul3A_67 : i32
      %add3A_69 = arith.constant 0 : i32
      %add3A_70 = arith.addi %add3A_69, %mul3A_68 : i32
      %mul3A_71 = arith.constant 32 : i32
      %mul3A_72 = arith.muli %add3A_70, %mul3A_71 : i32
      %add3A_73 = arith.addi %mul3A_72, %add3A : i32
      %lt3A = arith.constant 1250 : i32
      %lt3A_74 = arith.cmpi slt, %add3A_73, %lt3A : i32
      %convert_element_type3A = arith.extui %lt3A_74 : i1 to i32
      %cond3A = arith.constant 0 : i32
      %cond3A_75 = arith.cmpi ne, %convert_element_type3A, %cond3A : i32
      scf.if %cond3A_75 {
        %mul3A_76 = arith.constant 128 : i32
        %mul3A_77 = arith.muli %add3A_73, %mul3A_76 : i32
        "tpu.region"() ({
          %run_scoped3A = tpu.sem_alloc : memref<!tpu.dma_semaphore, #tpu.memory_space<semaphore_mem>>
          %dma_start3A = tpu.memref_slice %arg3[%mul3A_77] : memref<160000xi32, #tpu.memory_space<hbm>> -> memref<128xi32, #tpu.memory_space<hbm>>
          %dma_start3A_78 = tpu.memref_slice %arg3[%mul3A_77] : memref<160000xi32, #tpu.memory_space<hbm>> -> memref<128xi32, #tpu.memory_space<hbm>>
          tpu.enqueue_dma source(%dma_start3A_78 : memref<128xi32, #tpu.memory_space<hbm>>) target(%arg5 : memref<128xi32, #tpu.memory_space<vmem>>) target_semaphore(%run_scoped3A : memref<!tpu.dma_semaphore, #tpu.memory_space<semaphore_mem>>)
          %dma_wait3A = tpu.memref_slice %arg3[%mul3A_77] : memref<160000xi32, #tpu.memory_space<hbm>> -> memref<128xi32, #tpu.memory_space<hbm>>
          %dma_wait3A_79 = tpu.memref_slice %arg3[%mul3A_77] : memref<160000xi32, #tpu.memory_space<hbm>> -> memref<128xi32, #tpu.memory_space<hbm>>
          tpu.wait_dma2 semaphore(%run_scoped3A : memref<!tpu.dma_semaphore, #tpu.memory_space<semaphore_mem>>) src(%dma_wait3A_79 : memref<128xi32, #tpu.memory_space<hbm>>) dst(%arg5 : memref<128xi32, #tpu.memory_space<vmem>>)
          tpu.yield
        }) : () -> ()
        "tpu.region"() ({
          %run_scoped3A = tpu.sem_alloc : memref<!tpu.dma_semaphore, #tpu.memory_space<semaphore_mem>>
          %dma_start3A = arith.constant 0 : i32
          %dma_start3A_78 = tpu.memref_slice %arg2[%mul3A_77, %dma_start3A] : memref<160000x128xf32, #tpu.memory_space<hbm>> -> memref<128x128xf32, #tpu.memory_space<hbm>>
          %dma_start3A_79 = arith.constant 0 : i32
          %dma_start3A_80 = tpu.memref_slice %arg2[%mul3A_77, %dma_start3A_79] : memref<160000x128xf32, #tpu.memory_space<hbm>> -> memref<128x128xf32, #tpu.memory_space<hbm>>
          tpu.enqueue_dma source(%dma_start3A_80 : memref<128x128xf32, #tpu.memory_space<hbm>>) target(%arg6 : memref<128x128xf32, #tpu.memory_space<vmem>>) target_semaphore(%run_scoped3A : memref<!tpu.dma_semaphore, #tpu.memory_space<semaphore_mem>>)
          %dma_wait3A = arith.constant 0 : i32
          %dma_wait3A_81 = tpu.memref_slice %arg2[%mul3A_77, %dma_wait3A] : memref<160000x128xf32, #tpu.memory_space<hbm>> -> memref<128x128xf32, #tpu.memory_space<hbm>>
          %dma_wait3A_82 = arith.constant 0 : i32
          %dma_wait3A_83 = tpu.memref_slice %arg2[%mul3A_77, %dma_wait3A_82] : memref<160000x128xf32, #tpu.memory_space<hbm>> -> memref<128x128xf32, #tpu.memory_space<hbm>>
          tpu.wait_dma2 semaphore(%run_scoped3A : memref<!tpu.dma_semaphore, #tpu.memory_space<semaphore_mem>>) src(%dma_wait3A_83 : memref<128x128xf32, #tpu.memory_space<hbm>>) dst(%arg6 : memref<128x128xf32, #tpu.memory_space<vmem>>)
          tpu.yield
        }) : () -> ()
        "tpu.region"() ({
          %run_scoped3A = tpu.sem_alloc : memref<!tpu.dma_semaphore, #tpu.memory_space<semaphore_mem>>
          %dma_start3A = arith.constant 0 : i32
          %dma_start3A_78 = arith.constant 0 : i32
          %dma_start3A_79 = tpu.memref_slice %arg7[%dma_start3A, %dma_start3A_78] : memref<10240x128xf32, #tpu.memory_space<vmem_shared>> -> memref<10240x128xf32, #tpu.memory_space<vmem_shared>>
          tpu.enqueue_indirect_dma source(%arg6 : memref<128x128xf32, #tpu.memory_space<vmem>>) target(%dma_start3A_79 : memref<10240x128xf32, #tpu.memory_space<vmem_shared>>) offsets(%arg5 : memref<128xi32, #tpu.memory_space<vmem>>) semaphore(%run_scoped3A : memref<!tpu.dma_semaphore, #tpu.memory_space<semaphore_mem>>) {add = true}
          %dma_wait3A = arith.constant 0 : i32
          %dma_wait3A_80 = arith.constant 0 : i32
          %dma_wait3A_81 = tpu.memref_slice %arg7[%dma_wait3A, %dma_wait3A_80] : memref<10240x128xf32, #tpu.memory_space<vmem_shared>> -> memref<10240x128xf32, #tpu.memory_space<vmem_shared>>
          tpu.wait_indirect_dma semaphore(%run_scoped3A : memref<!tpu.dma_semaphore, #tpu.memory_space<semaphore_mem>>) src(%arg6 : memref<128x128xf32, #tpu.memory_space<vmem>>) dst(%dma_wait3A_81 : memref<10240x128xf32, #tpu.memory_space<vmem_shared>>)
          tpu.yield
        }) : () -> ()
      } else {
      }
    }
    %scan3A_29 = arith.constant 40 : i32
    %barrier3A_30 = arith.constant 0 : index
    tpu.barrier barrier_id(%barrier3A_30)
    %mul3A_31 = arith.constant 640 : i32
    %mul3A_32 = arith.muli %arg1, %mul3A_31 : i32
    %add3A_33 = arith.constant 0 : i32
    %add3A_34 = arith.addi %mul3A_32, %add3A_33 : i32
    "tpu.region"() ({
      %run_scoped3A = tpu.sem_alloc : memref<!tpu.dma_semaphore, #tpu.memory_space<semaphore_mem>>
      %dma_start3A = arith.constant 0 : i32
      %dma_start3A_66 = arith.constant 0 : i32
      %dma_start3A_67 = tpu.memref_slice %arg6[%dma_start3A, %dma_start3A_66] : memref<128x128xf32, #tpu.memory_space<vmem>> -> memref<128x128xf32, #tpu.memory_space<vmem>>
      %dma_start3A_68 = arith.constant 0 : i32
      %dma_start3A_69 = tpu.memref_slice %arg7[%add3A_34, %dma_start3A_68] : memref<10240x128xf32, #tpu.memory_space<vmem_shared>> -> memref<128x128xf32, #tpu.memory_space<vmem_shared>>
      %dma_start3A_70 = arith.constant 0 : i32
      %dma_start3A_71 = arith.constant 0 : i32
      %dma_start3A_72 = tpu.memref_slice %arg6[%dma_start3A_70, %dma_start3A_71] : memref<128x128xf32, #tpu.memory_space<vmem>> -> memref<128x128xf32, #tpu.memory_space<vmem>>
      %dma_start3A_73 = arith.constant 0 : i32
      %dma_start3A_74 = tpu.memref_slice %arg7[%add3A_34, %dma_start3A_73] : memref<10240x128xf32, #tpu.memory_space<vmem_shared>> -> memref<128x128xf32, #tpu.memory_space<vmem_shared>>
      tpu.enqueue_dma source(%dma_start3A_74 : memref<128x128xf32, #tpu.memory_space<vmem_shared>>) target(%dma_start3A_72 : memref<128x128xf32, #tpu.memory_space<vmem>>) target_semaphore(%run_scoped3A : memref<!tpu.dma_semaphore, #tpu.memory_space<semaphore_mem>>)
      %dma_wait3A = arith.constant 0 : i32
      %dma_wait3A_75 = arith.constant 0 : i32
      %dma_wait3A_76 = tpu.memref_slice %arg6[%dma_wait3A, %dma_wait3A_75] : memref<128x128xf32, #tpu.memory_space<vmem>> -> memref<128x128xf32, #tpu.memory_space<vmem>>
      %dma_wait3A_77 = arith.constant 0 : i32
      %dma_wait3A_78 = tpu.memref_slice %arg7[%add3A_34, %dma_wait3A_77] : memref<10240x128xf32, #tpu.memory_space<vmem_shared>> -> memref<128x128xf32, #tpu.memory_space<vmem_shared>>
      %dma_wait3A_79 = arith.constant 0 : i32
      %dma_wait3A_80 = arith.constant 0 : i32
      %dma_wait3A_81 = tpu.memref_slice %arg6[%dma_wait3A_79, %dma_wait3A_80] : memref<128x128xf32, #tpu.memory_space<vmem>> -> memref<128x128xf32, #tpu.memory_space<vmem>>
      %dma_wait3A_82 = arith.constant 0 : i32
      %dma_wait3A_83 = tpu.memref_slice %arg7[%add3A_34, %dma_wait3A_82] : memref<10240x128xf32, #tpu.memory_space<vmem_shared>> -> memref<128x128xf32, #tpu.memory_space<vmem_shared>>
      tpu.wait_dma2 semaphore(%run_scoped3A : memref<!tpu.dma_semaphore, #tpu.memory_space<semaphore_mem>>) src(%dma_wait3A_83 : memref<128x128xf32, #tpu.memory_space<vmem_shared>>) dst(%dma_wait3A_81 : memref<128x128xf32, #tpu.memory_space<vmem>>)
      tpu.yield
    }) : () -> ()
    %mul3A_35 = arith.constant 10240 : i32
    %mul3A_36 = arith.muli %arg0, %mul3A_35 : i32
    %add3A_37 = arith.addi %mul3A_36, %add3A_34 : i32
    "tpu.region"() ({
      %run_scoped3A = tpu.sem_alloc : memref<!tpu.dma_semaphore, #tpu.memory_space<semaphore_mem>>
      %dma_start3A = arith.constant 0 : i32
      %dma_start3A_66 = arith.constant 0 : i32
      %dma_start3A_67 = tpu.memref_slice %arg6[%dma_start3A, %dma_start3A_66] : memref<128x128xf32, #tpu.memory_space<vmem>> -> memref<128x128xf32, #tpu.memory_space<vmem>>
      %dma_start3A_68 = arith.constant 0 : i32
      %dma_start3A_69 = tpu.memref_slice %arg4[%add3A_37, %dma_start3A_68] : memref<20480x128xf32, #tpu.memory_space<hbm>> -> memref<128x128xf32, #tpu.memory_space<hbm>>
      %dma_start3A_70 = arith.constant 0 : i32
      %dma_start3A_71 = tpu.memref_slice %arg4[%add3A_37, %dma_start3A_70] : memref<20480x128xf32, #tpu.memory_space<hbm>> -> memref<128x128xf32, #tpu.memory_space<hbm>>
      %dma_start3A_72 = arith.constant 0 : i32
      %dma_start3A_73 = arith.constant 0 : i32
      %dma_start3A_74 = tpu.memref_slice %arg6[%dma_start3A_72, %dma_start3A_73] : memref<128x128xf32, #tpu.memory_space<vmem>> -> memref<128x128xf32, #tpu.memory_space<vmem>>
      tpu.enqueue_dma source(%dma_start3A_74 : memref<128x128xf32, #tpu.memory_space<vmem>>) target(%dma_start3A_71 : memref<128x128xf32, #tpu.memory_space<hbm>>) target_semaphore(%run_scoped3A : memref<!tpu.dma_semaphore, #tpu.memory_space<semaphore_mem>>)
      %dma_wait3A = arith.constant 0 : i32
      %dma_wait3A_75 = arith.constant 0 : i32
      %dma_wait3A_76 = tpu.memref_slice %arg6[%dma_wait3A, %dma_wait3A_75] : memref<128x128xf32, #tpu.memory_space<vmem>> -> memref<128x128xf32, #tpu.memory_space<vmem>>
      %dma_wait3A_77 = arith.constant 0 : i32
      %dma_wait3A_78 = tpu.memref_slice %arg4[%add3A_37, %dma_wait3A_77] : memref<20480x128xf32, #tpu.memory_space<hbm>> -> memref<128x128xf32, #tpu.memory_space<hbm>>
      %dma_wait3A_79 = arith.constant 0 : i32
      %dma_wait3A_80 = tpu.memref_slice %arg4[%add3A_37, %dma_wait3A_79] : memref<20480x128xf32, #tpu.memory_space<hbm>> -> memref<128x128xf32, #tpu.memory_space<hbm>>
      %dma_wait3A_81 = arith.constant 0 : i32
      %dma_wait3A_82 = arith.constant 0 : i32
      %dma_wait3A_83 = tpu.memref_slice %arg6[%dma_wait3A_81, %dma_wait3A_82] : memref<128x128xf32, #tpu.memory_space<vmem>> -> memref<128x128xf32, #tpu.memory_space<vmem>>
      tpu.wait_dma2 semaphore(%run_scoped3A : memref<!tpu.dma_semaphore, #tpu.memory_space<semaphore_mem>>) src(%dma_wait3A_83 : memref<128x128xf32, #tpu.memory_space<vmem>>) dst(%dma_wait3A_80 : memref<128x128xf32, #tpu.memory_space<hbm>>)
      tpu.yield
    }) : () -> ()
    %mul3A_38 = arith.constant 640 : i32
    %mul3A_39 = arith.muli %arg1, %mul3A_38 : i32
    %add3A_40 = arith.constant 128 : i32
    %add3A_41 = arith.addi %mul3A_39, %add3A_40 : i32
    "tpu.region"() ({
      %run_scoped3A = tpu.sem_alloc : memref<!tpu.dma_semaphore, #tpu.memory_space<semaphore_mem>>
      %dma_start3A = arith.constant 0 : i32
      %dma_start3A_66 = arith.constant 0 : i32
      %dma_start3A_67 = tpu.memref_slice %arg6[%dma_start3A, %dma_start3A_66] : memref<128x128xf32, #tpu.memory_space<vmem>> -> memref<128x128xf32, #tpu.memory_space<vmem>>
      %dma_start3A_68 = arith.constant 0 : i32
      %dma_start3A_69 = tpu.memref_slice %arg7[%add3A_41, %dma_start3A_68] : memref<10240x128xf32, #tpu.memory_space<vmem_shared>> -> memref<128x128xf32, #tpu.memory_space<vmem_shared>>
      %dma_start3A_70 = arith.constant 0 : i32
      %dma_start3A_71 = arith.constant 0 : i32
      %dma_start3A_72 = tpu.memref_slice %arg6[%dma_start3A_70, %dma_start3A_71] : memref<128x128xf32, #tpu.memory_space<vmem>> -> memref<128x128xf32, #tpu.memory_space<vmem>>
      %dma_start3A_73 = arith.constant 0 : i32
      %dma_start3A_74 = tpu.memref_slice %arg7[%add3A_41, %dma_start3A_73] : memref<10240x128xf32, #tpu.memory_space<vmem_shared>> -> memref<128x128xf32, #tpu.memory_space<vmem_shared>>
      tpu.enqueue_dma source(%dma_start3A_74 : memref<128x128xf32, #tpu.memory_space<vmem_shared>>) target(%dma_start3A_72 : memref<128x128xf32, #tpu.memory_space<vmem>>) target_semaphore(%run_scoped3A : memref<!tpu.dma_semaphore, #tpu.memory_space<semaphore_mem>>)
      %dma_wait3A = arith.constant 0 : i32
      %dma_wait3A_75 = arith.constant 0 : i32
      %dma_wait3A_76 = tpu.memref_slice %arg6[%dma_wait3A, %dma_wait3A_75] : memref<128x128xf32, #tpu.memory_space<vmem>> -> memref<128x128xf32, #tpu.memory_space<vmem>>
      %dma_wait3A_77 = arith.constant 0 : i32
      %dma_wait3A_78 = tpu.memref_slice %arg7[%add3A_41, %dma_wait3A_77] : memref<10240x128xf32, #tpu.memory_space<vmem_shared>> -> memref<128x128xf32, #tpu.memory_space<vmem_shared>>
      %dma_wait3A_79 = arith.constant 0 : i32
      %dma_wait3A_80 = arith.constant 0 : i32
      %dma_wait3A_81 = tpu.memref_slice %arg6[%dma_wait3A_79, %dma_wait3A_80] : memref<128x128xf32, #tpu.memory_space<vmem>> -> memref<128x128xf32, #tpu.memory_space<vmem>>
      %dma_wait3A_82 = arith.constant 0 : i32
      %dma_wait3A_83 = tpu.memref_slice %arg7[%add3A_41, %dma_wait3A_82] : memref<10240x128xf32, #tpu.memory_space<vmem_shared>> -> memref<128x128xf32, #tpu.memory_space<vmem_shared>>
      tpu.wait_dma2 semaphore(%run_scoped3A : memref<!tpu.dma_semaphore, #tpu.memory_space<semaphore_mem>>) src(%dma_wait3A_83 : memref<128x128xf32, #tpu.memory_space<vmem_shared>>) dst(%dma_wait3A_81 : memref<128x128xf32, #tpu.memory_space<vmem>>)
      tpu.yield
    }) : () -> ()
    %mul3A_42 = arith.constant 10240 : i32
    %mul3A_43 = arith.muli %arg0, %mul3A_42 : i32
    %add3A_44 = arith.addi %mul3A_43, %add3A_41 : i32
    "tpu.region"() ({
      %run_scoped3A = tpu.sem_alloc : memref<!tpu.dma_semaphore, #tpu.memory_space<semaphore_mem>>
      %dma_start3A = arith.constant 0 : i32
      %dma_start3A_66 = arith.constant 0 : i32
      %dma_start3A_67 = tpu.memref_slice %arg6[%dma_start3A, %dma_start3A_66] : memref<128x128xf32, #tpu.memory_space<vmem>> -> memref<128x128xf32, #tpu.memory_space<vmem>>
      %dma_start3A_68 = arith.constant 0 : i32
      %dma_start3A_69 = tpu.memref_slice %arg4[%add3A_44, %dma_start3A_68] : memref<20480x128xf32, #tpu.memory_space<hbm>> -> memref<128x128xf32, #tpu.memory_space<hbm>>
      %dma_start3A_70 = arith.constant 0 : i32
      %dma_start3A_71 = tpu.memref_slice %arg4[%add3A_44, %dma_start3A_70] : memref<20480x128xf32, #tpu.memory_space<hbm>> -> memref<128x128xf32, #tpu.memory_space<hbm>>
      %dma_start3A_72 = arith.constant 0 : i32
      %dma_start3A_73 = arith.constant 0 : i32
      %dma_start3A_74 = tpu.memref_slice %arg6[%dma_start3A_72, %dma_start3A_73] : memref<128x128xf32, #tpu.memory_space<vmem>> -> memref<128x128xf32, #tpu.memory_space<vmem>>
      tpu.enqueue_dma source(%dma_start3A_74 : memref<128x128xf32, #tpu.memory_space<vmem>>) target(%dma_start3A_71 : memref<128x128xf32, #tpu.memory_space<hbm>>) target_semaphore(%run_scoped3A : memref<!tpu.dma_semaphore, #tpu.memory_space<semaphore_mem>>)
      %dma_wait3A = arith.constant 0 : i32
      %dma_wait3A_75 = arith.constant 0 : i32
      %dma_wait3A_76 = tpu.memref_slice %arg6[%dma_wait3A, %dma_wait3A_75] : memref<128x128xf32, #tpu.memory_space<vmem>> -> memref<128x128xf32, #tpu.memory_space<vmem>>
      %dma_wait3A_77 = arith.constant 0 : i32
      %dma_wait3A_78 = tpu.memref_slice %arg4[%add3A_44, %dma_wait3A_77] : memref<20480x128xf32, #tpu.memory_space<hbm>> -> memref<128x128xf32, #tpu.memory_space<hbm>>
      %dma_wait3A_79 = arith.constant 0 : i32
      %dma_wait3A_80 = tpu.memref_slice %arg4[%add3A_44, %dma_wait3A_79] : memref<20480x128xf32, #tpu.memory_space<hbm>> -> memref<128x128xf32, #tpu.memory_space<hbm>>
      %dma_wait3A_81 = arith.constant 0 : i32
      %dma_wait3A_82 = arith.constant 0 : i32
      %dma_wait3A_83 = tpu.memref_slice %arg6[%dma_wait3A_81, %dma_wait3A_82] : memref<128x128xf32, #tpu.memory_space<vmem>> -> memref<128x128xf32, #tpu.memory_space<vmem>>
      tpu.wait_dma2 semaphore(%run_scoped3A : memref<!tpu.dma_semaphore, #tpu.memory_space<semaphore_mem>>) src(%dma_wait3A_83 : memref<128x128xf32, #tpu.memory_space<vmem>>) dst(%dma_wait3A_80 : memref<128x128xf32, #tpu.memory_space<hbm>>)
      tpu.yield
    }) : () -> ()
    %mul3A_45 = arith.constant 640 : i32
    %mul3A_46 = arith.muli %arg1, %mul3A_45 : i32
    %add3A_47 = arith.constant 256 : i32
    %add3A_48 = arith.addi %mul3A_46, %add3A_47 : i32
    "tpu.region"() ({
      %run_scoped3A = tpu.sem_alloc : memref<!tpu.dma_semaphore, #tpu.memory_space<semaphore_mem>>
      %dma_start3A = arith.constant 0 : i32
      %dma_start3A_66 = arith.constant 0 : i32
      %dma_start3A_67 = tpu.memref_slice %arg6[%dma_start3A, %dma_start3A_66] : memref<128x128xf32, #tpu.memory_space<vmem>> -> memref<128x128xf32, #tpu.memory_space<vmem>>
      %dma_start3A_68 = arith.constant 0 : i32
      %dma_start3A_69 = tpu.memref_slice %arg7[%add3A_48, %dma_start3A_68] : memref<10240x128xf32, #tpu.memory_space<vmem_shared>> -> memref<128x128xf32, #tpu.memory_space<vmem_shared>>
      %dma_start3A_70 = arith.constant 0 : i32
      %dma_start3A_71 = arith.constant 0 : i32
      %dma_start3A_72 = tpu.memref_slice %arg6[%dma_start3A_70, %dma_start3A_71] : memref<128x128xf32, #tpu.memory_space<vmem>> -> memref<128x128xf32, #tpu.memory_space<vmem>>
      %dma_start3A_73 = arith.constant 0 : i32
      %dma_start3A_74 = tpu.memref_slice %arg7[%add3A_48, %dma_start3A_73] : memref<10240x128xf32, #tpu.memory_space<vmem_shared>> -> memref<128x128xf32, #tpu.memory_space<vmem_shared>>
      tpu.enqueue_dma source(%dma_start3A_74 : memref<128x128xf32, #tpu.memory_space<vmem_shared>>) target(%dma_start3A_72 : memref<128x128xf32, #tpu.memory_space<vmem>>) target_semaphore(%run_scoped3A : memref<!tpu.dma_semaphore, #tpu.memory_space<semaphore_mem>>)
      %dma_wait3A = arith.constant 0 : i32
      %dma_wait3A_75 = arith.constant 0 : i32
      %dma_wait3A_76 = tpu.memref_slice %arg6[%dma_wait3A, %dma_wait3A_75] : memref<128x128xf32, #tpu.memory_space<vmem>> -> memref<128x128xf32, #tpu.memory_space<vmem>>
      %dma_wait3A_77 = arith.constant 0 : i32
      %dma_wait3A_78 = tpu.memref_slice %arg7[%add3A_48, %dma_wait3A_77] : memref<10240x128xf32, #tpu.memory_space<vmem_shared>> -> memref<128x128xf32, #tpu.memory_space<vmem_shared>>
      %dma_wait3A_79 = arith.constant 0 : i32
      %dma_wait3A_80 = arith.constant 0 : i32
      %dma_wait3A_81 = tpu.memref_slice %arg6[%dma_wait3A_79, %dma_wait3A_80] : memref<128x128xf32, #tpu.memory_space<vmem>> -> memref<128x128xf32, #tpu.memory_space<vmem>>
      %dma_wait3A_82 = arith.constant 0 : i32
      %dma_wait3A_83 = tpu.memref_slice %arg7[%add3A_48, %dma_wait3A_82] : memref<10240x128xf32, #tpu.memory_space<vmem_shared>> -> memref<128x128xf32, #tpu.memory_space<vmem_shared>>
      tpu.wait_dma2 semaphore(%run_scoped3A : memref<!tpu.dma_semaphore, #tpu.memory_space<semaphore_mem>>) src(%dma_wait3A_83 : memref<128x128xf32, #tpu.memory_space<vmem_shared>>) dst(%dma_wait3A_81 : memref<128x128xf32, #tpu.memory_space<vmem>>)
      tpu.yield
    }) : () -> ()
    %mul3A_49 = arith.constant 10240 : i32
    %mul3A_50 = arith.muli %arg0, %mul3A_49 : i32
    %add3A_51 = arith.addi %mul3A_50, %add3A_48 : i32
    "tpu.region"() ({
      %run_scoped3A = tpu.sem_alloc : memref<!tpu.dma_semaphore, #tpu.memory_space<semaphore_mem>>
      %dma_start3A = arith.constant 0 : i32
      %dma_start3A_66 = arith.constant 0 : i32
      %dma_start3A_67 = tpu.memref_slice %arg6[%dma_start3A, %dma_start3A_66] : memref<128x128xf32, #tpu.memory_space<vmem>> -> memref<128x128xf32, #tpu.memory_space<vmem>>
      %dma_start3A_68 = arith.constant 0 : i32
      %dma_start3A_69 = tpu.memref_slice %arg4[%add3A_51, %dma_start3A_68] : memref<20480x128xf32, #tpu.memory_space<hbm>> -> memref<128x128xf32, #tpu.memory_space<hbm>>
      %dma_start3A_70 = arith.constant 0 : i32
      %dma_start3A_71 = tpu.memref_slice %arg4[%add3A_51, %dma_start3A_70] : memref<20480x128xf32, #tpu.memory_space<hbm>> -> memref<128x128xf32, #tpu.memory_space<hbm>>
      %dma_start3A_72 = arith.constant 0 : i32
      %dma_start3A_73 = arith.constant 0 : i32
      %dma_start3A_74 = tpu.memref_slice %arg6[%dma_start3A_72, %dma_start3A_73] : memref<128x128xf32, #tpu.memory_space<vmem>> -> memref<128x128xf32, #tpu.memory_space<vmem>>
      tpu.enqueue_dma source(%dma_start3A_74 : memref<128x128xf32, #tpu.memory_space<vmem>>) target(%dma_start3A_71 : memref<128x128xf32, #tpu.memory_space<hbm>>) target_semaphore(%run_scoped3A : memref<!tpu.dma_semaphore, #tpu.memory_space<semaphore_mem>>)
      %dma_wait3A = arith.constant 0 : i32
      %dma_wait3A_75 = arith.constant 0 : i32
      %dma_wait3A_76 = tpu.memref_slice %arg6[%dma_wait3A, %dma_wait3A_75] : memref<128x128xf32, #tpu.memory_space<vmem>> -> memref<128x128xf32, #tpu.memory_space<vmem>>
      %dma_wait3A_77 = arith.constant 0 : i32
      %dma_wait3A_78 = tpu.memref_slice %arg4[%add3A_51, %dma_wait3A_77] : memref<20480x128xf32, #tpu.memory_space<hbm>> -> memref<128x128xf32, #tpu.memory_space<hbm>>
      %dma_wait3A_79 = arith.constant 0 : i32
      %dma_wait3A_80 = tpu.memref_slice %arg4[%add3A_51, %dma_wait3A_79] : memref<20480x128xf32, #tpu.memory_space<hbm>> -> memref<128x128xf32, #tpu.memory_space<hbm>>
      %dma_wait3A_81 = arith.constant 0 : i32
      %dma_wait3A_82 = arith.constant 0 : i32
      %dma_wait3A_83 = tpu.memref_slice %arg6[%dma_wait3A_81, %dma_wait3A_82] : memref<128x128xf32, #tpu.memory_space<vmem>> -> memref<128x128xf32, #tpu.memory_space<vmem>>
      tpu.wait_dma2 semaphore(%run_scoped3A : memref<!tpu.dma_semaphore, #tpu.memory_space<semaphore_mem>>) src(%dma_wait3A_83 : memref<128x128xf32, #tpu.memory_space<vmem>>) dst(%dma_wait3A_80 : memref<128x128xf32, #tpu.memory_space<hbm>>)
      tpu.yield
    }) : () -> ()
    %mul3A_52 = arith.constant 640 : i32
    %mul3A_53 = arith.muli %arg1, %mul3A_52 : i32
    %add3A_54 = arith.constant 384 : i32
    %add3A_55 = arith.addi %mul3A_53, %add3A_54 : i32
    "tpu.region"() ({
      %run_scoped3A = tpu.sem_alloc : memref<!tpu.dma_semaphore, #tpu.memory_space<semaphore_mem>>
      %dma_start3A = arith.constant 0 : i32
      %dma_start3A_66 = arith.constant 0 : i32
      %dma_start3A_67 = tpu.memref_slice %arg6[%dma_start3A, %dma_start3A_66] : memref<128x128xf32, #tpu.memory_space<vmem>> -> memref<128x128xf32, #tpu.memory_space<vmem>>
      %dma_start3A_68 = arith.constant 0 : i32
      %dma_start3A_69 = tpu.memref_slice %arg7[%add3A_55, %dma_start3A_68] : memref<10240x128xf32, #tpu.memory_space<vmem_shared>> -> memref<128x128xf32, #tpu.memory_space<vmem_shared>>
      %dma_start3A_70 = arith.constant 0 : i32
      %dma_start3A_71 = arith.constant 0 : i32
      %dma_start3A_72 = tpu.memref_slice %arg6[%dma_start3A_70, %dma_start3A_71] : memref<128x128xf32, #tpu.memory_space<vmem>> -> memref<128x128xf32, #tpu.memory_space<vmem>>
      %dma_start3A_73 = arith.constant 0 : i32
      %dma_start3A_74 = tpu.memref_slice %arg7[%add3A_55, %dma_start3A_73] : memref<10240x128xf32, #tpu.memory_space<vmem_shared>> -> memref<128x128xf32, #tpu.memory_space<vmem_shared>>
      tpu.enqueue_dma source(%dma_start3A_74 : memref<128x128xf32, #tpu.memory_space<vmem_shared>>) target(%dma_start3A_72 : memref<128x128xf32, #tpu.memory_space<vmem>>) target_semaphore(%run_scoped3A : memref<!tpu.dma_semaphore, #tpu.memory_space<semaphore_mem>>)
      %dma_wait3A = arith.constant 0 : i32
      %dma_wait3A_75 = arith.constant 0 : i32
      %dma_wait3A_76 = tpu.memref_slice %arg6[%dma_wait3A, %dma_wait3A_75] : memref<128x128xf32, #tpu.memory_space<vmem>> -> memref<128x128xf32, #tpu.memory_space<vmem>>
      %dma_wait3A_77 = arith.constant 0 : i32
      %dma_wait3A_78 = tpu.memref_slice %arg7[%add3A_55, %dma_wait3A_77] : memref<10240x128xf32, #tpu.memory_space<vmem_shared>> -> memref<128x128xf32, #tpu.memory_space<vmem_shared>>
      %dma_wait3A_79 = arith.constant 0 : i32
      %dma_wait3A_80 = arith.constant 0 : i32
      %dma_wait3A_81 = tpu.memref_slice %arg6[%dma_wait3A_79, %dma_wait3A_80] : memref<128x128xf32, #tpu.memory_space<vmem>> -> memref<128x128xf32, #tpu.memory_space<vmem>>
      %dma_wait3A_82 = arith.constant 0 : i32
      %dma_wait3A_83 = tpu.memref_slice %arg7[%add3A_55, %dma_wait3A_82] : memref<10240x128xf32, #tpu.memory_space<vmem_shared>> -> memref<128x128xf32, #tpu.memory_space<vmem_shared>>
      tpu.wait_dma2 semaphore(%run_scoped3A : memref<!tpu.dma_semaphore, #tpu.memory_space<semaphore_mem>>) src(%dma_wait3A_83 : memref<128x128xf32, #tpu.memory_space<vmem_shared>>) dst(%dma_wait3A_81 : memref<128x128xf32, #tpu.memory_space<vmem>>)
      tpu.yield
    }) : () -> ()
    %mul3A_56 = arith.constant 10240 : i32
    %mul3A_57 = arith.muli %arg0, %mul3A_56 : i32
    %add3A_58 = arith.addi %mul3A_57, %add3A_55 : i32
    "tpu.region"() ({
      %run_scoped3A = tpu.sem_alloc : memref<!tpu.dma_semaphore, #tpu.memory_space<semaphore_mem>>
      %dma_start3A = arith.constant 0 : i32
      %dma_start3A_66 = arith.constant 0 : i32
      %dma_start3A_67 = tpu.memref_slice %arg6[%dma_start3A, %dma_start3A_66] : memref<128x128xf32, #tpu.memory_space<vmem>> -> memref<128x128xf32, #tpu.memory_space<vmem>>
      %dma_start3A_68 = arith.constant 0 : i32
      %dma_start3A_69 = tpu.memref_slice %arg4[%add3A_58, %dma_start3A_68] : memref<20480x128xf32, #tpu.memory_space<hbm>> -> memref<128x128xf32, #tpu.memory_space<hbm>>
      %dma_start3A_70 = arith.constant 0 : i32
      %dma_start3A_71 = tpu.memref_slice %arg4[%add3A_58, %dma_start3A_70] : memref<20480x128xf32, #tpu.memory_space<hbm>> -> memref<128x128xf32, #tpu.memory_space<hbm>>
      %dma_start3A_72 = arith.constant 0 : i32
      %dma_start3A_73 = arith.constant 0 : i32
      %dma_start3A_74 = tpu.memref_slice %arg6[%dma_start3A_72, %dma_start3A_73] : memref<128x128xf32, #tpu.memory_space<vmem>> -> memref<128x128xf32, #tpu.memory_space<vmem>>
      tpu.enqueue_dma source(%dma_start3A_74 : memref<128x128xf32, #tpu.memory_space<vmem>>) target(%dma_start3A_71 : memref<128x128xf32, #tpu.memory_space<hbm>>) target_semaphore(%run_scoped3A : memref<!tpu.dma_semaphore, #tpu.memory_space<semaphore_mem>>)
      %dma_wait3A = arith.constant 0 : i32
      %dma_wait3A_75 = arith.constant 0 : i32
      %dma_wait3A_76 = tpu.memref_slice %arg6[%dma_wait3A, %dma_wait3A_75] : memref<128x128xf32, #tpu.memory_space<vmem>> -> memref<128x128xf32, #tpu.memory_space<vmem>>
      %dma_wait3A_77 = arith.constant 0 : i32
      %dma_wait3A_78 = tpu.memref_slice %arg4[%add3A_58, %dma_wait3A_77] : memref<20480x128xf32, #tpu.memory_space<hbm>> -> memref<128x128xf32, #tpu.memory_space<hbm>>
      %dma_wait3A_79 = arith.constant 0 : i32
      %dma_wait3A_80 = tpu.memref_slice %arg4[%add3A_58, %dma_wait3A_79] : memref<20480x128xf32, #tpu.memory_space<hbm>> -> memref<128x128xf32, #tpu.memory_space<hbm>>
      %dma_wait3A_81 = arith.constant 0 : i32
      %dma_wait3A_82 = arith.constant 0 : i32
      %dma_wait3A_83 = tpu.memref_slice %arg6[%dma_wait3A_81, %dma_wait3A_82] : memref<128x128xf32, #tpu.memory_space<vmem>> -> memref<128x128xf32, #tpu.memory_space<vmem>>
      tpu.wait_dma2 semaphore(%run_scoped3A : memref<!tpu.dma_semaphore, #tpu.memory_space<semaphore_mem>>) src(%dma_wait3A_83 : memref<128x128xf32, #tpu.memory_space<vmem>>) dst(%dma_wait3A_80 : memref<128x128xf32, #tpu.memory_space<hbm>>)
      tpu.yield
    }) : () -> ()
    %mul3A_59 = arith.constant 640 : i32
    %mul3A_60 = arith.muli %arg1, %mul3A_59 : i32
    %add3A_61 = arith.constant 512 : i32
    %add3A_62 = arith.addi %mul3A_60, %add3A_61 : i32
    "tpu.region"() ({
      %run_scoped3A = tpu.sem_alloc : memref<!tpu.dma_semaphore, #tpu.memory_space<semaphore_mem>>
      %dma_start3A = arith.constant 0 : i32
      %dma_start3A_66 = arith.constant 0 : i32
      %dma_start3A_67 = tpu.memref_slice %arg6[%dma_start3A, %dma_start3A_66] : memref<128x128xf32, #tpu.memory_space<vmem>> -> memref<128x128xf32, #tpu.memory_space<vmem>>
      %dma_start3A_68 = arith.constant 0 : i32
      %dma_start3A_69 = tpu.memref_slice %arg7[%add3A_62, %dma_start3A_68] : memref<10240x128xf32, #tpu.memory_space<vmem_shared>> -> memref<128x128xf32, #tpu.memory_space<vmem_shared>>
      %dma_start3A_70 = arith.constant 0 : i32
      %dma_start3A_71 = arith.constant 0 : i32
      %dma_start3A_72 = tpu.memref_slice %arg6[%dma_start3A_70, %dma_start3A_71] : memref<128x128xf32, #tpu.memory_space<vmem>> -> memref<128x128xf32, #tpu.memory_space<vmem>>
      %dma_start3A_73 = arith.constant 0 : i32
      %dma_start3A_74 = tpu.memref_slice %arg7[%add3A_62, %dma_start3A_73] : memref<10240x128xf32, #tpu.memory_space<vmem_shared>> -> memref<128x128xf32, #tpu.memory_space<vmem_shared>>
      tpu.enqueue_dma source(%dma_start3A_74 : memref<128x128xf32, #tpu.memory_space<vmem_shared>>) target(%dma_start3A_72 : memref<128x128xf32, #tpu.memory_space<vmem>>) target_semaphore(%run_scoped3A : memref<!tpu.dma_semaphore, #tpu.memory_space<semaphore_mem>>)
      %dma_wait3A = arith.constant 0 : i32
      %dma_wait3A_75 = arith.constant 0 : i32
      %dma_wait3A_76 = tpu.memref_slice %arg6[%dma_wait3A, %dma_wait3A_75] : memref<128x128xf32, #tpu.memory_space<vmem>> -> memref<128x128xf32, #tpu.memory_space<vmem>>
      %dma_wait3A_77 = arith.constant 0 : i32
      %dma_wait3A_78 = tpu.memref_slice %arg7[%add3A_62, %dma_wait3A_77] : memref<10240x128xf32, #tpu.memory_space<vmem_shared>> -> memref<128x128xf32, #tpu.memory_space<vmem_shared>>
      %dma_wait3A_79 = arith.constant 0 : i32
      %dma_wait3A_80 = arith.constant 0 : i32
      %dma_wait3A_81 = tpu.memref_slice %arg6[%dma_wait3A_79, %dma_wait3A_80] : memref<128x128xf32, #tpu.memory_space<vmem>> -> memref<128x128xf32, #tpu.memory_space<vmem>>
      %dma_wait3A_82 = arith.constant 0 : i32
      %dma_wait3A_83 = tpu.memref_slice %arg7[%add3A_62, %dma_wait3A_82] : memref<10240x128xf32, #tpu.memory_space<vmem_shared>> -> memref<128x128xf32, #tpu.memory_space<vmem_shared>>
      tpu.wait_dma2 semaphore(%run_scoped3A : memref<!tpu.dma_semaphore, #tpu.memory_space<semaphore_mem>>) src(%dma_wait3A_83 : memref<128x128xf32, #tpu.memory_space<vmem_shared>>) dst(%dma_wait3A_81 : memref<128x128xf32, #tpu.memory_space<vmem>>)
      tpu.yield
    }) : () -> ()
    %mul3A_63 = arith.constant 10240 : i32
    %mul3A_64 = arith.muli %arg0, %mul3A_63 : i32
    %add3A_65 = arith.addi %mul3A_64, %add3A_62 : i32
    "tpu.region"() ({
      %run_scoped3A = tpu.sem_alloc : memref<!tpu.dma_semaphore, #tpu.memory_space<semaphore_mem>>
      %dma_start3A = arith.constant 0 : i32
      %dma_start3A_66 = arith.constant 0 : i32
      %dma_start3A_67 = tpu.memref_slice %arg6[%dma_start3A, %dma_start3A_66] : memref<128x128xf32, #tpu.memory_space<vmem>> -> memref<128x128xf32, #tpu.memory_space<vmem>>
      %dma_start3A_68 = arith.constant 0 : i32
      %dma_start3A_69 = tpu.memref_slice %arg4[%add3A_65, %dma_start3A_68] : memref<20480x128xf32, #tpu.memory_space<hbm>> -> memref<128x128xf32, #tpu.memory_space<hbm>>
      %dma_start3A_70 = arith.constant 0 : i32
      %dma_start3A_71 = tpu.memref_slice %arg4[%add3A_65, %dma_start3A_70] : memref<20480x128xf32, #tpu.memory_space<hbm>> -> memref<128x128xf32, #tpu.memory_space<hbm>>
      %dma_start3A_72 = arith.constant 0 : i32
      %dma_start3A_73 = arith.constant 0 : i32
      %dma_start3A_74 = tpu.memref_slice %arg6[%dma_start3A_72, %dma_start3A_73] : memref<128x128xf32, #tpu.memory_space<vmem>> -> memref<128x128xf32, #tpu.memory_space<vmem>>
      tpu.enqueue_dma source(%dma_start3A_74 : memref<128x128xf32, #tpu.memory_space<vmem>>) target(%dma_start3A_71 : memref<128x128xf32, #tpu.memory_space<hbm>>) target_semaphore(%run_scoped3A : memref<!tpu.dma_semaphore, #tpu.memory_space<semaphore_mem>>)
      %dma_wait3A = arith.constant 0 : i32
      %dma_wait3A_75 = arith.constant 0 : i32
      %dma_wait3A_76 = tpu.memref_slice %arg6[%dma_wait3A, %dma_wait3A_75] : memref<128x128xf32, #tpu.memory_space<vmem>> -> memref<128x128xf32, #tpu.memory_space<vmem>>
      %dma_wait3A_77 = arith.constant 0 : i32
      %dma_wait3A_78 = tpu.memref_slice %arg4[%add3A_65, %dma_wait3A_77] : memref<20480x128xf32, #tpu.memory_space<hbm>> -> memref<128x128xf32, #tpu.memory_space<hbm>>
      %dma_wait3A_79 = arith.constant 0 : i32
      %dma_wait3A_80 = tpu.memref_slice %arg4[%add3A_65, %dma_wait3A_79] : memref<20480x128xf32, #tpu.memory_space<hbm>> -> memref<128x128xf32, #tpu.memory_space<hbm>>
      %dma_wait3A_81 = arith.constant 0 : i32
      %dma_wait3A_82 = arith.constant 0 : i32
      %dma_wait3A_83 = tpu.memref_slice %arg6[%dma_wait3A_81, %dma_wait3A_82] : memref<128x128xf32, #tpu.memory_space<vmem>> -> memref<128x128xf32, #tpu.memory_space<vmem>>
      tpu.wait_dma2 semaphore(%run_scoped3A : memref<!tpu.dma_semaphore, #tpu.memory_space<semaphore_mem>>) src(%dma_wait3A_83 : memref<128x128xf32, #tpu.memory_space<vmem>>) dst(%dma_wait3A_80 : memref<128x128xf32, #tpu.memory_space<hbm>>)
      tpu.yield
    }) : () -> ()
    return
  }
}

#map = affine_map<(d0, d1) -> (0, 0)>
#map1 = affine_map<(d0, d1) -> (0)>
module attributes {stable_mosaic.version = 14 : i64} {
  func.func @gather_add(%arg0: i32, %arg1: i32, %arg2: memref<10000x128xf32, #tpu.memory_space<hbm>>, %arg3: memref<10000x128xf32, #tpu.memory_space<hbm>>, %arg4: memref<160000xi32, #tpu.memory_space<hbm>>, %arg5: memref<160000xi32, #tpu.memory_space<hbm>>, %arg6: memref<160000x128xf32, #tpu.memory_space<hbm>>, %arg7: memref<128xi32, #tpu.memory_space<vmem>>, %arg8: memref<128xi32, #tpu.memory_space<vmem>>, %arg9: memref<128x128xf32, #tpu.memory_space<vmem>>, %arg10: memref<128x128xf32, #tpu.memory_space<vmem>>, %arg11: memref<!tpu.dma_semaphore, #tpu.memory_space<semaphore_mem>>, %arg12: memref<!tpu.dma_semaphore, #tpu.memory_space<semaphore_mem>>) attributes {dimension_semantics = [#tpu.dimension_semantics<core_parallel>, #tpu.dimension_semantics<subcore_parallel>], iteration_bounds = array<i64: 2, 16>, scalar_prefetch = 0 : i64, scratch_operands = 6 : i64, tpu.core_type = #tpu.core_type<sc_vector_subcore>, window_params = [{transform_indices = #map}, {transform_indices = #map}, {transform_indices = #map1}, {transform_indices = #map1}, {transform_indices = #map}]} {
    %mul3A = arith.constant 2 : i32
    %mul3A_0 = arith.muli %arg1, %mul3A : i32
    %add3A = arith.addi %mul3A_0, %arg0 : i32
    %scan3A = arith.constant 0 : i32
    %scan3A_1 = arith.constant 40 : i32
    %scan3A_2 = arith.addi %scan3A, %scan3A_1 : i32
    %scan3A_3 = arith.constant 1 : i32
    scf.for %scan3A_5 = %scan3A to %scan3A_2 step %scan3A_3  : i32 {
      %mul3A_6 = arith.constant 1 : i32
      %mul3A_7 = arith.muli %scan3A_5, %mul3A_6 : i32
      %add3A_8 = arith.constant 0 : i32
      %add3A_9 = arith.addi %add3A_8, %mul3A_7 : i32
      %mul3A_10 = arith.constant 32 : i32
      %mul3A_11 = arith.muli %add3A_9, %mul3A_10 : i32
      %add3A_12 = arith.addi %mul3A_11, %add3A : i32
      %lt3A = arith.constant 1250 : i32
      %lt3A_13 = arith.cmpi slt, %add3A_12, %lt3A : i32
      %convert_element_type3A = arith.extui %lt3A_13 : i1 to i32
      %cond3A = arith.constant 0 : i32
      %cond3A_14 = arith.cmpi ne, %convert_element_type3A, %cond3A : i32
      scf.if %cond3A_14 {
        %mul3A_15 = arith.constant 128 : i32
        %mul3A_16 = arith.muli %add3A_12, %mul3A_15 : i32
        "tpu.region"() ({
          %run_scoped3A = tpu.sem_alloc : memref<!tpu.dma_semaphore, #tpu.memory_space<semaphore_mem>>
          %dma_start3A_32 = tpu.memref_slice %arg4[%mul3A_16] : memref<160000xi32, #tpu.memory_space<hbm>> -> memref<128xi32, #tpu.memory_space<hbm>>
          %dma_start3A_33 = tpu.memref_slice %arg4[%mul3A_16] : memref<160000xi32, #tpu.memory_space<hbm>> -> memref<128xi32, #tpu.memory_space<hbm>>
          tpu.enqueue_dma source(%dma_start3A_33 : memref<128xi32, #tpu.memory_space<hbm>>) target(%arg7 : memref<128xi32, #tpu.memory_space<vmem>>) target_semaphore(%run_scoped3A : memref<!tpu.dma_semaphore, #tpu.memory_space<semaphore_mem>>)
          %dma_wait3A_34 = tpu.memref_slice %arg4[%mul3A_16] : memref<160000xi32, #tpu.memory_space<hbm>> -> memref<128xi32, #tpu.memory_space<hbm>>
          %dma_wait3A_35 = tpu.memref_slice %arg4[%mul3A_16] : memref<160000xi32, #tpu.memory_space<hbm>> -> memref<128xi32, #tpu.memory_space<hbm>>
          tpu.wait_dma2 semaphore(%run_scoped3A : memref<!tpu.dma_semaphore, #tpu.memory_space<semaphore_mem>>) src(%dma_wait3A_35 : memref<128xi32, #tpu.memory_space<hbm>>) dst(%arg7 : memref<128xi32, #tpu.memory_space<vmem>>)
          tpu.yield
        }) : () -> ()
        "tpu.region"() ({
          %run_scoped3A = tpu.sem_alloc : memref<!tpu.dma_semaphore, #tpu.memory_space<semaphore_mem>>
          %dma_start3A_32 = tpu.memref_slice %arg5[%mul3A_16] : memref<160000xi32, #tpu.memory_space<hbm>> -> memref<128xi32, #tpu.memory_space<hbm>>
          %dma_start3A_33 = tpu.memref_slice %arg5[%mul3A_16] : memref<160000xi32, #tpu.memory_space<hbm>> -> memref<128xi32, #tpu.memory_space<hbm>>
          tpu.enqueue_dma source(%dma_start3A_33 : memref<128xi32, #tpu.memory_space<hbm>>) target(%arg8 : memref<128xi32, #tpu.memory_space<vmem>>) target_semaphore(%run_scoped3A : memref<!tpu.dma_semaphore, #tpu.memory_space<semaphore_mem>>)
          %dma_wait3A_34 = tpu.memref_slice %arg5[%mul3A_16] : memref<160000xi32, #tpu.memory_space<hbm>> -> memref<128xi32, #tpu.memory_space<hbm>>
          %dma_wait3A_35 = tpu.memref_slice %arg5[%mul3A_16] : memref<160000xi32, #tpu.memory_space<hbm>> -> memref<128xi32, #tpu.memory_space<hbm>>
          tpu.wait_dma2 semaphore(%run_scoped3A : memref<!tpu.dma_semaphore, #tpu.memory_space<semaphore_mem>>) src(%dma_wait3A_35 : memref<128xi32, #tpu.memory_space<hbm>>) dst(%arg8 : memref<128xi32, #tpu.memory_space<vmem>>)
          tpu.yield
        }) : () -> ()
        %dma_start3A = arith.constant 0 : i32
        %dma_start3A_17 = arith.constant 0 : i32
        %dma_start3A_18 = tpu.memref_slice %arg2[%dma_start3A, %dma_start3A_17] : memref<10000x128xf32, #tpu.memory_space<hbm>> -> memref<10000x128xf32, #tpu.memory_space<hbm>>
        tpu.enqueue_indirect_dma source(%dma_start3A_18 : memref<10000x128xf32, #tpu.memory_space<hbm>>) target(%arg9 : memref<128x128xf32, #tpu.memory_space<vmem>>) offsets(%arg7 : memref<128xi32, #tpu.memory_space<vmem>>) semaphore(%arg11 : memref<!tpu.dma_semaphore, #tpu.memory_space<semaphore_mem>>)
        %dma_start3A_19 = arith.constant 0 : i32
        %dma_start3A_20 = arith.constant 0 : i32
        %dma_start3A_21 = tpu.memref_slice %arg3[%dma_start3A_19, %dma_start3A_20] : memref<10000x128xf32, #tpu.memory_space<hbm>> -> memref<10000x128xf32, #tpu.memory_space<hbm>>
        tpu.enqueue_indirect_dma source(%dma_start3A_21 : memref<10000x128xf32, #tpu.memory_space<hbm>>) target(%arg10 : memref<128x128xf32, #tpu.memory_space<vmem>>) offsets(%arg8 : memref<128xi32, #tpu.memory_space<vmem>>) semaphore(%arg12 : memref<!tpu.dma_semaphore, #tpu.memory_space<semaphore_mem>>)
        %dma_wait3A = arith.constant 0 : i32
        %dma_wait3A_22 = arith.constant 0 : i32
        %dma_wait3A_23 = tpu.memref_slice %arg2[%dma_wait3A, %dma_wait3A_22] : memref<10000x128xf32, #tpu.memory_space<hbm>> -> memref<10000x128xf32, #tpu.memory_space<hbm>>
        tpu.wait_indirect_dma semaphore(%arg11 : memref<!tpu.dma_semaphore, #tpu.memory_space<semaphore_mem>>) src(%dma_wait3A_23 : memref<10000x128xf32, #tpu.memory_space<hbm>>) dst(%arg9 : memref<128x128xf32, #tpu.memory_space<vmem>>)
        %dma_wait3A_24 = arith.constant 0 : i32
        %dma_wait3A_25 = arith.constant 0 : i32
        %dma_wait3A_26 = tpu.memref_slice %arg3[%dma_wait3A_24, %dma_wait3A_25] : memref<10000x128xf32, #tpu.memory_space<hbm>> -> memref<10000x128xf32, #tpu.memory_space<hbm>>
        tpu.wait_indirect_dma semaphore(%arg12 : memref<!tpu.dma_semaphore, #tpu.memory_space<semaphore_mem>>) src(%dma_wait3A_26 : memref<10000x128xf32, #tpu.memory_space<hbm>>) dst(%arg10 : memref<128x128xf32, #tpu.memory_space<vmem>>)
        %scan3A_27 = arith.constant 0 : i32
        %scan3A_28 = arith.constant 128 : i32
        %scan3A_29 = arith.addi %scan3A_27, %scan3A_28 : i32
        %scan3A_30 = arith.constant 1 : i32
        scf.for %scan3A_32 = %scan3A_27 to %scan3A_29 step %scan3A_30  : i32 {
          %mul3A_33 = arith.constant 1 : i32
          %mul3A_34 = arith.muli %scan3A_32, %mul3A_33 : i32
          %add3A_35 = arith.constant 0 : i32
          %add3A_36 = arith.addi %add3A_35, %mul3A_34 : i32
          %get3A = arith.index_cast %add3A_36 : i32 to index
          %get3A_37 = arith.constant 0 : index
          %get3A_38 = tpu.vector_load %arg9[%get3A, %get3A_37] {strides = array<i32>} : memref<128x128xf32, #tpu.memory_space<vmem>>, vector<1x16xf32>,
          %get3A_39 = vector.shape_cast %get3A_38 : vector<1x16xf32> to vector<16xf32>
          %get3A_40 = arith.index_cast %add3A_36 : i32 to index
          %get3A_41 = arith.constant 0 : index
          %get3A_42 = tpu.vector_load %arg10[%get3A_40, %get3A_41] {strides = array<i32>} : memref<128x128xf32, #tpu.memory_space<vmem>>, vector<1x16xf32>,
          %get3A_43 = vector.shape_cast %get3A_42 : vector<1x16xf32> to vector<16xf32>
          %add3A_44 = arith.addf %get3A_39, %get3A_43 : vector<16xf32>
          %swap3A = arith.index_cast %add3A_36 : i32 to index
          %swap3A_45 = arith.constant 0 : index
          %swap3A_46 = tpu.vector_load %arg9[%swap3A, %swap3A_45] {strides = array<i32>} : memref<128x128xf32, #tpu.memory_space<vmem>>, vector<1x16xf32>,
          %swap3A_47 = vector.shape_cast %swap3A_46 : vector<1x16xf32> to vector<16xf32>
          %swap3A_48 = vector.shape_cast %add3A_44 : vector<16xf32> to vector<1x16xf32>
          tpu.vector_store %arg9[%swap3A, %swap3A_45], %swap3A_48 {strides = array<i32>} : memref<128x128xf32, #tpu.memory_space<vmem>>, vector<1x16xf32>,
          %get3A_49 = arith.index_cast %add3A_36 : i32 to index
          %get3A_50 = arith.constant 16 : index
          %get3A_51 = tpu.vector_load %arg9[%get3A_49, %get3A_50] {strides = array<i32>} : memref<128x128xf32, #tpu.memory_space<vmem>>, vector<1x16xf32>,
          %get3A_52 = vector.shape_cast %get3A_51 : vector<1x16xf32> to vector<16xf32>
          %get3A_53 = arith.index_cast %add3A_36 : i32 to index
          %get3A_54 = arith.constant 16 : index
          %get3A_55 = tpu.vector_load %arg10[%get3A_53, %get3A_54] {strides = array<i32>} : memref<128x128xf32, #tpu.memory_space<vmem>>, vector<1x16xf32>,
          %get3A_56 = vector.shape_cast %get3A_55 : vector<1x16xf32> to vector<16xf32>
          %add3A_57 = arith.addf %get3A_52, %get3A_56 : vector<16xf32>
          %swap3A_58 = arith.index_cast %add3A_36 : i32 to index
          %swap3A_59 = arith.constant 16 : index
          %swap3A_60 = tpu.vector_load %arg9[%swap3A_58, %swap3A_59] {strides = array<i32>} : memref<128x128xf32, #tpu.memory_space<vmem>>, vector<1x16xf32>,
          %swap3A_61 = vector.shape_cast %swap3A_60 : vector<1x16xf32> to vector<16xf32>
          %swap3A_62 = vector.shape_cast %add3A_57 : vector<16xf32> to vector<1x16xf32>
          tpu.vector_store %arg9[%swap3A_58, %swap3A_59], %swap3A_62 {strides = array<i32>} : memref<128x128xf32, #tpu.memory_space<vmem>>, vector<1x16xf32>,
          %get3A_63 = arith.index_cast %add3A_36 : i32 to index
          %get3A_64 = arith.constant 32 : index
          %get3A_65 = tpu.vector_load %arg9[%get3A_63, %get3A_64] {strides = array<i32>} : memref<128x128xf32, #tpu.memory_space<vmem>>, vector<1x16xf32>,
          %get3A_66 = vector.shape_cast %get3A_65 : vector<1x16xf32> to vector<16xf32>
          %get3A_67 = arith.index_cast %add3A_36 : i32 to index
          %get3A_68 = arith.constant 32 : index
          %get3A_69 = tpu.vector_load %arg10[%get3A_67, %get3A_68] {strides = array<i32>} : memref<128x128xf32, #tpu.memory_space<vmem>>, vector<1x16xf32>,
          %get3A_70 = vector.shape_cast %get3A_69 : vector<1x16xf32> to vector<16xf32>
          %add3A_71 = arith.addf %get3A_66, %get3A_70 : vector<16xf32>
          %swap3A_72 = arith.index_cast %add3A_36 : i32 to index
          %swap3A_73 = arith.constant 32 : index
          %swap3A_74 = tpu.vector_load %arg9[%swap3A_72, %swap3A_73] {strides = array<i32>} : memref<128x128xf32, #tpu.memory_space<vmem>>, vector<1x16xf32>,
          %swap3A_75 = vector.shape_cast %swap3A_74 : vector<1x16xf32> to vector<16xf32>
          %swap3A_76 = vector.shape_cast %add3A_71 : vector<16xf32> to vector<1x16xf32>
          tpu.vector_store %arg9[%swap3A_72, %swap3A_73], %swap3A_76 {strides = array<i32>} : memref<128x128xf32, #tpu.memory_space<vmem>>, vector<1x16xf32>,
          %get3A_77 = arith.index_cast %add3A_36 : i32 to index
          %get3A_78 = arith.constant 48 : index
          %get3A_79 = tpu.vector_load %arg9[%get3A_77, %get3A_78] {strides = array<i32>} : memref<128x128xf32, #tpu.memory_space<vmem>>, vector<1x16xf32>,
          %get3A_80 = vector.shape_cast %get3A_79 : vector<1x16xf32> to vector<16xf32>
          %get3A_81 = arith.index_cast %add3A_36 : i32 to index
          %get3A_82 = arith.constant 48 : index
          %get3A_83 = tpu.vector_load %arg10[%get3A_81, %get3A_82] {strides = array<i32>} : memref<128x128xf32, #tpu.memory_space<vmem>>, vector<1x16xf32>,
          %get3A_84 = vector.shape_cast %get3A_83 : vector<1x16xf32> to vector<16xf32>
          %add3A_85 = arith.addf %get3A_80, %get3A_84 : vector<16xf32>
          %swap3A_86 = arith.index_cast %add3A_36 : i32 to index
          %swap3A_87 = arith.constant 48 : index
          %swap3A_88 = tpu.vector_load %arg9[%swap3A_86, %swap3A_87] {strides = array<i32>} : memref<128x128xf32, #tpu.memory_space<vmem>>, vector<1x16xf32>,
          %swap3A_89 = vector.shape_cast %swap3A_88 : vector<1x16xf32> to vector<16xf32>
          %swap3A_90 = vector.shape_cast %add3A_85 : vector<16xf32> to vector<1x16xf32>
          tpu.vector_store %arg9[%swap3A_86, %swap3A_87], %swap3A_90 {strides = array<i32>} : memref<128x128xf32, #tpu.memory_space<vmem>>, vector<1x16xf32>,
          %get3A_91 = arith.index_cast %add3A_36 : i32 to index
          %get3A_92 = arith.constant 64 : index
          %get3A_93 = tpu.vector_load %arg9[%get3A_91, %get3A_92] {strides = array<i32>} : memref<128x128xf32, #tpu.memory_space<vmem>>, vector<1x16xf32>,
          %get3A_94 = vector.shape_cast %get3A_93 : vector<1x16xf32> to vector<16xf32>
          %get3A_95 = arith.index_cast %add3A_36 : i32 to index
          %get3A_96 = arith.constant 64 : index
          %get3A_97 = tpu.vector_load %arg10[%get3A_95, %get3A_96] {strides = array<i32>} : memref<128x128xf32, #tpu.memory_space<vmem>>, vector<1x16xf32>,
          %get3A_98 = vector.shape_cast %get3A_97 : vector<1x16xf32> to vector<16xf32>
          %add3A_99 = arith.addf %get3A_94, %get3A_98 : vector<16xf32>
          %swap3A_100 = arith.index_cast %add3A_36 : i32 to index
          %swap3A_101 = arith.constant 64 : index
          %swap3A_102 = tpu.vector_load %arg9[%swap3A_100, %swap3A_101] {strides = array<i32>} : memref<128x128xf32, #tpu.memory_space<vmem>>, vector<1x16xf32>,
          %swap3A_103 = vector.shape_cast %swap3A_102 : vector<1x16xf32> to vector<16xf32>
          %swap3A_104 = vector.shape_cast %add3A_99 : vector<16xf32> to vector<1x16xf32>
          tpu.vector_store %arg9[%swap3A_100, %swap3A_101], %swap3A_104 {strides = array<i32>} : memref<128x128xf32, #tpu.memory_space<vmem>>, vector<1x16xf32>,
          %get3A_105 = arith.index_cast %add3A_36 : i32 to index
          %get3A_106 = arith.constant 80 : index
          %get3A_107 = tpu.vector_load %arg9[%get3A_105, %get3A_106] {strides = array<i32>} : memref<128x128xf32, #tpu.memory_space<vmem>>, vector<1x16xf32>,
          %get3A_108 = vector.shape_cast %get3A_107 : vector<1x16xf32> to vector<16xf32>
          %get3A_109 = arith.index_cast %add3A_36 : i32 to index
          %get3A_110 = arith.constant 80 : index
          %get3A_111 = tpu.vector_load %arg10[%get3A_109, %get3A_110] {strides = array<i32>} : memref<128x128xf32, #tpu.memory_space<vmem>>, vector<1x16xf32>,
          %get3A_112 = vector.shape_cast %get3A_111 : vector<1x16xf32> to vector<16xf32>
          %add3A_113 = arith.addf %get3A_108, %get3A_112 : vector<16xf32>
          %swap3A_114 = arith.index_cast %add3A_36 : i32 to index
          %swap3A_115 = arith.constant 80 : index
          %swap3A_116 = tpu.vector_load %arg9[%swap3A_114, %swap3A_115] {strides = array<i32>} : memref<128x128xf32, #tpu.memory_space<vmem>>, vector<1x16xf32>,
          %swap3A_117 = vector.shape_cast %swap3A_116 : vector<1x16xf32> to vector<16xf32>
          %swap3A_118 = vector.shape_cast %add3A_113 : vector<16xf32> to vector<1x16xf32>
          tpu.vector_store %arg9[%swap3A_114, %swap3A_115], %swap3A_118 {strides = array<i32>} : memref<128x128xf32, #tpu.memory_space<vmem>>, vector<1x16xf32>,
          %get3A_119 = arith.index_cast %add3A_36 : i32 to index
          %get3A_120 = arith.constant 96 : index
          %get3A_121 = tpu.vector_load %arg9[%get3A_119, %get3A_120] {strides = array<i32>} : memref<128x128xf32, #tpu.memory_space<vmem>>, vector<1x16xf32>,
          %get3A_122 = vector.shape_cast %get3A_121 : vector<1x16xf32> to vector<16xf32>
          %get3A_123 = arith.index_cast %add3A_36 : i32 to index
          %get3A_124 = arith.constant 96 : index
          %get3A_125 = tpu.vector_load %arg10[%get3A_123, %get3A_124] {strides = array<i32>} : memref<128x128xf32, #tpu.memory_space<vmem>>, vector<1x16xf32>,
          %get3A_126 = vector.shape_cast %get3A_125 : vector<1x16xf32> to vector<16xf32>
          %add3A_127 = arith.addf %get3A_122, %get3A_126 : vector<16xf32>
          %swap3A_128 = arith.index_cast %add3A_36 : i32 to index
          %swap3A_129 = arith.constant 96 : index
          %swap3A_130 = tpu.vector_load %arg9[%swap3A_128, %swap3A_129] {strides = array<i32>} : memref<128x128xf32, #tpu.memory_space<vmem>>, vector<1x16xf32>,
          %swap3A_131 = vector.shape_cast %swap3A_130 : vector<1x16xf32> to vector<16xf32>
          %swap3A_132 = vector.shape_cast %add3A_127 : vector<16xf32> to vector<1x16xf32>
          tpu.vector_store %arg9[%swap3A_128, %swap3A_129], %swap3A_132 {strides = array<i32>} : memref<128x128xf32, #tpu.memory_space<vmem>>, vector<1x16xf32>,
          %get3A_133 = arith.index_cast %add3A_36 : i32 to index
          %get3A_134 = arith.constant 112 : index
          %get3A_135 = tpu.vector_load %arg9[%get3A_133, %get3A_134] {strides = array<i32>} : memref<128x128xf32, #tpu.memory_space<vmem>>, vector<1x16xf32>,
          %get3A_136 = vector.shape_cast %get3A_135 : vector<1x16xf32> to vector<16xf32>
          %get3A_137 = arith.index_cast %add3A_36 : i32 to index
          %get3A_138 = arith.constant 112 : index
          %get3A_139 = tpu.vector_load %arg10[%get3A_137, %get3A_138] {strides = array<i32>} : memref<128x128xf32, #tpu.memory_space<vmem>>, vector<1x16xf32>,
          %get3A_140 = vector.shape_cast %get3A_139 : vector<1x16xf32> to vector<16xf32>
          %add3A_141 = arith.addf %get3A_136, %get3A_140 : vector<16xf32>
          %swap3A_142 = arith.index_cast %add3A_36 : i32 to index
          %swap3A_143 = arith.constant 112 : index
          %swap3A_144 = tpu.vector_load %arg9[%swap3A_142, %swap3A_143] {strides = array<i32>} : memref<128x128xf32, #tpu.memory_space<vmem>>, vector<1x16xf32>,
          %swap3A_145 = vector.shape_cast %swap3A_144 : vector<1x16xf32> to vector<16xf32>
          %swap3A_146 = vector.shape_cast %add3A_141 : vector<16xf32> to vector<1x16xf32>
          tpu.vector_store %arg9[%swap3A_142, %swap3A_143], %swap3A_146 {strides = array<i32>} : memref<128x128xf32, #tpu.memory_space<vmem>>, vector<1x16xf32>,
        }
        %scan3A_31 = arith.constant 128 : i32
        "tpu.region"() ({
          %run_scoped3A = tpu.sem_alloc : memref<!tpu.dma_semaphore, #tpu.memory_space<semaphore_mem>>
          %dma_start3A_32 = arith.constant 0 : i32
          %dma_start3A_33 = tpu.memref_slice %arg6[%mul3A_16, %dma_start3A_32] : memref<160000x128xf32, #tpu.memory_space<hbm>> -> memref<128x128xf32, #tpu.memory_space<hbm>>
          %dma_start3A_34 = arith.constant 0 : i32
          %dma_start3A_35 = tpu.memref_slice %arg6[%mul3A_16, %dma_start3A_34] : memref<160000x128xf32, #tpu.memory_space<hbm>> -> memref<128x128xf32, #tpu.memory_space<hbm>>
          tpu.enqueue_dma source(%arg9 : memref<128x128xf32, #tpu.memory_space<vmem>>) target(%dma_start3A_35 : memref<128x128xf32, #tpu.memory_space<hbm>>) target_semaphore(%run_scoped3A : memref<!tpu.dma_semaphore, #tpu.memory_space<semaphore_mem>>)
          %dma_wait3A_36 = arith.constant 0 : i32
          %dma_wait3A_37 = tpu.memref_slice %arg6[%mul3A_16, %dma_wait3A_36] : memref<160000x128xf32, #tpu.memory_space<hbm>> -> memref<128x128xf32, #tpu.memory_space<hbm>>
          %dma_wait3A_38 = arith.constant 0 : i32
          %dma_wait3A_39 = tpu.memref_slice %arg6[%mul3A_16, %dma_wait3A_38] : memref<160000x128xf32, #tpu.memory_space<hbm>> -> memref<128x128xf32, #tpu.memory_space<hbm>>
          tpu.wait_dma2 semaphore(%run_scoped3A : memref<!tpu.dma_semaphore, #tpu.memory_space<semaphore_mem>>) src(%arg9 : memref<128x128xf32, #tpu.memory_space<vmem>>) dst(%dma_wait3A_39 : memref<128x128xf32, #tpu.memory_space<hbm>>)
          tpu.yield
        }) : () -> ()
      } else {
      }
    }
    %scan3A_4 = arith.constant 40 : i32
    return
  }
}

#map = affine_map<(d0, d1) -> (0, 0)>
#map1 = affine_map<(d0, d1) -> (0)>
module attributes {stable_mosaic.version = 14 : i64} {
  func.func @scatter_add(%arg0: i32, %arg1: i32, %arg2: memref<160000x128xf32, #tpu.memory_space<hbm>>, %arg3: memref<160000xi32, #tpu.memory_space<hbm>>, %arg4: memref<20480x128xf32, #tpu.memory_space<hbm>>, %arg5: memref<128xi32, #tpu.memory_space<vmem>>, %arg6: memref<128x128xf32, #tpu.memory_space<vmem>>, %arg7: memref<10240x128xf32, #tpu.memory_space<vmem_shared>>) attributes {dimension_semantics = [#tpu.dimension_semantics<core_parallel>, #tpu.dimension_semantics<subcore_parallel>], iteration_bounds = array<i64: 2, 16>, scalar_prefetch = 0 : i64, scratch_operands = 3 : i64, tpu.core_type = #tpu.core_type<sc_vector_subcore>, window_params = [{transform_indices = #map}, {transform_indices = #map1}, {transform_indices = #map}]} {
    %mul3A = arith.constant 2 : i32
    %mul3A_0 = arith.muli %arg1, %mul3A : i32
    %add3A = arith.addi %mul3A_0, %arg0 : i32
    %scan3A = arith.constant 0 : i32
    %scan3A_1 = arith.constant 128 : i32
    %scan3A_2 = arith.addi %scan3A, %scan3A_1 : i32
    %scan3A_3 = arith.constant 1 : i32
    scf.for %scan3A_66 = %scan3A to %scan3A_2 step %scan3A_3  : i32 {
      %mul3A_67 = arith.constant 1 : i32
      %mul3A_68 = arith.muli %scan3A_66, %mul3A_67 : i32
      %add3A_69 = arith.constant 0 : i32
      %add3A_70 = arith.addi %add3A_69, %mul3A_68 : i32
      %broadcast_in_dim3A = arith.constant 0.000000e+00 : f32
      %broadcast_in_dim3A_71 = vector.broadcast %broadcast_in_dim3A : f32 to vector<16xf32>
      %swap3A = arith.index_cast %add3A_70 : i32 to index
      %swap3A_72 = arith.constant 0 : index
      %swap3A_73 = tpu.vector_load %arg6[%swap3A, %swap3A_72] {strides = array<i32>} : memref<128x128xf32, #tpu.memory_space<vmem>>, vector<1x16xf32>,
      %swap3A_74 = vector.shape_cast %swap3A_73 : vector<1x16xf32> to vector<16xf32>
      %swap3A_75 = vector.shape_cast %broadcast_in_dim3A_71 : vector<16xf32> to vector<1x16xf32>
      tpu.vector_store %arg6[%swap3A, %swap3A_72], %swap3A_75 {strides = array<i32>} : memref<128x128xf32, #tpu.memory_space<vmem>>, vector<1x16xf32>,
      %broadcast_in_dim3A_76 = arith.constant 0.000000e+00 : f32
      %broadcast_in_dim3A_77 = vector.broadcast %broadcast_in_dim3A_76 : f32 to vector<16xf32>
      %swap3A_78 = arith.index_cast %add3A_70 : i32 to index
      %swap3A_79 = arith.constant 16 : index
      %swap3A_80 = tpu.vector_load %arg6[%swap3A_78, %swap3A_79] {strides = array<i32>} : memref<128x128xf32, #tpu.memory_space<vmem>>, vector<1x16xf32>,
      %swap3A_81 = vector.shape_cast %swap3A_80 : vector<1x16xf32> to vector<16xf32>
      %swap3A_82 = vector.shape_cast %broadcast_in_dim3A_77 : vector<16xf32> to vector<1x16xf32>
      tpu.vector_store %arg6[%swap3A_78, %swap3A_79], %swap3A_82 {strides = array<i32>} : memref<128x128xf32, #tpu.memory_space<vmem>>, vector<1x16xf32>,
      %broadcast_in_dim3A_83 = arith.constant 0.000000e+00 : f32
      %broadcast_in_dim3A_84 = vector.broadcast %broadcast_in_dim3A_83 : f32 to vector<16xf32>
      %swap3A_85 = arith.index_cast %add3A_70 : i32 to index
      %swap3A_86 = arith.constant 32 : index
      %swap3A_87 = tpu.vector_load %arg6[%swap3A_85, %swap3A_86] {strides = array<i32>} : memref<128x128xf32, #tpu.memory_space<vmem>>, vector<1x16xf32>,
      %swap3A_88 = vector.shape_cast %swap3A_87 : vector<1x16xf32> to vector<16xf32>
      %swap3A_89 = vector.shape_cast %broadcast_in_dim3A_84 : vector<16xf32> to vector<1x16xf32>
      tpu.vector_store %arg6[%swap3A_85, %swap3A_86], %swap3A_89 {strides = array<i32>} : memref<128x128xf32, #tpu.memory_space<vmem>>, vector<1x16xf32>,
      %broadcast_in_dim3A_90 = arith.constant 0.000000e+00 : f32
      %broadcast_in_dim3A_91 = vector.broadcast %broadcast_in_dim3A_90 : f32 to vector<16xf32>
      %swap3A_92 = arith.index_cast %add3A_70 : i32 to index
      %swap3A_93 = arith.constant 48 : index
      %swap3A_94 = tpu.vector_load %arg6[%swap3A_92, %swap3A_93] {strides = array<i32>} : memref<128x128xf32, #tpu.memory_space<vmem>>, vector<1x16xf32>,
      %swap3A_95 = vector.shape_cast %swap3A_94 : vector<1x16xf32> to vector<16xf32>
      %swap3A_96 = vector.shape_cast %broadcast_in_dim3A_91 : vector<16xf32> to vector<1x16xf32>
      tpu.vector_store %arg6[%swap3A_92, %swap3A_93], %swap3A_96 {strides = array<i32>} : memref<128x128xf32, #tpu.memory_space<vmem>>, vector<1x16xf32>,
      %broadcast_in_dim3A_97 = arith.constant 0.000000e+00 : f32
      %broadcast_in_dim3A_98 = vector.broadcast %broadcast_in_dim3A_97 : f32 to vector<16xf32>
      %swap3A_99 = arith.index_cast %add3A_70 : i32 to index
      %swap3A_100 = arith.constant 64 : index
      %swap3A_101 = tpu.vector_load %arg6[%swap3A_99, %swap3A_100] {strides = array<i32>} : memref<128x128xf32, #tpu.memory_space<vmem>>, vector<1x16xf32>,
      %swap3A_102 = vector.shape_cast %swap3A_101 : vector<1x16xf32> to vector<16xf32>
      %swap3A_103 = vector.shape_cast %broadcast_in_dim3A_98 : vector<16xf32> to vector<1x16xf32>
      tpu.vector_store %arg6[%swap3A_99, %swap3A_100], %swap3A_103 {strides = array<i32>} : memref<128x128xf32, #tpu.memory_space<vmem>>, vector<1x16xf32>,
      %broadcast_in_dim3A_104 = arith.constant 0.000000e+00 : f32
      %broadcast_in_dim3A_105 = vector.broadcast %broadcast_in_dim3A_104 : f32 to vector<16xf32>
      %swap3A_106 = arith.index_cast %add3A_70 : i32 to index
      %swap3A_107 = arith.constant 80 : index
      %swap3A_108 = tpu.vector_load %arg6[%swap3A_106, %swap3A_107] {strides = array<i32>} : memref<128x128xf32, #tpu.memory_space<vmem>>, vector<1x16xf32>,
      %swap3A_109 = vector.shape_cast %swap3A_108 : vector<1x16xf32> to vector<16xf32>
      %swap3A_110 = vector.shape_cast %broadcast_in_dim3A_105 : vector<16xf32> to vector<1x16xf32>
      tpu.vector_store %arg6[%swap3A_106, %swap3A_107], %swap3A_110 {strides = array<i32>} : memref<128x128xf32, #tpu.memory_space<vmem>>, vector<1x16xf32>,
      %broadcast_in_dim3A_111 = arith.constant 0.000000e+00 : f32
      %broadcast_in_dim3A_112 = vector.broadcast %broadcast_in_dim3A_111 : f32 to vector<16xf32>
      %swap3A_113 = arith.index_cast %add3A_70 : i32 to index
      %swap3A_114 = arith.constant 96 : index
      %swap3A_115 = tpu.vector_load %arg6[%swap3A_113, %swap3A_114] {strides = array<i32>} : memref<128x128xf32, #tpu.memory_space<vmem>>, vector<1x16xf32>,
      %swap3A_116 = vector.shape_cast %swap3A_115 : vector<1x16xf32> to vector<16xf32>
      %swap3A_117 = vector.shape_cast %broadcast_in_dim3A_112 : vector<16xf32> to vector<1x16xf32>
      tpu.vector_store %arg6[%swap3A_113, %swap3A_114], %swap3A_117 {strides = array<i32>} : memref<128x128xf32, #tpu.memory_space<vmem>>, vector<1x16xf32>,
      %broadcast_in_dim3A_118 = arith.constant 0.000000e+00 : f32
      %broadcast_in_dim3A_119 = vector.broadcast %broadcast_in_dim3A_118 : f32 to vector<16xf32>
      %swap3A_120 = arith.index_cast %add3A_70 : i32 to index
      %swap3A_121 = arith.constant 112 : index
      %swap3A_122 = tpu.vector_load %arg6[%swap3A_120, %swap3A_121] {strides = array<i32>} : memref<128x128xf32, #tpu.memory_space<vmem>>, vector<1x16xf32>,
      %swap3A_123 = vector.shape_cast %swap3A_122 : vector<1x16xf32> to vector<16xf32>
      %swap3A_124 = vector.shape_cast %broadcast_in_dim3A_119 : vector<16xf32> to vector<1x16xf32>
      tpu.vector_store %arg6[%swap3A_120, %swap3A_121], %swap3A_124 {strides = array<i32>} : memref<128x128xf32, #tpu.memory_space<vmem>>, vector<1x16xf32>,
    }
    %scan3A_4 = arith.constant 128 : i32
    %mul3A_5 = arith.constant 640 : i32
    %mul3A_6 = arith.muli %arg1, %mul3A_5 : i32
    %add3A_7 = arith.constant 0 : i32
    %add3A_8 = arith.addi %mul3A_6, %add3A_7 : i32
    "tpu.region"() ({
      %run_scoped3A = tpu.sem_alloc : memref<!tpu.dma_semaphore, #tpu.memory_space<semaphore_mem>>
      %dma_start3A = arith.constant 0 : i32
      %dma_start3A_66 = arith.constant 0 : i32
      %dma_start3A_67 = tpu.memref_slice %arg6[%dma_start3A, %dma_start3A_66] : memref<128x128xf32, #tpu.memory_space<vmem>> -> memref<128x128xf32, #tpu.memory_space<vmem>>
      %dma_start3A_68 = arith.constant 0 : i32
      %dma_start3A_69 = tpu.memref_slice %arg7[%add3A_8, %dma_start3A_68] : memref<10240x128xf32, #tpu.memory_space<vmem_shared>> -> memref<128x128xf32, #tpu.memory_space<vmem_shared>>
      %dma_start3A_70 = arith.constant 0 : i32
      %dma_start3A_71 = tpu.memref_slice %arg7[%add3A_8, %dma_start3A_70] : memref<10240x128xf32, #tpu.memory_space<vmem_shared>> -> memref<128x128xf32, #tpu.memory_space<vmem_shared>>
      %dma_start3A_72 = arith.constant 0 : i32
      %dma_start3A_73 = arith.constant 0 : i32
      %dma_start3A_74 = tpu.memref_slice %arg6[%dma_start3A_72, %dma_start3A_73] : memref<128x128xf32, #tpu.memory_space<vmem>> -> memref<128x128xf32, #tpu.memory_space<vmem>>
      tpu.enqueue_dma source(%dma_start3A_74 : memref<128x128xf32, #tpu.memory_space<vmem>>) target(%dma_start3A_71 : memref<128x128xf32, #tpu.memory_space<vmem_shared>>) target_semaphore(%run_scoped3A : memref<!tpu.dma_semaphore, #tpu.memory_space<semaphore_mem>>)
      %dma_wait3A = arith.constant 0 : i32
      %dma_wait3A_75 = arith.constant 0 : i32
      %dma_wait3A_76 = tpu.memref_slice %arg6[%dma_wait3A, %dma_wait3A_75] : memref<128x128xf32, #tpu.memory_space<vmem>> -> memref<128x128xf32, #tpu.memory_space<vmem>>
      %dma_wait3A_77 = arith.constant 0 : i32
      %dma_wait3A_78 = tpu.memref_slice %arg7[%add3A_8, %dma_wait3A_77] : memref<10240x128xf32, #tpu.memory_space<vmem_shared>> -> memref<128x128xf32, #tpu.memory_space<vmem_shared>>
      %dma_wait3A_79 = arith.constant 0 : i32
      %dma_wait3A_80 = tpu.memref_slice %arg7[%add3A_8, %dma_wait3A_79] : memref<10240x128xf32, #tpu.memory_space<vmem_shared>> -> memref<128x128xf32, #tpu.memory_space<vmem_shared>>
      %dma_wait3A_81 = arith.constant 0 : i32
      %dma_wait3A_82 = arith.constant 0 : i32
      %dma_wait3A_83 = tpu.memref_slice %arg6[%dma_wait3A_81, %dma_wait3A_82] : memref<128x128xf32, #tpu.memory_space<vmem>> -> memref<128x128xf32, #tpu.memory_space<vmem>>
      tpu.wait_dma2 semaphore(%run_scoped3A : memref<!tpu.dma_semaphore, #tpu.memory_space<semaphore_mem>>) src(%dma_wait3A_83 : memref<128x128xf32, #tpu.memory_space<vmem>>) dst(%dma_wait3A_80 : memref<128x128xf32, #tpu.memory_space<vmem_shared>>)
      tpu.yield
    }) : () -> ()
    %mul3A_9 = arith.constant 640 : i32
    %mul3A_10 = arith.muli %arg1, %mul3A_9 : i32
    %add3A_11 = arith.constant 128 : i32
    %add3A_12 = arith.addi %mul3A_10, %add3A_11 : i32
    "tpu.region"() ({
      %run_scoped3A = tpu.sem_alloc : memref<!tpu.dma_semaphore, #tpu.memory_space<semaphore_mem>>
      %dma_start3A = arith.constant 0 : i32
      %dma_start3A_66 = arith.constant 0 : i32
      %dma_start3A_67 = tpu.memref_slice %arg6[%dma_start3A, %dma_start3A_66] : memref<128x128xf32, #tpu.memory_space<vmem>> -> memref<128x128xf32, #tpu.memory_space<vmem>>
      %dma_start3A_68 = arith.constant 0 : i32
      %dma_start3A_69 = tpu.memref_slice %arg7[%add3A_12, %dma_start3A_68] : memref<10240x128xf32, #tpu.memory_space<vmem_shared>> -> memref<128x128xf32, #tpu.memory_space<vmem_shared>>
      %dma_start3A_70 = arith.constant 0 : i32
      %dma_start3A_71 = tpu.memref_slice %arg7[%add3A_12, %dma_start3A_70] : memref<10240x128xf32, #tpu.memory_space<vmem_shared>> -> memref<128x128xf32, #tpu.memory_space<vmem_shared>>
      %dma_start3A_72 = arith.constant 0 : i32
      %dma_start3A_73 = arith.constant 0 : i32
      %dma_start3A_74 = tpu.memref_slice %arg6[%dma_start3A_72, %dma_start3A_73] : memref<128x128xf32, #tpu.memory_space<vmem>> -> memref<128x128xf32, #tpu.memory_space<vmem>>
      tpu.enqueue_dma source(%dma_start3A_74 : memref<128x128xf32, #tpu.memory_space<vmem>>) target(%dma_start3A_71 : memref<128x128xf32, #tpu.memory_space<vmem_shared>>) target_semaphore(%run_scoped3A : memref<!tpu.dma_semaphore, #tpu.memory_space<semaphore_mem>>)
      %dma_wait3A = arith.constant 0 : i32
      %dma_wait3A_75 = arith.constant 0 : i32
      %dma_wait3A_76 = tpu.memref_slice %arg6[%dma_wait3A, %dma_wait3A_75] : memref<128x128xf32, #tpu.memory_space<vmem>> -> memref<128x128xf32, #tpu.memory_space<vmem>>
      %dma_wait3A_77 = arith.constant 0 : i32
      %dma_wait3A_78 = tpu.memref_slice %arg7[%add3A_12, %dma_wait3A_77] : memref<10240x128xf32, #tpu.memory_space<vmem_shared>> -> memref<128x128xf32, #tpu.memory_space<vmem_shared>>
      %dma_wait3A_79 = arith.constant 0 : i32
      %dma_wait3A_80 = tpu.memref_slice %arg7[%add3A_12, %dma_wait3A_79] : memref<10240x128xf32, #tpu.memory_space<vmem_shared>> -> memref<128x128xf32, #tpu.memory_space<vmem_shared>>
      %dma_wait3A_81 = arith.constant 0 : i32
      %dma_wait3A_82 = arith.constant 0 : i32
      %dma_wait3A_83 = tpu.memref_slice %arg6[%dma_wait3A_81, %dma_wait3A_82] : memref<128x128xf32, #tpu.memory_space<vmem>> -> memref<128x128xf32, #tpu.memory_space<vmem>>
      tpu.wait_dma2 semaphore(%run_scoped3A : memref<!tpu.dma_semaphore, #tpu.memory_space<semaphore_mem>>) src(%dma_wait3A_83 : memref<128x128xf32, #tpu.memory_space<vmem>>) dst(%dma_wait3A_80 : memref<128x128xf32, #tpu.memory_space<vmem_shared>>)
      tpu.yield
    }) : () -> ()
    %mul3A_13 = arith.constant 640 : i32
    %mul3A_14 = arith.muli %arg1, %mul3A_13 : i32
    %add3A_15 = arith.constant 256 : i32
    %add3A_16 = arith.addi %mul3A_14, %add3A_15 : i32
    "tpu.region"() ({
      %run_scoped3A = tpu.sem_alloc : memref<!tpu.dma_semaphore, #tpu.memory_space<semaphore_mem>>
      %dma_start3A = arith.constant 0 : i32
      %dma_start3A_66 = arith.constant 0 : i32
      %dma_start3A_67 = tpu.memref_slice %arg6[%dma_start3A, %dma_start3A_66] : memref<128x128xf32, #tpu.memory_space<vmem>> -> memref<128x128xf32, #tpu.memory_space<vmem>>
      %dma_start3A_68 = arith.constant 0 : i32
      %dma_start3A_69 = tpu.memref_slice %arg7[%add3A_16, %dma_start3A_68] : memref<10240x128xf32, #tpu.memory_space<vmem_shared>> -> memref<128x128xf32, #tpu.memory_space<vmem_shared>>
      %dma_start3A_70 = arith.constant 0 : i32
      %dma_start3A_71 = tpu.memref_slice %arg7[%add3A_16, %dma_start3A_70] : memref<10240x128xf32, #tpu.memory_space<vmem_shared>> -> memref<128x128xf32, #tpu.memory_space<vmem_shared>>
      %dma_start3A_72 = arith.constant 0 : i32
      %dma_start3A_73 = arith.constant 0 : i32
      %dma_start3A_74 = tpu.memref_slice %arg6[%dma_start3A_72, %dma_start3A_73] : memref<128x128xf32, #tpu.memory_space<vmem>> -> memref<128x128xf32, #tpu.memory_space<vmem>>
      tpu.enqueue_dma source(%dma_start3A_74 : memref<128x128xf32, #tpu.memory_space<vmem>>) target(%dma_start3A_71 : memref<128x128xf32, #tpu.memory_space<vmem_shared>>) target_semaphore(%run_scoped3A : memref<!tpu.dma_semaphore, #tpu.memory_space<semaphore_mem>>)
      %dma_wait3A = arith.constant 0 : i32
      %dma_wait3A_75 = arith.constant 0 : i32
      %dma_wait3A_76 = tpu.memref_slice %arg6[%dma_wait3A, %dma_wait3A_75] : memref<128x128xf32, #tpu.memory_space<vmem>> -> memref<128x128xf32, #tpu.memory_space<vmem>>
      %dma_wait3A_77 = arith.constant 0 : i32
      %dma_wait3A_78 = tpu.memref_slice %arg7[%add3A_16, %dma_wait3A_77] : memref<10240x128xf32, #tpu.memory_space<vmem_shared>> -> memref<128x128xf32, #tpu.memory_space<vmem_shared>>
      %dma_wait3A_79 = arith.constant 0 : i32
      %dma_wait3A_80 = tpu.memref_slice %arg7[%add3A_16, %dma_wait3A_79] : memref<10240x128xf32, #tpu.memory_space<vmem_shared>> -> memref<128x128xf32, #tpu.memory_space<vmem_shared>>
      %dma_wait3A_81 = arith.constant 0 : i32
      %dma_wait3A_82 = arith.constant 0 : i32
      %dma_wait3A_83 = tpu.memref_slice %arg6[%dma_wait3A_81, %dma_wait3A_82] : memref<128x128xf32, #tpu.memory_space<vmem>> -> memref<128x128xf32, #tpu.memory_space<vmem>>
      tpu.wait_dma2 semaphore(%run_scoped3A : memref<!tpu.dma_semaphore, #tpu.memory_space<semaphore_mem>>) src(%dma_wait3A_83 : memref<128x128xf32, #tpu.memory_space<vmem>>) dst(%dma_wait3A_80 : memref<128x128xf32, #tpu.memory_space<vmem_shared>>)
      tpu.yield
    }) : () -> ()
    %mul3A_17 = arith.constant 640 : i32
    %mul3A_18 = arith.muli %arg1, %mul3A_17 : i32
    %add3A_19 = arith.constant 384 : i32
    %add3A_20 = arith.addi %mul3A_18, %add3A_19 : i32
    "tpu.region"() ({
      %run_scoped3A = tpu.sem_alloc : memref<!tpu.dma_semaphore, #tpu.memory_space<semaphore_mem>>
      %dma_start3A = arith.constant 0 : i32
      %dma_start3A_66 = arith.constant 0 : i32
      %dma_start3A_67 = tpu.memref_slice %arg6[%dma_start3A, %dma_start3A_66] : memref<128x128xf32, #tpu.memory_space<vmem>> -> memref<128x128xf32, #tpu.memory_space<vmem>>
      %dma_start3A_68 = arith.constant 0 : i32
      %dma_start3A_69 = tpu.memref_slice %arg7[%add3A_20, %dma_start3A_68] : memref<10240x128xf32, #tpu.memory_space<vmem_shared>> -> memref<128x128xf32, #tpu.memory_space<vmem_shared>>
      %dma_start3A_70 = arith.constant 0 : i32
      %dma_start3A_71 = tpu.memref_slice %arg7[%add3A_20, %dma_start3A_70] : memref<10240x128xf32, #tpu.memory_space<vmem_shared>> -> memref<128x128xf32, #tpu.memory_space<vmem_shared>>
      %dma_start3A_72 = arith.constant 0 : i32
      %dma_start3A_73 = arith.constant 0 : i32
      %dma_start3A_74 = tpu.memref_slice %arg6[%dma_start3A_72, %dma_start3A_73] : memref<128x128xf32, #tpu.memory_space<vmem>> -> memref<128x128xf32, #tpu.memory_space<vmem>>
      tpu.enqueue_dma source(%dma_start3A_74 : memref<128x128xf32, #tpu.memory_space<vmem>>) target(%dma_start3A_71 : memref<128x128xf32, #tpu.memory_space<vmem_shared>>) target_semaphore(%run_scoped3A : memref<!tpu.dma_semaphore, #tpu.memory_space<semaphore_mem>>)
      %dma_wait3A = arith.constant 0 : i32
      %dma_wait3A_75 = arith.constant 0 : i32
      %dma_wait3A_76 = tpu.memref_slice %arg6[%dma_wait3A, %dma_wait3A_75] : memref<128x128xf32, #tpu.memory_space<vmem>> -> memref<128x128xf32, #tpu.memory_space<vmem>>
      %dma_wait3A_77 = arith.constant 0 : i32
      %dma_wait3A_78 = tpu.memref_slice %arg7[%add3A_20, %dma_wait3A_77] : memref<10240x128xf32, #tpu.memory_space<vmem_shared>> -> memref<128x128xf32, #tpu.memory_space<vmem_shared>>
      %dma_wait3A_79 = arith.constant 0 : i32
      %dma_wait3A_80 = tpu.memref_slice %arg7[%add3A_20, %dma_wait3A_79] : memref<10240x128xf32, #tpu.memory_space<vmem_shared>> -> memref<128x128xf32, #tpu.memory_space<vmem_shared>>
      %dma_wait3A_81 = arith.constant 0 : i32
      %dma_wait3A_82 = arith.constant 0 : i32
      %dma_wait3A_83 = tpu.memref_slice %arg6[%dma_wait3A_81, %dma_wait3A_82] : memref<128x128xf32, #tpu.memory_space<vmem>> -> memref<128x128xf32, #tpu.memory_space<vmem>>
      tpu.wait_dma2 semaphore(%run_scoped3A : memref<!tpu.dma_semaphore, #tpu.memory_space<semaphore_mem>>) src(%dma_wait3A_83 : memref<128x128xf32, #tpu.memory_space<vmem>>) dst(%dma_wait3A_80 : memref<128x128xf32, #tpu.memory_space<vmem_shared>>)
      tpu.yield
    }) : () -> ()
    %mul3A_21 = arith.constant 640 : i32
    %mul3A_22 = arith.muli %arg1, %mul3A_21 : i32
    %add3A_23 = arith.constant 512 : i32
    %add3A_24 = arith.addi %mul3A_22, %add3A_23 : i32
    "tpu.region"() ({
      %run_scoped3A = tpu.sem_alloc : memref<!tpu.dma_semaphore, #tpu.memory_space<semaphore_mem>>
      %dma_start3A = arith.constant 0 : i32
      %dma_start3A_66 = arith.constant 0 : i32
      %dma_start3A_67 = tpu.memref_slice %arg6[%dma_start3A, %dma_start3A_66] : memref<128x128xf32, #tpu.memory_space<vmem>> -> memref<128x128xf32, #tpu.memory_space<vmem>>
      %dma_start3A_68 = arith.constant 0 : i32
      %dma_start3A_69 = tpu.memref_slice %arg7[%add3A_24, %dma_start3A_68] : memref<10240x128xf32, #tpu.memory_space<vmem_shared>> -> memref<128x128xf32, #tpu.memory_space<vmem_shared>>
      %dma_start3A_70 = arith.constant 0 : i32
      %dma_start3A_71 = tpu.memref_slice %arg7[%add3A_24, %dma_start3A_70] : memref<10240x128xf32, #tpu.memory_space<vmem_shared>> -> memref<128x128xf32, #tpu.memory_space<vmem_shared>>
      %dma_start3A_72 = arith.constant 0 : i32
      %dma_start3A_73 = arith.constant 0 : i32
      %dma_start3A_74 = tpu.memref_slice %arg6[%dma_start3A_72, %dma_start3A_73] : memref<128x128xf32, #tpu.memory_space<vmem>> -> memref<128x128xf32, #tpu.memory_space<vmem>>
      tpu.enqueue_dma source(%dma_start3A_74 : memref<128x128xf32, #tpu.memory_space<vmem>>) target(%dma_start3A_71 : memref<128x128xf32, #tpu.memory_space<vmem_shared>>) target_semaphore(%run_scoped3A : memref<!tpu.dma_semaphore, #tpu.memory_space<semaphore_mem>>)
      %dma_wait3A = arith.constant 0 : i32
      %dma_wait3A_75 = arith.constant 0 : i32
      %dma_wait3A_76 = tpu.memref_slice %arg6[%dma_wait3A, %dma_wait3A_75] : memref<128x128xf32, #tpu.memory_space<vmem>> -> memref<128x128xf32, #tpu.memory_space<vmem>>
      %dma_wait3A_77 = arith.constant 0 : i32
      %dma_wait3A_78 = tpu.memref_slice %arg7[%add3A_24, %dma_wait3A_77] : memref<10240x128xf32, #tpu.memory_space<vmem_shared>> -> memref<128x128xf32, #tpu.memory_space<vmem_shared>>
      %dma_wait3A_79 = arith.constant 0 : i32
      %dma_wait3A_80 = tpu.memref_slice %arg7[%add3A_24, %dma_wait3A_79] : memref<10240x128xf32, #tpu.memory_space<vmem_shared>> -> memref<128x128xf32, #tpu.memory_space<vmem_shared>>
      %dma_wait3A_81 = arith.constant 0 : i32
      %dma_wait3A_82 = arith.constant 0 : i32
      %dma_wait3A_83 = tpu.memref_slice %arg6[%dma_wait3A_81, %dma_wait3A_82] : memref<128x128xf32, #tpu.memory_space<vmem>> -> memref<128x128xf32, #tpu.memory_space<vmem>>
      tpu.wait_dma2 semaphore(%run_scoped3A : memref<!tpu.dma_semaphore, #tpu.memory_space<semaphore_mem>>) src(%dma_wait3A_83 : memref<128x128xf32, #tpu.memory_space<vmem>>) dst(%dma_wait3A_80 : memref<128x128xf32, #tpu.memory_space<vmem_shared>>)
      tpu.yield
    }) : () -> ()
    %barrier3A = arith.constant 0 : index
    tpu.barrier barrier_id(%barrier3A)
    %scan3A_25 = arith.constant 0 : i32
    %scan3A_26 = arith.constant 40 : i32
    %scan3A_27 = arith.addi %scan3A_25, %scan3A_26 : i32
    %scan3A_28 = arith.constant 1 : i32
    scf.for %scan3A_66 = %scan3A_25 to %scan3A_27 step %scan3A_28  : i32 {
      %mul3A_67 = arith.constant 1 : i32
      %mul3A_68 = arith.muli %scan3A_66, %mul3A_67 : i32
      %add3A_69 = arith.constant 0 : i32
      %add3A_70 = arith.addi %add3A_69, %mul3A_68 : i32
      %mul3A_71 = arith.constant 32 : i32
      %mul3A_72 = arith.muli %add3A_70, %mul3A_71 : i32
      %add3A_73 = arith.addi %mul3A_72, %add3A : i32
      %lt3A = arith.constant 1250 : i32
      %lt3A_74 = arith.cmpi slt, %add3A_73, %lt3A : i32
      %convert_element_type3A = arith.extui %lt3A_74 : i1 to i32
      %cond3A = arith.constant 0 : i32
      %cond3A_75 = arith.cmpi ne, %convert_element_type3A, %cond3A : i32
      scf.if %cond3A_75 {
        %mul3A_76 = arith.constant 128 : i32
        %mul3A_77 = arith.muli %add3A_73, %mul3A_76 : i32
        "tpu.region"() ({
          %run_scoped3A = tpu.sem_alloc : memref<!tpu.dma_semaphore, #tpu.memory_space<semaphore_mem>>
          %dma_start3A = tpu.memref_slice %arg3[%mul3A_77] : memref<160000xi32, #tpu.memory_space<hbm>> -> memref<128xi32, #tpu.memory_space<hbm>>
          %dma_start3A_78 = tpu.memref_slice %arg3[%mul3A_77] : memref<160000xi32, #tpu.memory_space<hbm>> -> memref<128xi32, #tpu.memory_space<hbm>>
          tpu.enqueue_dma source(%dma_start3A_78 : memref<128xi32, #tpu.memory_space<hbm>>) target(%arg5 : memref<128xi32, #tpu.memory_space<vmem>>) target_semaphore(%run_scoped3A : memref<!tpu.dma_semaphore, #tpu.memory_space<semaphore_mem>>)
          %dma_wait3A = tpu.memref_slice %arg3[%mul3A_77] : memref<160000xi32, #tpu.memory_space<hbm>> -> memref<128xi32, #tpu.memory_space<hbm>>
          %dma_wait3A_79 = tpu.memref_slice %arg3[%mul3A_77] : memref<160000xi32, #tpu.memory_space<hbm>> -> memref<128xi32, #tpu.memory_space<hbm>>
          tpu.wait_dma2 semaphore(%run_scoped3A : memref<!tpu.dma_semaphore, #tpu.memory_space<semaphore_mem>>) src(%dma_wait3A_79 : memref<128xi32, #tpu.memory_space<hbm>>) dst(%arg5 : memref<128xi32, #tpu.memory_space<vmem>>)
          tpu.yield
        }) : () -> ()
        "tpu.region"() ({
          %run_scoped3A = tpu.sem_alloc : memref<!tpu.dma_semaphore, #tpu.memory_space<semaphore_mem>>
          %dma_start3A = arith.constant 0 : i32
          %dma_start3A_78 = tpu.memref_slice %arg2[%mul3A_77, %dma_start3A] : memref<160000x128xf32, #tpu.memory_space<hbm>> -> memref<128x128xf32, #tpu.memory_space<hbm>>
          %dma_start3A_79 = arith.constant 0 : i32
          %dma_start3A_80 = tpu.memref_slice %arg2[%mul3A_77, %dma_start3A_79] : memref<160000x128xf32, #tpu.memory_space<hbm>> -> memref<128x128xf32, #tpu.memory_space<hbm>>
          tpu.enqueue_dma source(%dma_start3A_80 : memref<128x128xf32, #tpu.memory_space<hbm>>) target(%arg6 : memref<128x128xf32, #tpu.memory_space<vmem>>) target_semaphore(%run_scoped3A : memref<!tpu.dma_semaphore, #tpu.memory_space<semaphore_mem>>)
          %dma_wait3A = arith.constant 0 : i32
          %dma_wait3A_81 = tpu.memref_slice %arg2[%mul3A_77, %dma_wait3A] : memref<160000x128xf32, #tpu.memory_space<hbm>> -> memref<128x128xf32, #tpu.memory_space<hbm>>
          %dma_wait3A_82 = arith.constant 0 : i32
          %dma_wait3A_83 = tpu.memref_slice %arg2[%mul3A_77, %dma_wait3A_82] : memref<160000x128xf32, #tpu.memory_space<hbm>> -> memref<128x128xf32, #tpu.memory_space<hbm>>
          tpu.wait_dma2 semaphore(%run_scoped3A : memref<!tpu.dma_semaphore, #tpu.memory_space<semaphore_mem>>) src(%dma_wait3A_83 : memref<128x128xf32, #tpu.memory_space<hbm>>) dst(%arg6 : memref<128x128xf32, #tpu.memory_space<vmem>>)
          tpu.yield
        }) : () -> ()
        "tpu.region"() ({
          %run_scoped3A = tpu.sem_alloc : memref<!tpu.dma_semaphore, #tpu.memory_space<semaphore_mem>>
          %dma_start3A = arith.constant 0 : i32
          %dma_start3A_78 = arith.constant 0 : i32
          %dma_start3A_79 = tpu.memref_slice %arg7[%dma_start3A, %dma_start3A_78] : memref<10240x128xf32, #tpu.memory_space<vmem_shared>> -> memref<10240x128xf32, #tpu.memory_space<vmem_shared>>
          tpu.enqueue_indirect_dma source(%arg6 : memref<128x128xf32, #tpu.memory_space<vmem>>) target(%dma_start3A_79 : memref<10240x128xf32, #tpu.memory_space<vmem_shared>>) offsets(%arg5 : memref<128xi32, #tpu.memory_space<vmem>>) semaphore(%run_scoped3A : memref<!tpu.dma_semaphore, #tpu.memory_space<semaphore_mem>>) {add = true}
          %dma_wait3A = arith.constant 0 : i32
          %dma_wait3A_80 = arith.constant 0 : i32
          %dma_wait3A_81 = tpu.memref_slice %arg7[%dma_wait3A, %dma_wait3A_80] : memref<10240x128xf32, #tpu.memory_space<vmem_shared>> -> memref<10240x128xf32, #tpu.memory_space<vmem_shared>>
          tpu.wait_indirect_dma semaphore(%run_scoped3A : memref<!tpu.dma_semaphore, #tpu.memory_space<semaphore_mem>>) src(%arg6 : memref<128x128xf32, #tpu.memory_space<vmem>>) dst(%dma_wait3A_81 : memref<10240x128xf32, #tpu.memory_space<vmem_shared>>)
          tpu.yield
        }) : () -> ()
      } else {
      }
    }
    %scan3A_29 = arith.constant 40 : i32
    %barrier3A_30 = arith.constant 0 : index
    tpu.barrier barrier_id(%barrier3A_30)
    %mul3A_31 = arith.constant 640 : i32
    %mul3A_32 = arith.muli %arg1, %mul3A_31 : i32
    %add3A_33 = arith.constant 0 : i32
    %add3A_34 = arith.addi %mul3A_32, %add3A_33 : i32
    "tpu.region"() ({
      %run_scoped3A = tpu.sem_alloc : memref<!tpu.dma_semaphore, #tpu.memory_space<semaphore_mem>>
      %dma_start3A = arith.constant 0 : i32
      %dma_start3A_66 = arith.constant 0 : i32
      %dma_start3A_67 = tpu.memref_slice %arg6[%dma_start3A, %dma_start3A_66] : memref<128x128xf32, #tpu.memory_space<vmem>> -> memref<128x128xf32, #tpu.memory_space<vmem>>
      %dma_start3A_68 = arith.constant 0 : i32
      %dma_start3A_69 = tpu.memref_slice %arg7[%add3A_34, %dma_start3A_68] : memref<10240x128xf32, #tpu.memory_space<vmem_shared>> -> memref<128x128xf32, #tpu.memory_space<vmem_shared>>
      %dma_start3A_70 = arith.constant 0 : i32
      %dma_start3A_71 = arith.constant 0 : i32
      %dma_start3A_72 = tpu.memref_slice %arg6[%dma_start3A_70, %dma_start3A_71] : memref<128x128xf32, #tpu.memory_space<vmem>> -> memref<128x128xf32, #tpu.memory_space<vmem>>
      %dma_start3A_73 = arith.constant 0 : i32
      %dma_start3A_74 = tpu.memref_slice %arg7[%add3A_34, %dma_start3A_73] : memref<10240x128xf32, #tpu.memory_space<vmem_shared>> -> memref<128x128xf32, #tpu.memory_space<vmem_shared>>
      tpu.enqueue_dma source(%dma_start3A_74 : memref<128x128xf32, #tpu.memory_space<vmem_shared>>) target(%dma_start3A_72 : memref<128x128xf32, #tpu.memory_space<vmem>>) target_semaphore(%run_scoped3A : memref<!tpu.dma_semaphore, #tpu.memory_space<semaphore_mem>>)
      %dma_wait3A = arith.constant 0 : i32
      %dma_wait3A_75 = arith.constant 0 : i32
      %dma_wait3A_76 = tpu.memref_slice %arg6[%dma_wait3A, %dma_wait3A_75] : memref<128x128xf32, #tpu.memory_space<vmem>> -> memref<128x128xf32, #tpu.memory_space<vmem>>
      %dma_wait3A_77 = arith.constant 0 : i32
      %dma_wait3A_78 = tpu.memref_slice %arg7[%add3A_34, %dma_wait3A_77] : memref<10240x128xf32, #tpu.memory_space<vmem_shared>> -> memref<128x128xf32, #tpu.memory_space<vmem_shared>>
      %dma_wait3A_79 = arith.constant 0 : i32
      %dma_wait3A_80 = arith.constant 0 : i32
      %dma_wait3A_81 = tpu.memref_slice %arg6[%dma_wait3A_79, %dma_wait3A_80] : memref<128x128xf32, #tpu.memory_space<vmem>> -> memref<128x128xf32, #tpu.memory_space<vmem>>
      %dma_wait3A_82 = arith.constant 0 : i32
      %dma_wait3A_83 = tpu.memref_slice %arg7[%add3A_34, %dma_wait3A_82] : memref<10240x128xf32, #tpu.memory_space<vmem_shared>> -> memref<128x128xf32, #tpu.memory_space<vmem_shared>>
      tpu.wait_dma2 semaphore(%run_scoped3A : memref<!tpu.dma_semaphore, #tpu.memory_space<semaphore_mem>>) src(%dma_wait3A_83 : memref<128x128xf32, #tpu.memory_space<vmem_shared>>) dst(%dma_wait3A_81 : memref<128x128xf32, #tpu.memory_space<vmem>>)
      tpu.yield
    }) : () -> ()
    %mul3A_35 = arith.constant 10240 : i32
    %mul3A_36 = arith.muli %arg0, %mul3A_35 : i32
    %add3A_37 = arith.addi %mul3A_36, %add3A_34 : i32
    "tpu.region"() ({
      %run_scoped3A = tpu.sem_alloc : memref<!tpu.dma_semaphore, #tpu.memory_space<semaphore_mem>>
      %dma_start3A = arith.constant 0 : i32
      %dma_start3A_66 = arith.constant 0 : i32
      %dma_start3A_67 = tpu.memref_slice %arg6[%dma_start3A, %dma_start3A_66] : memref<128x128xf32, #tpu.memory_space<vmem>> -> memref<128x128xf32, #tpu.memory_space<vmem>>
      %dma_start3A_68 = arith.constant 0 : i32
      %dma_start3A_69 = tpu.memref_slice %arg4[%add3A_37, %dma_start3A_68] : memref<20480x128xf32, #tpu.memory_space<hbm>> -> memref<128x128xf32, #tpu.memory_space<hbm>>
      %dma_start3A_70 = arith.constant 0 : i32
      %dma_start3A_71 = tpu.memref_slice %arg4[%add3A_37, %dma_start3A_70] : memref<20480x128xf32, #tpu.memory_space<hbm>> -> memref<128x128xf32, #tpu.memory_space<hbm>>
      %dma_start3A_72 = arith.constant 0 : i32
      %dma_start3A_73 = arith.constant 0 : i32
      %dma_start3A_74 = tpu.memref_slice %arg6[%dma_start3A_72, %dma_start3A_73] : memref<128x128xf32, #tpu.memory_space<vmem>> -> memref<128x128xf32, #tpu.memory_space<vmem>>
      tpu.enqueue_dma source(%dma_start3A_74 : memref<128x128xf32, #tpu.memory_space<vmem>>) target(%dma_start3A_71 : memref<128x128xf32, #tpu.memory_space<hbm>>) target_semaphore(%run_scoped3A : memref<!tpu.dma_semaphore, #tpu.memory_space<semaphore_mem>>)
      %dma_wait3A = arith.constant 0 : i32
      %dma_wait3A_75 = arith.constant 0 : i32
      %dma_wait3A_76 = tpu.memref_slice %arg6[%dma_wait3A, %dma_wait3A_75] : memref<128x128xf32, #tpu.memory_space<vmem>> -> memref<128x128xf32, #tpu.memory_space<vmem>>
      %dma_wait3A_77 = arith.constant 0 : i32
      %dma_wait3A_78 = tpu.memref_slice %arg4[%add3A_37, %dma_wait3A_77] : memref<20480x128xf32, #tpu.memory_space<hbm>> -> memref<128x128xf32, #tpu.memory_space<hbm>>
      %dma_wait3A_79 = arith.constant 0 : i32
      %dma_wait3A_80 = tpu.memref_slice %arg4[%add3A_37, %dma_wait3A_79] : memref<20480x128xf32, #tpu.memory_space<hbm>> -> memref<128x128xf32, #tpu.memory_space<hbm>>
      %dma_wait3A_81 = arith.constant 0 : i32
      %dma_wait3A_82 = arith.constant 0 : i32
      %dma_wait3A_83 = tpu.memref_slice %arg6[%dma_wait3A_81, %dma_wait3A_82] : memref<128x128xf32, #tpu.memory_space<vmem>> -> memref<128x128xf32, #tpu.memory_space<vmem>>
      tpu.wait_dma2 semaphore(%run_scoped3A : memref<!tpu.dma_semaphore, #tpu.memory_space<semaphore_mem>>) src(%dma_wait3A_83 : memref<128x128xf32, #tpu.memory_space<vmem>>) dst(%dma_wait3A_80 : memref<128x128xf32, #tpu.memory_space<hbm>>)
      tpu.yield
    }) : () -> ()
    %mul3A_38 = arith.constant 640 : i32
    %mul3A_39 = arith.muli %arg1, %mul3A_38 : i32
    %add3A_40 = arith.constant 128 : i32
    %add3A_41 = arith.addi %mul3A_39, %add3A_40 : i32
    "tpu.region"() ({
      %run_scoped3A = tpu.sem_alloc : memref<!tpu.dma_semaphore, #tpu.memory_space<semaphore_mem>>
      %dma_start3A = arith.constant 0 : i32
      %dma_start3A_66 = arith.constant 0 : i32
      %dma_start3A_67 = tpu.memref_slice %arg6[%dma_start3A, %dma_start3A_66] : memref<128x128xf32, #tpu.memory_space<vmem>> -> memref<128x128xf32, #tpu.memory_space<vmem>>
      %dma_start3A_68 = arith.constant 0 : i32
      %dma_start3A_69 = tpu.memref_slice %arg7[%add3A_41, %dma_start3A_68] : memref<10240x128xf32, #tpu.memory_space<vmem_shared>> -> memref<128x128xf32, #tpu.memory_space<vmem_shared>>
      %dma_start3A_70 = arith.constant 0 : i32
      %dma_start3A_71 = arith.constant 0 : i32
      %dma_start3A_72 = tpu.memref_slice %arg6[%dma_start3A_70, %dma_start3A_71] : memref<128x128xf32, #tpu.memory_space<vmem>> -> memref<128x128xf32, #tpu.memory_space<vmem>>
      %dma_start3A_73 = arith.constant 0 : i32
      %dma_start3A_74 = tpu.memref_slice %arg7[%add3A_41, %dma_start3A_73] : memref<10240x128xf32, #tpu.memory_space<vmem_shared>> -> memref<128x128xf32, #tpu.memory_space<vmem_shared>>
      tpu.enqueue_dma source(%dma_start3A_74 : memref<128x128xf32, #tpu.memory_space<vmem_shared>>) target(%dma_start3A_72 : memref<128x128xf32, #tpu.memory_space<vmem>>) target_semaphore(%run_scoped3A : memref<!tpu.dma_semaphore, #tpu.memory_space<semaphore_mem>>)
      %dma_wait3A = arith.constant 0 : i32
      %dma_wait3A_75 = arith.constant 0 : i32
      %dma_wait3A_76 = tpu.memref_slice %arg6[%dma_wait3A, %dma_wait3A_75] : memref<128x128xf32, #tpu.memory_space<vmem>> -> memref<128x128xf32, #tpu.memory_space<vmem>>
      %dma_wait3A_77 = arith.constant 0 : i32
      %dma_wait3A_78 = tpu.memref_slice %arg7[%add3A_41, %dma_wait3A_77] : memref<10240x128xf32, #tpu.memory_space<vmem_shared>> -> memref<128x128xf32, #tpu.memory_space<vmem_shared>>
      %dma_wait3A_79 = arith.constant 0 : i32
      %dma_wait3A_80 = arith.constant 0 : i32
      %dma_wait3A_81 = tpu.memref_slice %arg6[%dma_wait3A_79, %dma_wait3A_80] : memref<128x128xf32, #tpu.memory_space<vmem>> -> memref<128x128xf32, #tpu.memory_space<vmem>>
      %dma_wait3A_82 = arith.constant 0 : i32
      %dma_wait3A_83 = tpu.memref_slice %arg7[%add3A_41, %dma_wait3A_82] : memref<10240x128xf32, #tpu.memory_space<vmem_shared>> -> memref<128x128xf32, #tpu.memory_space<vmem_shared>>
      tpu.wait_dma2 semaphore(%run_scoped3A : memref<!tpu.dma_semaphore, #tpu.memory_space<semaphore_mem>>) src(%dma_wait3A_83 : memref<128x128xf32, #tpu.memory_space<vmem_shared>>) dst(%dma_wait3A_81 : memref<128x128xf32, #tpu.memory_space<vmem>>)
      tpu.yield
    }) : () -> ()
    %mul3A_42 = arith.constant 10240 : i32
    %mul3A_43 = arith.muli %arg0, %mul3A_42 : i32
    %add3A_44 = arith.addi %mul3A_43, %add3A_41 : i32
    "tpu.region"() ({
      %run_scoped3A = tpu.sem_alloc : memref<!tpu.dma_semaphore, #tpu.memory_space<semaphore_mem>>
      %dma_start3A = arith.constant 0 : i32
      %dma_start3A_66 = arith.constant 0 : i32
      %dma_start3A_67 = tpu.memref_slice %arg6[%dma_start3A, %dma_start3A_66] : memref<128x128xf32, #tpu.memory_space<vmem>> -> memref<128x128xf32, #tpu.memory_space<vmem>>
      %dma_start3A_68 = arith.constant 0 : i32
      %dma_start3A_69 = tpu.memref_slice %arg4[%add3A_44, %dma_start3A_68] : memref<20480x128xf32, #tpu.memory_space<hbm>> -> memref<128x128xf32, #tpu.memory_space<hbm>>
      %dma_start3A_70 = arith.constant 0 : i32
      %dma_start3A_71 = tpu.memref_slice %arg4[%add3A_44, %dma_start3A_70] : memref<20480x128xf32, #tpu.memory_space<hbm>> -> memref<128x128xf32, #tpu.memory_space<hbm>>
      %dma_start3A_72 = arith.constant 0 : i32
      %dma_start3A_73 = arith.constant 0 : i32
      %dma_start3A_74 = tpu.memref_slice %arg6[%dma_start3A_72, %dma_start3A_73] : memref<128x128xf32, #tpu.memory_space<vmem>> -> memref<128x128xf32, #tpu.memory_space<vmem>>
      tpu.enqueue_dma source(%dma_start3A_74 : memref<128x128xf32, #tpu.memory_space<vmem>>) target(%dma_start3A_71 : memref<128x128xf32, #tpu.memory_space<hbm>>) target_semaphore(%run_scoped3A : memref<!tpu.dma_semaphore, #tpu.memory_space<semaphore_mem>>)
      %dma_wait3A = arith.constant 0 : i32
      %dma_wait3A_75 = arith.constant 0 : i32
      %dma_wait3A_76 = tpu.memref_slice %arg6[%dma_wait3A, %dma_wait3A_75] : memref<128x128xf32, #tpu.memory_space<vmem>> -> memref<128x128xf32, #tpu.memory_space<vmem>>
      %dma_wait3A_77 = arith.constant 0 : i32
      %dma_wait3A_78 = tpu.memref_slice %arg4[%add3A_44, %dma_wait3A_77] : memref<20480x128xf32, #tpu.memory_space<hbm>> -> memref<128x128xf32, #tpu.memory_space<hbm>>
      %dma_wait3A_79 = arith.constant 0 : i32
      %dma_wait3A_80 = tpu.memref_slice %arg4[%add3A_44, %dma_wait3A_79] : memref<20480x128xf32, #tpu.memory_space<hbm>> -> memref<128x128xf32, #tpu.memory_space<hbm>>
      %dma_wait3A_81 = arith.constant 0 : i32
      %dma_wait3A_82 = arith.constant 0 : i32
      %dma_wait3A_83 = tpu.memref_slice %arg6[%dma_wait3A_81, %dma_wait3A_82] : memref<128x128xf32, #tpu.memory_space<vmem>> -> memref<128x128xf32, #tpu.memory_space<vmem>>
      tpu.wait_dma2 semaphore(%run_scoped3A : memref<!tpu.dma_semaphore, #tpu.memory_space<semaphore_mem>>) src(%dma_wait3A_83 : memref<128x128xf32, #tpu.memory_space<vmem>>) dst(%dma_wait3A_80 : memref<128x128xf32, #tpu.memory_space<hbm>>)
      tpu.yield
    }) : () -> ()
    %mul3A_45 = arith.constant 640 : i32
    %mul3A_46 = arith.muli %arg1, %mul3A_45 : i32
    %add3A_47 = arith.constant 256 : i32
    %add3A_48 = arith.addi %mul3A_46, %add3A_47 : i32
    "tpu.region"() ({
      %run_scoped3A = tpu.sem_alloc : memref<!tpu.dma_semaphore, #tpu.memory_space<semaphore_mem>>
      %dma_start3A = arith.constant 0 : i32
      %dma_start3A_66 = arith.constant 0 : i32
      %dma_start3A_67 = tpu.memref_slice %arg6[%dma_start3A, %dma_start3A_66] : memref<128x128xf32, #tpu.memory_space<vmem>> -> memref<128x128xf32, #tpu.memory_space<vmem>>
      %dma_start3A_68 = arith.constant 0 : i32
      %dma_start3A_69 = tpu.memref_slice %arg7[%add3A_48, %dma_start3A_68] : memref<10240x128xf32, #tpu.memory_space<vmem_shared>> -> memref<128x128xf32, #tpu.memory_space<vmem_shared>>
      %dma_start3A_70 = arith.constant 0 : i32
      %dma_start3A_71 = arith.constant 0 : i32
      %dma_start3A_72 = tpu.memref_slice %arg6[%dma_start3A_70, %dma_start3A_71] : memref<128x128xf32, #tpu.memory_space<vmem>> -> memref<128x128xf32, #tpu.memory_space<vmem>>
      %dma_start3A_73 = arith.constant 0 : i32
      %dma_start3A_74 = tpu.memref_slice %arg7[%add3A_48, %dma_start3A_73] : memref<10240x128xf32, #tpu.memory_space<vmem_shared>> -> memref<128x128xf32, #tpu.memory_space<vmem_shared>>
      tpu.enqueue_dma source(%dma_start3A_74 : memref<128x128xf32, #tpu.memory_space<vmem_shared>>) target(%dma_start3A_72 : memref<128x128xf32, #tpu.memory_space<vmem>>) target_semaphore(%run_scoped3A : memref<!tpu.dma_semaphore, #tpu.memory_space<semaphore_mem>>)
      %dma_wait3A = arith.constant 0 : i32
      %dma_wait3A_75 = arith.constant 0 : i32
      %dma_wait3A_76 = tpu.memref_slice %arg6[%dma_wait3A, %dma_wait3A_75] : memref<128x128xf32, #tpu.memory_space<vmem>> -> memref<128x128xf32, #tpu.memory_space<vmem>>
      %dma_wait3A_77 = arith.constant 0 : i32
      %dma_wait3A_78 = tpu.memref_slice %arg7[%add3A_48, %dma_wait3A_77] : memref<10240x128xf32, #tpu.memory_space<vmem_shared>> -> memref<128x128xf32, #tpu.memory_space<vmem_shared>>
      %dma_wait3A_79 = arith.constant 0 : i32
      %dma_wait3A_80 = arith.constant 0 : i32
      %dma_wait3A_81 = tpu.memref_slice %arg6[%dma_wait3A_79, %dma_wait3A_80] : memref<128x128xf32, #tpu.memory_space<vmem>> -> memref<128x128xf32, #tpu.memory_space<vmem>>
      %dma_wait3A_82 = arith.constant 0 : i32
      %dma_wait3A_83 = tpu.memref_slice %arg7[%add3A_48, %dma_wait3A_82] : memref<10240x128xf32, #tpu.memory_space<vmem_shared>> -> memref<128x128xf32, #tpu.memory_space<vmem_shared>>
      tpu.wait_dma2 semaphore(%run_scoped3A : memref<!tpu.dma_semaphore, #tpu.memory_space<semaphore_mem>>) src(%dma_wait3A_83 : memref<128x128xf32, #tpu.memory_space<vmem_shared>>) dst(%dma_wait3A_81 : memref<128x128xf32, #tpu.memory_space<vmem>>)
      tpu.yield
    }) : () -> ()
    %mul3A_49 = arith.constant 10240 : i32
    %mul3A_50 = arith.muli %arg0, %mul3A_49 : i32
    %add3A_51 = arith.addi %mul3A_50, %add3A_48 : i32
    "tpu.region"() ({
      %run_scoped3A = tpu.sem_alloc : memref<!tpu.dma_semaphore, #tpu.memory_space<semaphore_mem>>
      %dma_start3A = arith.constant 0 : i32
      %dma_start3A_66 = arith.constant 0 : i32
      %dma_start3A_67 = tpu.memref_slice %arg6[%dma_start3A, %dma_start3A_66] : memref<128x128xf32, #tpu.memory_space<vmem>> -> memref<128x128xf32, #tpu.memory_space<vmem>>
      %dma_start3A_68 = arith.constant 0 : i32
      %dma_start3A_69 = tpu.memref_slice %arg4[%add3A_51, %dma_start3A_68] : memref<20480x128xf32, #tpu.memory_space<hbm>> -> memref<128x128xf32, #tpu.memory_space<hbm>>
      %dma_start3A_70 = arith.constant 0 : i32
      %dma_start3A_71 = tpu.memref_slice %arg4[%add3A_51, %dma_start3A_70] : memref<20480x128xf32, #tpu.memory_space<hbm>> -> memref<128x128xf32, #tpu.memory_space<hbm>>
      %dma_start3A_72 = arith.constant 0 : i32
      %dma_start3A_73 = arith.constant 0 : i32
      %dma_start3A_74 = tpu.memref_slice %arg6[%dma_start3A_72, %dma_start3A_73] : memref<128x128xf32, #tpu.memory_space<vmem>> -> memref<128x128xf32, #tpu.memory_space<vmem>>
      tpu.enqueue_dma source(%dma_start3A_74 : memref<128x128xf32, #tpu.memory_space<vmem>>) target(%dma_start3A_71 : memref<128x128xf32, #tpu.memory_space<hbm>>) target_semaphore(%run_scoped3A : memref<!tpu.dma_semaphore, #tpu.memory_space<semaphore_mem>>)
      %dma_wait3A = arith.constant 0 : i32
      %dma_wait3A_75 = arith.constant 0 : i32
      %dma_wait3A_76 = tpu.memref_slice %arg6[%dma_wait3A, %dma_wait3A_75] : memref<128x128xf32, #tpu.memory_space<vmem>> -> memref<128x128xf32, #tpu.memory_space<vmem>>
      %dma_wait3A_77 = arith.constant 0 : i32
      %dma_wait3A_78 = tpu.memref_slice %arg4[%add3A_51, %dma_wait3A_77] : memref<20480x128xf32, #tpu.memory_space<hbm>> -> memref<128x128xf32, #tpu.memory_space<hbm>>
      %dma_wait3A_79 = arith.constant 0 : i32
      %dma_wait3A_80 = tpu.memref_slice %arg4[%add3A_51, %dma_wait3A_79] : memref<20480x128xf32, #tpu.memory_space<hbm>> -> memref<128x128xf32, #tpu.memory_space<hbm>>
      %dma_wait3A_81 = arith.constant 0 : i32
      %dma_wait3A_82 = arith.constant 0 : i32
      %dma_wait3A_83 = tpu.memref_slice %arg6[%dma_wait3A_81, %dma_wait3A_82] : memref<128x128xf32, #tpu.memory_space<vmem>> -> memref<128x128xf32, #tpu.memory_space<vmem>>
      tpu.wait_dma2 semaphore(%run_scoped3A : memref<!tpu.dma_semaphore, #tpu.memory_space<semaphore_mem>>) src(%dma_wait3A_83 : memref<128x128xf32, #tpu.memory_space<vmem>>) dst(%dma_wait3A_80 : memref<128x128xf32, #tpu.memory_space<hbm>>)
      tpu.yield
    }) : () -> ()
    %mul3A_52 = arith.constant 640 : i32
    %mul3A_53 = arith.muli %arg1, %mul3A_52 : i32
    %add3A_54 = arith.constant 384 : i32
    %add3A_55 = arith.addi %mul3A_53, %add3A_54 : i32
    "tpu.region"() ({
      %run_scoped3A = tpu.sem_alloc : memref<!tpu.dma_semaphore, #tpu.memory_space<semaphore_mem>>
      %dma_start3A = arith.constant 0 : i32
      %dma_start3A_66 = arith.constant 0 : i32
      %dma_start3A_67 = tpu.memref_slice %arg6[%dma_start3A, %dma_start3A_66] : memref<128x128xf32, #tpu.memory_space<vmem>> -> memref<128x128xf32, #tpu.memory_space<vmem>>
      %dma_start3A_68 = arith.constant 0 : i32
      %dma_start3A_69 = tpu.memref_slice %arg7[%add3A_55, %dma_start3A_68] : memref<10240x128xf32, #tpu.memory_space<vmem_shared>> -> memref<128x128xf32, #tpu.memory_space<vmem_shared>>
      %dma_start3A_70 = arith.constant 0 : i32
      %dma_start3A_71 = arith.constant 0 : i32
      %dma_start3A_72 = tpu.memref_slice %arg6[%dma_start3A_70, %dma_start3A_71] : memref<128x128xf32, #tpu.memory_space<vmem>> -> memref<128x128xf32, #tpu.memory_space<vmem>>
      %dma_start3A_73 = arith.constant 0 : i32
      %dma_start3A_74 = tpu.memref_slice %arg7[%add3A_55, %dma_start3A_73] : memref<10240x128xf32, #tpu.memory_space<vmem_shared>> -> memref<128x128xf32, #tpu.memory_space<vmem_shared>>
      tpu.enqueue_dma source(%dma_start3A_74 : memref<128x128xf32, #tpu.memory_space<vmem_shared>>) target(%dma_start3A_72 : memref<128x128xf32, #tpu.memory_space<vmem>>) target_semaphore(%run_scoped3A : memref<!tpu.dma_semaphore, #tpu.memory_space<semaphore_mem>>)
      %dma_wait3A = arith.constant 0 : i32
      %dma_wait3A_75 = arith.constant 0 : i32
      %dma_wait3A_76 = tpu.memref_slice %arg6[%dma_wait3A, %dma_wait3A_75] : memref<128x128xf32, #tpu.memory_space<vmem>> -> memref<128x128xf32, #tpu.memory_space<vmem>>
      %dma_wait3A_77 = arith.constant 0 : i32
      %dma_wait3A_78 = tpu.memref_slice %arg7[%add3A_55, %dma_wait3A_77] : memref<10240x128xf32, #tpu.memory_space<vmem_shared>> -> memref<128x128xf32, #tpu.memory_space<vmem_shared>>
      %dma_wait3A_79 = arith.constant 0 : i32
      %dma_wait3A_80 = arith.constant 0 : i32
      %dma_wait3A_81 = tpu.memref_slice %arg6[%dma_wait3A_79, %dma_wait3A_80] : memref<128x128xf32, #tpu.memory_space<vmem>> -> memref<128x128xf32, #tpu.memory_space<vmem>>
      %dma_wait3A_82 = arith.constant 0 : i32
      %dma_wait3A_83 = tpu.memref_slice %arg7[%add3A_55, %dma_wait3A_82] : memref<10240x128xf32, #tpu.memory_space<vmem_shared>> -> memref<128x128xf32, #tpu.memory_space<vmem_shared>>
      tpu.wait_dma2 semaphore(%run_scoped3A : memref<!tpu.dma_semaphore, #tpu.memory_space<semaphore_mem>>) src(%dma_wait3A_83 : memref<128x128xf32, #tpu.memory_space<vmem_shared>>) dst(%dma_wait3A_81 : memref<128x128xf32, #tpu.memory_space<vmem>>)
      tpu.yield
    }) : () -> ()
    %mul3A_56 = arith.constant 10240 : i32
    %mul3A_57 = arith.muli %arg0, %mul3A_56 : i32
    %add3A_58 = arith.addi %mul3A_57, %add3A_55 : i32
    "tpu.region"() ({
      %run_scoped3A = tpu.sem_alloc : memref<!tpu.dma_semaphore, #tpu.memory_space<semaphore_mem>>
      %dma_start3A = arith.constant 0 : i32
      %dma_start3A_66 = arith.constant 0 : i32
      %dma_start3A_67 = tpu.memref_slice %arg6[%dma_start3A, %dma_start3A_66] : memref<128x128xf32, #tpu.memory_space<vmem>> -> memref<128x128xf32, #tpu.memory_space<vmem>>
      %dma_start3A_68 = arith.constant 0 : i32
      %dma_start3A_69 = tpu.memref_slice %arg4[%add3A_58, %dma_start3A_68] : memref<20480x128xf32, #tpu.memory_space<hbm>> -> memref<128x128xf32, #tpu.memory_space<hbm>>
      %dma_start3A_70 = arith.constant 0 : i32
      %dma_start3A_71 = tpu.memref_slice %arg4[%add3A_58, %dma_start3A_70] : memref<20480x128xf32, #tpu.memory_space<hbm>> -> memref<128x128xf32, #tpu.memory_space<hbm>>
      %dma_start3A_72 = arith.constant 0 : i32
      %dma_start3A_73 = arith.constant 0 : i32
      %dma_start3A_74 = tpu.memref_slice %arg6[%dma_start3A_72, %dma_start3A_73] : memref<128x128xf32, #tpu.memory_space<vmem>> -> memref<128x128xf32, #tpu.memory_space<vmem>>
      tpu.enqueue_dma source(%dma_start3A_74 : memref<128x128xf32, #tpu.memory_space<vmem>>) target(%dma_start3A_71 : memref<128x128xf32, #tpu.memory_space<hbm>>) target_semaphore(%run_scoped3A : memref<!tpu.dma_semaphore, #tpu.memory_space<semaphore_mem>>)
      %dma_wait3A = arith.constant 0 : i32
      %dma_wait3A_75 = arith.constant 0 : i32
      %dma_wait3A_76 = tpu.memref_slice %arg6[%dma_wait3A, %dma_wait3A_75] : memref<128x128xf32, #tpu.memory_space<vmem>> -> memref<128x128xf32, #tpu.memory_space<vmem>>
      %dma_wait3A_77 = arith.constant 0 : i32
      %dma_wait3A_78 = tpu.memref_slice %arg4[%add3A_58, %dma_wait3A_77] : memref<20480x128xf32, #tpu.memory_space<hbm>> -> memref<128x128xf32, #tpu.memory_space<hbm>>
      %dma_wait3A_79 = arith.constant 0 : i32
      %dma_wait3A_80 = tpu.memref_slice %arg4[%add3A_58, %dma_wait3A_79] : memref<20480x128xf32, #tpu.memory_space<hbm>> -> memref<128x128xf32, #tpu.memory_space<hbm>>
      %dma_wait3A_81 = arith.constant 0 : i32
      %dma_wait3A_82 = arith.constant 0 : i32
      %dma_wait3A_83 = tpu.memref_slice %arg6[%dma_wait3A_81, %dma_wait3A_82] : memref<128x128xf32, #tpu.memory_space<vmem>> -> memref<128x128xf32, #tpu.memory_space<vmem>>
      tpu.wait_dma2 semaphore(%run_scoped3A : memref<!tpu.dma_semaphore, #tpu.memory_space<semaphore_mem>>) src(%dma_wait3A_83 : memref<128x128xf32, #tpu.memory_space<vmem>>) dst(%dma_wait3A_80 : memref<128x128xf32, #tpu.memory_space<hbm>>)
      tpu.yield
    }) : () -> ()
    %mul3A_59 = arith.constant 640 : i32
    %mul3A_60 = arith.muli %arg1, %mul3A_59 : i32
    %add3A_61 = arith.constant 512 : i32
    %add3A_62 = arith.addi %mul3A_60, %add3A_61 : i32
    "tpu.region"() ({
      %run_scoped3A = tpu.sem_alloc : memref<!tpu.dma_semaphore, #tpu.memory_space<semaphore_mem>>
      %dma_start3A = arith.constant 0 : i32
      %dma_start3A_66 = arith.constant 0 : i32
      %dma_start3A_67 = tpu.memref_slice %arg6[%dma_start3A, %dma_start3A_66] : memref<128x128xf32, #tpu.memory_space<vmem>> -> memref<128x128xf32, #tpu.memory_space<vmem>>
      %dma_start3A_68 = arith.constant 0 : i32
      %dma_start3A_69 = tpu.memref_slice %arg7[%add3A_62, %dma_start3A_68] : memref<10240x128xf32, #tpu.memory_space<vmem_shared>> -> memref<128x128xf32, #tpu.memory_space<vmem_shared>>
      %dma_start3A_70 = arith.constant 0 : i32
      %dma_start3A_71 = arith.constant 0 : i32
      %dma_start3A_72 = tpu.memref_slice %arg6[%dma_start3A_70, %dma_start3A_71] : memref<128x128xf32, #tpu.memory_space<vmem>> -> memref<128x128xf32, #tpu.memory_space<vmem>>
      %dma_start3A_73 = arith.constant 0 : i32
      %dma_start3A_74 = tpu.memref_slice %arg7[%add3A_62, %dma_start3A_73] : memref<10240x128xf32, #tpu.memory_space<vmem_shared>> -> memref<128x128xf32, #tpu.memory_space<vmem_shared>>
      tpu.enqueue_dma source(%dma_start3A_74 : memref<128x128xf32, #tpu.memory_space<vmem_shared>>) target(%dma_start3A_72 : memref<128x128xf32, #tpu.memory_space<vmem>>) target_semaphore(%run_scoped3A : memref<!tpu.dma_semaphore, #tpu.memory_space<semaphore_mem>>)
      %dma_wait3A = arith.constant 0 : i32
      %dma_wait3A_75 = arith.constant 0 : i32
      %dma_wait3A_76 = tpu.memref_slice %arg6[%dma_wait3A, %dma_wait3A_75] : memref<128x128xf32, #tpu.memory_space<vmem>> -> memref<128x128xf32, #tpu.memory_space<vmem>>
      %dma_wait3A_77 = arith.constant 0 : i32
      %dma_wait3A_78 = tpu.memref_slice %arg7[%add3A_62, %dma_wait3A_77] : memref<10240x128xf32, #tpu.memory_space<vmem_shared>> -> memref<128x128xf32, #tpu.memory_space<vmem_shared>>
      %dma_wait3A_79 = arith.constant 0 : i32
      %dma_wait3A_80 = arith.constant 0 : i32
      %dma_wait3A_81 = tpu.memref_slice %arg6[%dma_wait3A_79, %dma_wait3A_80] : memref<128x128xf32, #tpu.memory_space<vmem>> -> memref<128x128xf32, #tpu.memory_space<vmem>>
      %dma_wait3A_82 = arith.constant 0 : i32
      %dma_wait3A_83 = tpu.memref_slice %arg7[%add3A_62, %dma_wait3A_82] : memref<10240x128xf32, #tpu.memory_space<vmem_shared>> -> memref<128x128xf32, #tpu.memory_space<vmem_shared>>
      tpu.wait_dma2 semaphore(%run_scoped3A : memref<!tpu.dma_semaphore, #tpu.memory_space<semaphore_mem>>) src(%dma_wait3A_83 : memref<128x128xf32, #tpu.memory_space<vmem_shared>>) dst(%dma_wait3A_81 : memref<128x128xf32, #tpu.memory_space<vmem>>)
      tpu.yield
    }) : () -> ()
    %mul3A_63 = arith.constant 10240 : i32
    %mul3A_64 = arith.muli %arg0, %mul3A_63 : i32
    %add3A_65 = arith.addi %mul3A_64, %add3A_62 : i32
    "tpu.region"() ({
      %run_scoped3A = tpu.sem_alloc : memref<!tpu.dma_semaphore, #tpu.memory_space<semaphore_mem>>
      %dma_start3A = arith.constant 0 : i32
      %dma_start3A_66 = arith.constant 0 : i32
      %dma_start3A_67 = tpu.memref_slice %arg6[%dma_start3A, %dma_start3A_66] : memref<128x128xf32, #tpu.memory_space<vmem>> -> memref<128x128xf32, #tpu.memory_space<vmem>>
      %dma_start3A_68 = arith.constant 0 : i32
      %dma_start3A_69 = tpu.memref_slice %arg4[%add3A_65, %dma_start3A_68] : memref<20480x128xf32, #tpu.memory_space<hbm>> -> memref<128x128xf32, #tpu.memory_space<hbm>>
      %dma_start3A_70 = arith.constant 0 : i32
      %dma_start3A_71 = tpu.memref_slice %arg4[%add3A_65, %dma_start3A_70] : memref<20480x128xf32, #tpu.memory_space<hbm>> -> memref<128x128xf32, #tpu.memory_space<hbm>>
      %dma_start3A_72 = arith.constant 0 : i32
      %dma_start3A_73 = arith.constant 0 : i32
      %dma_start3A_74 = tpu.memref_slice %arg6[%dma_start3A_72, %dma_start3A_73] : memref<128x128xf32, #tpu.memory_space<vmem>> -> memref<128x128xf32, #tpu.memory_space<vmem>>
      tpu.enqueue_dma source(%dma_start3A_74 : memref<128x128xf32, #tpu.memory_space<vmem>>) target(%dma_start3A_71 : memref<128x128xf32, #tpu.memory_space<hbm>>) target_semaphore(%run_scoped3A : memref<!tpu.dma_semaphore, #tpu.memory_space<semaphore_mem>>)
      %dma_wait3A = arith.constant 0 : i32
      %dma_wait3A_75 = arith.constant 0 : i32
      %dma_wait3A_76 = tpu.memref_slice %arg6[%dma_wait3A, %dma_wait3A_75] : memref<128x128xf32, #tpu.memory_space<vmem>> -> memref<128x128xf32, #tpu.memory_space<vmem>>
      %dma_wait3A_77 = arith.constant 0 : i32
      %dma_wait3A_78 = tpu.memref_slice %arg4[%add3A_65, %dma_wait3A_77] : memref<20480x128xf32, #tpu.memory_space<hbm>> -> memref<128x128xf32, #tpu.memory_space<hbm>>
      %dma_wait3A_79 = arith.constant 0 : i32
      %dma_wait3A_80 = tpu.memref_slice %arg4[%add3A_65, %dma_wait3A_79] : memref<20480x128xf32, #tpu.memory_space<hbm>> -> memref<128x128xf32, #tpu.memory_space<hbm>>
      %dma_wait3A_81 = arith.constant 0 : i32
      %dma_wait3A_82 = arith.constant 0 : i32
      %dma_wait3A_83 = tpu.memref_slice %arg6[%dma_wait3A_81, %dma_wait3A_82] : memref<128x128xf32, #tpu.memory_space<vmem>> -> memref<128x128xf32, #tpu.memory_space<vmem>>
      tpu.wait_dma2 semaphore(%run_scoped3A : memref<!tpu.dma_semaphore, #tpu.memory_space<semaphore_mem>>) src(%dma_wait3A_83 : memref<128x128xf32, #tpu.memory_space<vmem>>) dst(%dma_wait3A_80 : memref<128x128xf32, #tpu.memory_space<hbm>>)
      tpu.yield
    }) : () -> ()
    return
  }
}

#map = affine_map<(d0, d1) -> (0, 0)>
#map1 = affine_map<(d0, d1) -> (0)>
module attributes {stable_mosaic.version = 14 : i64} {
  func.func @gather_add(%arg0: i32, %arg1: i32, %arg2: memref<10000x128xf32, #tpu.memory_space<hbm>>, %arg3: memref<10000x128xf32, #tpu.memory_space<hbm>>, %arg4: memref<160000xi32, #tpu.memory_space<hbm>>, %arg5: memref<160000xi32, #tpu.memory_space<hbm>>, %arg6: memref<160000x128xf32, #tpu.memory_space<hbm>>, %arg7: memref<128xi32, #tpu.memory_space<vmem>>, %arg8: memref<128xi32, #tpu.memory_space<vmem>>, %arg9: memref<128x128xf32, #tpu.memory_space<vmem>>, %arg10: memref<128x128xf32, #tpu.memory_space<vmem>>, %arg11: memref<!tpu.dma_semaphore, #tpu.memory_space<semaphore_mem>>, %arg12: memref<!tpu.dma_semaphore, #tpu.memory_space<semaphore_mem>>) attributes {dimension_semantics = [#tpu.dimension_semantics<core_parallel>, #tpu.dimension_semantics<subcore_parallel>], iteration_bounds = array<i64: 2, 16>, scalar_prefetch = 0 : i64, scratch_operands = 6 : i64, tpu.core_type = #tpu.core_type<sc_vector_subcore>, window_params = [{transform_indices = #map}, {transform_indices = #map}, {transform_indices = #map1}, {transform_indices = #map1}, {transform_indices = #map}]} {
    %mul3A = arith.constant 2 : i32
    %mul3A_0 = arith.muli %arg1, %mul3A : i32
    %add3A = arith.addi %mul3A_0, %arg0 : i32
    %scan3A = arith.constant 0 : i32
    %scan3A_1 = arith.constant 40 : i32
    %scan3A_2 = arith.addi %scan3A, %scan3A_1 : i32
    %scan3A_3 = arith.constant 1 : i32
    scf.for %scan3A_5 = %scan3A to %scan3A_2 step %scan3A_3  : i32 {
      %mul3A_6 = arith.constant 1 : i32
      %mul3A_7 = arith.muli %scan3A_5, %mul3A_6 : i32
      %add3A_8 = arith.constant 0 : i32
      %add3A_9 = arith.addi %add3A_8, %mul3A_7 : i32
      %mul3A_10 = arith.constant 32 : i32
      %mul3A_11 = arith.muli %add3A_9, %mul3A_10 : i32
      %add3A_12 = arith.addi %mul3A_11, %add3A : i32
      %lt3A = arith.constant 1250 : i32
      %lt3A_13 = arith.cmpi slt, %add3A_12, %lt3A : i32
      %convert_element_type3A = arith.extui %lt3A_13 : i1 to i32
      %cond3A = arith.constant 0 : i32
      %cond3A_14 = arith.cmpi ne, %convert_element_type3A, %cond3A : i32
      scf.if %cond3A_14 {
        %mul3A_15 = arith.constant 128 : i32
        %mul3A_16 = arith.muli %add3A_12, %mul3A_15 : i32
        "tpu.region"() ({
          %run_scoped3A = tpu.sem_alloc : memref<!tpu.dma_semaphore, #tpu.memory_space<semaphore_mem>>
          %dma_start3A_32 = tpu.memref_slice %arg4[%mul3A_16] : memref<160000xi32, #tpu.memory_space<hbm>> -> memref<128xi32, #tpu.memory_space<hbm>>
          %dma_start3A_33 = tpu.memref_slice %arg4[%mul3A_16] : memref<160000xi32, #tpu.memory_space<hbm>> -> memref<128xi32, #tpu.memory_space<hbm>>
          tpu.enqueue_dma source(%dma_start3A_33 : memref<128xi32, #tpu.memory_space<hbm>>) target(%arg7 : memref<128xi32, #tpu.memory_space<vmem>>) target_semaphore(%run_scoped3A : memref<!tpu.dma_semaphore, #tpu.memory_space<semaphore_mem>>)
          %dma_wait3A_34 = tpu.memref_slice %arg4[%mul3A_16] : memref<160000xi32, #tpu.memory_space<hbm>> -> memref<128xi32, #tpu.memory_space<hbm>>
          %dma_wait3A_35 = tpu.memref_slice %arg4[%mul3A_16] : memref<160000xi32, #tpu.memory_space<hbm>> -> memref<128xi32, #tpu.memory_space<hbm>>
          tpu.wait_dma2 semaphore(%run_scoped3A : memref<!tpu.dma_semaphore, #tpu.memory_space<semaphore_mem>>) src(%dma_wait3A_35 : memref<128xi32, #tpu.memory_space<hbm>>) dst(%arg7 : memref<128xi32, #tpu.memory_space<vmem>>)
          tpu.yield
        }) : () -> ()
        "tpu.region"() ({
          %run_scoped3A = tpu.sem_alloc : memref<!tpu.dma_semaphore, #tpu.memory_space<semaphore_mem>>
          %dma_start3A_32 = tpu.memref_slice %arg5[%mul3A_16] : memref<160000xi32, #tpu.memory_space<hbm>> -> memref<128xi32, #tpu.memory_space<hbm>>
          %dma_start3A_33 = tpu.memref_slice %arg5[%mul3A_16] : memref<160000xi32, #tpu.memory_space<hbm>> -> memref<128xi32, #tpu.memory_space<hbm>>
          tpu.enqueue_dma source(%dma_start3A_33 : memref<128xi32, #tpu.memory_space<hbm>>) target(%arg8 : memref<128xi32, #tpu.memory_space<vmem>>) target_semaphore(%run_scoped3A : memref<!tpu.dma_semaphore, #tpu.memory_space<semaphore_mem>>)
          %dma_wait3A_34 = tpu.memref_slice %arg5[%mul3A_16] : memref<160000xi32, #tpu.memory_space<hbm>> -> memref<128xi32, #tpu.memory_space<hbm>>
          %dma_wait3A_35 = tpu.memref_slice %arg5[%mul3A_16] : memref<160000xi32, #tpu.memory_space<hbm>> -> memref<128xi32, #tpu.memory_space<hbm>>
          tpu.wait_dma2 semaphore(%run_scoped3A : memref<!tpu.dma_semaphore, #tpu.memory_space<semaphore_mem>>) src(%dma_wait3A_35 : memref<128xi32, #tpu.memory_space<hbm>>) dst(%arg8 : memref<128xi32, #tpu.memory_space<vmem>>)
          tpu.yield
        }) : () -> ()
        %dma_start3A = arith.constant 0 : i32
        %dma_start3A_17 = arith.constant 0 : i32
        %dma_start3A_18 = tpu.memref_slice %arg2[%dma_start3A, %dma_start3A_17] : memref<10000x128xf32, #tpu.memory_space<hbm>> -> memref<10000x128xf32, #tpu.memory_space<hbm>>
        tpu.enqueue_indirect_dma source(%dma_start3A_18 : memref<10000x128xf32, #tpu.memory_space<hbm>>) target(%arg9 : memref<128x128xf32, #tpu.memory_space<vmem>>) offsets(%arg7 : memref<128xi32, #tpu.memory_space<vmem>>) semaphore(%arg11 : memref<!tpu.dma_semaphore, #tpu.memory_space<semaphore_mem>>)
        %dma_start3A_19 = arith.constant 0 : i32
        %dma_start3A_20 = arith.constant 0 : i32
        %dma_start3A_21 = tpu.memref_slice %arg3[%dma_start3A_19, %dma_start3A_20] : memref<10000x128xf32, #tpu.memory_space<hbm>> -> memref<10000x128xf32, #tpu.memory_space<hbm>>
        tpu.enqueue_indirect_dma source(%dma_start3A_21 : memref<10000x128xf32, #tpu.memory_space<hbm>>) target(%arg10 : memref<128x128xf32, #tpu.memory_space<vmem>>) offsets(%arg8 : memref<128xi32, #tpu.memory_space<vmem>>) semaphore(%arg12 : memref<!tpu.dma_semaphore, #tpu.memory_space<semaphore_mem>>)
        %dma_wait3A = arith.constant 0 : i32
        %dma_wait3A_22 = arith.constant 0 : i32
        %dma_wait3A_23 = tpu.memref_slice %arg2[%dma_wait3A, %dma_wait3A_22] : memref<10000x128xf32, #tpu.memory_space<hbm>> -> memref<10000x128xf32, #tpu.memory_space<hbm>>
        tpu.wait_indirect_dma semaphore(%arg11 : memref<!tpu.dma_semaphore, #tpu.memory_space<semaphore_mem>>) src(%dma_wait3A_23 : memref<10000x128xf32, #tpu.memory_space<hbm>>) dst(%arg9 : memref<128x128xf32, #tpu.memory_space<vmem>>)
        %dma_wait3A_24 = arith.constant 0 : i32
        %dma_wait3A_25 = arith.constant 0 : i32
        %dma_wait3A_26 = tpu.memref_slice %arg3[%dma_wait3A_24, %dma_wait3A_25] : memref<10000x128xf32, #tpu.memory_space<hbm>> -> memref<10000x128xf32, #tpu.memory_space<hbm>>
        tpu.wait_indirect_dma semaphore(%arg12 : memref<!tpu.dma_semaphore, #tpu.memory_space<semaphore_mem>>) src(%dma_wait3A_26 : memref<10000x128xf32, #tpu.memory_space<hbm>>) dst(%arg10 : memref<128x128xf32, #tpu.memory_space<vmem>>)
        %scan3A_27 = arith.constant 0 : i32
        %scan3A_28 = arith.constant 128 : i32
        %scan3A_29 = arith.addi %scan3A_27, %scan3A_28 : i32
        %scan3A_30 = arith.constant 1 : i32
        scf.for %scan3A_32 = %scan3A_27 to %scan3A_29 step %scan3A_30  : i32 {
          %mul3A_33 = arith.constant 1 : i32
          %mul3A_34 = arith.muli %scan3A_32, %mul3A_33 : i32
          %add3A_35 = arith.constant 0 : i32
          %add3A_36 = arith.addi %add3A_35, %mul3A_34 : i32
          %get3A = arith.index_cast %add3A_36 : i32 to index
          %get3A_37 = arith.constant 0 : index
          %get3A_38 = tpu.vector_load %arg9[%get3A, %get3A_37] {strides = array<i32>} : memref<128x128xf32, #tpu.memory_space<vmem>>, vector<1x16xf32>,
          %get3A_39 = vector.shape_cast %get3A_38 : vector<1x16xf32> to vector<16xf32>
          %get3A_40 = arith.index_cast %add3A_36 : i32 to index
          %get3A_41 = arith.constant 0 : index
          %get3A_42 = tpu.vector_load %arg10[%get3A_40, %get3A_41] {strides = array<i32>} : memref<128x128xf32, #tpu.memory_space<vmem>>, vector<1x16xf32>,
          %get3A_43 = vector.shape_cast %get3A_42 : vector<1x16xf32> to vector<16xf32>
          %add3A_44 = arith.addf %get3A_39, %get3A_43 : vector<16xf32>
          %swap3A = arith.index_cast %add3A_36 : i32 to index
          %swap3A_45 = arith.constant 0 : index
          %swap3A_46 = tpu.vector_load %arg9[%swap3A, %swap3A_45] {strides = array<i32>} : memref<128x128xf32, #tpu.memory_space<vmem>>, vector<1x16xf32>,
          %swap3A_47 = vector.shape_cast %swap3A_46 : vector<1x16xf32> to vector<16xf32>
          %swap3A_48 = vector.shape_cast %add3A_44 : vector<16xf32> to vector<1x16xf32>
          tpu.vector_store %arg9[%swap3A, %swap3A_45], %swap3A_48 {strides = array<i32>} : memref<128x128xf32, #tpu.memory_space<vmem>>, vector<1x16xf32>,
          %get3A_49 = arith.index_cast %add3A_36 : i32 to index
          %get3A_50 = arith.constant 16 : index
          %get3A_51 = tpu.vector_load %arg9[%get3A_49, %get3A_50] {strides = array<i32>} : memref<128x128xf32, #tpu.memory_space<vmem>>, vector<1x16xf32>,
          %get3A_52 = vector.shape_cast %get3A_51 : vector<1x16xf32> to vector<16xf32>
          %get3A_53 = arith.index_cast %add3A_36 : i32 to index
          %get3A_54 = arith.constant 16 : index
          %get3A_55 = tpu.vector_load %arg10[%get3A_53, %get3A_54] {strides = array<i32>} : memref<128x128xf32, #tpu.memory_space<vmem>>, vector<1x16xf32>,
          %get3A_56 = vector.shape_cast %get3A_55 : vector<1x16xf32> to vector<16xf32>
          %add3A_57 = arith.addf %get3A_52, %get3A_56 : vector<16xf32>
          %swap3A_58 = arith.index_cast %add3A_36 : i32 to index
          %swap3A_59 = arith.constant 16 : index
          %swap3A_60 = tpu.vector_load %arg9[%swap3A_58, %swap3A_59] {strides = array<i32>} : memref<128x128xf32, #tpu.memory_space<vmem>>, vector<1x16xf32>,
          %swap3A_61 = vector.shape_cast %swap3A_60 : vector<1x16xf32> to vector<16xf32>
          %swap3A_62 = vector.shape_cast %add3A_57 : vector<16xf32> to vector<1x16xf32>
          tpu.vector_store %arg9[%swap3A_58, %swap3A_59], %swap3A_62 {strides = array<i32>} : memref<128x128xf32, #tpu.memory_space<vmem>>, vector<1x16xf32>,
          %get3A_63 = arith.index_cast %add3A_36 : i32 to index
          %get3A_64 = arith.constant 32 : index
          %get3A_65 = tpu.vector_load %arg9[%get3A_63, %get3A_64] {strides = array<i32>} : memref<128x128xf32, #tpu.memory_space<vmem>>, vector<1x16xf32>,
          %get3A_66 = vector.shape_cast %get3A_65 : vector<1x16xf32> to vector<16xf32>
          %get3A_67 = arith.index_cast %add3A_36 : i32 to index
          %get3A_68 = arith.constant 32 : index
          %get3A_69 = tpu.vector_load %arg10[%get3A_67, %get3A_68] {strides = array<i32>} : memref<128x128xf32, #tpu.memory_space<vmem>>, vector<1x16xf32>,
          %get3A_70 = vector.shape_cast %get3A_69 : vector<1x16xf32> to vector<16xf32>
          %add3A_71 = arith.addf %get3A_66, %get3A_70 : vector<16xf32>
          %swap3A_72 = arith.index_cast %add3A_36 : i32 to index
          %swap3A_73 = arith.constant 32 : index
          %swap3A_74 = tpu.vector_load %arg9[%swap3A_72, %swap3A_73] {strides = array<i32>} : memref<128x128xf32, #tpu.memory_space<vmem>>, vector<1x16xf32>,
          %swap3A_75 = vector.shape_cast %swap3A_74 : vector<1x16xf32> to vector<16xf32>
          %swap3A_76 = vector.shape_cast %add3A_71 : vector<16xf32> to vector<1x16xf32>
          tpu.vector_store %arg9[%swap3A_72, %swap3A_73], %swap3A_76 {strides = array<i32>} : memref<128x128xf32, #tpu.memory_space<vmem>>, vector<1x16xf32>,
          %get3A_77 = arith.index_cast %add3A_36 : i32 to index
          %get3A_78 = arith.constant 48 : index
          %get3A_79 = tpu.vector_load %arg9[%get3A_77, %get3A_78] {strides = array<i32>} : memref<128x128xf32, #tpu.memory_space<vmem>>, vector<1x16xf32>,
          %get3A_80 = vector.shape_cast %get3A_79 : vector<1x16xf32> to vector<16xf32>
          %get3A_81 = arith.index_cast %add3A_36 : i32 to index
          %get3A_82 = arith.constant 48 : index
          %get3A_83 = tpu.vector_load %arg10[%get3A_81, %get3A_82] {strides = array<i32>} : memref<128x128xf32, #tpu.memory_space<vmem>>, vector<1x16xf32>,
          %get3A_84 = vector.shape_cast %get3A_83 : vector<1x16xf32> to vector<16xf32>
          %add3A_85 = arith.addf %get3A_80, %get3A_84 : vector<16xf32>
          %swap3A_86 = arith.index_cast %add3A_36 : i32 to index
          %swap3A_87 = arith.constant 48 : index
          %swap3A_88 = tpu.vector_load %arg9[%swap3A_86, %swap3A_87] {strides = array<i32>} : memref<128x128xf32, #tpu.memory_space<vmem>>, vector<1x16xf32>,
          %swap3A_89 = vector.shape_cast %swap3A_88 : vector<1x16xf32> to vector<16xf32>
          %swap3A_90 = vector.shape_cast %add3A_85 : vector<16xf32> to vector<1x16xf32>
          tpu.vector_store %arg9[%swap3A_86, %swap3A_87], %swap3A_90 {strides = array<i32>} : memref<128x128xf32, #tpu.memory_space<vmem>>, vector<1x16xf32>,
          %get3A_91 = arith.index_cast %add3A_36 : i32 to index
          %get3A_92 = arith.constant 64 : index
          %get3A_93 = tpu.vector_load %arg9[%get3A_91, %get3A_92] {strides = array<i32>} : memref<128x128xf32, #tpu.memory_space<vmem>>, vector<1x16xf32>,
          %get3A_94 = vector.shape_cast %get3A_93 : vector<1x16xf32> to vector<16xf32>
          %get3A_95 = arith.index_cast %add3A_36 : i32 to index
          %get3A_96 = arith.constant 64 : index
          %get3A_97 = tpu.vector_load %arg10[%get3A_95, %get3A_96] {strides = array<i32>} : memref<128x128xf32, #tpu.memory_space<vmem>>, vector<1x16xf32>,
          %get3A_98 = vector.shape_cast %get3A_97 : vector<1x16xf32> to vector<16xf32>
          %add3A_99 = arith.addf %get3A_94, %get3A_98 : vector<16xf32>
          %swap3A_100 = arith.index_cast %add3A_36 : i32 to index
          %swap3A_101 = arith.constant 64 : index
          %swap3A_102 = tpu.vector_load %arg9[%swap3A_100, %swap3A_101] {strides = array<i32>} : memref<128x128xf32, #tpu.memory_space<vmem>>, vector<1x16xf32>,
          %swap3A_103 = vector.shape_cast %swap3A_102 : vector<1x16xf32> to vector<16xf32>
          %swap3A_104 = vector.shape_cast %add3A_99 : vector<16xf32> to vector<1x16xf32>
          tpu.vector_store %arg9[%swap3A_100, %swap3A_101], %swap3A_104 {strides = array<i32>} : memref<128x128xf32, #tpu.memory_space<vmem>>, vector<1x16xf32>,
          %get3A_105 = arith.index_cast %add3A_36 : i32 to index
          %get3A_106 = arith.constant 80 : index
          %get3A_107 = tpu.vector_load %arg9[%get3A_105, %get3A_106] {strides = array<i32>} : memref<128x128xf32, #tpu.memory_space<vmem>>, vector<1x16xf32>,
          %get3A_108 = vector.shape_cast %get3A_107 : vector<1x16xf32> to vector<16xf32>
          %get3A_109 = arith.index_cast %add3A_36 : i32 to index
          %get3A_110 = arith.constant 80 : index
          %get3A_111 = tpu.vector_load %arg10[%get3A_109, %get3A_110] {strides = array<i32>} : memref<128x128xf32, #tpu.memory_space<vmem>>, vector<1x16xf32>,
          %get3A_112 = vector.shape_cast %get3A_111 : vector<1x16xf32> to vector<16xf32>
          %add3A_113 = arith.addf %get3A_108, %get3A_112 : vector<16xf32>
          %swap3A_114 = arith.index_cast %add3A_36 : i32 to index
          %swap3A_115 = arith.constant 80 : index
          %swap3A_116 = tpu.vector_load %arg9[%swap3A_114, %swap3A_115] {strides = array<i32>} : memref<128x128xf32, #tpu.memory_space<vmem>>, vector<1x16xf32>,
          %swap3A_117 = vector.shape_cast %swap3A_116 : vector<1x16xf32> to vector<16xf32>
          %swap3A_118 = vector.shape_cast %add3A_113 : vector<16xf32> to vector<1x16xf32>
          tpu.vector_store %arg9[%swap3A_114, %swap3A_115], %swap3A_118 {strides = array<i32>} : memref<128x128xf32, #tpu.memory_space<vmem>>, vector<1x16xf32>,
          %get3A_119 = arith.index_cast %add3A_36 : i32 to index
          %get3A_120 = arith.constant 96 : index
          %get3A_121 = tpu.vector_load %arg9[%get3A_119, %get3A_120] {strides = array<i32>} : memref<128x128xf32, #tpu.memory_space<vmem>>, vector<1x16xf32>,
          %get3A_122 = vector.shape_cast %get3A_121 : vector<1x16xf32> to vector<16xf32>
          %get3A_123 = arith.index_cast %add3A_36 : i32 to index
          %get3A_124 = arith.constant 96 : index
          %get3A_125 = tpu.vector_load %arg10[%get3A_123, %get3A_124] {strides = array<i32>} : memref<128x128xf32, #tpu.memory_space<vmem>>, vector<1x16xf32>,
          %get3A_126 = vector.shape_cast %get3A_125 : vector<1x16xf32> to vector<16xf32>
          %add3A_127 = arith.addf %get3A_122, %get3A_126 : vector<16xf32>
          %swap3A_128 = arith.index_cast %add3A_36 : i32 to index
          %swap3A_129 = arith.constant 96 : index
          %swap3A_130 = tpu.vector_load %arg9[%swap3A_128, %swap3A_129] {strides = array<i32>} : memref<128x128xf32, #tpu.memory_space<vmem>>, vector<1x16xf32>,
          %swap3A_131 = vector.shape_cast %swap3A_130 : vector<1x16xf32> to vector<16xf32>
          %swap3A_132 = vector.shape_cast %add3A_127 : vector<16xf32> to vector<1x16xf32>
          tpu.vector_store %arg9[%swap3A_128, %swap3A_129], %swap3A_132 {strides = array<i32>} : memref<128x128xf32, #tpu.memory_space<vmem>>, vector<1x16xf32>,
          %get3A_133 = arith.index_cast %add3A_36 : i32 to index
          %get3A_134 = arith.constant 112 : index
          %get3A_135 = tpu.vector_load %arg9[%get3A_133, %get3A_134] {strides = array<i32>} : memref<128x128xf32, #tpu.memory_space<vmem>>, vector<1x16xf32>,
          %get3A_136 = vector.shape_cast %get3A_135 : vector<1x16xf32> to vector<16xf32>
          %get3A_137 = arith.index_cast %add3A_36 : i32 to index
          %get3A_138 = arith.constant 112 : index
          %get3A_139 = tpu.vector_load %arg10[%get3A_137, %get3A_138] {strides = array<i32>} : memref<128x128xf32, #tpu.memory_space<vmem>>, vector<1x16xf32>,
          %get3A_140 = vector.shape_cast %get3A_139 : vector<1x16xf32> to vector<16xf32>
          %add3A_141 = arith.addf %get3A_136, %get3A_140 : vector<16xf32>
          %swap3A_142 = arith.index_cast %add3A_36 : i32 to index
          %swap3A_143 = arith.constant 112 : index
          %swap3A_144 = tpu.vector_load %arg9[%swap3A_142, %swap3A_143] {strides = array<i32>} : memref<128x128xf32, #tpu.memory_space<vmem>>, vector<1x16xf32>,
          %swap3A_145 = vector.shape_cast %swap3A_144 : vector<1x16xf32> to vector<16xf32>
          %swap3A_146 = vector.shape_cast %add3A_141 : vector<16xf32> to vector<1x16xf32>
          tpu.vector_store %arg9[%swap3A_142, %swap3A_143], %swap3A_146 {strides = array<i32>} : memref<128x128xf32, #tpu.memory_space<vmem>>, vector<1x16xf32>,
        }
        %scan3A_31 = arith.constant 128 : i32
        "tpu.region"() ({
          %run_scoped3A = tpu.sem_alloc : memref<!tpu.dma_semaphore, #tpu.memory_space<semaphore_mem>>
          %dma_start3A_32 = arith.constant 0 : i32
          %dma_start3A_33 = tpu.memref_slice %arg6[%mul3A_16, %dma_start3A_32] : memref<160000x128xf32, #tpu.memory_space<hbm>> -> memref<128x128xf32, #tpu.memory_space<hbm>>
          %dma_start3A_34 = arith.constant 0 : i32
          %dma_start3A_35 = tpu.memref_slice %arg6[%mul3A_16, %dma_start3A_34] : memref<160000x128xf32, #tpu.memory_space<hbm>> -> memref<128x128xf32, #tpu.memory_space<hbm>>
          tpu.enqueue_dma source(%arg9 : memref<128x128xf32, #tpu.memory_space<vmem>>) target(%dma_start3A_35 : memref<128x128xf32, #tpu.memory_space<hbm>>) target_semaphore(%run_scoped3A : memref<!tpu.dma_semaphore, #tpu.memory_space<semaphore_mem>>)
          %dma_wait3A_36 = arith.constant 0 : i32
          %dma_wait3A_37 = tpu.memref_slice %arg6[%mul3A_16, %dma_wait3A_36] : memref<160000x128xf32, #tpu.memory_space<hbm>> -> memref<128x128xf32, #tpu.memory_space<hbm>>
          %dma_wait3A_38 = arith.constant 0 : i32
          %dma_wait3A_39 = tpu.memref_slice %arg6[%mul3A_16, %dma_wait3A_38] : memref<160000x128xf32, #tpu.memory_space<hbm>> -> memref<128x128xf32, #tpu.memory_space<hbm>>
          tpu.wait_dma2 semaphore(%run_scoped3A : memref<!tpu.dma_semaphore, #tpu.memory_space<semaphore_mem>>) src(%arg9 : memref<128x128xf32, #tpu.memory_space<vmem>>) dst(%dma_wait3A_39 : memref<128x128xf32, #tpu.memory_space<hbm>>)
          tpu.yield
        }) : () -> ()
      } else {
      }
    }
    %scan3A_4 = arith.constant 40 : i32
    return
  }
}

#map = affine_map<(d0, d1) -> (0, 0)>
#map1 = affine_map<(d0, d1) -> (0)>
module attributes {stable_mosaic.version = 14 : i64} {
  func.func @scatter_add(%arg0: i32, %arg1: i32, %arg2: memref<160000x128xf32, #tpu.memory_space<hbm>>, %arg3: memref<160000xi32, #tpu.memory_space<hbm>>, %arg4: memref<20480x128xf32, #tpu.memory_space<hbm>>, %arg5: memref<128xi32, #tpu.memory_space<vmem>>, %arg6: memref<128x128xf32, #tpu.memory_space<vmem>>, %arg7: memref<10240x128xf32, #tpu.memory_space<vmem_shared>>) attributes {dimension_semantics = [#tpu.dimension_semantics<core_parallel>, #tpu.dimension_semantics<subcore_parallel>], iteration_bounds = array<i64: 2, 16>, scalar_prefetch = 0 : i64, scratch_operands = 3 : i64, tpu.core_type = #tpu.core_type<sc_vector_subcore>, window_params = [{transform_indices = #map}, {transform_indices = #map1}, {transform_indices = #map}]} {
    %mul3A = arith.constant 2 : i32
    %mul3A_0 = arith.muli %arg1, %mul3A : i32
    %add3A = arith.addi %mul3A_0, %arg0 : i32
    %scan3A = arith.constant 0 : i32
    %scan3A_1 = arith.constant 128 : i32
    %scan3A_2 = arith.addi %scan3A, %scan3A_1 : i32
    %scan3A_3 = arith.constant 1 : i32
    scf.for %scan3A_66 = %scan3A to %scan3A_2 step %scan3A_3  : i32 {
      %mul3A_67 = arith.constant 1 : i32
      %mul3A_68 = arith.muli %scan3A_66, %mul3A_67 : i32
      %add3A_69 = arith.constant 0 : i32
      %add3A_70 = arith.addi %add3A_69, %mul3A_68 : i32
      %broadcast_in_dim3A = arith.constant 0.000000e+00 : f32
      %broadcast_in_dim3A_71 = vector.broadcast %broadcast_in_dim3A : f32 to vector<16xf32>
      %swap3A = arith.index_cast %add3A_70 : i32 to index
      %swap3A_72 = arith.constant 0 : index
      %swap3A_73 = tpu.vector_load %arg6[%swap3A, %swap3A_72] {strides = array<i32>} : memref<128x128xf32, #tpu.memory_space<vmem>>, vector<1x16xf32>,
      %swap3A_74 = vector.shape_cast %swap3A_73 : vector<1x16xf32> to vector<16xf32>
      %swap3A_75 = vector.shape_cast %broadcast_in_dim3A_71 : vector<16xf32> to vector<1x16xf32>
      tpu.vector_store %arg6[%swap3A, %swap3A_72], %swap3A_75 {strides = array<i32>} : memref<128x128xf32, #tpu.memory_space<vmem>>, vector<1x16xf32>,
      %broadcast_in_dim3A_76 = arith.constant 0.000000e+00 : f32
      %broadcast_in_dim3A_77 = vector.broadcast %broadcast_in_dim3A_76 : f32 to vector<16xf32>
      %swap3A_78 = arith.index_cast %add3A_70 : i32 to index
      %swap3A_79 = arith.constant 16 : index
      %swap3A_80 = tpu.vector_load %arg6[%swap3A_78, %swap3A_79] {strides = array<i32>} : memref<128x128xf32, #tpu.memory_space<vmem>>, vector<1x16xf32>,
      %swap3A_81 = vector.shape_cast %swap3A_80 : vector<1x16xf32> to vector<16xf32>
      %swap3A_82 = vector.shape_cast %broadcast_in_dim3A_77 : vector<16xf32> to vector<1x16xf32>
      tpu.vector_store %arg6[%swap3A_78, %swap3A_79], %swap3A_82 {strides = array<i32>} : memref<128x128xf32, #tpu.memory_space<vmem>>, vector<1x16xf32>,
      %broadcast_in_dim3A_83 = arith.constant 0.000000e+00 : f32
      %broadcast_in_dim3A_84 = vector.broadcast %broadcast_in_dim3A_83 : f32 to vector<16xf32>
      %swap3A_85 = arith.index_cast %add3A_70 : i32 to index
      %swap3A_86 = arith.constant 32 : index
      %swap3A_87 = tpu.vector_load %arg6[%swap3A_85, %swap3A_86] {strides = array<i32>} : memref<128x128xf32, #tpu.memory_space<vmem>>, vector<1x16xf32>,
      %swap3A_88 = vector.shape_cast %swap3A_87 : vector<1x16xf32> to vector<16xf32>
      %swap3A_89 = vector.shape_cast %broadcast_in_dim3A_84 : vector<16xf32> to vector<1x16xf32>
      tpu.vector_store %arg6[%swap3A_85, %swap3A_86], %swap3A_89 {strides = array<i32>} : memref<128x128xf32, #tpu.memory_space<vmem>>, vector<1x16xf32>,
      %broadcast_in_dim3A_90 = arith.constant 0.000000e+00 : f32
      %broadcast_in_dim3A_91 = vector.broadcast %broadcast_in_dim3A_90 : f32 to vector<16xf32>
      %swap3A_92 = arith.index_cast %add3A_70 : i32 to index
      %swap3A_93 = arith.constant 48 : index
      %swap3A_94 = tpu.vector_load %arg6[%swap3A_92, %swap3A_93] {strides = array<i32>} : memref<128x128xf32, #tpu.memory_space<vmem>>, vector<1x16xf32>,
      %swap3A_95 = vector.shape_cast %swap3A_94 : vector<1x16xf32> to vector<16xf32>
      %swap3A_96 = vector.shape_cast %broadcast_in_dim3A_91 : vector<16xf32> to vector<1x16xf32>
      tpu.vector_store %arg6[%swap3A_92, %swap3A_93], %swap3A_96 {strides = array<i32>} : memref<128x128xf32, #tpu.memory_space<vmem>>, vector<1x16xf32>,
      %broadcast_in_dim3A_97 = arith.constant 0.000000e+00 : f32
      %broadcast_in_dim3A_98 = vector.broadcast %broadcast_in_dim3A_97 : f32 to vector<16xf32>
      %swap3A_99 = arith.index_cast %add3A_70 : i32 to index
      %swap3A_100 = arith.constant 64 : index
      %swap3A_101 = tpu.vector_load %arg6[%swap3A_99, %swap3A_100] {strides = array<i32>} : memref<128x128xf32, #tpu.memory_space<vmem>>, vector<1x16xf32>,
      %swap3A_102 = vector.shape_cast %swap3A_101 : vector<1x16xf32> to vector<16xf32>
      %swap3A_103 = vector.shape_cast %broadcast_in_dim3A_98 : vector<16xf32> to vector<1x16xf32>
      tpu.vector_store %arg6[%swap3A_99, %swap3A_100], %swap3A_103 {strides = array<i32>} : memref<128x128xf32, #tpu.memory_space<vmem>>, vector<1x16xf32>,
      %broadcast_in_dim3A_104 = arith.constant 0.000000e+00 : f32
      %broadcast_in_dim3A_105 = vector.broadcast %broadcast_in_dim3A_104 : f32 to vector<16xf32>
      %swap3A_106 = arith.index_cast %add3A_70 : i32 to index
      %swap3A_107 = arith.constant 80 : index
      %swap3A_108 = tpu.vector_load %arg6[%swap3A_106, %swap3A_107] {strides = array<i32>} : memref<128x128xf32, #tpu.memory_space<vmem>>, vector<1x16xf32>,
      %swap3A_109 = vector.shape_cast %swap3A_108 : vector<1x16xf32> to vector<16xf32>
      %swap3A_110 = vector.shape_cast %broadcast_in_dim3A_105 : vector<16xf32> to vector<1x16xf32>
      tpu.vector_store %arg6[%swap3A_106, %swap3A_107], %swap3A_110 {strides = array<i32>} : memref<128x128xf32, #tpu.memory_space<vmem>>, vector<1x16xf32>,
      %broadcast_in_dim3A_111 = arith.constant 0.000000e+00 : f32
      %broadcast_in_dim3A_112 = vector.broadcast %broadcast_in_dim3A_111 : f32 to vector<16xf32>
      %swap3A_113 = arith.index_cast %add3A_70 : i32 to index
      %swap3A_114 = arith.constant 96 : index
      %swap3A_115 = tpu.vector_load %arg6[%swap3A_113, %swap3A_114] {strides = array<i32>} : memref<128x128xf32, #tpu.memory_space<vmem>>, vector<1x16xf32>,
      %swap3A_116 = vector.shape_cast %swap3A_115 : vector<1x16xf32> to vector<16xf32>
      %swap3A_117 = vector.shape_cast %broadcast_in_dim3A_112 : vector<16xf32> to vector<1x16xf32>
      tpu.vector_store %arg6[%swap3A_113, %swap3A_114], %swap3A_117 {strides = array<i32>} : memref<128x128xf32, #tpu.memory_space<vmem>>, vector<1x16xf32>,
      %broadcast_in_dim3A_118 = arith.constant 0.000000e+00 : f32
      %broadcast_in_dim3A_119 = vector.broadcast %broadcast_in_dim3A_118 : f32 to vector<16xf32>
      %swap3A_120 = arith.index_cast %add3A_70 : i32 to index
      %swap3A_121 = arith.constant 112 : index
      %swap3A_122 = tpu.vector_load %arg6[%swap3A_120, %swap3A_121] {strides = array<i32>} : memref<128x128xf32, #tpu.memory_space<vmem>>, vector<1x16xf32>,
      %swap3A_123 = vector.shape_cast %swap3A_122 : vector<1x16xf32> to vector<16xf32>
      %swap3A_124 = vector.shape_cast %broadcast_in_dim3A_119 : vector<16xf32> to vector<1x16xf32>
      tpu.vector_store %arg6[%swap3A_120, %swap3A_121], %swap3A_124 {strides = array<i32>} : memref<128x128xf32, #tpu.memory_space<vmem>>, vector<1x16xf32>,
    }
    %scan3A_4 = arith.constant 128 : i32
    %mul3A_5 = arith.constant 640 : i32
    %mul3A_6 = arith.muli %arg1, %mul3A_5 : i32
    %add3A_7 = arith.constant 0 : i32
    %add3A_8 = arith.addi %mul3A_6, %add3A_7 : i32
    "tpu.region"() ({
      %run_scoped3A = tpu.sem_alloc : memref<!tpu.dma_semaphore, #tpu.memory_space<semaphore_mem>>
      %dma_start3A = arith.constant 0 : i32
      %dma_start3A_66 = arith.constant 0 : i32
      %dma_start3A_67 = tpu.memref_slice %arg6[%dma_start3A, %dma_start3A_66] : memref<128x128xf32, #tpu.memory_space<vmem>> -> memref<128x128xf32, #tpu.memory_space<vmem>>
      %dma_start3A_68 = arith.constant 0 : i32
      %dma_start3A_69 = tpu.memref_slice %arg7[%add3A_8, %dma_start3A_68] : memref<10240x128xf32, #tpu.memory_space<vmem_shared>> -> memref<128x128xf32, #tpu.memory_space<vmem_shared>>
      %dma_start3A_70 = arith.constant 0 : i32
      %dma_start3A_71 = tpu.memref_slice %arg7[%add3A_8, %dma_start3A_70] : memref<10240x128xf32, #tpu.memory_space<vmem_shared>> -> memref<128x128xf32, #tpu.memory_space<vmem_shared>>
      %dma_start3A_72 = arith.constant 0 : i32
      %dma_start3A_73 = arith.constant 0 : i32
      %dma_start3A_74 = tpu.memref_slice %arg6[%dma_start3A_72, %dma_start3A_73] : memref<128x128xf32, #tpu.memory_space<vmem>> -> memref<128x128xf32, #tpu.memory_space<vmem>>
      tpu.enqueue_dma source(%dma_start3A_74 : memref<128x128xf32, #tpu.memory_space<vmem>>) target(%dma_start3A_71 : memref<128x128xf32, #tpu.memory_space<vmem_shared>>) target_semaphore(%run_scoped3A : memref<!tpu.dma_semaphore, #tpu.memory_space<semaphore_mem>>)
      %dma_wait3A = arith.constant 0 : i32
      %dma_wait3A_75 = arith.constant 0 : i32
      %dma_wait3A_76 = tpu.memref_slice %arg6[%dma_wait3A, %dma_wait3A_75] : memref<128x128xf32, #tpu.memory_space<vmem>> -> memref<128x128xf32, #tpu.memory_space<vmem>>
      %dma_wait3A_77 = arith.constant 0 : i32
      %dma_wait3A_78 = tpu.memref_slice %arg7[%add3A_8, %dma_wait3A_77] : memref<10240x128xf32, #tpu.memory_space<vmem_shared>> -> memref<128x128xf32, #tpu.memory_space<vmem_shared>>
      %dma_wait3A_79 = arith.constant 0 : i32
      %dma_wait3A_80 = tpu.memref_slice %arg7[%add3A_8, %dma_wait3A_79] : memref<10240x128xf32, #tpu.memory_space<vmem_shared>> -> memref<128x128xf32, #tpu.memory_space<vmem_shared>>
      %dma_wait3A_81 = arith.constant 0 : i32
      %dma_wait3A_82 = arith.constant 0 : i32
      %dma_wait3A_83 = tpu.memref_slice %arg6[%dma_wait3A_81, %dma_wait3A_82] : memref<128x128xf32, #tpu.memory_space<vmem>> -> memref<128x128xf32, #tpu.memory_space<vmem>>
      tpu.wait_dma2 semaphore(%run_scoped3A : memref<!tpu.dma_semaphore, #tpu.memory_space<semaphore_mem>>) src(%dma_wait3A_83 : memref<128x128xf32, #tpu.memory_space<vmem>>) dst(%dma_wait3A_80 : memref<128x128xf32, #tpu.memory_space<vmem_shared>>)
      tpu.yield
    }) : () -> ()
    %mul3A_9 = arith.constant 640 : i32
    %mul3A_10 = arith.muli %arg1, %mul3A_9 : i32
    %add3A_11 = arith.constant 128 : i32
    %add3A_12 = arith.addi %mul3A_10, %add3A_11 : i32
    "tpu.region"() ({
      %run_scoped3A = tpu.sem_alloc : memref<!tpu.dma_semaphore, #tpu.memory_space<semaphore_mem>>
      %dma_start3A = arith.constant 0 : i32
      %dma_start3A_66 = arith.constant 0 : i32
      %dma_start3A_67 = tpu.memref_slice %arg6[%dma_start3A, %dma_start3A_66] : memref<128x128xf32, #tpu.memory_space<vmem>> -> memref<128x128xf32, #tpu.memory_space<vmem>>
      %dma_start3A_68 = arith.constant 0 : i32
      %dma_start3A_69 = tpu.memref_slice %arg7[%add3A_12, %dma_start3A_68] : memref<10240x128xf32, #tpu.memory_space<vmem_shared>> -> memref<128x128xf32, #tpu.memory_space<vmem_shared>>
      %dma_start3A_70 = arith.constant 0 : i32
      %dma_start3A_71 = tpu.memref_slice %arg7[%add3A_12, %dma_start3A_70] : memref<10240x128xf32, #tpu.memory_space<vmem_shared>> -> memref<128x128xf32, #tpu.memory_space<vmem_shared>>
      %dma_start3A_72 = arith.constant 0 : i32
      %dma_start3A_73 = arith.constant 0 : i32
      %dma_start3A_74 = tpu.memref_slice %arg6[%dma_start3A_72, %dma_start3A_73] : memref<128x128xf32, #tpu.memory_space<vmem>> -> memref<128x128xf32, #tpu.memory_space<vmem>>
      tpu.enqueue_dma source(%dma_start3A_74 : memref<128x128xf32, #tpu.memory_space<vmem>>) target(%dma_start3A_71 : memref<128x128xf32, #tpu.memory_space<vmem_shared>>) target_semaphore(%run_scoped3A : memref<!tpu.dma_semaphore, #tpu.memory_space<semaphore_mem>>)
      %dma_wait3A = arith.constant 0 : i32
      %dma_wait3A_75 = arith.constant 0 : i32
      %dma_wait3A_76 = tpu.memref_slice %arg6[%dma_wait3A, %dma_wait3A_75] : memref<128x128xf32, #tpu.memory_space<vmem>> -> memref<128x128xf32, #tpu.memory_space<vmem>>
      %dma_wait3A_77 = arith.constant 0 : i32
      %dma_wait3A_78 = tpu.memref_slice %arg7[%add3A_12, %dma_wait3A_77] : memref<10240x128xf32, #tpu.memory_space<vmem_shared>> -> memref<128x128xf32, #tpu.memory_space<vmem_shared>>
      %dma_wait3A_79 = arith.constant 0 : i32
      %dma_wait3A_80 = tpu.memref_slice %arg7[%add3A_12, %dma_wait3A_79] : memref<10240x128xf32, #tpu.memory_space<vmem_shared>> -> memref<128x128xf32, #tpu.memory_space<vmem_shared>>
      %dma_wait3A_81 = arith.constant 0 : i32
      %dma_wait3A_82 = arith.constant 0 : i32
      %dma_wait3A_83 = tpu.memref_slice %arg6[%dma_wait3A_81, %dma_wait3A_82] : memref<128x128xf32, #tpu.memory_space<vmem>> -> memref<128x128xf32, #tpu.memory_space<vmem>>
      tpu.wait_dma2 semaphore(%run_scoped3A : memref<!tpu.dma_semaphore, #tpu.memory_space<semaphore_mem>>) src(%dma_wait3A_83 : memref<128x128xf32, #tpu.memory_space<vmem>>) dst(%dma_wait3A_80 : memref<128x128xf32, #tpu.memory_space<vmem_shared>>)
      tpu.yield
    }) : () -> ()
    %mul3A_13 = arith.constant 640 : i32
    %mul3A_14 = arith.muli %arg1, %mul3A_13 : i32
    %add3A_15 = arith.constant 256 : i32
    %add3A_16 = arith.addi %mul3A_14, %add3A_15 : i32
    "tpu.region"() ({
      %run_scoped3A = tpu.sem_alloc : memref<!tpu.dma_semaphore, #tpu.memory_space<semaphore_mem>>
      %dma_start3A = arith.constant 0 : i32
      %dma_start3A_66 = arith.constant 0 : i32
      %dma_start3A_67 = tpu.memref_slice %arg6[%dma_start3A, %dma_start3A_66] : memref<128x128xf32, #tpu.memory_space<vmem>> -> memref<128x128xf32, #tpu.memory_space<vmem>>
      %dma_start3A_68 = arith.constant 0 : i32
      %dma_start3A_69 = tpu.memref_slice %arg7[%add3A_16, %dma_start3A_68] : memref<10240x128xf32, #tpu.memory_space<vmem_shared>> -> memref<128x128xf32, #tpu.memory_space<vmem_shared>>
      %dma_start3A_70 = arith.constant 0 : i32
      %dma_start3A_71 = tpu.memref_slice %arg7[%add3A_16, %dma_start3A_70] : memref<10240x128xf32, #tpu.memory_space<vmem_shared>> -> memref<128x128xf32, #tpu.memory_space<vmem_shared>>
      %dma_start3A_72 = arith.constant 0 : i32
      %dma_start3A_73 = arith.constant 0 : i32
      %dma_start3A_74 = tpu.memref_slice %arg6[%dma_start3A_72, %dma_start3A_73] : memref<128x128xf32, #tpu.memory_space<vmem>> -> memref<128x128xf32, #tpu.memory_space<vmem>>
      tpu.enqueue_dma source(%dma_start3A_74 : memref<128x128xf32, #tpu.memory_space<vmem>>) target(%dma_start3A_71 : memref<128x128xf32, #tpu.memory_space<vmem_shared>>) target_semaphore(%run_scoped3A : memref<!tpu.dma_semaphore, #tpu.memory_space<semaphore_mem>>)
      %dma_wait3A = arith.constant 0 : i32
      %dma_wait3A_75 = arith.constant 0 : i32
      %dma_wait3A_76 = tpu.memref_slice %arg6[%dma_wait3A, %dma_wait3A_75] : memref<128x128xf32, #tpu.memory_space<vmem>> -> memref<128x128xf32, #tpu.memory_space<vmem>>
      %dma_wait3A_77 = arith.constant 0 : i32
      %dma_wait3A_78 = tpu.memref_slice %arg7[%add3A_16, %dma_wait3A_77] : memref<10240x128xf32, #tpu.memory_space<vmem_shared>> -> memref<128x128xf32, #tpu.memory_space<vmem_shared>>
      %dma_wait3A_79 = arith.constant 0 : i32
      %dma_wait3A_80 = tpu.memref_slice %arg7[%add3A_16, %dma_wait3A_79] : memref<10240x128xf32, #tpu.memory_space<vmem_shared>> -> memref<128x128xf32, #tpu.memory_space<vmem_shared>>
      %dma_wait3A_81 = arith.constant 0 : i32
      %dma_wait3A_82 = arith.constant 0 : i32
      %dma_wait3A_83 = tpu.memref_slice %arg6[%dma_wait3A_81, %dma_wait3A_82] : memref<128x128xf32, #tpu.memory_space<vmem>> -> memref<128x128xf32, #tpu.memory_space<vmem>>
      tpu.wait_dma2 semaphore(%run_scoped3A : memref<!tpu.dma_semaphore, #tpu.memory_space<semaphore_mem>>) src(%dma_wait3A_83 : memref<128x128xf32, #tpu.memory_space<vmem>>) dst(%dma_wait3A_80 : memref<128x128xf32, #tpu.memory_space<vmem_shared>>)
      tpu.yield
    }) : () -> ()
    %mul3A_17 = arith.constant 640 : i32
    %mul3A_18 = arith.muli %arg1, %mul3A_17 : i32
    %add3A_19 = arith.constant 384 : i32
    %add3A_20 = arith.addi %mul3A_18, %add3A_19 : i32
    "tpu.region"() ({
      %run_scoped3A = tpu.sem_alloc : memref<!tpu.dma_semaphore, #tpu.memory_space<semaphore_mem>>
      %dma_start3A = arith.constant 0 : i32
      %dma_start3A_66 = arith.constant 0 : i32
      %dma_start3A_67 = tpu.memref_slice %arg6[%dma_start3A, %dma_start3A_66] : memref<128x128xf32, #tpu.memory_space<vmem>> -> memref<128x128xf32, #tpu.memory_space<vmem>>
      %dma_start3A_68 = arith.constant 0 : i32
      %dma_start3A_69 = tpu.memref_slice %arg7[%add3A_20, %dma_start3A_68] : memref<10240x128xf32, #tpu.memory_space<vmem_shared>> -> memref<128x128xf32, #tpu.memory_space<vmem_shared>>
      %dma_start3A_70 = arith.constant 0 : i32
      %dma_start3A_71 = tpu.memref_slice %arg7[%add3A_20, %dma_start3A_70] : memref<10240x128xf32, #tpu.memory_space<vmem_shared>> -> memref<128x128xf32, #tpu.memory_space<vmem_shared>>
      %dma_start3A_72 = arith.constant 0 : i32
      %dma_start3A_73 = arith.constant 0 : i32
      %dma_start3A_74 = tpu.memref_slice %arg6[%dma_start3A_72, %dma_start3A_73] : memref<128x128xf32, #tpu.memory_space<vmem>> -> memref<128x128xf32, #tpu.memory_space<vmem>>
      tpu.enqueue_dma source(%dma_start3A_74 : memref<128x128xf32, #tpu.memory_space<vmem>>) target(%dma_start3A_71 : memref<128x128xf32, #tpu.memory_space<vmem_shared>>) target_semaphore(%run_scoped3A : memref<!tpu.dma_semaphore, #tpu.memory_space<semaphore_mem>>)
      %dma_wait3A = arith.constant 0 : i32
      %dma_wait3A_75 = arith.constant 0 : i32
      %dma_wait3A_76 = tpu.memref_slice %arg6[%dma_wait3A, %dma_wait3A_75] : memref<128x128xf32, #tpu.memory_space<vmem>> -> memref<128x128xf32, #tpu.memory_space<vmem>>
      %dma_wait3A_77 = arith.constant 0 : i32
      %dma_wait3A_78 = tpu.memref_slice %arg7[%add3A_20, %dma_wait3A_77] : memref<10240x128xf32, #tpu.memory_space<vmem_shared>> -> memref<128x128xf32, #tpu.memory_space<vmem_shared>>
      %dma_wait3A_79 = arith.constant 0 : i32
      %dma_wait3A_80 = tpu.memref_slice %arg7[%add3A_20, %dma_wait3A_79] : memref<10240x128xf32, #tpu.memory_space<vmem_shared>> -> memref<128x128xf32, #tpu.memory_space<vmem_shared>>
      %dma_wait3A_81 = arith.constant 0 : i32
      %dma_wait3A_82 = arith.constant 0 : i32
      %dma_wait3A_83 = tpu.memref_slice %arg6[%dma_wait3A_81, %dma_wait3A_82] : memref<128x128xf32, #tpu.memory_space<vmem>> -> memref<128x128xf32, #tpu.memory_space<vmem>>
      tpu.wait_dma2 semaphore(%run_scoped3A : memref<!tpu.dma_semaphore, #tpu.memory_space<semaphore_mem>>) src(%dma_wait3A_83 : memref<128x128xf32, #tpu.memory_space<vmem>>) dst(%dma_wait3A_80 : memref<128x128xf32, #tpu.memory_space<vmem_shared>>)
      tpu.yield
    }) : () -> ()
    %mul3A_21 = arith.constant 640 : i32
    %mul3A_22 = arith.muli %arg1, %mul3A_21 : i32
    %add3A_23 = arith.constant 512 : i32
    %add3A_24 = arith.addi %mul3A_22, %add3A_23 : i32
    "tpu.region"() ({
      %run_scoped3A = tpu.sem_alloc : memref<!tpu.dma_semaphore, #tpu.memory_space<semaphore_mem>>
      %dma_start3A = arith.constant 0 : i32
      %dma_start3A_66 = arith.constant 0 : i32
      %dma_start3A_67 = tpu.memref_slice %arg6[%dma_start3A, %dma_start3A_66] : memref<128x128xf32, #tpu.memory_space<vmem>> -> memref<128x128xf32, #tpu.memory_space<vmem>>
      %dma_start3A_68 = arith.constant 0 : i32
      %dma_start3A_69 = tpu.memref_slice %arg7[%add3A_24, %dma_start3A_68] : memref<10240x128xf32, #tpu.memory_space<vmem_shared>> -> memref<128x128xf32, #tpu.memory_space<vmem_shared>>
      %dma_start3A_70 = arith.constant 0 : i32
      %dma_start3A_71 = tpu.memref_slice %arg7[%add3A_24, %dma_start3A_70] : memref<10240x128xf32, #tpu.memory_space<vmem_shared>> -> memref<128x128xf32, #tpu.memory_space<vmem_shared>>
      %dma_start3A_72 = arith.constant 0 : i32
      %dma_start3A_73 = arith.constant 0 : i32
      %dma_start3A_74 = tpu.memref_slice %arg6[%dma_start3A_72, %dma_start3A_73] : memref<128x128xf32, #tpu.memory_space<vmem>> -> memref<128x128xf32, #tpu.memory_space<vmem>>
      tpu.enqueue_dma source(%dma_start3A_74 : memref<128x128xf32, #tpu.memory_space<vmem>>) target(%dma_start3A_71 : memref<128x128xf32, #tpu.memory_space<vmem_shared>>) target_semaphore(%run_scoped3A : memref<!tpu.dma_semaphore, #tpu.memory_space<semaphore_mem>>)
      %dma_wait3A = arith.constant 0 : i32
      %dma_wait3A_75 = arith.constant 0 : i32
      %dma_wait3A_76 = tpu.memref_slice %arg6[%dma_wait3A, %dma_wait3A_75] : memref<128x128xf32, #tpu.memory_space<vmem>> -> memref<128x128xf32, #tpu.memory_space<vmem>>
      %dma_wait3A_77 = arith.constant 0 : i32
      %dma_wait3A_78 = tpu.memref_slice %arg7[%add3A_24, %dma_wait3A_77] : memref<10240x128xf32, #tpu.memory_space<vmem_shared>> -> memref<128x128xf32, #tpu.memory_space<vmem_shared>>
      %dma_wait3A_79 = arith.constant 0 : i32
      %dma_wait3A_80 = tpu.memref_slice %arg7[%add3A_24, %dma_wait3A_79] : memref<10240x128xf32, #tpu.memory_space<vmem_shared>> -> memref<128x128xf32, #tpu.memory_space<vmem_shared>>
      %dma_wait3A_81 = arith.constant 0 : i32
      %dma_wait3A_82 = arith.constant 0 : i32
      %dma_wait3A_83 = tpu.memref_slice %arg6[%dma_wait3A_81, %dma_wait3A_82] : memref<128x128xf32, #tpu.memory_space<vmem>> -> memref<128x128xf32, #tpu.memory_space<vmem>>
      tpu.wait_dma2 semaphore(%run_scoped3A : memref<!tpu.dma_semaphore, #tpu.memory_space<semaphore_mem>>) src(%dma_wait3A_83 : memref<128x128xf32, #tpu.memory_space<vmem>>) dst(%dma_wait3A_80 : memref<128x128xf32, #tpu.memory_space<vmem_shared>>)
      tpu.yield
    }) : () -> ()
    %barrier3A = arith.constant 0 : index
    tpu.barrier barrier_id(%barrier3A)
    %scan3A_25 = arith.constant 0 : i32
    %scan3A_26 = arith.constant 40 : i32
    %scan3A_27 = arith.addi %scan3A_25, %scan3A_26 : i32
    %scan3A_28 = arith.constant 1 : i32
    scf.for %scan3A_66 = %scan3A_25 to %scan3A_27 step %scan3A_28  : i32 {
      %mul3A_67 = arith.constant 1 : i32
      %mul3A_68 = arith.muli %scan3A_66, %mul3A_67 : i32
      %add3A_69 = arith.constant 0 : i32
      %add3A_70 = arith.addi %add3A_69, %mul3A_68 : i32
      %mul3A_71 = arith.constant 32 : i32
      %mul3A_72 = arith.muli %add3A_70, %mul3A_71 : i32
      %add3A_73 = arith.addi %mul3A_72, %add3A : i32
      %lt3A = arith.constant 1250 : i32
      %lt3A_74 = arith.cmpi slt, %add3A_73, %lt3A : i32
      %convert_element_type3A = arith.extui %lt3A_74 : i1 to i32
      %cond3A = arith.constant 0 : i32
      %cond3A_75 = arith.cmpi ne, %convert_element_type3A, %cond3A : i32
      scf.if %cond3A_75 {
        %mul3A_76 = arith.constant 128 : i32
        %mul3A_77 = arith.muli %add3A_73, %mul3A_76 : i32
        "tpu.region"() ({
          %run_scoped3A = tpu.sem_alloc : memref<!tpu.dma_semaphore, #tpu.memory_space<semaphore_mem>>
          %dma_start3A = tpu.memref_slice %arg3[%mul3A_77] : memref<160000xi32, #tpu.memory_space<hbm>> -> memref<128xi32, #tpu.memory_space<hbm>>
          %dma_start3A_78 = tpu.memref_slice %arg3[%mul3A_77] : memref<160000xi32, #tpu.memory_space<hbm>> -> memref<128xi32, #tpu.memory_space<hbm>>
          tpu.enqueue_dma source(%dma_start3A_78 : memref<128xi32, #tpu.memory_space<hbm>>) target(%arg5 : memref<128xi32, #tpu.memory_space<vmem>>) target_semaphore(%run_scoped3A : memref<!tpu.dma_semaphore, #tpu.memory_space<semaphore_mem>>)
          %dma_wait3A = tpu.memref_slice %arg3[%mul3A_77] : memref<160000xi32, #tpu.memory_space<hbm>> -> memref<128xi32, #tpu.memory_space<hbm>>
          %dma_wait3A_79 = tpu.memref_slice %arg3[%mul3A_77] : memref<160000xi32, #tpu.memory_space<hbm>> -> memref<128xi32, #tpu.memory_space<hbm>>
          tpu.wait_dma2 semaphore(%run_scoped3A : memref<!tpu.dma_semaphore, #tpu.memory_space<semaphore_mem>>) src(%dma_wait3A_79 : memref<128xi32, #tpu.memory_space<hbm>>) dst(%arg5 : memref<128xi32, #tpu.memory_space<vmem>>)
          tpu.yield
        }) : () -> ()
        "tpu.region"() ({
          %run_scoped3A = tpu.sem_alloc : memref<!tpu.dma_semaphore, #tpu.memory_space<semaphore_mem>>
          %dma_start3A = arith.constant 0 : i32
          %dma_start3A_78 = tpu.memref_slice %arg2[%mul3A_77, %dma_start3A] : memref<160000x128xf32, #tpu.memory_space<hbm>> -> memref<128x128xf32, #tpu.memory_space<hbm>>
          %dma_start3A_79 = arith.constant 0 : i32
          %dma_start3A_80 = tpu.memref_slice %arg2[%mul3A_77, %dma_start3A_79] : memref<160000x128xf32, #tpu.memory_space<hbm>> -> memref<128x128xf32, #tpu.memory_space<hbm>>
          tpu.enqueue_dma source(%dma_start3A_80 : memref<128x128xf32, #tpu.memory_space<hbm>>) target(%arg6 : memref<128x128xf32, #tpu.memory_space<vmem>>) target_semaphore(%run_scoped3A : memref<!tpu.dma_semaphore, #tpu.memory_space<semaphore_mem>>)
          %dma_wait3A = arith.constant 0 : i32
          %dma_wait3A_81 = tpu.memref_slice %arg2[%mul3A_77, %dma_wait3A] : memref<160000x128xf32, #tpu.memory_space<hbm>> -> memref<128x128xf32, #tpu.memory_space<hbm>>
          %dma_wait3A_82 = arith.constant 0 : i32
          %dma_wait3A_83 = tpu.memref_slice %arg2[%mul3A_77, %dma_wait3A_82] : memref<160000x128xf32, #tpu.memory_space<hbm>> -> memref<128x128xf32, #tpu.memory_space<hbm>>
          tpu.wait_dma2 semaphore(%run_scoped3A : memref<!tpu.dma_semaphore, #tpu.memory_space<semaphore_mem>>) src(%dma_wait3A_83 : memref<128x128xf32, #tpu.memory_space<hbm>>) dst(%arg6 : memref<128x128xf32, #tpu.memory_space<vmem>>)
          tpu.yield
        }) : () -> ()
        "tpu.region"() ({
          %run_scoped3A = tpu.sem_alloc : memref<!tpu.dma_semaphore, #tpu.memory_space<semaphore_mem>>
          %dma_start3A = arith.constant 0 : i32
          %dma_start3A_78 = arith.constant 0 : i32
          %dma_start3A_79 = tpu.memref_slice %arg7[%dma_start3A, %dma_start3A_78] : memref<10240x128xf32, #tpu.memory_space<vmem_shared>> -> memref<10240x128xf32, #tpu.memory_space<vmem_shared>>
          tpu.enqueue_indirect_dma source(%arg6 : memref<128x128xf32, #tpu.memory_space<vmem>>) target(%dma_start3A_79 : memref<10240x128xf32, #tpu.memory_space<vmem_shared>>) offsets(%arg5 : memref<128xi32, #tpu.memory_space<vmem>>) semaphore(%run_scoped3A : memref<!tpu.dma_semaphore, #tpu.memory_space<semaphore_mem>>) {add = true}
          %dma_wait3A = arith.constant 0 : i32
          %dma_wait3A_80 = arith.constant 0 : i32
          %dma_wait3A_81 = tpu.memref_slice %arg7[%dma_wait3A, %dma_wait3A_80] : memref<10240x128xf32, #tpu.memory_space<vmem_shared>> -> memref<10240x128xf32, #tpu.memory_space<vmem_shared>>
          tpu.wait_indirect_dma semaphore(%run_scoped3A : memref<!tpu.dma_semaphore, #tpu.memory_space<semaphore_mem>>) src(%arg6 : memref<128x128xf32, #tpu.memory_space<vmem>>) dst(%dma_wait3A_81 : memref<10240x128xf32, #tpu.memory_space<vmem_shared>>)
          tpu.yield
        }) : () -> ()
      } else {
      }
    }
    %scan3A_29 = arith.constant 40 : i32
    %barrier3A_30 = arith.constant 0 : index
    tpu.barrier barrier_id(%barrier3A_30)
    %mul3A_31 = arith.constant 640 : i32
    %mul3A_32 = arith.muli %arg1, %mul3A_31 : i32
    %add3A_33 = arith.constant 0 : i32
    %add3A_34 = arith.addi %mul3A_32, %add3A_33 : i32
    "tpu.region"() ({
      %run_scoped3A = tpu.sem_alloc : memref<!tpu.dma_semaphore, #tpu.memory_space<semaphore_mem>>
      %dma_start3A = arith.constant 0 : i32
      %dma_start3A_66 = arith.constant 0 : i32
      %dma_start3A_67 = tpu.memref_slice %arg6[%dma_start3A, %dma_start3A_66] : memref<128x128xf32, #tpu.memory_space<vmem>> -> memref<128x128xf32, #tpu.memory_space<vmem>>
      %dma_start3A_68 = arith.constant 0 : i32
      %dma_start3A_69 = tpu.memref_slice %arg7[%add3A_34, %dma_start3A_68] : memref<10240x128xf32, #tpu.memory_space<vmem_shared>> -> memref<128x128xf32, #tpu.memory_space<vmem_shared>>
      %dma_start3A_70 = arith.constant 0 : i32
      %dma_start3A_71 = arith.constant 0 : i32
      %dma_start3A_72 = tpu.memref_slice %arg6[%dma_start3A_70, %dma_start3A_71] : memref<128x128xf32, #tpu.memory_space<vmem>> -> memref<128x128xf32, #tpu.memory_space<vmem>>
      %dma_start3A_73 = arith.constant 0 : i32
      %dma_start3A_74 = tpu.memref_slice %arg7[%add3A_34, %dma_start3A_73] : memref<10240x128xf32, #tpu.memory_space<vmem_shared>> -> memref<128x128xf32, #tpu.memory_space<vmem_shared>>
      tpu.enqueue_dma source(%dma_start3A_74 : memref<128x128xf32, #tpu.memory_space<vmem_shared>>) target(%dma_start3A_72 : memref<128x128xf32, #tpu.memory_space<vmem>>) target_semaphore(%run_scoped3A : memref<!tpu.dma_semaphore, #tpu.memory_space<semaphore_mem>>)
      %dma_wait3A = arith.constant 0 : i32
      %dma_wait3A_75 = arith.constant 0 : i32
      %dma_wait3A_76 = tpu.memref_slice %arg6[%dma_wait3A, %dma_wait3A_75] : memref<128x128xf32, #tpu.memory_space<vmem>> -> memref<128x128xf32, #tpu.memory_space<vmem>>
      %dma_wait3A_77 = arith.constant 0 : i32
      %dma_wait3A_78 = tpu.memref_slice %arg7[%add3A_34, %dma_wait3A_77] : memref<10240x128xf32, #tpu.memory_space<vmem_shared>> -> memref<128x128xf32, #tpu.memory_space<vmem_shared>>
      %dma_wait3A_79 = arith.constant 0 : i32
      %dma_wait3A_80 = arith.constant 0 : i32
      %dma_wait3A_81 = tpu.memref_slice %arg6[%dma_wait3A_79, %dma_wait3A_80] : memref<128x128xf32, #tpu.memory_space<vmem>> -> memref<128x128xf32, #tpu.memory_space<vmem>>
      %dma_wait3A_82 = arith.constant 0 : i32
      %dma_wait3A_83 = tpu.memref_slice %arg7[%add3A_34, %dma_wait3A_82] : memref<10240x128xf32, #tpu.memory_space<vmem_shared>> -> memref<128x128xf32, #tpu.memory_space<vmem_shared>>
      tpu.wait_dma2 semaphore(%run_scoped3A : memref<!tpu.dma_semaphore, #tpu.memory_space<semaphore_mem>>) src(%dma_wait3A_83 : memref<128x128xf32, #tpu.memory_space<vmem_shared>>) dst(%dma_wait3A_81 : memref<128x128xf32, #tpu.memory_space<vmem>>)
      tpu.yield
    }) : () -> ()
    %mul3A_35 = arith.constant 10240 : i32
    %mul3A_36 = arith.muli %arg0, %mul3A_35 : i32
    %add3A_37 = arith.addi %mul3A_36, %add3A_34 : i32
    "tpu.region"() ({
      %run_scoped3A = tpu.sem_alloc : memref<!tpu.dma_semaphore, #tpu.memory_space<semaphore_mem>>
      %dma_start3A = arith.constant 0 : i32
      %dma_start3A_66 = arith.constant 0 : i32
      %dma_start3A_67 = tpu.memref_slice %arg6[%dma_start3A, %dma_start3A_66] : memref<128x128xf32, #tpu.memory_space<vmem>> -> memref<128x128xf32, #tpu.memory_space<vmem>>
      %dma_start3A_68 = arith.constant 0 : i32
      %dma_start3A_69 = tpu.memref_slice %arg4[%add3A_37, %dma_start3A_68] : memref<20480x128xf32, #tpu.memory_space<hbm>> -> memref<128x128xf32, #tpu.memory_space<hbm>>
      %dma_start3A_70 = arith.constant 0 : i32
      %dma_start3A_71 = tpu.memref_slice %arg4[%add3A_37, %dma_start3A_70] : memref<20480x128xf32, #tpu.memory_space<hbm>> -> memref<128x128xf32, #tpu.memory_space<hbm>>
      %dma_start3A_72 = arith.constant 0 : i32
      %dma_start3A_73 = arith.constant 0 : i32
      %dma_start3A_74 = tpu.memref_slice %arg6[%dma_start3A_72, %dma_start3A_73] : memref<128x128xf32, #tpu.memory_space<vmem>> -> memref<128x128xf32, #tpu.memory_space<vmem>>
      tpu.enqueue_dma source(%dma_start3A_74 : memref<128x128xf32, #tpu.memory_space<vmem>>) target(%dma_start3A_71 : memref<128x128xf32, #tpu.memory_space<hbm>>) target_semaphore(%run_scoped3A : memref<!tpu.dma_semaphore, #tpu.memory_space<semaphore_mem>>)
      %dma_wait3A = arith.constant 0 : i32
      %dma_wait3A_75 = arith.constant 0 : i32
      %dma_wait3A_76 = tpu.memref_slice %arg6[%dma_wait3A, %dma_wait3A_75] : memref<128x128xf32, #tpu.memory_space<vmem>> -> memref<128x128xf32, #tpu.memory_space<vmem>>
      %dma_wait3A_77 = arith.constant 0 : i32
      %dma_wait3A_78 = tpu.memref_slice %arg4[%add3A_37, %dma_wait3A_77] : memref<20480x128xf32, #tpu.memory_space<hbm>> -> memref<128x128xf32, #tpu.memory_space<hbm>>
      %dma_wait3A_79 = arith.constant 0 : i32
      %dma_wait3A_80 = tpu.memref_slice %arg4[%add3A_37, %dma_wait3A_79] : memref<20480x128xf32, #tpu.memory_space<hbm>> -> memref<128x128xf32, #tpu.memory_space<hbm>>
      %dma_wait3A_81 = arith.constant 0 : i32
      %dma_wait3A_82 = arith.constant 0 : i32
      %dma_wait3A_83 = tpu.memref_slice %arg6[%dma_wait3A_81, %dma_wait3A_82] : memref<128x128xf32, #tpu.memory_space<vmem>> -> memref<128x128xf32, #tpu.memory_space<vmem>>
      tpu.wait_dma2 semaphore(%run_scoped3A : memref<!tpu.dma_semaphore, #tpu.memory_space<semaphore_mem>>) src(%dma_wait3A_83 : memref<128x128xf32, #tpu.memory_space<vmem>>) dst(%dma_wait3A_80 : memref<128x128xf32, #tpu.memory_space<hbm>>)
      tpu.yield
    }) : () -> ()
    %mul3A_38 = arith.constant 640 : i32
    %mul3A_39 = arith.muli %arg1, %mul3A_38 : i32
    %add3A_40 = arith.constant 128 : i32
    %add3A_41 = arith.addi %mul3A_39, %add3A_40 : i32
    "tpu.region"() ({
      %run_scoped3A = tpu.sem_alloc : memref<!tpu.dma_semaphore, #tpu.memory_space<semaphore_mem>>
      %dma_start3A = arith.constant 0 : i32
      %dma_start3A_66 = arith.constant 0 : i32
      %dma_start3A_67 = tpu.memref_slice %arg6[%dma_start3A, %dma_start3A_66] : memref<128x128xf32, #tpu.memory_space<vmem>> -> memref<128x128xf32, #tpu.memory_space<vmem>>
      %dma_start3A_68 = arith.constant 0 : i32
      %dma_start3A_69 = tpu.memref_slice %arg7[%add3A_41, %dma_start3A_68] : memref<10240x128xf32, #tpu.memory_space<vmem_shared>> -> memref<128x128xf32, #tpu.memory_space<vmem_shared>>
      %dma_start3A_70 = arith.constant 0 : i32
      %dma_start3A_71 = arith.constant 0 : i32
      %dma_start3A_72 = tpu.memref_slice %arg6[%dma_start3A_70, %dma_start3A_71] : memref<128x128xf32, #tpu.memory_space<vmem>> -> memref<128x128xf32, #tpu.memory_space<vmem>>
      %dma_start3A_73 = arith.constant 0 : i32
      %dma_start3A_74 = tpu.memref_slice %arg7[%add3A_41, %dma_start3A_73] : memref<10240x128xf32, #tpu.memory_space<vmem_shared>> -> memref<128x128xf32, #tpu.memory_space<vmem_shared>>
      tpu.enqueue_dma source(%dma_start3A_74 : memref<128x128xf32, #tpu.memory_space<vmem_shared>>) target(%dma_start3A_72 : memref<128x128xf32, #tpu.memory_space<vmem>>) target_semaphore(%run_scoped3A : memref<!tpu.dma_semaphore, #tpu.memory_space<semaphore_mem>>)
      %dma_wait3A = arith.constant 0 : i32
      %dma_wait3A_75 = arith.constant 0 : i32
      %dma_wait3A_76 = tpu.memref_slice %arg6[%dma_wait3A, %dma_wait3A_75] : memref<128x128xf32, #tpu.memory_space<vmem>> -> memref<128x128xf32, #tpu.memory_space<vmem>>
      %dma_wait3A_77 = arith.constant 0 : i32
      %dma_wait3A_78 = tpu.memref_slice %arg7[%add3A_41, %dma_wait3A_77] : memref<10240x128xf32, #tpu.memory_space<vmem_shared>> -> memref<128x128xf32, #tpu.memory_space<vmem_shared>>
      %dma_wait3A_79 = arith.constant 0 : i32
      %dma_wait3A_80 = arith.constant 0 : i32
      %dma_wait3A_81 = tpu.memref_slice %arg6[%dma_wait3A_79, %dma_wait3A_80] : memref<128x128xf32, #tpu.memory_space<vmem>> -> memref<128x128xf32, #tpu.memory_space<vmem>>
      %dma_wait3A_82 = arith.constant 0 : i32
      %dma_wait3A_83 = tpu.memref_slice %arg7[%add3A_41, %dma_wait3A_82] : memref<10240x128xf32, #tpu.memory_space<vmem_shared>> -> memref<128x128xf32, #tpu.memory_space<vmem_shared>>
      tpu.wait_dma2 semaphore(%run_scoped3A : memref<!tpu.dma_semaphore, #tpu.memory_space<semaphore_mem>>) src(%dma_wait3A_83 : memref<128x128xf32, #tpu.memory_space<vmem_shared>>) dst(%dma_wait3A_81 : memref<128x128xf32, #tpu.memory_space<vmem>>)
      tpu.yield
    }) : () -> ()
    %mul3A_42 = arith.constant 10240 : i32
    %mul3A_43 = arith.muli %arg0, %mul3A_42 : i32
    %add3A_44 = arith.addi %mul3A_43, %add3A_41 : i32
    "tpu.region"() ({
      %run_scoped3A = tpu.sem_alloc : memref<!tpu.dma_semaphore, #tpu.memory_space<semaphore_mem>>
      %dma_start3A = arith.constant 0 : i32
      %dma_start3A_66 = arith.constant 0 : i32
      %dma_start3A_67 = tpu.memref_slice %arg6[%dma_start3A, %dma_start3A_66] : memref<128x128xf32, #tpu.memory_space<vmem>> -> memref<128x128xf32, #tpu.memory_space<vmem>>
      %dma_start3A_68 = arith.constant 0 : i32
      %dma_start3A_69 = tpu.memref_slice %arg4[%add3A_44, %dma_start3A_68] : memref<20480x128xf32, #tpu.memory_space<hbm>> -> memref<128x128xf32, #tpu.memory_space<hbm>>
      %dma_start3A_70 = arith.constant 0 : i32
      %dma_start3A_71 = tpu.memref_slice %arg4[%add3A_44, %dma_start3A_70] : memref<20480x128xf32, #tpu.memory_space<hbm>> -> memref<128x128xf32, #tpu.memory_space<hbm>>
      %dma_start3A_72 = arith.constant 0 : i32
      %dma_start3A_73 = arith.constant 0 : i32
      %dma_start3A_74 = tpu.memref_slice %arg6[%dma_start3A_72, %dma_start3A_73] : memref<128x128xf32, #tpu.memory_space<vmem>> -> memref<128x128xf32, #tpu.memory_space<vmem>>
      tpu.enqueue_dma source(%dma_start3A_74 : memref<128x128xf32, #tpu.memory_space<vmem>>) target(%dma_start3A_71 : memref<128x128xf32, #tpu.memory_space<hbm>>) target_semaphore(%run_scoped3A : memref<!tpu.dma_semaphore, #tpu.memory_space<semaphore_mem>>)
      %dma_wait3A = arith.constant 0 : i32
      %dma_wait3A_75 = arith.constant 0 : i32
      %dma_wait3A_76 = tpu.memref_slice %arg6[%dma_wait3A, %dma_wait3A_75] : memref<128x128xf32, #tpu.memory_space<vmem>> -> memref<128x128xf32, #tpu.memory_space<vmem>>
      %dma_wait3A_77 = arith.constant 0 : i32
      %dma_wait3A_78 = tpu.memref_slice %arg4[%add3A_44, %dma_wait3A_77] : memref<20480x128xf32, #tpu.memory_space<hbm>> -> memref<128x128xf32, #tpu.memory_space<hbm>>
      %dma_wait3A_79 = arith.constant 0 : i32
      %dma_wait3A_80 = tpu.memref_slice %arg4[%add3A_44, %dma_wait3A_79] : memref<20480x128xf32, #tpu.memory_space<hbm>> -> memref<128x128xf32, #tpu.memory_space<hbm>>
      %dma_wait3A_81 = arith.constant 0 : i32
      %dma_wait3A_82 = arith.constant 0 : i32
      %dma_wait3A_83 = tpu.memref_slice %arg6[%dma_wait3A_81, %dma_wait3A_82] : memref<128x128xf32, #tpu.memory_space<vmem>> -> memref<128x128xf32, #tpu.memory_space<vmem>>
      tpu.wait_dma2 semaphore(%run_scoped3A : memref<!tpu.dma_semaphore, #tpu.memory_space<semaphore_mem>>) src(%dma_wait3A_83 : memref<128x128xf32, #tpu.memory_space<vmem>>) dst(%dma_wait3A_80 : memref<128x128xf32, #tpu.memory_space<hbm>>)
      tpu.yield
    }) : () -> ()
    %mul3A_45 = arith.constant 640 : i32
    %mul3A_46 = arith.muli %arg1, %mul3A_45 : i32
    %add3A_47 = arith.constant 256 : i32
    %add3A_48 = arith.addi %mul3A_46, %add3A_47 : i32
    "tpu.region"() ({
      %run_scoped3A = tpu.sem_alloc : memref<!tpu.dma_semaphore, #tpu.memory_space<semaphore_mem>>
      %dma_start3A = arith.constant 0 : i32
      %dma_start3A_66 = arith.constant 0 : i32
      %dma_start3A_67 = tpu.memref_slice %arg6[%dma_start3A, %dma_start3A_66] : memref<128x128xf32, #tpu.memory_space<vmem>> -> memref<128x128xf32, #tpu.memory_space<vmem>>
      %dma_start3A_68 = arith.constant 0 : i32
      %dma_start3A_69 = tpu.memref_slice %arg7[%add3A_48, %dma_start3A_68] : memref<10240x128xf32, #tpu.memory_space<vmem_shared>> -> memref<128x128xf32, #tpu.memory_space<vmem_shared>>
      %dma_start3A_70 = arith.constant 0 : i32
      %dma_start3A_71 = arith.constant 0 : i32
      %dma_start3A_72 = tpu.memref_slice %arg6[%dma_start3A_70, %dma_start3A_71] : memref<128x128xf32, #tpu.memory_space<vmem>> -> memref<128x128xf32, #tpu.memory_space<vmem>>
      %dma_start3A_73 = arith.constant 0 : i32
      %dma_start3A_74 = tpu.memref_slice %arg7[%add3A_48, %dma_start3A_73] : memref<10240x128xf32, #tpu.memory_space<vmem_shared>> -> memref<128x128xf32, #tpu.memory_space<vmem_shared>>
      tpu.enqueue_dma source(%dma_start3A_74 : memref<128x128xf32, #tpu.memory_space<vmem_shared>>) target(%dma_start3A_72 : memref<128x128xf32, #tpu.memory_space<vmem>>) target_semaphore(%run_scoped3A : memref<!tpu.dma_semaphore, #tpu.memory_space<semaphore_mem>>)
      %dma_wait3A = arith.constant 0 : i32
      %dma_wait3A_75 = arith.constant 0 : i32
      %dma_wait3A_76 = tpu.memref_slice %arg6[%dma_wait3A, %dma_wait3A_75] : memref<128x128xf32, #tpu.memory_space<vmem>> -> memref<128x128xf32, #tpu.memory_space<vmem>>
      %dma_wait3A_77 = arith.constant 0 : i32
      %dma_wait3A_78 = tpu.memref_slice %arg7[%add3A_48, %dma_wait3A_77] : memref<10240x128xf32, #tpu.memory_space<vmem_shared>> -> memref<128x128xf32, #tpu.memory_space<vmem_shared>>
      %dma_wait3A_79 = arith.constant 0 : i32
      %dma_wait3A_80 = arith.constant 0 : i32
      %dma_wait3A_81 = tpu.memref_slice %arg6[%dma_wait3A_79, %dma_wait3A_80] : memref<128x128xf32, #tpu.memory_space<vmem>> -> memref<128x128xf32, #tpu.memory_space<vmem>>
      %dma_wait3A_82 = arith.constant 0 : i32
      %dma_wait3A_83 = tpu.memref_slice %arg7[%add3A_48, %dma_wait3A_82] : memref<10240x128xf32, #tpu.memory_space<vmem_shared>> -> memref<128x128xf32, #tpu.memory_space<vmem_shared>>
      tpu.wait_dma2 semaphore(%run_scoped3A : memref<!tpu.dma_semaphore, #tpu.memory_space<semaphore_mem>>) src(%dma_wait3A_83 : memref<128x128xf32, #tpu.memory_space<vmem_shared>>) dst(%dma_wait3A_81 : memref<128x128xf32, #tpu.memory_space<vmem>>)
      tpu.yield
    }) : () -> ()
    %mul3A_49 = arith.constant 10240 : i32
    %mul3A_50 = arith.muli %arg0, %mul3A_49 : i32
    %add3A_51 = arith.addi %mul3A_50, %add3A_48 : i32
    "tpu.region"() ({
      %run_scoped3A = tpu.sem_alloc : memref<!tpu.dma_semaphore, #tpu.memory_space<semaphore_mem>>
      %dma_start3A = arith.constant 0 : i32
      %dma_start3A_66 = arith.constant 0 : i32
      %dma_start3A_67 = tpu.memref_slice %arg6[%dma_start3A, %dma_start3A_66] : memref<128x128xf32, #tpu.memory_space<vmem>> -> memref<128x128xf32, #tpu.memory_space<vmem>>
      %dma_start3A_68 = arith.constant 0 : i32
      %dma_start3A_69 = tpu.memref_slice %arg4[%add3A_51, %dma_start3A_68] : memref<20480x128xf32, #tpu.memory_space<hbm>> -> memref<128x128xf32, #tpu.memory_space<hbm>>
      %dma_start3A_70 = arith.constant 0 : i32
      %dma_start3A_71 = tpu.memref_slice %arg4[%add3A_51, %dma_start3A_70] : memref<20480x128xf32, #tpu.memory_space<hbm>> -> memref<128x128xf32, #tpu.memory_space<hbm>>
      %dma_start3A_72 = arith.constant 0 : i32
      %dma_start3A_73 = arith.constant 0 : i32
      %dma_start3A_74 = tpu.memref_slice %arg6[%dma_start3A_72, %dma_start3A_73] : memref<128x128xf32, #tpu.memory_space<vmem>> -> memref<128x128xf32, #tpu.memory_space<vmem>>
      tpu.enqueue_dma source(%dma_start3A_74 : memref<128x128xf32, #tpu.memory_space<vmem>>) target(%dma_start3A_71 : memref<128x128xf32, #tpu.memory_space<hbm>>) target_semaphore(%run_scoped3A : memref<!tpu.dma_semaphore, #tpu.memory_space<semaphore_mem>>)
      %dma_wait3A = arith.constant 0 : i32
      %dma_wait3A_75 = arith.constant 0 : i32
      %dma_wait3A_76 = tpu.memref_slice %arg6[%dma_wait3A, %dma_wait3A_75] : memref<128x128xf32, #tpu.memory_space<vmem>> -> memref<128x128xf32, #tpu.memory_space<vmem>>
      %dma_wait3A_77 = arith.constant 0 : i32
      %dma_wait3A_78 = tpu.memref_slice %arg4[%add3A_51, %dma_wait3A_77] : memref<20480x128xf32, #tpu.memory_space<hbm>> -> memref<128x128xf32, #tpu.memory_space<hbm>>
      %dma_wait3A_79 = arith.constant 0 : i32
      %dma_wait3A_80 = tpu.memref_slice %arg4[%add3A_51, %dma_wait3A_79] : memref<20480x128xf32, #tpu.memory_space<hbm>> -> memref<128x128xf32, #tpu.memory_space<hbm>>
      %dma_wait3A_81 = arith.constant 0 : i32
      %dma_wait3A_82 = arith.constant 0 : i32
      %dma_wait3A_83 = tpu.memref_slice %arg6[%dma_wait3A_81, %dma_wait3A_82] : memref<128x128xf32, #tpu.memory_space<vmem>> -> memref<128x128xf32, #tpu.memory_space<vmem>>
      tpu.wait_dma2 semaphore(%run_scoped3A : memref<!tpu.dma_semaphore, #tpu.memory_space<semaphore_mem>>) src(%dma_wait3A_83 : memref<128x128xf32, #tpu.memory_space<vmem>>) dst(%dma_wait3A_80 : memref<128x128xf32, #tpu.memory_space<hbm>>)
      tpu.yield
    }) : () -> ()
    %mul3A_52 = arith.constant 640 : i32
    %mul3A_53 = arith.muli %arg1, %mul3A_52 : i32
    %add3A_54 = arith.constant 384 : i32
    %add3A_55 = arith.addi %mul3A_53, %add3A_54 : i32
    "tpu.region"() ({
      %run_scoped3A = tpu.sem_alloc : memref<!tpu.dma_semaphore, #tpu.memory_space<semaphore_mem>>
      %dma_start3A = arith.constant 0 : i32
      %dma_start3A_66 = arith.constant 0 : i32
      %dma_start3A_67 = tpu.memref_slice %arg6[%dma_start3A, %dma_start3A_66] : memref<128x128xf32, #tpu.memory_space<vmem>> -> memref<128x128xf32, #tpu.memory_space<vmem>>
      %dma_start3A_68 = arith.constant 0 : i32
      %dma_start3A_69 = tpu.memref_slice %arg7[%add3A_55, %dma_start3A_68] : memref<10240x128xf32, #tpu.memory_space<vmem_shared>> -> memref<128x128xf32, #tpu.memory_space<vmem_shared>>
      %dma_start3A_70 = arith.constant 0 : i32
      %dma_start3A_71 = arith.constant 0 : i32
      %dma_start3A_72 = tpu.memref_slice %arg6[%dma_start3A_70, %dma_start3A_71] : memref<128x128xf32, #tpu.memory_space<vmem>> -> memref<128x128xf32, #tpu.memory_space<vmem>>
      %dma_start3A_73 = arith.constant 0 : i32
      %dma_start3A_74 = tpu.memref_slice %arg7[%add3A_55, %dma_start3A_73] : memref<10240x128xf32, #tpu.memory_space<vmem_shared>> -> memref<128x128xf32, #tpu.memory_space<vmem_shared>>
      tpu.enqueue_dma source(%dma_start3A_74 : memref<128x128xf32, #tpu.memory_space<vmem_shared>>) target(%dma_start3A_72 : memref<128x128xf32, #tpu.memory_space<vmem>>) target_semaphore(%run_scoped3A : memref<!tpu.dma_semaphore, #tpu.memory_space<semaphore_mem>>)
      %dma_wait3A = arith.constant 0 : i32
      %dma_wait3A_75 = arith.constant 0 : i32
      %dma_wait3A_76 = tpu.memref_slice %arg6[%dma_wait3A, %dma_wait3A_75] : memref<128x128xf32, #tpu.memory_space<vmem>> -> memref<128x128xf32, #tpu.memory_space<vmem>>
      %dma_wait3A_77 = arith.constant 0 : i32
      %dma_wait3A_78 = tpu.memref_slice %arg7[%add3A_55, %dma_wait3A_77] : memref<10240x128xf32, #tpu.memory_space<vmem_shared>> -> memref<128x128xf32, #tpu.memory_space<vmem_shared>>
      %dma_wait3A_79 = arith.constant 0 : i32
      %dma_wait3A_80 = arith.constant 0 : i32
      %dma_wait3A_81 = tpu.memref_slice %arg6[%dma_wait3A_79, %dma_wait3A_80] : memref<128x128xf32, #tpu.memory_space<vmem>> -> memref<128x128xf32, #tpu.memory_space<vmem>>
      %dma_wait3A_82 = arith.constant 0 : i32
      %dma_wait3A_83 = tpu.memref_slice %arg7[%add3A_55, %dma_wait3A_82] : memref<10240x128xf32, #tpu.memory_space<vmem_shared>> -> memref<128x128xf32, #tpu.memory_space<vmem_shared>>
      tpu.wait_dma2 semaphore(%run_scoped3A : memref<!tpu.dma_semaphore, #tpu.memory_space<semaphore_mem>>) src(%dma_wait3A_83 : memref<128x128xf32, #tpu.memory_space<vmem_shared>>) dst(%dma_wait3A_81 : memref<128x128xf32, #tpu.memory_space<vmem>>)
      tpu.yield
    }) : () -> ()
    %mul3A_56 = arith.constant 10240 : i32
    %mul3A_57 = arith.muli %arg0, %mul3A_56 : i32
    %add3A_58 = arith.addi %mul3A_57, %add3A_55 : i32
    "tpu.region"() ({
      %run_scoped3A = tpu.sem_alloc : memref<!tpu.dma_semaphore, #tpu.memory_space<semaphore_mem>>
      %dma_start3A = arith.constant 0 : i32
      %dma_start3A_66 = arith.constant 0 : i32
      %dma_start3A_67 = tpu.memref_slice %arg6[%dma_start3A, %dma_start3A_66] : memref<128x128xf32, #tpu.memory_space<vmem>> -> memref<128x128xf32, #tpu.memory_space<vmem>>
      %dma_start3A_68 = arith.constant 0 : i32
      %dma_start3A_69 = tpu.memref_slice %arg4[%add3A_58, %dma_start3A_68] : memref<20480x128xf32, #tpu.memory_space<hbm>> -> memref<128x128xf32, #tpu.memory_space<hbm>>
      %dma_start3A_70 = arith.constant 0 : i32
      %dma_start3A_71 = tpu.memref_slice %arg4[%add3A_58, %dma_start3A_70] : memref<20480x128xf32, #tpu.memory_space<hbm>> -> memref<128x128xf32, #tpu.memory_space<hbm>>
      %dma_start3A_72 = arith.constant 0 : i32
      %dma_start3A_73 = arith.constant 0 : i32
      %dma_start3A_74 = tpu.memref_slice %arg6[%dma_start3A_72, %dma_start3A_73] : memref<128x128xf32, #tpu.memory_space<vmem>> -> memref<128x128xf32, #tpu.memory_space<vmem>>
      tpu.enqueue_dma source(%dma_start3A_74 : memref<128x128xf32, #tpu.memory_space<vmem>>) target(%dma_start3A_71 : memref<128x128xf32, #tpu.memory_space<hbm>>) target_semaphore(%run_scoped3A : memref<!tpu.dma_semaphore, #tpu.memory_space<semaphore_mem>>)
      %dma_wait3A = arith.constant 0 : i32
      %dma_wait3A_75 = arith.constant 0 : i32
      %dma_wait3A_76 = tpu.memref_slice %arg6[%dma_wait3A, %dma_wait3A_75] : memref<128x128xf32, #tpu.memory_space<vmem>> -> memref<128x128xf32, #tpu.memory_space<vmem>>
      %dma_wait3A_77 = arith.constant 0 : i32
      %dma_wait3A_78 = tpu.memref_slice %arg4[%add3A_58, %dma_wait3A_77] : memref<20480x128xf32, #tpu.memory_space<hbm>> -> memref<128x128xf32, #tpu.memory_space<hbm>>
      %dma_wait3A_79 = arith.constant 0 : i32
      %dma_wait3A_80 = tpu.memref_slice %arg4[%add3A_58, %dma_wait3A_79] : memref<20480x128xf32, #tpu.memory_space<hbm>> -> memref<128x128xf32, #tpu.memory_space<hbm>>
      %dma_wait3A_81 = arith.constant 0 : i32
      %dma_wait3A_82 = arith.constant 0 : i32
      %dma_wait3A_83 = tpu.memref_slice %arg6[%dma_wait3A_81, %dma_wait3A_82] : memref<128x128xf32, #tpu.memory_space<vmem>> -> memref<128x128xf32, #tpu.memory_space<vmem>>
      tpu.wait_dma2 semaphore(%run_scoped3A : memref<!tpu.dma_semaphore, #tpu.memory_space<semaphore_mem>>) src(%dma_wait3A_83 : memref<128x128xf32, #tpu.memory_space<vmem>>) dst(%dma_wait3A_80 : memref<128x128xf32, #tpu.memory_space<hbm>>)
      tpu.yield
    }) : () -> ()
    %mul3A_59 = arith.constant 640 : i32
    %mul3A_60 = arith.muli %arg1, %mul3A_59 : i32
    %add3A_61 = arith.constant 512 : i32
    %add3A_62 = arith.addi %mul3A_60, %add3A_61 : i32
    "tpu.region"() ({
      %run_scoped3A = tpu.sem_alloc : memref<!tpu.dma_semaphore, #tpu.memory_space<semaphore_mem>>
      %dma_start3A = arith.constant 0 : i32
      %dma_start3A_66 = arith.constant 0 : i32
      %dma_start3A_67 = tpu.memref_slice %arg6[%dma_start3A, %dma_start3A_66] : memref<128x128xf32, #tpu.memory_space<vmem>> -> memref<128x128xf32, #tpu.memory_space<vmem>>
      %dma_start3A_68 = arith.constant 0 : i32
      %dma_start3A_69 = tpu.memref_slice %arg7[%add3A_62, %dma_start3A_68] : memref<10240x128xf32, #tpu.memory_space<vmem_shared>> -> memref<128x128xf32, #tpu.memory_space<vmem_shared>>
      %dma_start3A_70 = arith.constant 0 : i32
      %dma_start3A_71 = arith.constant 0 : i32
      %dma_start3A_72 = tpu.memref_slice %arg6[%dma_start3A_70, %dma_start3A_71] : memref<128x128xf32, #tpu.memory_space<vmem>> -> memref<128x128xf32, #tpu.memory_space<vmem>>
      %dma_start3A_73 = arith.constant 0 : i32
      %dma_start3A_74 = tpu.memref_slice %arg7[%add3A_62, %dma_start3A_73] : memref<10240x128xf32, #tpu.memory_space<vmem_shared>> -> memref<128x128xf32, #tpu.memory_space<vmem_shared>>
      tpu.enqueue_dma source(%dma_start3A_74 : memref<128x128xf32, #tpu.memory_space<vmem_shared>>) target(%dma_start3A_72 : memref<128x128xf32, #tpu.memory_space<vmem>>) target_semaphore(%run_scoped3A : memref<!tpu.dma_semaphore, #tpu.memory_space<semaphore_mem>>)
      %dma_wait3A = arith.constant 0 : i32
      %dma_wait3A_75 = arith.constant 0 : i32
      %dma_wait3A_76 = tpu.memref_slice %arg6[%dma_wait3A, %dma_wait3A_75] : memref<128x128xf32, #tpu.memory_space<vmem>> -> memref<128x128xf32, #tpu.memory_space<vmem>>
      %dma_wait3A_77 = arith.constant 0 : i32
      %dma_wait3A_78 = tpu.memref_slice %arg7[%add3A_62, %dma_wait3A_77] : memref<10240x128xf32, #tpu.memory_space<vmem_shared>> -> memref<128x128xf32, #tpu.memory_space<vmem_shared>>
      %dma_wait3A_79 = arith.constant 0 : i32
      %dma_wait3A_80 = arith.constant 0 : i32
      %dma_wait3A_81 = tpu.memref_slice %arg6[%dma_wait3A_79, %dma_wait3A_80] : memref<128x128xf32, #tpu.memory_space<vmem>> -> memref<128x128xf32, #tpu.memory_space<vmem>>
      %dma_wait3A_82 = arith.constant 0 : i32
      %dma_wait3A_83 = tpu.memref_slice %arg7[%add3A_62, %dma_wait3A_82] : memref<10240x128xf32, #tpu.memory_space<vmem_shared>> -> memref<128x128xf32, #tpu.memory_space<vmem_shared>>
      tpu.wait_dma2 semaphore(%run_scoped3A : memref<!tpu.dma_semaphore, #tpu.memory_space<semaphore_mem>>) src(%dma_wait3A_83 : memref<128x128xf32, #tpu.memory_space<vmem_shared>>) dst(%dma_wait3A_81 : memref<128x128xf32, #tpu.memory_space<vmem>>)
      tpu.yield
    }) : () -> ()
    %mul3A_63 = arith.constant 10240 : i32
    %mul3A_64 = arith.muli %arg0, %mul3A_63 : i32
    %add3A_65 = arith.addi %mul3A_64, %add3A_62 : i32
    "tpu.region"() ({
      %run_scoped3A = tpu.sem_alloc : memref<!tpu.dma_semaphore, #tpu.memory_space<semaphore_mem>>
      %dma_start3A = arith.constant 0 : i32
      %dma_start3A_66 = arith.constant 0 : i32
      %dma_start3A_67 = tpu.memref_slice %arg6[%dma_start3A, %dma_start3A_66] : memref<128x128xf32, #tpu.memory_space<vmem>> -> memref<128x128xf32, #tpu.memory_space<vmem>>
      %dma_start3A_68 = arith.constant 0 : i32
      %dma_start3A_69 = tpu.memref_slice %arg4[%add3A_65, %dma_start3A_68] : memref<20480x128xf32, #tpu.memory_space<hbm>> -> memref<128x128xf32, #tpu.memory_space<hbm>>
      %dma_start3A_70 = arith.constant 0 : i32
      %dma_start3A_71 = tpu.memref_slice %arg4[%add3A_65, %dma_start3A_70] : memref<20480x128xf32, #tpu.memory_space<hbm>> -> memref<128x128xf32, #tpu.memory_space<hbm>>
      %dma_start3A_72 = arith.constant 0 : i32
      %dma_start3A_73 = arith.constant 0 : i32
      %dma_start3A_74 = tpu.memref_slice %arg6[%dma_start3A_72, %dma_start3A_73] : memref<128x128xf32, #tpu.memory_space<vmem>> -> memref<128x128xf32, #tpu.memory_space<vmem>>
      tpu.enqueue_dma source(%dma_start3A_74 : memref<128x128xf32, #tpu.memory_space<vmem>>) target(%dma_start3A_71 : memref<128x128xf32, #tpu.memory_space<hbm>>) target_semaphore(%run_scoped3A : memref<!tpu.dma_semaphore, #tpu.memory_space<semaphore_mem>>)
      %dma_wait3A = arith.constant 0 : i32
      %dma_wait3A_75 = arith.constant 0 : i32
      %dma_wait3A_76 = tpu.memref_slice %arg6[%dma_wait3A, %dma_wait3A_75] : memref<128x128xf32, #tpu.memory_space<vmem>> -> memref<128x128xf32, #tpu.memory_space<vmem>>
      %dma_wait3A_77 = arith.constant 0 : i32
      %dma_wait3A_78 = tpu.memref_slice %arg4[%add3A_65, %dma_wait3A_77] : memref<20480x128xf32, #tpu.memory_space<hbm>> -> memref<128x128xf32, #tpu.memory_space<hbm>>
      %dma_wait3A_79 = arith.constant 0 : i32
      %dma_wait3A_80 = tpu.memref_slice %arg4[%add3A_65, %dma_wait3A_79] : memref<20480x128xf32, #tpu.memory_space<hbm>> -> memref<128x128xf32, #tpu.memory_space<hbm>>
      %dma_wait3A_81 = arith.constant 0 : i32
      %dma_wait3A_82 = arith.constant 0 : i32
      %dma_wait3A_83 = tpu.memref_slice %arg6[%dma_wait3A_81, %dma_wait3A_82] : memref<128x128xf32, #tpu.memory_space<vmem>> -> memref<128x128xf32, #tpu.memory_space<vmem>>
      tpu.wait_dma2 semaphore(%run_scoped3A : memref<!tpu.dma_semaphore, #tpu.memory_space<semaphore_mem>>) src(%dma_wait3A_83 : memref<128x128xf32, #tpu.memory_space<vmem>>) dst(%dma_wait3A_80 : memref<128x128xf32, #tpu.memory_space<hbm>>)
      tpu.yield
    }) : () -> ()
    return
  }
}

module attributes {stable_mosaic.version = 14 : i64} {
  func.func @_embed_prep_body(%arg0: i32, %arg1: memref<2000x128xf32, #tpu.memory_space<vmem>>, %arg2: memref<128x128xf32, #tpu.memory_space<vmem>>, %arg3: memref<1x128xf32, #tpu.memory_space<vmem>>, %arg4: memref<128x128xf32, #tpu.memory_space<vmem>>, %arg5: memref<128x128xf32, #tpu.memory_space<vmem>>, %arg6: memref<2000x128xf32, #tpu.memory_space<vmem>>, %arg7: memref<2000x128xf32, #tpu.memory_space<vmem>>, %arg8: memref<2000x128xf32, #tpu.memory_space<vmem>>) attributes {dimension_semantics = [#tpu.dimension_semantics<arbitrary>], iteration_bounds = array<i64: 5>, scalar_prefetch = 0 : i64, scratch_operands = 0 : i64, tpu.core_type = #tpu.core_type<tc>, window_params = [{transform_indices = @transform_0, window_bounds = array<i64: 2000, 128>}, {pipeline_mode = #tpu.pipeline_mode<synchronous>, transform_indices = @transform_1, window_bounds = array<i64: 128, 128>}, {pipeline_mode = #tpu.pipeline_mode<synchronous>, transform_indices = @transform_2, window_bounds = array<i64: 1, 128>}, {pipeline_mode = #tpu.pipeline_mode<synchronous>, transform_indices = @transform_3, window_bounds = array<i64: 128, 128>}, {pipeline_mode = #tpu.pipeline_mode<synchronous>, transform_indices = @transform_4, window_bounds = array<i64: 128, 128>}, {transform_indices = @transform_5, window_bounds = array<i64: 2000, 128>}, {transform_indices = @transform_6, window_bounds = array<i64: 2000, 128>}, {transform_indices = @transform_7, window_bounds = array<i64: 2000, 128>}]} {
    %get3A = arith.constant 0 : index
    %get3A_0 = arith.constant 0 : index
    %get3A_1 = vector.load %arg1[%get3A, %get3A_0] : memref<2000x128xf32, #tpu.memory_space<vmem>>, vector<2000x128xf32>
    %get3A_2 = arith.constant 0 : index
    %get3A_3 = arith.constant 0 : index
    %get3A_4 = vector.load %arg2[%get3A_2, %get3A_3] : memref<128x128xf32, #tpu.memory_space<vmem>>, vector<128x128xf32>
    %dot_general3A = arith.constant dense<0.000000e+00> : vector<2000x128xf32>
    %dot_general3A_5 = tpu.matmul %get3A_1, %get3A_4, %dot_general3A {dimension_numbers = #tpu.dot_dimension_numbers<[1], [0], [0], [1], [0, 0, 1, 1], [], []>, transpose_lhs_hint = false} : vector<2000x128xf32>, vector<128x128xf32>, vector<2000x128xf32> -> vector<2000x128xf32>
    %get3A_6 = arith.constant 0 : index
    %get3A_7 = arith.constant 0 : index
    %get3A_8 = vector.load %arg3[%get3A_6, %get3A_7] : memref<1x128xf32, #tpu.memory_space<vmem>>, vector<1x128xf32>
    %add3A = vector.broadcast %get3A_8 : vector<1x128xf32> to vector<2000x128xf32>
    %add3A_9 = arith.addf %dot_general3A_5, %add3A : vector<2000x128xf32>
    %swap3A = arith.constant 0 : index
    %swap3A_10 = arith.constant 0 : index
    %swap3A_11 = vector.load %arg6[%swap3A, %swap3A_10] : memref<2000x128xf32, #tpu.memory_space<vmem>>, vector<2000x128xf32>
    tpu.vector_store %arg6[%swap3A, %swap3A_10], %add3A_9 {strides = array<i32>} : memref<2000x128xf32, #tpu.memory_space<vmem>>, vector<2000x128xf32>,
    %get3A_12 = arith.constant 0 : index
    %get3A_13 = arith.constant 0 : index
    %get3A_14 = vector.load %arg4[%get3A_12, %get3A_13] : memref<128x128xf32, #tpu.memory_space<vmem>>, vector<128x128xf32>
    %dot_general3A_15 = arith.constant dense<0.000000e+00> : vector<2000x128xf32>
    %dot_general3A_16 = tpu.matmul %add3A_9, %get3A_14, %dot_general3A_15 {dimension_numbers = #tpu.dot_dimension_numbers<[1], [0], [0], [1], [0, 0, 1, 1], [], []>, transpose_lhs_hint = false} : vector<2000x128xf32>, vector<128x128xf32>, vector<2000x128xf32> -> vector<2000x128xf32>
    %swap3A_17 = arith.constant 0 : index
    %swap3A_18 = arith.constant 0 : index
    %swap3A_19 = vector.load %arg7[%swap3A_17, %swap3A_18] : memref<2000x128xf32, #tpu.memory_space<vmem>>, vector<2000x128xf32>
    tpu.vector_store %arg7[%swap3A_17, %swap3A_18], %dot_general3A_16 {strides = array<i32>} : memref<2000x128xf32, #tpu.memory_space<vmem>>, vector<2000x128xf32>,
    %get3A_20 = arith.constant 0 : index
    %get3A_21 = arith.constant 0 : index
    %get3A_22 = vector.load %arg5[%get3A_20, %get3A_21] : memref<128x128xf32, #tpu.memory_space<vmem>>, vector<128x128xf32>
    %dot_general3A_23 = arith.constant dense<0.000000e+00> : vector<2000x128xf32>
    %dot_general3A_24 = tpu.matmul %add3A_9, %get3A_22, %dot_general3A_23 {dimension_numbers = #tpu.dot_dimension_numbers<[1], [0], [0], [1], [0, 0, 1, 1], [], []>, transpose_lhs_hint = false} : vector<2000x128xf32>, vector<128x128xf32>, vector<2000x128xf32> -> vector<2000x128xf32>
    %swap3A_25 = arith.constant 0 : index
    %swap3A_26 = arith.constant 0 : index
    %swap3A_27 = vector.load %arg8[%swap3A_25, %swap3A_26] : memref<2000x128xf32, #tpu.memory_space<vmem>>, vector<2000x128xf32>
    tpu.vector_store %arg8[%swap3A_25, %swap3A_26], %dot_general3A_24 {strides = array<i32>} : memref<2000x128xf32, #tpu.memory_space<vmem>>, vector<2000x128xf32>,
    return
  }
  func.func @transform_0(%arg0: i32) -> (i32, i32) {
    %c0_i32 = arith.constant 0 : i32
    %c0_i32_0 = arith.constant 0 : i32
    return %arg0, %c0_i32 : i32, i32
  }
  func.func @transform_1(%arg0: i32) -> (i32, i32) {
    %c0_i32 = arith.constant 0 : i32
    %c0_i32_0 = arith.constant 0 : i32
    %c0_i32_1 = arith.constant 0 : i32
    return %c0_i32, %c0_i32_0 : i32, i32
  }
  func.func @transform_2(%arg0: i32) -> (i32, i32) {
    %c0_i32 = arith.constant 0 : i32
    %c0_i32_0 = arith.constant 0 : i32
    %c0_i32_1 = arith.constant 0 : i32
    return %c0_i32, %c0_i32_0 : i32, i32
  }
  func.func @transform_3(%arg0: i32) -> (i32, i32) {
    %c0_i32 = arith.constant 0 : i32
    %c0_i32_0 = arith.constant 0 : i32
    %c0_i32_1 = arith.constant 0 : i32
    return %c0_i32, %c0_i32_0 : i32, i32
  }
  func.func @transform_4(%arg0: i32) -> (i32, i32) {
    %c0_i32 = arith.constant 0 : i32
    %c0_i32_0 = arith.constant 0 : i32
    %c0_i32_1 = arith.constant 0 : i32
    return %c0_i32, %c0_i32_0 : i32, i32
  }
  func.func @transform_5(%arg0: i32) -> (i32, i32) {
    %c0_i32 = arith.constant 0 : i32
    %c0_i32_0 = arith.constant 0 : i32
    return %arg0, %c0_i32 : i32, i32
  }
  func.func @transform_6(%arg0: i32) -> (i32, i32) {
    %c0_i32 = arith.constant 0 : i32
    %c0_i32_0 = arith.constant 0 : i32
    return %arg0, %c0_i32 : i32, i32
  }
  func.func @transform_7(%arg0: i32) -> (i32, i32) {
    %c0_i32 = arith.constant 0 : i32
    %c0_i32_0 = arith.constant 0 : i32
    return %arg0, %c0_i32 : i32, i32
  }
}

module attributes {stable_mosaic.version = 14 : i64} {
  func.func @_edge_mlp_body(%arg0: i32, %arg1: memref<4000x128xf32, #tpu.memory_space<vmem>>, %arg2: memref<4000x16xf32, #tpu.memory_space<vmem>>, %arg3: memref<16x128xf32, #tpu.memory_space<vmem>>, %arg4: memref<1x128xf32, #tpu.memory_space<vmem>>, %arg5: memref<128x128xf32, #tpu.memory_space<vmem>>, %arg6: memref<1x128xf32, #tpu.memory_space<vmem>>, %arg7: memref<4000x128xf32, #tpu.memory_space<vmem>>) attributes {dimension_semantics = [#tpu.dimension_semantics<arbitrary>], iteration_bounds = array<i64: 40>, scalar_prefetch = 0 : i64, scratch_operands = 0 : i64, tpu.core_type = #tpu.core_type<tc>, window_params = [{transform_indices = @transform_0, window_bounds = array<i64: 4000, 128>}, {transform_indices = @transform_1, window_bounds = array<i64: 4000, 16>}, {pipeline_mode = #tpu.pipeline_mode<synchronous>, transform_indices = @transform_2, window_bounds = array<i64: 16, 128>}, {pipeline_mode = #tpu.pipeline_mode<synchronous>, transform_indices = @transform_3, window_bounds = array<i64: 1, 128>}, {pipeline_mode = #tpu.pipeline_mode<synchronous>, transform_indices = @transform_4, window_bounds = array<i64: 128, 128>}, {pipeline_mode = #tpu.pipeline_mode<synchronous>, transform_indices = @transform_5, window_bounds = array<i64: 1, 128>}, {transform_indices = @transform_6, window_bounds = array<i64: 4000, 128>}]} {
    %get3A = arith.constant 0 : index
    %get3A_0 = arith.constant 0 : index
    %get3A_1 = vector.load %arg1[%get3A, %get3A_0] : memref<4000x128xf32, #tpu.memory_space<vmem>>, vector<4000x128xf32>
    %get3A_2 = arith.constant 0 : index
    %get3A_3 = arith.constant 0 : index
    %get3A_4 = vector.load %arg2[%get3A_2, %get3A_3] : memref<4000x16xf32, #tpu.memory_space<vmem>>, vector<4000x16xf32>
    %get3A_5 = arith.constant 0 : index
    %get3A_6 = arith.constant 0 : index
    %get3A_7 = vector.load %arg3[%get3A_5, %get3A_6] : memref<16x128xf32, #tpu.memory_space<vmem>>, vector<16x128xf32>
    %dot_general3A = arith.constant dense<0.000000e+00> : vector<4000x128xf32>
    %dot_general3A_8 = tpu.matmul %get3A_4, %get3A_7, %dot_general3A {dimension_numbers = #tpu.dot_dimension_numbers<[1], [0], [0], [1], [0, 0, 1, 1], [], []>, transpose_lhs_hint = false} : vector<4000x16xf32>, vector<16x128xf32>, vector<4000x128xf32> -> vector<4000x128xf32>
    %add3A = arith.addf %get3A_1, %dot_general3A_8 : vector<4000x128xf32>
    %get3A_9 = arith.constant 0 : index
    %get3A_10 = arith.constant 0 : index
    %get3A_11 = vector.load %arg4[%get3A_9, %get3A_10] : memref<1x128xf32, #tpu.memory_space<vmem>>, vector<1x128xf32>
    %add3A_12 = vector.broadcast %get3A_11 : vector<1x128xf32> to vector<4000x128xf32>
    %add3A_13 = arith.addf %add3A, %add3A_12 : vector<4000x128xf32>
    %logistic3A = arith.negf %add3A_13 : vector<4000x128xf32>
    %logistic3A_14 = math.exp %logistic3A : vector<4000x128xf32>
    %logistic3A_15 = arith.constant 1.000000e+00 : f32
    %logistic3A_16 = vector.broadcast %logistic3A_15 : f32 to vector<4000x128xf32>
    %logistic3A_17 = arith.addf %logistic3A_16, %logistic3A_14 : vector<4000x128xf32>
    %logistic3A_18 = arith.divf %logistic3A_16, %logistic3A_17 : vector<4000x128xf32>
    %mul3A = arith.mulf %add3A_13, %logistic3A_18 : vector<4000x128xf32>
    %get3A_19 = arith.constant 0 : index
    %get3A_20 = arith.constant 0 : index
    %get3A_21 = vector.load %arg5[%get3A_19, %get3A_20] : memref<128x128xf32, #tpu.memory_space<vmem>>, vector<128x128xf32>
    %dot_general3A_22 = arith.constant dense<0.000000e+00> : vector<4000x128xf32>
    %dot_general3A_23 = tpu.matmul %mul3A, %get3A_21, %dot_general3A_22 {dimension_numbers = #tpu.dot_dimension_numbers<[1], [0], [0], [1], [0, 0, 1, 1], [], []>, transpose_lhs_hint = false} : vector<4000x128xf32>, vector<128x128xf32>, vector<4000x128xf32> -> vector<4000x128xf32>
    %get3A_24 = arith.constant 0 : index
    %get3A_25 = arith.constant 0 : index
    %get3A_26 = vector.load %arg6[%get3A_24, %get3A_25] : memref<1x128xf32, #tpu.memory_space<vmem>>, vector<1x128xf32>
    %add3A_27 = vector.broadcast %get3A_26 : vector<1x128xf32> to vector<4000x128xf32>
    %add3A_28 = arith.addf %dot_general3A_23, %add3A_27 : vector<4000x128xf32>
    %logistic3A_29 = arith.negf %add3A_28 : vector<4000x128xf32>
    %logistic3A_30 = math.exp %logistic3A_29 : vector<4000x128xf32>
    %logistic3A_31 = arith.constant 1.000000e+00 : f32
    %logistic3A_32 = vector.broadcast %logistic3A_31 : f32 to vector<4000x128xf32>
    %logistic3A_33 = arith.addf %logistic3A_32, %logistic3A_30 : vector<4000x128xf32>
    %logistic3A_34 = arith.divf %logistic3A_32, %logistic3A_33 : vector<4000x128xf32>
    %mul3A_35 = arith.mulf %add3A_28, %logistic3A_34 : vector<4000x128xf32>
    %swap3A = arith.constant 0 : index
    %swap3A_36 = arith.constant 0 : index
    %swap3A_37 = vector.load %arg7[%swap3A, %swap3A_36] : memref<4000x128xf32, #tpu.memory_space<vmem>>, vector<4000x128xf32>
    tpu.vector_store %arg7[%swap3A, %swap3A_36], %mul3A_35 {strides = array<i32>} : memref<4000x128xf32, #tpu.memory_space<vmem>>, vector<4000x128xf32>,
    return
  }
  func.func @transform_0(%arg0: i32) -> (i32, i32) {
    %c0_i32 = arith.constant 0 : i32
    %c0_i32_0 = arith.constant 0 : i32
    return %arg0, %c0_i32 : i32, i32
  }
  func.func @transform_1(%arg0: i32) -> (i32, i32) {
    %c0_i32 = arith.constant 0 : i32
    %c0_i32_0 = arith.constant 0 : i32
    return %arg0, %c0_i32 : i32, i32
  }
  func.func @transform_2(%arg0: i32) -> (i32, i32) {
    %c0_i32 = arith.constant 0 : i32
    %c0_i32_0 = arith.constant 0 : i32
    %c0_i32_1 = arith.constant 0 : i32
    return %c0_i32, %c0_i32_0 : i32, i32
  }
  func.func @transform_3(%arg0: i32) -> (i32, i32) {
    %c0_i32 = arith.constant 0 : i32
    %c0_i32_0 = arith.constant 0 : i32
    %c0_i32_1 = arith.constant 0 : i32
    return %c0_i32, %c0_i32_0 : i32, i32
  }
  func.func @transform_4(%arg0: i32) -> (i32, i32) {
    %c0_i32 = arith.constant 0 : i32
    %c0_i32_0 = arith.constant 0 : i32
    %c0_i32_1 = arith.constant 0 : i32
    return %c0_i32, %c0_i32_0 : i32, i32
  }
  func.func @transform_5(%arg0: i32) -> (i32, i32) {
    %c0_i32 = arith.constant 0 : i32
    %c0_i32_0 = arith.constant 0 : i32
    %c0_i32_1 = arith.constant 0 : i32
    return %c0_i32, %c0_i32_0 : i32, i32
  }
  func.func @transform_6(%arg0: i32) -> (i32, i32) {
    %c0_i32 = arith.constant 0 : i32
    %c0_i32_0 = arith.constant 0 : i32
    return %arg0, %c0_i32 : i32, i32
  }
}

module attributes {stable_mosaic.version = 14 : i64} {
  func.func @_node_update_body(%arg0: i32, %arg1: memref<2000x128xf32, #tpu.memory_space<vmem>>, %arg2: memref<2x2000x128xf32, #tpu.memory_space<vmem>>, %arg3: memref<128x128xf32, #tpu.memory_space<vmem>>, %arg4: memref<128x128xf32, #tpu.memory_space<vmem>>, %arg5: memref<1x128xf32, #tpu.memory_space<vmem>>, %arg6: memref<128x128xf32, #tpu.memory_space<vmem>>, %arg7: memref<1x128xf32, #tpu.memory_space<vmem>>, %arg8: memref<128x128xf32, #tpu.memory_space<vmem>>, %arg9: memref<128x128xf32, #tpu.memory_space<vmem>>, %arg10: memref<2000x128xf32, #tpu.memory_space<vmem>>, %arg11: memref<2000x128xf32, #tpu.memory_space<vmem>>, %arg12: memref<2000x128xf32, #tpu.memory_space<vmem>>) attributes {dimension_semantics = [#tpu.dimension_semantics<arbitrary>], iteration_bounds = array<i64: 5>, scalar_prefetch = 0 : i64, scratch_operands = 0 : i64, tpu.core_type = #tpu.core_type<tc>, window_params = [{transform_indices = @transform_0, window_bounds = array<i64: 2000, 128>}, {transform_indices = @transform_1, window_bounds = array<i64: 2, 2000, 128>}, {pipeline_mode = #tpu.pipeline_mode<synchronous>, transform_indices = @transform_2, window_bounds = array<i64: 128, 128>}, {pipeline_mode = #tpu.pipeline_mode<synchronous>, transform_indices = @transform_3, window_bounds = array<i64: 128, 128>}, {pipeline_mode = #tpu.pipeline_mode<synchronous>, transform_indices = @transform_4, window_bounds = array<i64: 1, 128>}, {pipeline_mode = #tpu.pipeline_mode<synchronous>, transform_indices = @transform_5, window_bounds = array<i64: 128, 128>}, {pipeline_mode = #tpu.pipeline_mode<synchronous>, transform_indices = @transform_6, window_bounds = array<i64: 1, 128>}, {pipeline_mode = #tpu.pipeline_mode<synchronous>, transform_indices = @transform_7, window_bounds = array<i64: 128, 128>}, {pipeline_mode = #tpu.pipeline_mode<synchronous>, transform_indices = @transform_8, window_bounds = array<i64: 128, 128>}, {transform_indices = @transform_9, window_bounds = array<i64: 2000, 128>}, {transform_indices = @transform_10, window_bounds = array<i64: 2000, 128>}, {transform_indices = @transform_11, window_bounds = array<i64: 2000, 128>}]} {
    %get3A = arith.constant 0 : index
    %get3A_0 = arith.constant 0 : index
    %get3A_1 = vector.load %arg1[%get3A, %get3A_0] : memref<2000x128xf32, #tpu.memory_space<vmem>>, vector<2000x128xf32>
    %get3A_2 = arith.constant 0 : index
    %get3A_3 = arith.constant 0 : index
    %get3A_4 = arith.constant 0 : index
    %get3A_5 = vector.load %arg2[%get3A_2, %get3A_3, %get3A_4] : memref<2x2000x128xf32, #tpu.memory_space<vmem>>, vector<1x2000x128xf32>
    %get3A_6 = vector.shape_cast %get3A_5 : vector<1x2000x128xf32> to vector<2000x128xf32>
    %get3A_7 = arith.constant 1 : index
    %get3A_8 = arith.constant 0 : index
    %get3A_9 = arith.constant 0 : index
    %get3A_10 = vector.load %arg2[%get3A_7, %get3A_8, %get3A_9] : memref<2x2000x128xf32, #tpu.memory_space<vmem>>, vector<1x2000x128xf32>
    %get3A_11 = vector.shape_cast %get3A_10 : vector<1x2000x128xf32> to vector<2000x128xf32>
    %add3A = arith.addf %get3A_6, %get3A_11 : vector<2000x128xf32>
    %get3A_12 = arith.constant 0 : index
    %get3A_13 = arith.constant 0 : index
    %get3A_14 = vector.load %arg3[%get3A_12, %get3A_13] : memref<128x128xf32, #tpu.memory_space<vmem>>, vector<128x128xf32>
    %dot_general3A = arith.constant dense<0.000000e+00> : vector<2000x128xf32>
    %dot_general3A_15 = tpu.matmul %get3A_1, %get3A_14, %dot_general3A {dimension_numbers = #tpu.dot_dimension_numbers<[1], [0], [0], [1], [0, 0, 1, 1], [], []>, transpose_lhs_hint = false} : vector<2000x128xf32>, vector<128x128xf32>, vector<2000x128xf32> -> vector<2000x128xf32>
    %get3A_16 = arith.constant 0 : index
    %get3A_17 = arith.constant 0 : index
    %get3A_18 = vector.load %arg4[%get3A_16, %get3A_17] : memref<128x128xf32, #tpu.memory_space<vmem>>, vector<128x128xf32>
    %dot_general3A_19 = arith.constant dense<0.000000e+00> : vector<2000x128xf32>
    %dot_general3A_20 = tpu.matmul %add3A, %get3A_18, %dot_general3A_19 {dimension_numbers = #tpu.dot_dimension_numbers<[1], [0], [0], [1], [0, 0, 1, 1], [], []>, transpose_lhs_hint = false} : vector<2000x128xf32>, vector<128x128xf32>, vector<2000x128xf32> -> vector<2000x128xf32>
    %add3A_21 = arith.addf %dot_general3A_15, %dot_general3A_20 : vector<2000x128xf32>
    %get3A_22 = arith.constant 0 : index
    %get3A_23 = arith.constant 0 : index
    %get3A_24 = vector.load %arg5[%get3A_22, %get3A_23] : memref<1x128xf32, #tpu.memory_space<vmem>>, vector<1x128xf32>
    %add3A_25 = vector.broadcast %get3A_24 : vector<1x128xf32> to vector<2000x128xf32>
    %add3A_26 = arith.addf %add3A_21, %add3A_25 : vector<2000x128xf32>
    %logistic3A = arith.negf %add3A_26 : vector<2000x128xf32>
    %logistic3A_27 = math.exp %logistic3A : vector<2000x128xf32>
    %logistic3A_28 = arith.constant 1.000000e+00 : f32
    %logistic3A_29 = vector.broadcast %logistic3A_28 : f32 to vector<2000x128xf32>
    %logistic3A_30 = arith.addf %logistic3A_29, %logistic3A_27 : vector<2000x128xf32>
    %logistic3A_31 = arith.divf %logistic3A_29, %logistic3A_30 : vector<2000x128xf32>
    %mul3A = arith.mulf %add3A_26, %logistic3A_31 : vector<2000x128xf32>
    %get3A_32 = arith.constant 0 : index
    %get3A_33 = arith.constant 0 : index
    %get3A_34 = vector.load %arg6[%get3A_32, %get3A_33] : memref<128x128xf32, #tpu.memory_space<vmem>>, vector<128x128xf32>
    %dot_general3A_35 = arith.constant dense<0.000000e+00> : vector<2000x128xf32>
    %dot_general3A_36 = tpu.matmul %mul3A, %get3A_34, %dot_general3A_35 {dimension_numbers = #tpu.dot_dimension_numbers<[1], [0], [0], [1], [0, 0, 1, 1], [], []>, transpose_lhs_hint = false} : vector<2000x128xf32>, vector<128x128xf32>, vector<2000x128xf32> -> vector<2000x128xf32>
    %add3A_37 = arith.addf %get3A_1, %dot_general3A_36 : vector<2000x128xf32>
    %get3A_38 = arith.constant 0 : index
    %get3A_39 = arith.constant 0 : index
    %get3A_40 = vector.load %arg7[%get3A_38, %get3A_39] : memref<1x128xf32, #tpu.memory_space<vmem>>, vector<1x128xf32>
    %add3A_41 = vector.broadcast %get3A_40 : vector<1x128xf32> to vector<2000x128xf32>
    %add3A_42 = arith.addf %add3A_37, %add3A_41 : vector<2000x128xf32>
    %swap3A = arith.constant 0 : index
    %swap3A_43 = arith.constant 0 : index
    %swap3A_44 = vector.load %arg10[%swap3A, %swap3A_43] : memref<2000x128xf32, #tpu.memory_space<vmem>>, vector<2000x128xf32>
    tpu.vector_store %arg10[%swap3A, %swap3A_43], %add3A_42 {strides = array<i32>} : memref<2000x128xf32, #tpu.memory_space<vmem>>, vector<2000x128xf32>,
    %get3A_45 = arith.constant 0 : index
    %get3A_46 = arith.constant 0 : index
    %get3A_47 = vector.load %arg8[%get3A_45, %get3A_46] : memref<128x128xf32, #tpu.memory_space<vmem>>, vector<128x128xf32>
    %dot_general3A_48 = arith.constant dense<0.000000e+00> : vector<2000x128xf32>
    %dot_general3A_49 = tpu.matmul %add3A_42, %get3A_47, %dot_general3A_48 {dimension_numbers = #tpu.dot_dimension_numbers<[1], [0], [0], [1], [0, 0, 1, 1], [], []>, transpose_lhs_hint = false} : vector<2000x128xf32>, vector<128x128xf32>, vector<2000x128xf32> -> vector<2000x128xf32>
    %swap3A_50 = arith.constant 0 : index
    %swap3A_51 = arith.constant 0 : index
    %swap3A_52 = vector.load %arg11[%swap3A_50, %swap3A_51] : memref<2000x128xf32, #tpu.memory_space<vmem>>, vector<2000x128xf32>
    tpu.vector_store %arg11[%swap3A_50, %swap3A_51], %dot_general3A_49 {strides = array<i32>} : memref<2000x128xf32, #tpu.memory_space<vmem>>, vector<2000x128xf32>,
    %get3A_53 = arith.constant 0 : index
    %get3A_54 = arith.constant 0 : index
    %get3A_55 = vector.load %arg9[%get3A_53, %get3A_54] : memref<128x128xf32, #tpu.memory_space<vmem>>, vector<128x128xf32>
    %dot_general3A_56 = arith.constant dense<0.000000e+00> : vector<2000x128xf32>
    %dot_general3A_57 = tpu.matmul %add3A_42, %get3A_55, %dot_general3A_56 {dimension_numbers = #tpu.dot_dimension_numbers<[1], [0], [0], [1], [0, 0, 1, 1], [], []>, transpose_lhs_hint = false} : vector<2000x128xf32>, vector<128x128xf32>, vector<2000x128xf32> -> vector<2000x128xf32>
    %swap3A_58 = arith.constant 0 : index
    %swap3A_59 = arith.constant 0 : index
    %swap3A_60 = vector.load %arg12[%swap3A_58, %swap3A_59] : memref<2000x128xf32, #tpu.memory_space<vmem>>, vector<2000x128xf32>
    tpu.vector_store %arg12[%swap3A_58, %swap3A_59], %dot_general3A_57 {strides = array<i32>} : memref<2000x128xf32, #tpu.memory_space<vmem>>, vector<2000x128xf32>,
    return
  }
  func.func @transform_0(%arg0: i32) -> (i32, i32) {
    %c0_i32 = arith.constant 0 : i32
    %c0_i32_0 = arith.constant 0 : i32
    return %arg0, %c0_i32 : i32, i32
  }
  func.func @transform_1(%arg0: i32) -> (i32, i32, i32) {
    %c0_i32 = arith.constant 0 : i32
    %c0_i32_0 = arith.constant 0 : i32
    %c0_i32_1 = arith.constant 0 : i32
    return %c0_i32, %arg0, %c0_i32_0 : i32, i32, i32
  }
  func.func @transform_2(%arg0: i32) -> (i32, i32) {
    %c0_i32 = arith.constant 0 : i32
    %c0_i32_0 = arith.constant 0 : i32
    %c0_i32_1 = arith.constant 0 : i32
    return %c0_i32, %c0_i32_0 : i32, i32
  }
  func.func @transform_3(%arg0: i32) -> (i32, i32) {
    %c0_i32 = arith.constant 0 : i32
    %c0_i32_0 = arith.constant 0 : i32
    %c0_i32_1 = arith.constant 0 : i32
    return %c0_i32, %c0_i32_0 : i32, i32
  }
  func.func @transform_4(%arg0: i32) -> (i32, i32) {
    %c0_i32 = arith.constant 0 : i32
    %c0_i32_0 = arith.constant 0 : i32
    %c0_i32_1 = arith.constant 0 : i32
    return %c0_i32, %c0_i32_0 : i32, i32
  }
  func.func @transform_5(%arg0: i32) -> (i32, i32) {
    %c0_i32 = arith.constant 0 : i32
    %c0_i32_0 = arith.constant 0 : i32
    %c0_i32_1 = arith.constant 0 : i32
    return %c0_i32, %c0_i32_0 : i32, i32
  }
  func.func @transform_6(%arg0: i32) -> (i32, i32) {
    %c0_i32 = arith.constant 0 : i32
    %c0_i32_0 = arith.constant 0 : i32
    %c0_i32_1 = arith.constant 0 : i32
    return %c0_i32, %c0_i32_0 : i32, i32
  }
  func.func @transform_7(%arg0: i32) -> (i32, i32) {
    %c0_i32 = arith.constant 0 : i32
    %c0_i32_0 = arith.constant 0 : i32
    %c0_i32_1 = arith.constant 0 : i32
    return %c0_i32, %c0_i32_0 : i32, i32
  }
  func.func @transform_8(%arg0: i32) -> (i32, i32) {
    %c0_i32 = arith.constant 0 : i32
    %c0_i32_0 = arith.constant 0 : i32
    %c0_i32_1 = arith.constant 0 : i32
    return %c0_i32, %c0_i32_0 : i32, i32
  }
  func.func @transform_9(%arg0: i32) -> (i32, i32) {
    %c0_i32 = arith.constant 0 : i32
    %c0_i32_0 = arith.constant 0 : i32
    return %arg0, %c0_i32 : i32, i32
  }
  func.func @transform_10(%arg0: i32) -> (i32, i32) {
    %c0_i32 = arith.constant 0 : i32
    %c0_i32_0 = arith.constant 0 : i32
    return %arg0, %c0_i32 : i32, i32
  }
  func.func @transform_11(%arg0: i32) -> (i32, i32) {
    %c0_i32 = arith.constant 0 : i32
    %c0_i32_0 = arith.constant 0 : i32
    return %arg0, %c0_i32 : i32, i32
  }
}

module attributes {stable_mosaic.version = 14 : i64} {
  func.func @_node_final_body(%arg0: i32, %arg1: memref<2000x128xf32, #tpu.memory_space<vmem>>, %arg2: memref<2x2000x128xf32, #tpu.memory_space<vmem>>, %arg3: memref<128x128xf32, #tpu.memory_space<vmem>>, %arg4: memref<128x128xf32, #tpu.memory_space<vmem>>, %arg5: memref<1x128xf32, #tpu.memory_space<vmem>>, %arg6: memref<128x128xf32, #tpu.memory_space<vmem>>, %arg7: memref<1x128xf32, #tpu.memory_space<vmem>>, %arg8: memref<128x128xf32, #tpu.memory_space<vmem>>, %arg9: memref<1x128xf32, #tpu.memory_space<vmem>>, %arg10: memref<128x128xf32, #tpu.memory_space<vmem>>, %arg11: memref<1x128xf32, #tpu.memory_space<vmem>>, %arg12: memref<128x128xf32, #tpu.memory_space<vmem>>, %arg13: memref<1x128xf32, #tpu.memory_space<vmem>>, %arg14: memref<128x1xf32, #tpu.memory_space<vmem>>, %arg15: memref<1x1xf32, #tpu.memory_space<vmem>>, %arg16: memref<1x1xf32, #tpu.memory_space<vmem>>) attributes {dimension_semantics = [#tpu.dimension_semantics<arbitrary>], iteration_bounds = array<i64: 5>, scalar_prefetch = 0 : i64, scratch_operands = 0 : i64, tpu.core_type = #tpu.core_type<tc>, window_params = [{transform_indices = @transform_0, window_bounds = array<i64: 2000, 128>}, {transform_indices = @transform_1, window_bounds = array<i64: 2, 2000, 128>}, {pipeline_mode = #tpu.pipeline_mode<synchronous>, transform_indices = @transform_2, window_bounds = array<i64: 128, 128>}, {pipeline_mode = #tpu.pipeline_mode<synchronous>, transform_indices = @transform_3, window_bounds = array<i64: 128, 128>}, {pipeline_mode = #tpu.pipeline_mode<synchronous>, transform_indices = @transform_4, window_bounds = array<i64: 1, 128>}, {pipeline_mode = #tpu.pipeline_mode<synchronous>, transform_indices = @transform_5, window_bounds = array<i64: 128, 128>}, {pipeline_mode = #tpu.pipeline_mode<synchronous>, transform_indices = @transform_6, window_bounds = array<i64: 1, 128>}, {pipeline_mode = #tpu.pipeline_mode<synchronous>, transform_indices = @transform_7, window_bounds = array<i64: 128, 128>}, {pipeline_mode = #tpu.pipeline_mode<synchronous>, transform_indices = @transform_8, window_bounds = array<i64: 1, 128>}, {pipeline_mode = #tpu.pipeline_mode<synchronous>, transform_indices = @transform_9, window_bounds = array<i64: 128, 128>}, {pipeline_mode = #tpu.pipeline_mode<synchronous>, transform_indices = @transform_10, window_bounds = array<i64: 1, 128>}, {pipeline_mode = #tpu.pipeline_mode<synchronous>, transform_indices = @transform_11, window_bounds = array<i64: 128, 128>}, {pipeline_mode = #tpu.pipeline_mode<synchronous>, transform_indices = @transform_12, window_bounds = array<i64: 1, 128>}, {pipeline_mode = #tpu.pipeline_mode<synchronous>, transform_indices = @transform_13, window_bounds = array<i64: 128, 1>}, {pipeline_mode = #tpu.pipeline_mode<synchronous>, transform_indices = @transform_14, window_bounds = array<i64: 1, 1>}, {pipeline_mode = #tpu.pipeline_mode<synchronous>, transform_indices = @transform_15, window_bounds = array<i64: 1, 1>}]} {
    %get3A = arith.constant 0 : index
    %get3A_0 = arith.constant 0 : index
    %get3A_1 = vector.load %arg1[%get3A, %get3A_0] : memref<2000x128xf32, #tpu.memory_space<vmem>>, vector<2000x128xf32>
    %get3A_2 = arith.constant 0 : index
    %get3A_3 = arith.constant 0 : index
    %get3A_4 = arith.constant 0 : index
    %get3A_5 = vector.load %arg2[%get3A_2, %get3A_3, %get3A_4] : memref<2x2000x128xf32, #tpu.memory_space<vmem>>, vector<1x2000x128xf32>
    %get3A_6 = vector.shape_cast %get3A_5 : vector<1x2000x128xf32> to vector<2000x128xf32>
    %get3A_7 = arith.constant 1 : index
    %get3A_8 = arith.constant 0 : index
    %get3A_9 = arith.constant 0 : index
    %get3A_10 = vector.load %arg2[%get3A_7, %get3A_8, %get3A_9] : memref<2x2000x128xf32, #tpu.memory_space<vmem>>, vector<1x2000x128xf32>
    %get3A_11 = vector.shape_cast %get3A_10 : vector<1x2000x128xf32> to vector<2000x128xf32>
    %add3A = arith.addf %get3A_6, %get3A_11 : vector<2000x128xf32>
    %get3A_12 = arith.constant 0 : index
    %get3A_13 = arith.constant 0 : index
    %get3A_14 = vector.load %arg3[%get3A_12, %get3A_13] : memref<128x128xf32, #tpu.memory_space<vmem>>, vector<128x128xf32>
    %dot_general3A = arith.constant dense<0.000000e+00> : vector<2000x128xf32>
    %dot_general3A_15 = tpu.matmul %get3A_1, %get3A_14, %dot_general3A {dimension_numbers = #tpu.dot_dimension_numbers<[1], [0], [0], [1], [0, 0, 1, 1], [], []>, transpose_lhs_hint = false} : vector<2000x128xf32>, vector<128x128xf32>, vector<2000x128xf32> -> vector<2000x128xf32>
    %get3A_16 = arith.constant 0 : index
    %get3A_17 = arith.constant 0 : index
    %get3A_18 = vector.load %arg4[%get3A_16, %get3A_17] : memref<128x128xf32, #tpu.memory_space<vmem>>, vector<128x128xf32>
    %dot_general3A_19 = arith.constant dense<0.000000e+00> : vector<2000x128xf32>
    %dot_general3A_20 = tpu.matmul %add3A, %get3A_18, %dot_general3A_19 {dimension_numbers = #tpu.dot_dimension_numbers<[1], [0], [0], [1], [0, 0, 1, 1], [], []>, transpose_lhs_hint = false} : vector<2000x128xf32>, vector<128x128xf32>, vector<2000x128xf32> -> vector<2000x128xf32>
    %add3A_21 = arith.addf %dot_general3A_15, %dot_general3A_20 : vector<2000x128xf32>
    %get3A_22 = arith.constant 0 : index
    %get3A_23 = arith.constant 0 : index
    %get3A_24 = vector.load %arg5[%get3A_22, %get3A_23] : memref<1x128xf32, #tpu.memory_space<vmem>>, vector<1x128xf32>
    %add3A_25 = vector.broadcast %get3A_24 : vector<1x128xf32> to vector<2000x128xf32>
    %add3A_26 = arith.addf %add3A_21, %add3A_25 : vector<2000x128xf32>
    %logistic3A = arith.negf %add3A_26 : vector<2000x128xf32>
    %logistic3A_27 = math.exp %logistic3A : vector<2000x128xf32>
    %logistic3A_28 = arith.constant 1.000000e+00 : f32
    %logistic3A_29 = vector.broadcast %logistic3A_28 : f32 to vector<2000x128xf32>
    %logistic3A_30 = arith.addf %logistic3A_29, %logistic3A_27 : vector<2000x128xf32>
    %logistic3A_31 = arith.divf %logistic3A_29, %logistic3A_30 : vector<2000x128xf32>
    %mul3A = arith.mulf %add3A_26, %logistic3A_31 : vector<2000x128xf32>
    %get3A_32 = arith.constant 0 : index
    %get3A_33 = arith.constant 0 : index
    %get3A_34 = vector.load %arg6[%get3A_32, %get3A_33] : memref<128x128xf32, #tpu.memory_space<vmem>>, vector<128x128xf32>
    %dot_general3A_35 = arith.constant dense<0.000000e+00> : vector<2000x128xf32>
    %dot_general3A_36 = tpu.matmul %mul3A, %get3A_34, %dot_general3A_35 {dimension_numbers = #tpu.dot_dimension_numbers<[1], [0], [0], [1], [0, 0, 1, 1], [], []>, transpose_lhs_hint = false} : vector<2000x128xf32>, vector<128x128xf32>, vector<2000x128xf32> -> vector<2000x128xf32>
    %add3A_37 = arith.addf %get3A_1, %dot_general3A_36 : vector<2000x128xf32>
    %get3A_38 = arith.constant 0 : index
    %get3A_39 = arith.constant 0 : index
    %get3A_40 = vector.load %arg7[%get3A_38, %get3A_39] : memref<1x128xf32, #tpu.memory_space<vmem>>, vector<1x128xf32>
    %add3A_41 = vector.broadcast %get3A_40 : vector<1x128xf32> to vector<2000x128xf32>
    %add3A_42 = arith.addf %add3A_37, %add3A_41 : vector<2000x128xf32>
    %get3A_43 = arith.constant 0 : index
    %get3A_44 = arith.constant 0 : index
    %get3A_45 = vector.load %arg8[%get3A_43, %get3A_44] : memref<128x128xf32, #tpu.memory_space<vmem>>, vector<128x128xf32>
    %dot_general3A_46 = arith.constant dense<0.000000e+00> : vector<2000x128xf32>
    %dot_general3A_47 = tpu.matmul %add3A_42, %get3A_45, %dot_general3A_46 {dimension_numbers = #tpu.dot_dimension_numbers<[1], [0], [0], [1], [0, 0, 1, 1], [], []>, transpose_lhs_hint = false} : vector<2000x128xf32>, vector<128x128xf32>, vector<2000x128xf32> -> vector<2000x128xf32>
    %get3A_48 = arith.constant 0 : index
    %get3A_49 = arith.constant 0 : index
    %get3A_50 = vector.load %arg9[%get3A_48, %get3A_49] : memref<1x128xf32, #tpu.memory_space<vmem>>, vector<1x128xf32>
    %add3A_51 = vector.broadcast %get3A_50 : vector<1x128xf32> to vector<2000x128xf32>
    %add3A_52 = arith.addf %dot_general3A_47, %add3A_51 : vector<2000x128xf32>
    %logistic3A_53 = arith.negf %add3A_52 : vector<2000x128xf32>
    %logistic3A_54 = math.exp %logistic3A_53 : vector<2000x128xf32>
    %logistic3A_55 = arith.constant 1.000000e+00 : f32
    %logistic3A_56 = vector.broadcast %logistic3A_55 : f32 to vector<2000x128xf32>
    %logistic3A_57 = arith.addf %logistic3A_56, %logistic3A_54 : vector<2000x128xf32>
    %logistic3A_58 = arith.divf %logistic3A_56, %logistic3A_57 : vector<2000x128xf32>
    %mul3A_59 = arith.mulf %add3A_52, %logistic3A_58 : vector<2000x128xf32>
    %get3A_60 = arith.constant 0 : index
    %get3A_61 = arith.constant 0 : index
    %get3A_62 = vector.load %arg10[%get3A_60, %get3A_61] : memref<128x128xf32, #tpu.memory_space<vmem>>, vector<128x128xf32>
    %dot_general3A_63 = arith.constant dense<0.000000e+00> : vector<2000x128xf32>
    %dot_general3A_64 = tpu.matmul %mul3A_59, %get3A_62, %dot_general3A_63 {dimension_numbers = #tpu.dot_dimension_numbers<[1], [0], [0], [1], [0, 0, 1, 1], [], []>, transpose_lhs_hint = false} : vector<2000x128xf32>, vector<128x128xf32>, vector<2000x128xf32> -> vector<2000x128xf32>
    %get3A_65 = arith.constant 0 : index
    %get3A_66 = arith.constant 0 : index
    %get3A_67 = vector.load %arg11[%get3A_65, %get3A_66] : memref<1x128xf32, #tpu.memory_space<vmem>>, vector<1x128xf32>
    %add3A_68 = vector.broadcast %get3A_67 : vector<1x128xf32> to vector<2000x128xf32>
    %add3A_69 = arith.addf %dot_general3A_64, %add3A_68 : vector<2000x128xf32>
    %get3A_70 = arith.constant 0 : index
    %get3A_71 = arith.constant 0 : index
    %get3A_72 = vector.load %arg12[%get3A_70, %get3A_71] : memref<128x128xf32, #tpu.memory_space<vmem>>, vector<128x128xf32>
    %dot_general3A_73 = arith.constant dense<0.000000e+00> : vector<2000x128xf32>
    %dot_general3A_74 = tpu.matmul %add3A_69, %get3A_72, %dot_general3A_73 {dimension_numbers = #tpu.dot_dimension_numbers<[1], [0], [0], [1], [0, 0, 1, 1], [], []>, transpose_lhs_hint = false} : vector<2000x128xf32>, vector<128x128xf32>, vector<2000x128xf32> -> vector<2000x128xf32>
    %get3A_75 = arith.constant 0 : index
    %get3A_76 = arith.constant 0 : index
    %get3A_77 = vector.load %arg13[%get3A_75, %get3A_76] : memref<1x128xf32, #tpu.memory_space<vmem>>, vector<1x128xf32>
    %add3A_78 = vector.broadcast %get3A_77 : vector<1x128xf32> to vector<2000x128xf32>
    %add3A_79 = arith.addf %dot_general3A_74, %add3A_78 : vector<2000x128xf32>
    %abs3A = math.absf %add3A_79 : vector<2000x128xf32>
    %add3A_80 = arith.constant 1.000000e+00 : f32
    %add3A_81 = vector.broadcast %add3A_80 : f32 to vector<2000x128xf32>
    %add3A_82 = arith.addf %add3A_81, %abs3A : vector<2000x128xf32>
    %div3A = arith.divf %add3A_79, %add3A_82 : vector<2000x128xf32>
    %get3A_83 = arith.constant 0 : index
    %get3A_84 = arith.constant 0 : index
    %get3A_85 = vector.load %arg14[%get3A_83, %get3A_84] : memref<128x1xf32, #tpu.memory_space<vmem>>, vector<128x1xf32>
    %dot_general3A_86 = arith.constant dense<0.000000e+00> : vector<2000x1xf32>
    %dot_general3A_87 = tpu.matmul %div3A, %get3A_85, %dot_general3A_86 {dimension_numbers = #tpu.dot_dimension_numbers<[1], [0], [0], [1], [0, 0, 1, 1], [], []>, transpose_lhs_hint = false} : vector<2000x128xf32>, vector<128x1xf32>, vector<2000x1xf32> -> vector<2000x1xf32>
    %get3A_88 = arith.constant 0 : index
    %get3A_89 = arith.constant 0 : index
    %get3A_90 = vector.load %arg15[%get3A_88, %get3A_89] : memref<1x1xf32, #tpu.memory_space<vmem>>, vector<1x1xf32>
    %add3A_91 = vector.broadcast %get3A_90 : vector<1x1xf32> to vector<2000x1xf32>
    %add3A_92 = arith.addf %dot_general3A_87, %add3A_91 : vector<2000x1xf32>
    %reduce_sum3A = vector.shape_cast %add3A_92 : vector<2000x1xf32> to vector<1x2000x1xf32>
    %reduce_sum3A_93 = arith.constant dense<0.000000e+00> : vector<1xf32>
    %reduce_sum3A_94 = vector.multi_reduction <add>, %reduce_sum3A, %reduce_sum3A_93 [1, 2] : vector<1x2000x1xf32> to vector<1xf32>
    %reduce_sum3A_95 = vector.shape_cast %reduce_sum3A_94 : vector<1xf32> to vector<1x1x1xf32>
    %reduce_sum3A_96 = vector.extract %reduce_sum3A_95[0, 0, 0] : f32 from vector<1x1x1xf32>
    %reshape3A = vector.broadcast %reduce_sum3A_96 : f32 to vector<1x1xf32>
    %eq3A = arith.constant 0 : i32
    %eq3A_97 = arith.cmpi eq, %arg0, %eq3A : i32
    %convert_element_type3A = arith.extui %eq3A_97 : i1 to i32
    %cond3A = arith.constant 0 : i32
    %cond3A_98 = arith.cmpi ne, %convert_element_type3A, %cond3A : i32
    scf.if %cond3A_98 {
      %broadcast_in_dim3A = arith.constant 0.000000e+00 : f32
      %broadcast_in_dim3A_105 = vector.broadcast %broadcast_in_dim3A : f32 to vector<1x1xf32>
      %swap3A_106 = arith.constant 0 : index
      %swap3A_107 = arith.constant 0 : index
      %swap3A_108 = vector.load %arg16[%swap3A_106, %swap3A_107] : memref<1x1xf32, #tpu.memory_space<vmem>>, vector<1x1xf32>
      tpu.vector_store %arg16[%swap3A_106, %swap3A_107], %broadcast_in_dim3A_105 {strides = array<i32>} : memref<1x1xf32, #tpu.memory_space<vmem>>, vector<1x1xf32>,
    } else {
    }
    %get3A_99 = arith.constant 0 : index
    %get3A_100 = arith.constant 0 : index
    %get3A_101 = vector.load %arg16[%get3A_99, %get3A_100] : memref<1x1xf32, #tpu.memory_space<vmem>>, vector<1x1xf32>
    %add3A_102 = arith.addf %get3A_101, %reshape3A : vector<1x1xf32>
    %swap3A = arith.constant 0 : index
    %swap3A_103 = arith.constant 0 : index
    %swap3A_104 = vector.load %arg16[%swap3A, %swap3A_103] : memref<1x1xf32, #tpu.memory_space<vmem>>, vector<1x1xf32>
    tpu.vector_store %arg16[%swap3A, %swap3A_103], %add3A_102 {strides = array<i32>} : memref<1x1xf32, #tpu.memory_space<vmem>>, vector<1x1xf32>,
    return
  }
  func.func @transform_0(%arg0: i32) -> (i32, i32) {
    %c0_i32 = arith.constant 0 : i32
    %c0_i32_0 = arith.constant 0 : i32
    return %arg0, %c0_i32 : i32, i32
  }
  func.func @transform_1(%arg0: i32) -> (i32, i32, i32) {
    %c0_i32 = arith.constant 0 : i32
    %c0_i32_0 = arith.constant 0 : i32
    %c0_i32_1 = arith.constant 0 : i32
    return %c0_i32, %arg0, %c0_i32_0 : i32, i32, i32
  }
  func.func @transform_2(%arg0: i32) -> (i32, i32) {
    %c0_i32 = arith.constant 0 : i32
    %c0_i32_0 = arith.constant 0 : i32
    %c0_i32_1 = arith.constant 0 : i32
    return %c0_i32, %c0_i32_0 : i32, i32
  }
  func.func @transform_3(%arg0: i32) -> (i32, i32) {
    %c0_i32 = arith.constant 0 : i32
    %c0_i32_0 = arith.constant 0 : i32
    %c0_i32_1 = arith.constant 0 : i32
    return %c0_i32, %c0_i32_0 : i32, i32
  }
  func.func @transform_4(%arg0: i32) -> (i32, i32) {
    %c0_i32 = arith.constant 0 : i32
    %c0_i32_0 = arith.constant 0 : i32
    %c0_i32_1 = arith.constant 0 : i32
    return %c0_i32, %c0_i32_0 : i32, i32
  }
  func.func @transform_5(%arg0: i32) -> (i32, i32) {
    %c0_i32 = arith.constant 0 : i32
    %c0_i32_0 = arith.constant 0 : i32
    %c0_i32_1 = arith.constant 0 : i32
    return %c0_i32, %c0_i32_0 : i32, i32
  }
  func.func @transform_6(%arg0: i32) -> (i32, i32) {
    %c0_i32 = arith.constant 0 : i32
    %c0_i32_0 = arith.constant 0 : i32
    %c0_i32_1 = arith.constant 0 : i32
    return %c0_i32, %c0_i32_0 : i32, i32
  }
  func.func @transform_7(%arg0: i32) -> (i32, i32) {
    %c0_i32 = arith.constant 0 : i32
    %c0_i32_0 = arith.constant 0 : i32
    %c0_i32_1 = arith.constant 0 : i32
    return %c0_i32, %c0_i32_0 : i32, i32
  }
  func.func @transform_8(%arg0: i32) -> (i32, i32) {
    %c0_i32 = arith.constant 0 : i32
    %c0_i32_0 = arith.constant 0 : i32
    %c0_i32_1 = arith.constant 0 : i32
    return %c0_i32, %c0_i32_0 : i32, i32
  }
  func.func @transform_9(%arg0: i32) -> (i32, i32) {
    %c0_i32 = arith.constant 0 : i32
    %c0_i32_0 = arith.constant 0 : i32
    %c0_i32_1 = arith.constant 0 : i32
    return %c0_i32, %c0_i32_0 : i32, i32
  }
  func.func @transform_10(%arg0: i32) -> (i32, i32) {
    %c0_i32 = arith.constant 0 : i32
    %c0_i32_0 = arith.constant 0 : i32
    %c0_i32_1 = arith.constant 0 : i32
    return %c0_i32, %c0_i32_0 : i32, i32
  }
  func.func @transform_11(%arg0: i32) -> (i32, i32) {
    %c0_i32 = arith.constant 0 : i32
    %c0_i32_0 = arith.constant 0 : i32
    %c0_i32_1 = arith.constant 0 : i32
    return %c0_i32, %c0_i32_0 : i32, i32
  }
  func.func @transform_12(%arg0: i32) -> (i32, i32) {
    %c0_i32 = arith.constant 0 : i32
    %c0_i32_0 = arith.constant 0 : i32
    %c0_i32_1 = arith.constant 0 : i32
    return %c0_i32, %c0_i32_0 : i32, i32
  }
  func.func @transform_13(%arg0: i32) -> (i32, i32) {
    %c0_i32 = arith.constant 0 : i32
    %c0_i32_0 = arith.constant 0 : i32
    %c0_i32_1 = arith.constant 0 : i32
    return %c0_i32, %c0_i32_0 : i32, i32
  }
  func.func @transform_14(%arg0: i32) -> (i32, i32) {
    %c0_i32 = arith.constant 0 : i32
    %c0_i32_0 = arith.constant 0 : i32
    %c0_i32_1 = arith.constant 0 : i32
    return %c0_i32, %c0_i32_0 : i32, i32
  }
  func.func @transform_15(%arg0: i32) -> (i32, i32) {
    %c0_i32 = arith.constant 0 : i32
    %c0_i32_0 = arith.constant 0 : i32
    %c0_i32_1 = arith.constant 0 : i32
    return %c0_i32, %c0_i32_0 : i32, i32
  }
}

</mosaic_0001>

<sc_bundles>
// kernel: kernel.19.cloned.1.call-start
scs
__scs_entry_jumppad:
0x0: {  	(pc) =	sbr.rel $0x88, $3  }
0x1: {  	(tag) =	ssettag $0x0;
	lr =	simm.s32 $0x1  }
0x2: {  	[smem:$0x3F72] =	sst lr;
	_ =	strace $0xD0000000  }
0x3: {  	_ = 	snop  }
0x4: {  	_ = 	snop  }
0x5: {  	_ = 	snop  }
0x6: {  	_ = 	snop  }
0x7: {  	_ = 	snop  }
__scs_overlays_trampoline_lowered:
0x8: {  	[smem:$0x3F81] =	sst s0  }
0x9: {  	[smem:$0x3F82] =	sst s1  }
0xa: {  	[smem:$0x3F83] =	sst s2  }
0xb: {  	[smem:$0x3F84] =	sst s3  }
0xc: {  	[smem:$0x3F85] =	sst s4  }
0xd: {  	[smem:$0x3F86] =	sst s5  }
0xe: {  	[smem:$0x3F87] =	sst s6  }
0xf: {  	[smem:$0x3F88] =	sst s7  }
0x10: {  	[smem:$0x3F89] =	sst s8  }
0x11: {  	[smem:$0x3F8A] =	sst s9;
	s0 =	simm.s32 @!p0 $0x0  }
0x12: {  	s1 =	sld [smem:$0x3F70];
	s0 =	simm.s32 @p0 $0x1  }
0x13: {  	[smem:$0x3F8B] =	sst s0;
	s0 =	simm.s32 @!p1 $0x0  }
0x14: {  	s2 =	sld [smem:$0x3F6F];
	s0 =	simm.s32 @p1 $0x1  }
0x15: {  	[smem:$0x3F8C] =	sst s0;
	s0 =	simm.s32 @!p2 $0x0  }
0x16: {  	s3 =	sld [smem:$0x3FDB];
	s0 =	simm.s32 @p2 $0x1  }
0x17: {  	s4 =	simm.s32 $0x1BF5;
	[smem:$0x3F8E] =	sst s0  }
0x18: {  	s0 =	sld [smem:$0x3F71];
	_ =	swait.ge [sflag:s4], $0x0  }
0x19: {  	s7 =	sld [smem:$0x3F72]  }
0x1a: {  	s8 =	sadd.s32 $0xFFFFE003, lr  }
0x1b: {  	s9 =	sadd.s32 $0xFFFFFEF7, lr;
	s5 =	simm.s32 $0xFFFFFFFF;
	p2 =	slt.u32 s8, $0xFFFFF086  }
0x1c: {  	p1 =	slt.u32 s9, $0xF7A;
	s5 =	simm.s32 @!p2 $0x0  }
0x1d: {  	s5 =	simm.s32 @p1 $0x1;
	p0 =	seq.s32 s7, s2  }
0x1e: {  	s7 =	smul.u32 @!p0 $0xF7A, s2;
	p2 =	seq.s32 @!p0 s5, $0x0  }
0x1f: {  	s9 =	smul.u32 $0xF7A, s1;
	s8 =	simm.s32 @!p0 $0x1BF5;
	p2 =	por !p2, p0  }
0x20: {  	[sflag:s8] =	ssyncset.s32 @!p0 $0xFFFFF086;
	s6 =	sadd.s32 @!p0 s3, s7;
	s7 =	simm.s32 @!p0 $0x108  }
0x21: {  	s3 =	sadd.s32 s3, s9;
	s6 =	sadd.s32 @!p0 $0x88, s6;
	s7 =	simm.s32 @p2 $0x1082  }
0x22: {  	[simem:s7], [sflag:s8] =	dma.local @!p0 [hbm:s6], $0xF7A  }
0x23: {  	s9 =	sor.u32 $0xD0000000, s2;
	s6 =	simm.s32 $0x108;
	_ =	swait.ge @!p0 [sflag:s8], $0x0  }
0x24: {  	s3 =	sadd.s32 $0x88, s3;
	s6 =	simm.s32 @!p1 $0x1082;
	[sflag:s4] =	ssyncset.s32 $0xFFFFF086  }
0x25: {  	[simem:s6], [sflag:s4] =	dma.local [hbm:s3], $0xF7A  }
0x26: {  	[smem:$0x3F72] =	sst s1;
	(tag) =	ssettag s2;
	_ =	strace s9  }
0x27: {  	s1 =	sld [smem:$0x3F82]  }
0x28: {  	s2 =	sld [smem:$0x3F83]  }
0x29: {  	s4 =	sld [smem:$0x3F85]  }
0x2a: {  	p0 =	seq.s32 s5, $0x0;
	s5 =	sld [smem:$0x3F86]  }
0x2b: {  	s6 =	sld [smem:$0x3F87]  }
0x2c: {  	s7 =	sld [smem:$0x3F88]  }
0x2d: {  	s3 =	simm.s32 $0x108;
	s8 =	sld [smem:$0x3F89]  }
0x2e: {  	s3 =	simm.s32 @!p0 $0x1082;
	s9 =	sld [smem:$0x3F8A]  }
0x2f: {  	lr =	sadd.s32 s0, s3;
	s0 =	sld [smem:$0x3F81]  }
0x30: {  	s3 =	sld [smem:$0x3F84]  }
0x31: {  	[smem:$0x3F8D] =	sst s10  }
0x32: {  	s10 =	sld [smem:$0x3F8B];
	_ =	sdelay $0x3  }
0x33: {  	p0 =	seq.s32 s10, $0x1;
	s10 =	sld [smem:$0x3F8D];
	_ =	sdelay $0x3  }
0x34: {  	[smem:$0x3F8D] =	sst s10  }
0x35: {  	s10 =	sld [smem:$0x3F8C];
	_ =	sdelay $0x3  }
0x36: {  	p1 =	seq.s32 s10, $0x1;
	s10 =	sld [smem:$0x3F8D];
	_ =	sdelay $0x3  }
0x37: {  	[smem:$0x3F8D] =	sst s10  }
0x38: {  	s10 =	sld [smem:$0x3F8E]  }
0x39: {  	_ = 	snop;
	(pc) =	sbr.ind lr, $3  }
0x3a: {  	_ = 	snop  }
0x3b: {  	_ = 	snop  }
0x3c: {  	p2 =	seq.s32 s10, $0x1;
	s10 =	sld [smem:$0x3F8D]  }
0x3d: {  	_ =	shalt  }
0x3e: {  	_ =	shalt  }
0x3f: {  	_ =	shalt  }
0x40: {  	_ =	shalt  }
0x41: {  	_ =	shalt  }
0x42: {  	_ =	shalt  }
0x43: {  	_ =	shalt  }
0x44: {  	_ =	shalt  }
0x45: {  	_ =	shalt  }
0x46: {  	_ =	shalt  }
0x47: {  	_ =	shalt  }
0x48: {  	_ =	shalt  }
0x49: {  	_ =	shalt  }
0x4a: {  	_ =	shalt  }
0x4b: {  	_ =	shalt  }
0x4c: {  	_ =	shalt  }
0x4d: {  	_ =	shalt  }
0x4e: {  	_ =	shalt  }
0x4f: {  	_ =	shalt  }
0x50: {  	_ =	shalt  }
0x51: {  	_ =	shalt  }
0x52: {  	_ =	shalt  }
0x53: {  	_ =	shalt  }
0x54: {  	_ =	shalt  }
0x55: {  	_ =	shalt  }
0x56: {  	_ =	shalt  }
0x57: {  	_ =	shalt  }
0x58: {  	_ =	shalt  }
0x59: {  	_ =	shalt  }
0x5a: {  	_ =	shalt  }
0x5b: {  	_ =	shalt  }
0x5c: {  	_ =	shalt  }
0x5d: {  	_ =	shalt  }
0x5e: {  	_ =	shalt  }
0x5f: {  	_ =	shalt  }
0x60: {  	_ =	shalt  }
0x61: {  	_ =	shalt  }
0x62: {  	_ =	shalt  }
0x63: {  	_ =	shalt  }
0x64: {  	_ =	shalt  }
0x65: {  	_ =	shalt  }
0x66: {  	_ =	shalt  }
0x67: {  	_ =	shalt  }
0x68: {  	_ =	shalt  }
0x69: {  	_ =	shalt  }
0x6a: {  	_ =	shalt  }
0x6b: {  	_ =	shalt  }
0x6c: {  	_ =	shalt  }
0x6d: {  	_ =	shalt  }
0x6e: {  	_ =	shalt  }
0x6f: {  	_ =	shalt  }
0x70: {  	_ =	shalt  }
0x71: {  	_ =	shalt  }
0x72: {  	_ =	shalt  }
0x73: {  	_ =	shalt  }
0x74: {  	_ =	shalt  }
0x75: {  	_ =	shalt  }
0x76: {  	_ =	shalt  }
0x77: {  	_ =	shalt  }
0x78: {  	_ =	shalt  }
0x79: {  	_ =	shalt  }
0x7a: {  	_ =	shalt  }
0x7b: {  	_ =	shalt  }
0x7c: {  	_ =	shalt  }
0x7d: {  	_ =	shalt  }
0x7e: {  	_ =	shalt  }
0x7f: {  	_ =	shalt  }
0x80: {  	_ =	shalt  }
0x81: {  	_ =	shalt  }
0x82: {  	_ =	shalt  }
0x83: {  	_ =	shalt  }
0x84: {  	_ =	shalt  }
0x85: {  	_ =	shalt  }
0x86: {  	_ =	shalt  }
0x87: {  	_ =	shalt  }
.Lfunc_end0:
.L_simem_size_0:
called_computation_lowered:
.L_overlay_start_0:
0x88: {  	s2 =	sld [smem:$0x3FD9]  }
0x89: {  	s3 =	sld [smem:$0x3FFE];
	_ =	sdelay $0x1  }
0x8a: {  	s1 =	srdreg.scid  }
0x8b: {  	s0 =	sand.u32 $0x1, s1  }
0x8c: {  	s16 =	sshll.u32 s0, $0xA;
	s2 =	sadd.s32 s3, s2  }
0x8d: {  	s2 =	sadd.s32 s2, s16  }
0x8e: {  	[smem:$0x3F99] =	sst s2  }
0x8f: {  	_ = 	snop  }
0x90: {  	(tm) =	ssettm $0x1  }
0x91: {  	s17 =	sld [smem:$0x3FFB];
	_ =	sdelay $0x3  }
0x92: {  	_ =	strace s17  }
0x93: {  	s2 =	sld [smem:$0x3FFC];
	_ =	sdelay $0x3  }
0x94: {  	_ =	strace s2  }
0x95: {  	s2 =	sld [smem:$0x3FFD];
	_ =	sdelay $0x3  }
0x96: {  	_ =	strace s2  }
0x97: {  	_ =	strace $0x8FFFFFFF  }
0x98: {  	s18 =	sld [smem:$0x3FDB];
	_ =	sdelay $0x1  }
0x99: {  	s19 =	simm.s32 $_scs_section_size  }
0x9a: {  	s4 =	simm.s32 $_size__tile_overlayer_lowered;
	s5 =	simm.s32 $_tile_overlayer_lowered  }
0x9b: {  	s22 =	simm.s32 $0x1BFF;
	s21 =	sshll.u32 s5, $0x1;
	s2 =	sadd.s32 s19, s18  }
0x9c: {  	s6 =	simm.s32 $0x0;
	s20 =	sshll.u32 s4, $0x1;
	s4 =	sadd.s32 s21, s2  }
0x9d: {  	[timem:s6], [sflag:s22] =	dma.local [hbm:s4], s20  }
0x9e: {  	_ =	swait.ge [sflag:s22], s20  }
0x9f: {  	s3 =	ssub.s32 $0x0, s20;
	[sflag:s22] =	ssyncset.done $0x0  }
0xa0: {  	[sflag:s22] =	ssyncadd.s32 s3;
	_ =	sdelay $0x1  }
0xa1: {  	s23 =	simm.s32 $0x1B8B  }
0xa2: {  	_ =	swait.ge [sflag:s23], $0x1  }
0xa3: {  	[sflag:s23] =	ssyncset.done $0x0  }
0xa4: {  	s25 =	simm.s32 $0x1B8E;
	s24 =	sld [smem:$0x3FFE];
	[sflag:s23] =	ssyncadd.s32 $0xFFFFFFFF  }
0xa5: {  	s26 =	simm.s32 $execute0_lowered;
	[smem:$0x3FD2] =	sst s25  }
0xa6: {  	s4 =	sshll.u32 s26, $0x1;
	_ =	strace $0x80000046;
	[dreg:$0x1] =	wrdreg $0xFFFFFFFF  }
0xa7: {  	s28 =	simm.s32 $_size_execute0_lowered;
	s2 =	sadd.s32 s2, s4;
	[dreg:$0x0] =	wrdreg $0x0  }
0xa8: {  	s4 =	sshll.u32 s28, $0x1;
	[dreg:$0x2] =	wrdreg s2  }
0xa9: {  	[dreg:$0x3] =	wrdreg s4  }
0xaa: {  	[dreg:$0x4] =	wrdreg $0xC0  }
0xab: {  	_ =	task [dreg:s6], $0x5FFFF  }
0xac: {  	[dreg:$0x1] =	wrdreg $0xFFFFFFFF  }
0xad: {  	[dreg:$0x0] =	wrdreg $0x60  }
0xae: {  	[dreg:$0x2] =	wrdreg s24  }
0xaf: {  	[dreg:$0x3] =	wrdreg $0x9  }
0xb0: {  	_ =	task.clear_ibuf [dreg:s6], $0x4FFFF;
	_ =	strace $0x90000046  }
0xb1: {  	s29 =	simm.s32 $0x9;
	_ =	strace $0x80000048  }
0xb2: {  	_ =	swait.ge [sflag:s29], $0x1  }
0xb3: {  	[sflag:s29] =	ssyncadd.s32 $0xFFFFFFFF  }
0xb4: {  	_ =	strace $0x90000048  }
0xb5: {  	_ =	sfence  }
0xb6: {  	s30 =	sld [smem:$0x0];
	_ =	sdelay $0x2  }
0xb7: {  	s31 =	sshll.u32 s1, $0xD;
	s1 =	sshrl.u32 s1, $0x2  }
0xb8: {  	s3 =	sand.u32 $0x4000, s31;
	s1 =	sadd.s32 s1, s30  }
0xb9: {  	s0 =	sor.u32 s3, s0;
	s1 =	sshll.u32 s1, $0x11  }
0xba: {  	s0 =	sor.u32 s1, s0  }
0xbb: {  	s0 =	sadd.s32 $0x8F2B, s0  }
0xbc: {  	[sflag:s0] =	ssyncadd.remote.s32 $0x1  }
0xbd: {  	_ =	sfence.sel $0xFFFF  }
0xbe: {  	[dreg:$0x0] =	wrdreg $0xFFFFFFFF;
	(pc) =	sbr.abs _section_cstart, $3  }
0xbf: {  	[dreg:$0x1] =	wrdreg $0xFFFFFFFF  }
0xc0: {  	_ =	task.clear_ibuf [dreg:s6], $0x2FFFF;
	_ =	strace $0x9FFFFFFF  }
0xc1: {  	(tm) =	ssettm $0x7FFFFFFF  }
tec
execute0_lowered:
.L_overlay_start_1:
0x0: {  	(tag) =	ssettag $0x1  }
0x1: {  	s8 =	rddreg [dreg:$0x0]  }
0x2: {  	s0 =	rddreg [dreg:$0x1];
	s1 =	simm.s32 $0x0  }
0x3: {  	s3 =	srdreg.scid;
	s4 =	stileid.u32;
	s11 =	simm.s32 $0x4  }
0x4: {  	s12 =	simm.s32 $0x80;
	s13 =	simm.s32 $0x100;
	s14 =	simm.s32 $0x4100  }
0x5: {  	s15 =	simm.s32 $0x1;
	s16 =	simm.s32 $0x2;
	s17 =	simm.s32 $0x3  }
.Ltmp0:
0x6: {  	s18 =	simm.s32 $0x0;
	s3 =	sand.u32 $0x1, s3;
	(pc) =	sbr.rel .LBB2_1-.Ltmp0, $4  }
0x7: {  	[smem:$0x7FF] =	sst s1;
	s2 =	sadd.s32 $0x16E00, s8;
	s9 =	ssub.s32 $0x2, s3  }
0x8: {  	s5 =	sadd.s32 $0x3E000, s8;
	s6 =	sadd.s32 $0x11E00, s8;
	s10 =	sshrl.u32 s9, $0x1  }
0x9: {  	s7 =	sadd.s32 $0xCE00, s8;
	s8 =	sadd.s32 $0x8C400, s8;
	s10 =	ssub.s32 s9, s10  }
0xa: {  	_ =	strace $0x80000047;
	s9 =	sshll.u32 s4, $0x1;
	s10 =	smax.u32 s10, $0x1  }
.LBB2_7:
0xb: {  	s18 =	sadd.s32 $0x1, s18  }
0xc: {  	p0 =	sne.s32 s18, s10  }
.Ltmp1:
0xd: {  	_ = 	snop;
	(pc) =	sbr.rel @!p0 .LBB2_8-.Ltmp1, $1  }
0xe: {  	_ =	sdelay $0x3  }
.LBB2_1:
.Ltmp2:
0xf: {  	(pc) =	sbr.rel .LBB2_2-.Ltmp2, $2  }
0x10: {  	_ =	sdelay $0x2  }
0x11: {  	s19 =	simm.s32 $0x0  }
.LBB2_6:
0x12: {  	s19 =	sadd.s32 $0x1, s19  }
0x13: {  	p0 =	sne.s32 s19, $0x28  }
.Ltmp3:
0x14: {  	_ = 	snop;
	(pc) =	sbr.rel @!p0 .LBB2_7-.Ltmp3, $1  }
0x15: {  	_ =	sdelay $0x3  }
.LBB2_2:
0x16: {  	s20 =	sshll.u32 s19, $0x5  }
0x17: {  	s20 =	sor.u32 s9, s20  }
0x18: {  	p0 =	sgt.u32 s20, $0x4E1  }
.Ltmp4:
0x19: {  	_ = 	snop;
	(pc) =	sbr.rel @p0 .LBB2_6-.Ltmp4, $1  }
0x1a: {  	_ =	sdelay $0x3  }
0x1b: {  	s20 =	sor.u32 s3, s20  }
0x1c: {  	s21 =	sshll.u32 s20, $0x4  }
0x1d: {  	s23 =	simm.s32 $0x0;
	s22 =	sadd.s32 s6, s21  }
0x1e: {  	[tilespmem:s23], [sflag:$0x4] =	stream.linear.gather [hbm4b:s22+s23], $0x80, $0x38;
	[tilespmem:$0x8100] =	vst v63  }
0x1f: {  	_ =	swait.ge [sflag:s11], $0x80  }
0x20: {  	[sflag:s11] =	ssyncset.done $0x0  }
0x21: {  	s21 =	sadd.s32 s7, s21;
	[sflag:s11] =	ssyncadd.s32 $0xFFFFFF80  }
0x22: {  	[tilespmem:s12], [sflag:$0x4] =	stream.linear.gather [hbm4b:s21+s23], $0x80, $0x38;
	[tilespmem:$0x8100] =	vst v63  }
0x23: {  	_ =	swait.ge [sflag:s11], $0x80  }
0x24: {  	[sflag:s11] =	ssyncset.done $0x0  }
0x25: {  	[sflag:s11] =	ssyncadd.s32 $0xFFFFFF80  }
0x26: {  	[tilespmem:s13], [sflag:$0x1] =	stream.indirect.gather [hbm4b:s2+s12], $0x80, s23, s12, $0xb8;
	[tilespmem:$0x8100] =	vst v63  }
0x27: {  	_ = 	snop  }
0x28: {  	[tilespmem:s14], [sflag:$0x2] =	stream.indirect.gather [hbm4b:s5+s12], $0x80, s12, s12, $0xb8;
	[tilespmem:$0x8100] =	vst v63  }
0x29: {  	_ =	swait.ge [sflag:s15], $0x4000  }
0x2a: {  	[sflag:s15] =	ssyncset.done $0x0  }
0x2b: {  	[sflag:s15] =	ssyncadd.s32 $0xFFFFC000  }
0x2c: {  	_ =	swait.ge [sflag:s16], $0x4000  }
0x2d: {  	[sflag:s16] =	ssyncset.done $0x0  }
0x2e: {  	s21 =	simm.s32 $0x0;
	[sflag:s16] =	ssyncadd.s32 $0xFFFFC000  }
0x2f: {  	v7 =	vld [tilespmem:s21+$0x4100]  }
0x30: {  	v11 =	vld [tilespmem:s21+$0x4110]  }
0x31: {  	v5 =	vld [tilespmem:s21+$0x4120]  }
0x32: {  	v4 =	vld [tilespmem:s21+$0x4130]  }
0x33: {  	v3 =	vld [tilespmem:s21+$0x4140]  }
0x34: {  	v2 =	vld [tilespmem:s21+$0x4150]  }
0x35: {  	v1 =	vld [tilespmem:s21+$0x4160]  }
0x36: {  	v0 =	vld [tilespmem:s21+$0x4170]  }
0x37: {  	v12 =	vld [tilespmem:s21+$0x100]  }
0x38: {  	v13 =	vld [tilespmem:s21+$0x110]  }
0x39: {  	v10 =	vld [tilespmem:s21+$0x120]  }
0x3a: {  	v9 =	vld [tilespmem:s21+$0x130]  }
0x3b: {  	v8 =	vld [tilespmem:s21+$0x140]  }
0x3c: {  	v6 =	vld [tilespmem:s21+$0x150];
	v12 =	vadd.f32 v7, v12  }
0x3d: {  	s22 =	simm.s32 $0x200;
	v11 =	vadd.f32 v11, v13;
	v7 =	vld [tilespmem:s21+$0x160]  }
.LBB2_4:
0x3e: {  	s23 =	sshra.s32 s22, $0x2;
	p0 =	sne.s32 s22, $0xFE00;
	[tilespmem:s21+$0x100] =	vst v12;
	v5 =	vadd.f32 v5, v10;
	v10 =	vld [tilespmem:s21+$0x170]  }
0x3f: {  	v12 =	vld [tilespmem:s23+$0x4100];
	[tilespmem:s21+$0x110] =	vst v11;
	v4 =	vadd.f32 v4, v9  }
0x40: {  	v11 =	vld [tilespmem:s23+$0x4110];
	[tilespmem:s21+$0x120] =	vst v5;
	v3 =	vadd.f32 v3, v8  }
0x41: {  	v5 =	vld [tilespmem:s23+$0x4120];
	[tilespmem:s21+$0x130] =	vst v4;
	v2 =	vadd.f32 v2, v6  }
0x42: {  	v4 =	vld [tilespmem:s23+$0x4130];
	[tilespmem:s21+$0x140] =	vst v3;
	v1 =	vadd.f32 v1, v7  }
0x43: {  	v3 =	vld [tilespmem:s23+$0x4140];
	[tilespmem:s21+$0x150] =	vst v2;
	v0 =	vadd.f32 v0, v10  }
0x44: {  	v2 =	vld [tilespmem:s23+$0x4150];
	[tilespmem:s21+$0x160] =	vst v1  }
0x45: {  	v1 =	vld [tilespmem:s23+$0x4160];
	[tilespmem:s21+$0x170] =	vst v0;
	s21 =	smov.u32 s23  }
0x46: {  	v0 =	vld [tilespmem:s21+$0x4170]  }
0x47: {  	v6 =	vld [tilespmem:s21+$0x100]  }
0x48: {  	v7 =	vld [tilespmem:s21+$0x110]  }
.Ltmp5:
0x49: {  	v10 =	vld [tilespmem:s21+$0x120];
	(pc) =	sbr.rel @p0 .LBB2_4-.Ltmp5, $4  }
0x4a: {  	v9 =	vld [tilespmem:s21+$0x130]  }
0x4b: {  	v8 =	vld [tilespmem:s21+$0x140]  }
0x4c: {  	v12 =	vadd.f32 v12, v6;
	v6 =	vld [tilespmem:s21+$0x150]  }
0x4d: {  	s22 =	sadd.s32 $0x200, s22;
	v11 =	vadd.f32 v11, v7;
	v7 =	vld [tilespmem:s21+$0x160]  }
0x4e: {  	[tilespmem:s21+$0x100] =	vst v12;
	v5 =	vadd.f32 v5, v10;
	v63 =	vld [tilespmem:s21+$0x170]  }
0x4f: {  	[tilespmem:s21+$0x110] =	vst v11;
	v4 =	vadd.f32 v4, v9  }
0x50: {  	[tilespmem:s21+$0x120] =	vst v5;
	v3 =	vadd.f32 v3, v8  }
0x51: {  	[tilespmem:s21+$0x130] =	vst v4;
	v2 =	vadd.f32 v2, v6  }
0x52: {  	[tilespmem:s21+$0x140] =	vst v3;
	v1 =	vadd.f32 v1, v7  }
0x53: {  	[tilespmem:s21+$0x150] =	vst v2;
	v0 =	vadd.f32 v0, v63  }
0x54: {  	s20 =	sshll.u32 s20, $0xB;
	[tilespmem:s21+$0x160] =	vst v1  }
.Ltmp6:
0x55: {  	s20 =	sadd.s32 s8, s20;
	[tilespmem:s21+$0x170] =	vst v0;
	(pc) =	sbr.rel .LBB2_6-.Ltmp6, $4  }
0x56: {  	[hbm4b:s20+s1] =	stream.linear.scatter [tilespmem:s13], [sflag:$0x3], $0x4000, $0x38;
	[tilespmem:$0x8100] =	vst v63  }
0x57: {  	_ =	swait.ge [sflag:s17], $0x4000  }
0x58: {  	[sflag:s17] =	ssyncset.done $0x0  }
0x59: {  	[sflag:s17] =	ssyncadd.s32 $0xFFFFC000  }
.LBB2_8:
0x5a: {  	_ =	sfence.sel $0x180000  }
0x5b: {  	[bflag:$0x0] =	sbarrier.arrive $0xFFFF  }
0x5c: {  	p0 =	sne.s32 s4, $0x0;
	_ =	strace $0x90000047  }
0x5d: {  	s0 =	sadd.s32 @!p0 $0x100000, s0;
	[bflag:$0x2] =	sbarrier.arrive $0xFFFF  }
0x5e: {  	[sflag:s0] =	ssyncadd.tile.s32 @!p0 $0x1;
	_ =	shalt  }
.Lfunc_end2:
_tile_overlayer_lowered:
.L_overlay_start_2:
0x5f: {  	(tag) =	ssettag $0x2  }
0x60: {  	s0 =	rddreg [dreg:$0x0];
	s2 =	stileid.u32  }
0x61: {  	s1 =	rddreg [dreg:$0x1];
	p0 =	sne.s32 s2, $0x0  }
0x62: {  	s3 =	rddreg [dreg:$0x2];
	[bflag:$0x3] =	sbarrier.arrive $0xFFFF;
	s2 =	simm.s32 @!p0 $0x1C03  }
0x63: {  	[timem:s3], [sflag:s2] =	dma.local @!p0 [hbm:s0], s1  }
0x64: {  	s0 =	simm.s32 @!p0 $0x3  }
0x65: {  	_ =	swait.ge @!p0 [sflag:s0], s1  }
0x66: {  	s1 =	ssub.s32 @!p0 $0x0, s1;
	[sflag:s0] =	ssyncset.done @!p0 $0x0  }
0x67: {  	[sflag:s0] =	ssyncadd.s32 @!p0 s1  }
0x68: {  	[bflag:$0x3] =	sbarrier.arrive $0xFFFF  }
0x69: {  	_ =	shalt  }

// kernel: kernel.22.cloned.1.call-start
scs
__scs_entry_jumppad:
0x0: {  	(pc) =	sbr.rel $0x88, $3  }
0x1: {  	(tag) =	ssettag $0x0;
	lr =	simm.s32 $0x1  }
0x2: {  	[smem:$0x3F72] =	sst lr;
	_ =	strace $0xD0000000  }
0x3: {  	_ = 	snop  }
0x4: {  	_ = 	snop  }
0x5: {  	_ = 	snop  }
0x6: {  	_ = 	snop  }
0x7: {  	_ = 	snop  }
__scs_overlays_trampoline_lowered:
0x8: {  	[smem:$0x3F81] =	sst s0  }
0x9: {  	[smem:$0x3F82] =	sst s1  }
0xa: {  	[smem:$0x3F83] =	sst s2  }
0xb: {  	[smem:$0x3F84] =	sst s3  }
0xc: {  	[smem:$0x3F85] =	sst s4  }
0xd: {  	[smem:$0x3F86] =	sst s5  }
0xe: {  	[smem:$0x3F87] =	sst s6  }
0xf: {  	[smem:$0x3F88] =	sst s7  }
0x10: {  	[smem:$0x3F89] =	sst s8  }
0x11: {  	[smem:$0x3F8A] =	sst s9;
	s0 =	simm.s32 @!p0 $0x0  }
0x12: {  	s1 =	sld [smem:$0x3F70];
	s0 =	simm.s32 @p0 $0x1  }
0x13: {  	[smem:$0x3F8B] =	sst s0;
	s0 =	simm.s32 @!p1 $0x0  }
0x14: {  	s2 =	sld [smem:$0x3F6F];
	s0 =	simm.s32 @p1 $0x1  }
0x15: {  	[smem:$0x3F8C] =	sst s0;
	s0 =	simm.s32 @!p2 $0x0  }
0x16: {  	s3 =	sld [smem:$0x3FDB];
	s0 =	simm.s32 @p2 $0x1  }
0x17: {  	s4 =	simm.s32 $0x1BF5;
	[smem:$0x3F8E] =	sst s0  }
0x18: {  	s0 =	sld [smem:$0x3F71];
	_ =	swait.ge [sflag:s4], $0x0  }
0x19: {  	s7 =	sld [smem:$0x3F72]  }
0x1a: {  	s8 =	sadd.s32 $0xFFFFE003, lr  }
0x1b: {  	s9 =	sadd.s32 $0xFFFFFEF7, lr;
	s5 =	simm.s32 $0xFFFFFFFF;
	p2 =	slt.u32 s8, $0xFFFFF086  }
0x1c: {  	p1 =	slt.u32 s9, $0xF7A;
	s5 =	simm.s32 @!p2 $0x0  }
0x1d: {  	s5 =	simm.s32 @p1 $0x1;
	p0 =	seq.s32 s7, s2  }
0x1e: {  	s7 =	smul.u32 @!p0 $0xF7A, s2;
	p2 =	seq.s32 @!p0 s5, $0x0  }
0x1f: {  	s9 =	smul.u32 $0xF7A, s1;
	s8 =	simm.s32 @!p0 $0x1BF5;
	p2 =	por !p2, p0  }
0x20: {  	[sflag:s8] =	ssyncset.s32 @!p0 $0xFFFFF086;
	s6 =	sadd.s32 @!p0 s3, s7;
	s7 =	simm.s32 @!p0 $0x108  }
0x21: {  	s3 =	sadd.s32 s3, s9;
	s6 =	sadd.s32 @!p0 $0x88, s6;
	s7 =	simm.s32 @p2 $0x1082  }
0x22: {  	[simem:s7], [sflag:s8] =	dma.local @!p0 [hbm:s6], $0xF7A  }
0x23: {  	s9 =	sor.u32 $0xD0000000, s2;
	s6 =	simm.s32 $0x108;
	_ =	swait.ge @!p0 [sflag:s8], $0x0  }
0x24: {  	s3 =	sadd.s32 $0x88, s3;
	s6 =	simm.s32 @!p1 $0x1082;
	[sflag:s4] =	ssyncset.s32 $0xFFFFF086  }
0x25: {  	[simem:s6], [sflag:s4] =	dma.local [hbm:s3], $0xF7A  }
0x26: {  	[smem:$0x3F72] =	sst s1;
	(tag) =	ssettag s2;
	_ =	strace s9  }
0x27: {  	s1 =	sld [smem:$0x3F82]  }
0x28: {  	s2 =	sld [smem:$0x3F83]  }
0x29: {  	s4 =	sld [smem:$0x3F85]  }
0x2a: {  	p0 =	seq.s32 s5, $0x0;
	s5 =	sld [smem:$0x3F86]  }
0x2b: {  	s6 =	sld [smem:$0x3F87]  }
0x2c: {  	s7 =	sld [smem:$0x3F88]  }
0x2d: {  	s3 =	simm.s32 $0x108;
	s8 =	sld [smem:$0x3F89]  }
0x2e: {  	s3 =	simm.s32 @!p0 $0x1082;
	s9 =	sld [smem:$0x3F8A]  }
0x2f: {  	lr =	sadd.s32 s0, s3;
	s0 =	sld [smem:$0x3F81]  }
0x30: {  	s3 =	sld [smem:$0x3F84]  }
0x31: {  	[smem:$0x3F8D] =	sst s10  }
0x32: {  	s10 =	sld [smem:$0x3F8B];
	_ =	sdelay $0x3  }
0x33: {  	p0 =	seq.s32 s10, $0x1;
	s10 =	sld [smem:$0x3F8D];
	_ =	sdelay $0x3  }
0x34: {  	[smem:$0x3F8D] =	sst s10  }
0x35: {  	s10 =	sld [smem:$0x3F8C];
	_ =	sdelay $0x3  }
0x36: {  	p1 =	seq.s32 s10, $0x1;
	s10 =	sld [smem:$0x3F8D];
	_ =	sdelay $0x3  }
0x37: {  	[smem:$0x3F8D] =	sst s10  }
0x38: {  	s10 =	sld [smem:$0x3F8E]  }
0x39: {  	_ = 	snop;
	(pc) =	sbr.ind lr, $3  }
0x3a: {  	_ = 	snop  }
0x3b: {  	_ = 	snop  }
0x3c: {  	p2 =	seq.s32 s10, $0x1;
	s10 =	sld [smem:$0x3F8D]  }
0x3d: {  	_ =	shalt  }
0x3e: {  	_ =	shalt  }
0x3f: {  	_ =	shalt  }
0x40: {  	_ =	shalt  }
0x41: {  	_ =	shalt  }
0x42: {  	_ =	shalt  }
0x43: {  	_ =	shalt  }
0x44: {  	_ =	shalt  }
0x45: {  	_ =	shalt  }
0x46: {  	_ =	shalt  }
0x47: {  	_ =	shalt  }
0x48: {  	_ =	shalt  }
0x49: {  	_ =	shalt  }
0x4a: {  	_ =	shalt  }
0x4b: {  	_ =	shalt  }
0x4c: {  	_ =	shalt  }
0x4d: {  	_ =	shalt  }
0x4e: {  	_ =	shalt  }
0x4f: {  	_ =	shalt  }
0x50: {  	_ =	shalt  }
0x51: {  	_ =	shalt  }
0x52: {  	_ =	shalt  }
0x53: {  	_ =	shalt  }
0x54: {  	_ =	shalt  }
0x55: {  	_ =	shalt  }
0x56: {  	_ =	shalt  }
0x57: {  	_ =	shalt  }
0x58: {  	_ =	shalt  }
0x59: {  	_ =	shalt  }
0x5a: {  	_ =	shalt  }
0x5b: {  	_ =	shalt  }
0x5c: {  	_ =	shalt  }
0x5d: {  	_ =	shalt  }
0x5e: {  	_ =	shalt  }
0x5f: {  	_ =	shalt  }
0x60: {  	_ =	shalt  }
0x61: {  	_ =	shalt  }
0x62: {  	_ =	shalt  }
0x63: {  	_ =	shalt  }
0x64: {  	_ =	shalt  }
0x65: {  	_ =	shalt  }
0x66: {  	_ =	shalt  }
0x67: {  	_ =	shalt  }
0x68: {  	_ =	shalt  }
0x69: {  	_ =	shalt  }
0x6a: {  	_ =	shalt  }
0x6b: {  	_ =	shalt  }
0x6c: {  	_ =	shalt  }
0x6d: {  	_ =	shalt  }
0x6e: {  	_ =	shalt  }
0x6f: {  	_ =	shalt  }
0x70: {  	_ =	shalt  }
0x71: {  	_ =	shalt  }
0x72: {  	_ =	shalt  }
0x73: {  	_ =	shalt  }
0x74: {  	_ =	shalt  }
0x75: {  	_ =	shalt  }
0x76: {  	_ =	shalt  }
0x77: {  	_ =	shalt  }
0x78: {  	_ =	shalt  }
0x79: {  	_ =	shalt  }
0x7a: {  	_ =	shalt  }
0x7b: {  	_ =	shalt  }
0x7c: {  	_ =	shalt  }
0x7d: {  	_ =	shalt  }
0x7e: {  	_ =	shalt  }
0x7f: {  	_ =	shalt  }
0x80: {  	_ =	shalt  }
0x81: {  	_ =	shalt  }
0x82: {  	_ =	shalt  }
0x83: {  	_ =	shalt  }
0x84: {  	_ =	shalt  }
0x85: {  	_ =	shalt  }
0x86: {  	_ =	shalt  }
0x87: {  	_ =	shalt  }
.Lfunc_end0:
.L_simem_size_0:
called_computation.1_lowered:
.L_overlay_start_0:
0x88: {  	s2 =	sld [smem:$0x3FD9]  }
0x89: {  	s3 =	sld [smem:$0x3FFE];
	_ =	sdelay $0x1  }
0x8a: {  	s1 =	srdreg.scid  }
0x8b: {  	s0 =	sand.u32 $0x1, s1  }
0x8c: {  	s16 =	sshll.u32 s0, $0xA;
	s2 =	sadd.s32 s3, s2  }
0x8d: {  	s2 =	sadd.s32 s2, s16  }
0x8e: {  	[smem:$0x3F99] =	sst s2  }
0x8f: {  	_ = 	snop  }
0x90: {  	(tm) =	ssettm $0x1  }
0x91: {  	s17 =	sld [smem:$0x3FFB];
	_ =	sdelay $0x3  }
0x92: {  	_ =	strace s17  }
0x93: {  	s2 =	sld [smem:$0x3FFC];
	_ =	sdelay $0x3  }
0x94: {  	_ =	strace s2  }
0x95: {  	s2 =	sld [smem:$0x3FFD];
	_ =	sdelay $0x3  }
0x96: {  	_ =	strace s2  }
0x97: {  	_ =	strace $0x8FFFFFFF  }
0x98: {  	s18 =	sld [smem:$0x3FDB];
	_ =	sdelay $0x1  }
0x99: {  	s19 =	simm.s32 $_scs_section_size  }
0x9a: {  	s4 =	simm.s32 $_size__tile_overlayer_lowered;
	s5 =	simm.s32 $_tile_overlayer_lowered  }
0x9b: {  	s22 =	simm.s32 $0x1BFF;
	s21 =	sshll.u32 s5, $0x1;
	s2 =	sadd.s32 s19, s18  }
0x9c: {  	s6 =	simm.s32 $0x0;
	s20 =	sshll.u32 s4, $0x1;
	s4 =	sadd.s32 s21, s2  }
0x9d: {  	[timem:s6], [sflag:s22] =	dma.local [hbm:s4], s20  }
0x9e: {  	_ =	swait.ge [sflag:s22], s20  }
0x9f: {  	s3 =	ssub.s32 $0x0, s20;
	[sflag:s22] =	ssyncset.done $0x0  }
0xa0: {  	[sflag:s22] =	ssyncadd.s32 s3;
	_ =	sdelay $0x1  }
0xa1: {  	s23 =	simm.s32 $0x1B8B  }
0xa2: {  	_ =	swait.ge [sflag:s23], $0x1  }
0xa3: {  	[sflag:s23] =	ssyncset.done $0x0  }
0xa4: {  	s25 =	simm.s32 $0x1B8E;
	s24 =	sld [smem:$0x3FFE];
	[sflag:s23] =	ssyncadd.s32 $0xFFFFFFFF  }
0xa5: {  	s26 =	simm.s32 $execute0_lowered;
	[smem:$0x3FD2] =	sst s25  }
0xa6: {  	s4 =	sshll.u32 s26, $0x1;
	_ =	strace $0x80000049;
	[dreg:$0x1] =	wrdreg $0xFFFFFFFF  }
0xa7: {  	s28 =	simm.s32 $_size_execute0_lowered;
	s2 =	sadd.s32 s2, s4;
	[dreg:$0x0] =	wrdreg $0x0  }
0xa8: {  	s4 =	sshll.u32 s28, $0x1;
	[dreg:$0x2] =	wrdreg s2  }
0xa9: {  	[dreg:$0x3] =	wrdreg s4  }
0xaa: {  	[dreg:$0x4] =	wrdreg $0xC0  }
0xab: {  	_ =	task [dreg:s6], $0x5FFFF  }
0xac: {  	[dreg:$0x1] =	wrdreg $0xFFFFFFFF  }
0xad: {  	[dreg:$0x0] =	wrdreg $0x60  }
0xae: {  	[dreg:$0x2] =	wrdreg s24  }
0xaf: {  	[dreg:$0x3] =	wrdreg $0x40800  }
0xb0: {  	[dreg:$0x4] =	wrdreg $0x9  }
0xb1: {  	_ =	task.clear_ibuf [dreg:s6], $0x5FFFF;
	_ =	strace $0x90000049  }
0xb2: {  	s29 =	simm.s32 $0x9;
	_ =	strace $0x8000004B  }
0xb3: {  	_ =	swait.ge [sflag:s29], $0x1  }
0xb4: {  	[sflag:s29] =	ssyncadd.s32 $0xFFFFFFFF  }
0xb5: {  	_ =	strace $0x9000004B  }
0xb6: {  	_ =	sfence  }
0xb7: {  	s30 =	sld [smem:$0x0];
	_ =	sdelay $0x2  }
0xb8: {  	s31 =	sshll.u32 s1, $0xD;
	s1 =	sshrl.u32 s1, $0x2  }
0xb9: {  	s3 =	sand.u32 $0x4000, s31;
	s1 =	sadd.s32 s1, s30  }
0xba: {  	s0 =	sor.u32 s3, s0;
	s1 =	sshll.u32 s1, $0x11  }
0xbb: {  	s0 =	sor.u32 s1, s0  }
0xbc: {  	s0 =	sadd.s32 $0x8F2B, s0  }
0xbd: {  	[sflag:s0] =	ssyncadd.remote.s32 $0x1  }
0xbe: {  	_ =	sfence.sel $0xFFFF  }
0xbf: {  	[dreg:$0x0] =	wrdreg $0xFFFFFFFF;
	(pc) =	sbr.abs _section_cstart, $3  }
0xc0: {  	[dreg:$0x1] =	wrdreg $0xFFFFFFFF  }
0xc1: {  	_ =	task.clear_ibuf [dreg:s6], $0x2FFFF;
	_ =	strace $0x9FFFFFFF  }
0xc2: {  	(tm) =	ssettm $0x7FFFFFFF  }
0xc3: {  	_ =	shalt  }
tec
execute0_lowered:
.L_overlay_start_1:
0x0: {  	(tag) =	ssettag $0x1  }
0x1: {  	s4 =	rddreg [dreg:$0x0]  }
0x2: {  	s2 =	rddreg [dreg:$0x1]  }
0x3: {  	s0 =	rddreg [dreg:$0x2]  }
0x4: {  	s3 =	simm.s32 $0x0;
	s1 =	stileid.u32;
	s6 =	srdreg.scid  }
0x5: {  	[smem:$0x7FF] =	sst s3;
	s5 =	sshll.u32 s1, $0xC;
	s21 =	sshll.u32 s1, $0x5  }
0x6: {  	s14 =	sand.u32 $0x1, s6;
	s23 =	smul.u32 $0x50000, s1;
	s17 =	sadd.s32 $0x8C400, s4  }
0x7: {  	s8 =	smul.u32 $0x280, s1;
	_ =	strace $0x8000004A;
	s15 =	sadd.s32 s5, s4  }
0x8: {  	s16 =	sadd.s32 s21, s4;
	s22 =	ssub.s32 $0x2, s14;
	s4 =	sshll.u32 s1, $0x1  }
0x9: {  	s19 =	smul.u32 $0x2800, s14;
	s29 =	sshll.u32 s14, $0xB;
	s21 =	sshll.u32 s14, $0x4  }
0xa: {  	s24 =	sshrl.u32 s22, $0x1;
	s25 =	sshrl.u32 s23, $0x2;
	s11 =	sadd.s32 $0x80, s8  }
0xb: {  	s12 =	sadd.s32 $0x100, s8;
	s13 =	sadd.s32 $0x180, s8;
	s20 =	sadd.s32 $0x200, s8  }
0xc: {  	s30 =	sadd.s32 s29, s15;
	s31 =	sadd.s32 s21, s16;
	s18 =	ssub.s32 s22, s24  }
0xd: {  	s5 =	sadd.s32 s25, s2;
	s26 =	sshll.u32 s11, $0x7;
	s7 =	sshll.u32 s12, $0x7  }
0xe: {  	s9 =	sshll.u32 s13, $0x7;
	s10 =	sadd.s32 s8, s19;
	s28 =	sshll.u32 s20, $0x7  }
0xf: {  	s11 =	sadd.s32 s19, s11;
	s12 =	sadd.s32 s19, s12;
	s13 =	sadd.s32 s19, s13  }
0x10: {  	s19 =	sadd.s32 s19, s20;
	s16 =	sadd.s32 $0x56E400, s30;
	s20 =	simm.s32 $0x0  }
0x11: {  	s6 =	sadd.s32 s26, s2;
	s7 =	sadd.s32 s7, s2;
	s8 =	sadd.s32 s9, s2  }
0x12: {  	s10 =	sshll.u32 s10, $0x4;
	s9 =	sadd.s32 s28, s2;
	s11 =	sshll.u32 s11, $0x4  }
0x13: {  	s12 =	sshll.u32 s12, $0x4;
	s13 =	sshll.u32 s13, $0x4;
	s19 =	sshll.u32 s19, $0x4  }
0x14: {  	s15 =	smax.u32 s18, $0x1;
	s18 =	simm.s32 $0x80;
	s10 =	sadd.s32 s17, s10  }
0x15: {  	s11 =	sadd.s32 s17, s11;
	s12 =	sadd.s32 s17, s12;
	s13 =	sadd.s32 s17, s13  }
0x16: {  	v0 =	vimm.f32 $0.0e+00;
	s14 =	sadd.s32 s17, s19;
	s17 =	sadd.s32 $0x11E00, s31;
	s19 =	simm.s32 $0x1  }
.LBB2_1:
0x17: {  	s21 =	simm.s32 $0x0;
	s22 =	simm.s32 $0x200  }
.LBB2_2:
0x18: {  	p0 =	sne.s32 s22, $0xFE00;
	[tilespmem:s21+$0xF0] =	vst v0  }
0x19: {  	[tilespmem:s21+$0x80] =	vst v0  }
0x1a: {  	[tilespmem:s21+$0x90] =	vst v0  }
.Ltmp0:
0x1b: {  	[tilespmem:s21+$0xA0] =	vst v0;
	(pc) =	sbr.rel @p0 .LBB2_2-.Ltmp0, $4  }
0x1c: {  	[tilespmem:s21+$0xB0] =	vst v0  }
0x1d: {  	[tilespmem:s21+$0xC0] =	vst v0  }
0x1e: {  	[tilespmem:s21+$0xD0] =	vst v0  }
0x1f: {  	[tilespmem:s21+$0xE0] =	vst v0;
	s21 =	sshra.s32 s22, $0x2;
	s22 =	sadd.s32 $0x200, s22  }
0x20: {  	[tilespmem:s21+$0xF0] =	vst v0  }
0x21: {  	[tilespmem:s21+$0x80] =	vst v0  }
0x22: {  	[tilespmem:s21+$0x90] =	vst v0  }
0x23: {  	[tilespmem:s21+$0xA0] =	vst v0  }
0x24: {  	[tilespmem:s21+$0xB0] =	vst v0  }
0x25: {  	[tilespmem:s21+$0xC0] =	vst v0  }
0x26: {  	[tilespmem:s21+$0xD0] =	vst v0  }
0x27: {  	[tilespmem:s21+$0xE0] =	vst v0  }
0x28: {  	[spmem:s5] =	stream.linear.scatter [tilespmem:s18], [sflag:$0x1], $0x4000, $0x38;
	[tilespmem:$0x18080] =	vst v63  }
0x29: {  	_ =	swait.ge [sflag:s19], $0x4000  }
0x2a: {  	[sflag:s19] =	ssyncset.done $0x0  }
0x2b: {  	[sflag:s19] =	ssyncadd.s32 $0xFFFFC000  }
0x2c: {  	[spmem:s6] =	stream.linear.scatter [tilespmem:s18], [sflag:$0x1], $0x4000, $0x38;
	[tilespmem:$0x18080] =	vst v63  }
0x2d: {  	_ =	swait.ge [sflag:s19], $0x4000  }
0x2e: {  	[sflag:s19] =	ssyncset.done $0x0  }
0x2f: {  	[sflag:s19] =	ssyncadd.s32 $0xFFFFC000  }
0x30: {  	[spmem:s7] =	stream.linear.scatter [tilespmem:s18], [sflag:$0x1], $0x4000, $0x38;
	[tilespmem:$0x18080] =	vst v63  }
0x31: {  	_ =	swait.ge [sflag:s19], $0x4000  }
0x32: {  	[sflag:s19] =	ssyncset.done $0x0  }
0x33: {  	[sflag:s19] =	ssyncadd.s32 $0xFFFFC000  }
0x34: {  	[spmem:s8] =	stream.linear.scatter [tilespmem:s18], [sflag:$0x1], $0x4000, $0x38;
	[tilespmem:$0x18080] =	vst v63  }
0x35: {  	_ =	swait.ge [sflag:s19], $0x4000  }
0x36: {  	[sflag:s19] =	ssyncset.done $0x0  }
0x37: {  	[sflag:s19] =	ssyncadd.s32 $0xFFFFC000  }
0x38: {  	[spmem:s9] =	stream.linear.scatter [tilespmem:s18], [sflag:$0x1], $0x4000, $0x38;
	[tilespmem:$0x18080] =	vst v63  }
0x39: {  	_ =	swait.ge [sflag:s19], $0x4000  }
0x3a: {  	s30 =	sadd.s32 $0x0, s4;
	[sflag:s19] =	ssyncset.done $0x0  }
0x3b: {  	p0 =	sgt.u32 s30, $0x4E1;
	[sflag:s19] =	ssyncadd.s32 $0xFFFFC000  }
0x3c: {  	s21 =	simm.s32 @!p0 $0x0;
	s23 =	simm.s32 @!p0 $0x2;
	[bflag:$0x0] =	sbarrier.arrive $0xFFFF  }
0x3d: {  	[tilespmem:s21], [sflag:$0x2] =	stream.linear.gather @!p0 [hbm4b:s17+s21], $0x80, $0x38;
	[tilespmem:$0x18080] =	vst v63  }
0x3e: {  	_ =	swait.ge @!p0 [sflag:s23], $0x80  }
0x3f: {  	[sflag:s23] =	ssyncset.done @!p0 $0x0;
	p0 =	por p0, p0  }
0x40: {  	[sflag:s23] =	ssyncadd.s32 @!p0 $0xFFFFFF80;
	s25 =	simm.s32 @!p0 $0x80  }
0x41: {  	[tilespmem:s25], [sflag:$0x2] =	stream.linear.gather @!p0 [hbm4b:s16+s21], $0x4000, $0x38;
	[tilespmem:$0x18080] =	vst v63  }
0x42: {  	_ =	swait.ge @!p0 [sflag:s23], $0x4000  }
0x43: {  	[sflag:s23] =	ssyncset.done @!p0 $0x0  }
0x44: {  	s31 =	sadd.s32 $0x20, s4;
	s24 =	simm.s32 @!p0 $0x1;
	[sflag:s23] =	ssyncadd.s32 @!p0 $0xFFFFC000  }
0x45: {  	[spmem:s2] =	stream.indirect.scatter.add.f32 @!p0 [tilespmem:s25], [sflag:$0x1], $0x80, s21, s25, $0xb8;
	[tilespmem:$0x18080] =	vst v63  }
0x46: {  	s22 =	simm.s32 $0x40;
	p1 =	sgt.u32 s31, $0x4E1;
	_ =	swait.ge @!p0 [sflag:s24], $0x4000  }
0x47: {  	s23 =	sadd.s32 $0x200, s17;
	s21 =	sadd.s32 $0x10000, s16;
	[sflag:s24] =	ssyncset.done @!p0 $0x0  }
.LBB2_4:
0x48: {  	s25 =	simm.s32 @!p1 $0x0;
	s26 =	simm.s32 @!p1 $0x2;
	[sflag:s24] =	ssyncadd.s32 @!p0 $0xFFFFC000  }
0x49: {  	[tilespmem:s25], [sflag:$0x2] =	stream.linear.gather @!p1 [hbm4b:s23+s25], $0x80, $0x38;
	[tilespmem:$0x18080] =	vst v63  }
0x4a: {  	s28 =	smov.u32 s22;
	s22 =	sadd.s32 $0x20, s22;
	_ =	swait.ge @!p1 [sflag:s26], $0x80  }
0x4b: {  	p0 =	por p1, p1;
	p2 =	sne.s32 s22, $0x500;
	[sflag:s26] =	ssyncset.done @!p1 $0x0  }
0x4c: {  	s29 =	simm.s32 @!p0 $0x80;
	[sflag:s26] =	ssyncadd.s32 @!p0 $0xFFFFFF80  }
0x4d: {  	[tilespmem:s29], [sflag:$0x2] =	stream.linear.gather @!p0 [hbm4b:s21+s25], $0x4000, $0x38;
	[tilespmem:$0x18080] =	vst v63  }
0x4e: {  	_ =	swait.ge @!p0 [sflag:s26], $0x4000  }
.Ltmp1:
0x4f: {  	[sflag:s26] =	ssyncset.done @!p0 $0x0;
	(pc) =	sbr.rel @p2 .LBB2_4-.Ltmp1, $4  }
0x50: {  	s24 =	simm.s32 @!p0 $0x1;
	[sflag:s26] =	ssyncadd.s32 @!p0 $0xFFFFC000  }
0x51: {  	[spmem:s2] =	stream.indirect.scatter.add.f32 @!p0 [tilespmem:s29], [sflag:$0x1], $0x80, s25, s29, $0xb8;
	[tilespmem:$0x18080] =	vst v63  }
0x52: {  	s23 =	sadd.s32 $0x200, s23;
	s25 =	sadd.s32 s28, s4;
	_ =	swait.ge @!p0 [sflag:s24], $0x4000  }
0x53: {  	s21 =	sadd.s32 $0x10000, s21;
	p1 =	sgt.u32 s25, $0x4E1;
	[sflag:s24] =	ssyncset.done @!p0 $0x0  }
0x54: {  	s22 =	simm.s32 @!p1 $0x0;
	s25 =	simm.s32 @!p1 $0x2;
	[sflag:s24] =	ssyncadd.s32 @!p0 $0xFFFFC000  }
0x55: {  	[tilespmem:s22], [sflag:$0x2] =	stream.linear.gather @!p1 [hbm4b:s23+s22], $0x80, $0x38;
	[tilespmem:$0x18080] =	vst v63  }
0x56: {  	_ =	swait.ge @!p1 [sflag:s25], $0x80  }
0x57: {  	p0 =	por p1, p1;
	[sflag:s25] =	ssyncset.done @!p1 $0x0  }
0x58: {  	s23 =	simm.s32 @!p0 $0x80;
	[sflag:s25] =	ssyncadd.s32 @!p0 $0xFFFFFF80  }
0x59: {  	[tilespmem:s23], [sflag:$0x2] =	stream.linear.gather @!p0 [hbm4b:s21+s22], $0x4000, $0x38;
	[tilespmem:$0x18080] =	vst v63  }
0x5a: {  	_ =	swait.ge @!p0 [sflag:s25], $0x4000  }
0x5b: {  	[sflag:s25] =	ssyncset.done @!p0 $0x0  }
0x5c: {  	s21 =	simm.s32 @!p0 $0x1;
	[sflag:s25] =	ssyncadd.s32 @!p0 $0xFFFFC000  }
0x5d: {  	[spmem:s2] =	stream.indirect.scatter.add.f32 @!p0 [tilespmem:s23], [sflag:$0x1], $0x80, s22, s23, $0xb8;
	[tilespmem:$0x18080] =	vst v63  }
0x5e: {  	_ =	swait.ge @!p0 [sflag:s21], $0x4000  }
0x5f: {  	[sflag:s21] =	ssyncset.done @!p0 $0x0  }
0x60: {  	[sflag:s21] =	ssyncadd.s32 @!p0 $0xFFFFC000  }
0x61: {  	[bflag:$0x0] =	sbarrier.arrive $0xFFFF  }
0x62: {  	[tilespmem:s18], [sflag:$0x1] =	stream.linear.gather [spmem:s5], $0x4000, $0x38;
	[tilespmem:$0x18080] =	vst v63  }
0x63: {  	_ =	swait.ge [sflag:s19], $0x4000  }
0x64: {  	[sflag:s19] =	ssyncset.done $0x0  }
0x65: {  	[sflag:s19] =	ssyncadd.s32 $0xFFFFC000  }
0x66: {  	[hbm4b:s10+s3] =	stream.linear.scatter [tilespmem:s18], [sflag:$0x1], $0x4000, $0x38;
	[tilespmem:$0x18080] =	vst v63  }
0x67: {  	_ =	swait.ge [sflag:s19], $0x4000  }
0x68: {  	[sflag:s19] =	ssyncset.done $0x0  }
0x69: {  	[sflag:s19] =	ssyncadd.s32 $0xFFFFC000  }
0x6a: {  	[tilespmem:s18], [sflag:$0x1] =	stream.linear.gather [spmem:s6], $0x4000, $0x38;
	[tilespmem:$0x18080] =	vst v63  }
0x6b: {  	_ =	swait.ge [sflag:s19], $0x4000  }
0x6c: {  	[sflag:s19] =	ssyncset.done $0x0  }
0x6d: {  	[sflag:s19] =	ssyncadd.s32 $0xFFFFC000  }
0x6e: {  	[hbm4b:s11+s3] =	stream.linear.scatter [tilespmem:s18], [sflag:$0x1], $0x4000, $0x38;
	[tilespmem:$0x18080] =	vst v63  }
0x6f: {  	_ =	swait.ge [sflag:s19], $0x4000  }
0x70: {  	[sflag:s19] =	ssyncset.done $0x0  }
0x71: {  	[sflag:s19] =	ssyncadd.s32 $0xFFFFC000  }
0x72: {  	[tilespmem:s18], [sflag:$0x1] =	stream.linear.gather [spmem:s7], $0x4000, $0x38;
	[tilespmem:$0x18080] =	vst v63  }
0x73: {  	_ =	swait.ge [sflag:s19], $0x4000  }
0x74: {  	[sflag:s19] =	ssyncset.done $0x0  }
0x75: {  	[sflag:s19] =	ssyncadd.s32 $0xFFFFC000  }
0x76: {  	[hbm4b:s12+s3] =	stream.linear.scatter [tilespmem:s18], [sflag:$0x1], $0x4000, $0x38;
	[tilespmem:$0x18080] =	vst v63  }
0x77: {  	_ =	swait.ge [sflag:s19], $0x4000  }
0x78: {  	[sflag:s19] =	ssyncset.done $0x0  }
0x79: {  	[sflag:s19] =	ssyncadd.s32 $0xFFFFC000  }
0x7a: {  	[tilespmem:s18], [sflag:$0x1] =	stream.linear.gather [spmem:s8], $0x4000, $0x38;
	[tilespmem:$0x18080] =	vst v63  }
0x7b: {  	_ =	swait.ge [sflag:s19], $0x4000  }
0x7c: {  	[sflag:s19] =	ssyncset.done $0x0  }
0x7d: {  	[sflag:s19] =	ssyncadd.s32 $0xFFFFC000  }
0x7e: {  	[hbm4b:s13+s3] =	stream.linear.scatter [tilespmem:s18], [sflag:$0x1], $0x4000, $0x38;
	[tilespmem:$0x18080] =	vst v63  }
0x7f: {  	_ =	swait.ge [sflag:s19], $0x4000  }
0x80: {  	[sflag:s19] =	ssyncset.done $0x0  }
0x81: {  	[sflag:s19] =	ssyncadd.s32 $0xFFFFC000  }
0x82: {  	[tilespmem:s18], [sflag:$0x1] =	stream.linear.gather [spmem:s9], $0x4000, $0x38;
	[tilespmem:$0x18080] =	vst v63  }
0x83: {  	s20 =	sadd.s32 $0x1, s20;
	_ =	swait.ge [sflag:s19], $0x4000  }
0x84: {  	p0 =	sne.s32 s20, s15;
	[sflag:s19] =	ssyncset.done $0x0  }
.Ltmp2:
0x85: {  	[sflag:s19] =	ssyncadd.s32 $0xFFFFC000;
	(pc) =	sbr.rel @p0 .LBB2_1-.Ltmp2, $4  }
0x86: {  	[hbm4b:s14+s3] =	stream.linear.scatter [tilespmem:s18], [sflag:$0x1], $0x4000, $0x38;
	[tilespmem:$0x18080] =	vst v63  }
0x87: {  	_ =	swait.ge [sflag:s19], $0x4000  }
0x88: {  	[sflag:s19] =	ssyncset.done $0x0  }
0x89: {  	[sflag:s19] =	ssyncadd.s32 $0xFFFFC000  }
0x8a: {  	_ =	sfence.sel $0x180000  }
0x8b: {  	[bflag:$0x0] =	sbarrier.arrive $0xFFFF  }
0x8c: {  	p0 =	sne.s32 s1, $0x0;
	_ =	strace $0x9000004A  }
0x8d: {  	s0 =	sadd.s32 @!p0 $0x100000, s0;
	[bflag:$0x2] =	sbarrier.arrive $0xFFFF  }
0x8e: {  	[sflag:s0] =	ssyncadd.tile.s32 @!p0 $0x1;
	_ =	shalt  }
.Lfunc_end2:
_tile_overlayer_lowered:
.L_overlay_start_2:
0x8f: {  	(tag) =	ssettag $0x2  }
0x90: {  	s0 =	rddreg [dreg:$0x0];
	s2 =	stileid.u32  }
0x91: {  	s1 =	rddreg [dreg:$0x1];
	p0 =	sne.s32 s2, $0x0  }
0x92: {  	s3 =	rddreg [dreg:$0x2];
	[bflag:$0x3] =	sbarrier.arrive $0xFFFF;
	s2 =	simm.s32 @!p0 $0x1C01  }
0x93: {  	[timem:s3], [sflag:s2] =	dma.local @!p0 [hbm:s0], s1  }
0x94: {  	s0 =	simm.s32 @!p0 $0x1  }
0x95: {  	_ =	swait.ge @!p0 [sflag:s0], s1  }
0x96: {  	s1 =	ssub.s32 @!p0 $0x0, s1;
	[sflag:s0] =	ssyncset.done @!p0 $0x0  }
0x97: {  	[sflag:s0] =	ssyncadd.s32 @!p0 s1  }
0x98: {  	[bflag:$0x3] =	sbarrier.arrive $0xFFFF  }
0x99: {  	_ =	shalt  }

// kernel: kernel.25.cloned.1.call-start
scs
__scs_entry_jumppad:
0x0: {  	(pc) =	sbr.rel $0x88, $3  }
0x1: {  	(tag) =	ssettag $0x0;
	lr =	simm.s32 $0x1  }
0x2: {  	[smem:$0x3F72] =	sst lr;
	_ =	strace $0xD0000000  }
0x3: {  	_ = 	snop  }
0x4: {  	_ = 	snop  }
0x5: {  	_ = 	snop  }
0x6: {  	_ = 	snop  }
0x7: {  	_ = 	snop  }
__scs_overlays_trampoline_lowered:
0x8: {  	[smem:$0x3F81] =	sst s0  }
0x9: {  	[smem:$0x3F82] =	sst s1  }
0xa: {  	[smem:$0x3F83] =	sst s2  }
0xb: {  	[smem:$0x3F84] =	sst s3  }
0xc: {  	[smem:$0x3F85] =	sst s4  }
0xd: {  	[smem:$0x3F86] =	sst s5  }
0xe: {  	[smem:$0x3F87] =	sst s6  }
0xf: {  	[smem:$0x3F88] =	sst s7  }
0x10: {  	[smem:$0x3F89] =	sst s8  }
0x11: {  	[smem:$0x3F8A] =	sst s9;
	s0 =	simm.s32 @!p0 $0x0  }
0x12: {  	s1 =	sld [smem:$0x3F70];
	s0 =	simm.s32 @p0 $0x1  }
0x13: {  	[smem:$0x3F8B] =	sst s0;
	s0 =	simm.s32 @!p1 $0x0  }
0x14: {  	s2 =	sld [smem:$0x3F6F];
	s0 =	simm.s32 @p1 $0x1  }
0x15: {  	[smem:$0x3F8C] =	sst s0;
	s0 =	simm.s32 @!p2 $0x0  }
0x16: {  	s3 =	sld [smem:$0x3FDB];
	s0 =	simm.s32 @p2 $0x1  }
0x17: {  	s4 =	simm.s32 $0x1BF5;
	[smem:$0x3F8E] =	sst s0  }
0x18: {  	s0 =	sld [smem:$0x3F71];
	_ =	swait.ge [sflag:s4], $0x0  }
0x19: {  	s7 =	sld [smem:$0x3F72]  }
0x1a: {  	s8 =	sadd.s32 $0xFFFFE003, lr  }
0x1b: {  	s9 =	sadd.s32 $0xFFFFFEF7, lr;
	s5 =	simm.s32 $0xFFFFFFFF;
	p2 =	slt.u32 s8, $0xFFFFF086  }
0x1c: {  	p1 =	slt.u32 s9, $0xF7A;
	s5 =	simm.s32 @!p2 $0x0  }
0x1d: {  	s5 =	simm.s32 @p1 $0x1;
	p0 =	seq.s32 s7, s2  }
0x1e: {  	s7 =	smul.u32 @!p0 $0xF7A, s2;
	p2 =	seq.s32 @!p0 s5, $0x0  }
0x1f: {  	s9 =	smul.u32 $0xF7A, s1;
	s8 =	simm.s32 @!p0 $0x1BF5;
	p2 =	por !p2, p0  }
0x20: {  	[sflag:s8] =	ssyncset.s32 @!p0 $0xFFFFF086;
	s6 =	sadd.s32 @!p0 s3, s7;
	s7 =	simm.s32 @!p0 $0x108  }
0x21: {  	s3 =	sadd.s32 s3, s9;
	s6 =	sadd.s32 @!p0 $0x88, s6;
	s7 =	simm.s32 @p2 $0x1082  }
0x22: {  	[simem:s7], [sflag:s8] =	dma.local @!p0 [hbm:s6], $0xF7A  }
0x23: {  	s9 =	sor.u32 $0xD0000000, s2;
	s6 =	simm.s32 $0x108;
	_ =	swait.ge @!p0 [sflag:s8], $0x0  }
0x24: {  	s3 =	sadd.s32 $0x88, s3;
	s6 =	simm.s32 @!p1 $0x1082;
	[sflag:s4] =	ssyncset.s32 $0xFFFFF086  }
0x25: {  	[simem:s6], [sflag:s4] =	dma.local [hbm:s3], $0xF7A  }
0x26: {  	[smem:$0x3F72] =	sst s1;
	(tag) =	ssettag s2;
	_ =	strace s9  }
0x27: {  	s1 =	sld [smem:$0x3F82]  }
0x28: {  	s2 =	sld [smem:$0x3F83]  }
0x29: {  	s4 =	sld [smem:$0x3F85]  }
0x2a: {  	p0 =	seq.s32 s5, $0x0;
	s5 =	sld [smem:$0x3F86]  }
0x2b: {  	s6 =	sld [smem:$0x3F87]  }
0x2c: {  	s7 =	sld [smem:$0x3F88]  }
0x2d: {  	s3 =	simm.s32 $0x108;
	s8 =	sld [smem:$0x3F89]  }
0x2e: {  	s3 =	simm.s32 @!p0 $0x1082;
	s9 =	sld [smem:$0x3F8A]  }
0x2f: {  	lr =	sadd.s32 s0, s3;
	s0 =	sld [smem:$0x3F81]  }
0x30: {  	s3 =	sld [smem:$0x3F84]  }
0x31: {  	[smem:$0x3F8D] =	sst s10  }
0x32: {  	s10 =	sld [smem:$0x3F8B];
	_ =	sdelay $0x3  }
0x33: {  	p0 =	seq.s32 s10, $0x1;
	s10 =	sld [smem:$0x3F8D];
	_ =	sdelay $0x3  }
0x34: {  	[smem:$0x3F8D] =	sst s10  }
0x35: {  	s10 =	sld [smem:$0x3F8C];
	_ =	sdelay $0x3  }
0x36: {  	p1 =	seq.s32 s10, $0x1;
	s10 =	sld [smem:$0x3F8D];
	_ =	sdelay $0x3  }
0x37: {  	[smem:$0x3F8D] =	sst s10  }
0x38: {  	s10 =	sld [smem:$0x3F8E]  }
0x39: {  	_ = 	snop;
	(pc) =	sbr.ind lr, $3  }
0x3a: {  	_ = 	snop  }
0x3b: {  	_ = 	snop  }
0x3c: {  	p2 =	seq.s32 s10, $0x1;
	s10 =	sld [smem:$0x3F8D]  }
0x3d: {  	_ =	shalt  }
0x3e: {  	_ =	shalt  }
0x3f: {  	_ =	shalt  }
0x40: {  	_ =	shalt  }
0x41: {  	_ =	shalt  }
0x42: {  	_ =	shalt  }
0x43: {  	_ =	shalt  }
0x44: {  	_ =	shalt  }
0x45: {  	_ =	shalt  }
0x46: {  	_ =	shalt  }
0x47: {  	_ =	shalt  }
0x48: {  	_ =	shalt  }
0x49: {  	_ =	shalt  }
0x4a: {  	_ =	shalt  }
0x4b: {  	_ =	shalt  }
0x4c: {  	_ =	shalt  }
0x4d: {  	_ =	shalt  }
0x4e: {  	_ =	shalt  }
0x4f: {  	_ =	shalt  }
0x50: {  	_ =	shalt  }
0x51: {  	_ =	shalt  }
0x52: {  	_ =	shalt  }
0x53: {  	_ =	shalt  }
0x54: {  	_ =	shalt  }
0x55: {  	_ =	shalt  }
0x56: {  	_ =	shalt  }
0x57: {  	_ =	shalt  }
0x58: {  	_ =	shalt  }
0x59: {  	_ =	shalt  }
0x5a: {  	_ =	shalt  }
0x5b: {  	_ =	shalt  }
0x5c: {  	_ =	shalt  }
0x5d: {  	_ =	shalt  }
0x5e: {  	_ =	shalt  }
0x5f: {  	_ =	shalt  }
0x60: {  	_ =	shalt  }
0x61: {  	_ =	shalt  }
0x62: {  	_ =	shalt  }
0x63: {  	_ =	shalt  }
0x64: {  	_ =	shalt  }
0x65: {  	_ =	shalt  }
0x66: {  	_ =	shalt  }
0x67: {  	_ =	shalt  }
0x68: {  	_ =	shalt  }
0x69: {  	_ =	shalt  }
0x6a: {  	_ =	shalt  }
0x6b: {  	_ =	shalt  }
0x6c: {  	_ =	shalt  }
0x6d: {  	_ =	shalt  }
0x6e: {  	_ =	shalt  }
0x6f: {  	_ =	shalt  }
0x70: {  	_ =	shalt  }
0x71: {  	_ =	shalt  }
0x72: {  	_ =	shalt  }
0x73: {  	_ =	shalt  }
0x74: {  	_ =	shalt  }
0x75: {  	_ =	shalt  }
0x76: {  	_ =	shalt  }
0x77: {  	_ =	shalt  }
0x78: {  	_ =	shalt  }
0x79: {  	_ =	shalt  }
0x7a: {  	_ =	shalt  }
0x7b: {  	_ =	shalt  }
0x7c: {  	_ =	shalt  }
0x7d: {  	_ =	shalt  }
0x7e: {  	_ =	shalt  }
0x7f: {  	_ =	shalt  }
0x80: {  	_ =	shalt  }
0x81: {  	_ =	shalt  }
0x82: {  	_ =	shalt  }
0x83: {  	_ =	shalt  }
0x84: {  	_ =	shalt  }
0x85: {  	_ =	shalt  }
0x86: {  	_ =	shalt  }
0x87: {  	_ =	shalt  }
.Lfunc_end0:
.L_simem_size_0:
called_computation.2_lowered:
.L_overlay_start_0:
0x88: {  	s2 =	sld [smem:$0x3FD9]  }
0x89: {  	s3 =	sld [smem:$0x3FFE];
	_ =	sdelay $0x1  }
0x8a: {  	s1 =	srdreg.scid  }
0x8b: {  	s0 =	sand.u32 $0x1, s1  }
0x8c: {  	s16 =	sshll.u32 s0, $0xA;
	s2 =	sadd.s32 s3, s2  }
0x8d: {  	s2 =	sadd.s32 s2, s16  }
0x8e: {  	[smem:$0x3F99] =	sst s2  }
0x8f: {  	_ = 	snop  }
0x90: {  	(tm) =	ssettm $0x1  }
0x91: {  	s17 =	sld [smem:$0x3FFB];
	_ =	sdelay $0x3  }
0x92: {  	_ =	strace s17  }
0x93: {  	s2 =	sld [smem:$0x3FFC];
	_ =	sdelay $0x3  }
0x94: {  	_ =	strace s2  }
0x95: {  	s2 =	sld [smem:$0x3FFD];
	_ =	sdelay $0x3  }
0x96: {  	_ =	strace s2  }
0x97: {  	_ =	strace $0x8FFFFFFF  }
0x98: {  	s18 =	sld [smem:$0x3FDB];
	_ =	sdelay $0x1  }
0x99: {  	s19 =	simm.s32 $_scs_section_size  }
0x9a: {  	s4 =	simm.s32 $_size__tile_overlayer_lowered;
	s5 =	simm.s32 $_tile_overlayer_lowered  }
0x9b: {  	s22 =	simm.s32 $0x1BFF;
	s21 =	sshll.u32 s5, $0x1;
	s2 =	sadd.s32 s19, s18  }
0x9c: {  	s6 =	simm.s32 $0x0;
	s20 =	sshll.u32 s4, $0x1;
	s4 =	sadd.s32 s21, s2  }
0x9d: {  	[timem:s6], [sflag:s22] =	dma.local [hbm:s4], s20  }
0x9e: {  	_ =	swait.ge [sflag:s22], s20  }
0x9f: {  	s3 =	ssub.s32 $0x0, s20;
	[sflag:s22] =	ssyncset.done $0x0  }
0xa0: {  	[sflag:s22] =	ssyncadd.s32 s3;
	_ =	sdelay $0x1  }
0xa1: {  	s23 =	simm.s32 $0x1B8B  }
0xa2: {  	_ =	swait.ge [sflag:s23], $0x1  }
0xa3: {  	[sflag:s23] =	ssyncset.done $0x0  }
0xa4: {  	s25 =	simm.s32 $0x1B8E;
	s24 =	sld [smem:$0x3FFE];
	[sflag:s23] =	ssyncadd.s32 $0xFFFFFFFF  }
0xa5: {  	s26 =	simm.s32 $execute0_lowered;
	[smem:$0x3FD2] =	sst s25  }
0xa6: {  	s4 =	sshll.u32 s26, $0x1;
	_ =	strace $0x8000004C;
	[dreg:$0x1] =	wrdreg $0xFFFFFFFF  }
0xa7: {  	s28 =	simm.s32 $_size_execute0_lowered;
	s2 =	sadd.s32 s2, s4;
	[dreg:$0x0] =	wrdreg $0x0  }
0xa8: {  	s4 =	sshll.u32 s28, $0x1;
	[dreg:$0x2] =	wrdreg s2  }
0xa9: {  	[dreg:$0x3] =	wrdreg s4  }
0xaa: {  	[dreg:$0x4] =	wrdreg $0xC0  }
0xab: {  	_ =	task [dreg:s6], $0x5FFFF  }
0xac: {  	[dreg:$0x1] =	wrdreg $0xFFFFFFFF  }
0xad: {  	[dreg:$0x0] =	wrdreg $0x60  }
0xae: {  	[dreg:$0x2] =	wrdreg s24  }
0xaf: {  	[dreg:$0x3] =	wrdreg $0x9  }
0xb0: {  	_ =	task.clear_ibuf [dreg:s6], $0x4FFFF;
	_ =	strace $0x9000004C  }
0xb1: {  	s29 =	simm.s32 $0x9;
	_ =	strace $0x8000004E  }
0xb2: {  	_ =	swait.ge [sflag:s29], $0x1  }
0xb3: {  	[sflag:s29] =	ssyncadd.s32 $0xFFFFFFFF  }
0xb4: {  	_ =	strace $0x9000004E  }
0xb5: {  	_ =	sfence  }
0xb6: {  	s30 =	sld [smem:$0x0];
	_ =	sdelay $0x2  }
0xb7: {  	s31 =	sshll.u32 s1, $0xD;
	s1 =	sshrl.u32 s1, $0x2  }
0xb8: {  	s3 =	sand.u32 $0x4000, s31;
	s1 =	sadd.s32 s1, s30  }
0xb9: {  	s0 =	sor.u32 s3, s0;
	s1 =	sshll.u32 s1, $0x11  }
0xba: {  	s0 =	sor.u32 s1, s0  }
0xbb: {  	s0 =	sadd.s32 $0x8F2B, s0  }
0xbc: {  	[sflag:s0] =	ssyncadd.remote.s32 $0x1  }
0xbd: {  	_ =	sfence.sel $0xFFFF  }
0xbe: {  	[dreg:$0x0] =	wrdreg $0xFFFFFFFF;
	(pc) =	sbr.abs _section_cstart, $3  }
0xbf: {  	[dreg:$0x1] =	wrdreg $0xFFFFFFFF  }
0xc0: {  	_ =	task.clear_ibuf [dreg:s6], $0x2FFFF;
	_ =	strace $0x9FFFFFFF  }
0xc1: {  	(tm) =	ssettm $0x7FFFFFFF  }
tec
execute0_lowered:
.L_overlay_start_1:
0x0: {  	(tag) =	ssettag $0x1  }
0x1: {  	s8 =	rddreg [dreg:$0x0]  }
0x2: {  	s0 =	rddreg [dreg:$0x1];
	s1 =	simm.s32 $0x0  }
0x3: {  	s3 =	srdreg.scid;
	s4 =	stileid.u32;
	s11 =	simm.s32 $0x4  }
0x4: {  	s12 =	simm.s32 $0x80;
	s13 =	simm.s32 $0x100;
	s14 =	simm.s32 $0x4100  }
0x5: {  	s15 =	simm.s32 $0x1;
	s16 =	simm.s32 $0x2;
	s17 =	simm.s32 $0x3  }
.Ltmp0:
0x6: {  	s18 =	simm.s32 $0x0;
	s3 =	sand.u32 $0x1, s3;
	(pc) =	sbr.rel .LBB2_1-.Ltmp0, $4  }
0x7: {  	[smem:$0x7FF] =	sst s1;
	s2 =	sadd.s32 $0x16E00, s8;
	s9 =	ssub.s32 $0x2, s3  }
0x8: {  	s5 =	sadd.s32 $0x3E000, s8;
	s6 =	sadd.s32 $0x11E00, s8;
	s10 =	sshrl.u32 s9, $0x1  }
0x9: {  	s7 =	sadd.s32 $0xCE00, s8;
	s8 =	sadd.s32 $0x8C400, s8;
	s10 =	ssub.s32 s9, s10  }
0xa: {  	_ =	strace $0x8000004D;
	s9 =	sshll.u32 s4, $0x1;
	s10 =	smax.u32 s10, $0x1  }
.LBB2_7:
0xb: {  	s18 =	sadd.s32 $0x1, s18  }
0xc: {  	p0 =	sne.s32 s18, s10  }
.Ltmp1:
0xd: {  	_ = 	snop;
	(pc) =	sbr.rel @!p0 .LBB2_8-.Ltmp1, $1  }
0xe: {  	_ =	sdelay $0x3  }
.LBB2_1:
.Ltmp2:
0xf: {  	(pc) =	sbr.rel .LBB2_2-.Ltmp2, $2  }
0x10: {  	_ =	sdelay $0x2  }
0x11: {  	s19 =	simm.s32 $0x0  }
.LBB2_6:
0x12: {  	s19 =	sadd.s32 $0x1, s19  }
0x13: {  	p0 =	sne.s32 s19, $0x28  }
.Ltmp3:
0x14: {  	_ = 	snop;
	(pc) =	sbr.rel @!p0 .LBB2_7-.Ltmp3, $1  }
0x15: {  	_ =	sdelay $0x3  }
.LBB2_2:
0x16: {  	s20 =	sshll.u32 s19, $0x5  }
0x17: {  	s20 =	sor.u32 s9, s20  }
0x18: {  	p0 =	sgt.u32 s20, $0x4E1  }
.Ltmp4:
0x19: {  	_ = 	snop;
	(pc) =	sbr.rel @p0 .LBB2_6-.Ltmp4, $1  }
0x1a: {  	_ =	sdelay $0x3  }
0x1b: {  	s20 =	sor.u32 s3, s20  }
0x1c: {  	s21 =	sshll.u32 s20, $0x4  }
0x1d: {  	s23 =	simm.s32 $0x0;
	s22 =	sadd.s32 s6, s21  }
0x1e: {  	[tilespmem:s23], [sflag:$0x4] =	stream.linear.gather [hbm4b:s22+s23], $0x80, $0x38;
	[tilespmem:$0x8100] =	vst v63  }
0x1f: {  	_ =	swait.ge [sflag:s11], $0x80  }
0x20: {  	[sflag:s11] =	ssyncset.done $0x0  }
0x21: {  	s21 =	sadd.s32 s7, s21;
	[sflag:s11] =	ssyncadd.s32 $0xFFFFFF80  }
0x22: {  	[tilespmem:s12], [sflag:$0x4] =	stream.linear.gather [hbm4b:s21+s23], $0x80, $0x38;
	[tilespmem:$0x8100] =	vst v63  }
0x23: {  	_ =	swait.ge [sflag:s11], $0x80  }
0x24: {  	[sflag:s11] =	ssyncset.done $0x0  }
0x25: {  	[sflag:s11] =	ssyncadd.s32 $0xFFFFFF80  }
0x26: {  	[tilespmem:s13], [sflag:$0x1] =	stream.indirect.gather [hbm4b:s2+s12], $0x80, s23, s12, $0xb8;
	[tilespmem:$0x8100] =	vst v63  }
0x27: {  	_ = 	snop  }
0x28: {  	[tilespmem:s14], [sflag:$0x2] =	stream.indirect.gather [hbm4b:s5+s12], $0x80, s12, s12, $0xb8;
	[tilespmem:$0x8100] =	vst v63  }
0x29: {  	_ =	swait.ge [sflag:s15], $0x4000  }
0x2a: {  	[sflag:s15] =	ssyncset.done $0x0  }
0x2b: {  	[sflag:s15] =	ssyncadd.s32 $0xFFFFC000  }
0x2c: {  	_ =	swait.ge [sflag:s16], $0x4000  }
0x2d: {  	[sflag:s16] =	ssyncset.done $0x0  }
0x2e: {  	s21 =	simm.s32 $0x0;
	[sflag:s16] =	ssyncadd.s32 $0xFFFFC000  }
0x2f: {  	v7 =	vld [tilespmem:s21+$0x4100]  }
0x30: {  	v11 =	vld [tilespmem:s21+$0x4110]  }
0x31: {  	v5 =	vld [tilespmem:s21+$0x4120]  }
0x32: {  	v4 =	vld [tilespmem:s21+$0x4130]  }
0x33: {  	v3 =	vld [tilespmem:s21+$0x4140]  }
0x34: {  	v2 =	vld [tilespmem:s21+$0x4150]  }
0x35: {  	v1 =	vld [tilespmem:s21+$0x4160]  }
0x36: {  	v0 =	vld [tilespmem:s21+$0x4170]  }
0x37: {  	v12 =	vld [tilespmem:s21+$0x100]  }
0x38: {  	v13 =	vld [tilespmem:s21+$0x110]  }
0x39: {  	v10 =	vld [tilespmem:s21+$0x120]  }
0x3a: {  	v9 =	vld [tilespmem:s21+$0x130]  }
0x3b: {  	v8 =	vld [tilespmem:s21+$0x140]  }
0x3c: {  	v6 =	vld [tilespmem:s21+$0x150];
	v12 =	vadd.f32 v7, v12  }
0x3d: {  	s22 =	simm.s32 $0x200;
	v11 =	vadd.f32 v11, v13;
	v7 =	vld [tilespmem:s21+$0x160]  }
.LBB2_4:
0x3e: {  	s23 =	sshra.s32 s22, $0x2;
	p0 =	sne.s32 s22, $0xFE00;
	[tilespmem:s21+$0x100] =	vst v12;
	v5 =	vadd.f32 v5, v10;
	v10 =	vld [tilespmem:s21+$0x170]  }
0x3f: {  	v12 =	vld [tilespmem:s23+$0x4100];
	[tilespmem:s21+$0x110] =	vst v11;
	v4 =	vadd.f32 v4, v9  }
0x40: {  	v11 =	vld [tilespmem:s23+$0x4110];
	[tilespmem:s21+$0x120] =	vst v5;
	v3 =	vadd.f32 v3, v8  }
0x41: {  	v5 =	vld [tilespmem:s23+$0x4120];
	[tilespmem:s21+$0x130] =	vst v4;
	v2 =	vadd.f32 v2, v6  }
0x42: {  	v4 =	vld [tilespmem:s23+$0x4130];
	[tilespmem:s21+$0x140] =	vst v3;
	v1 =	vadd.f32 v1, v7  }
0x43: {  	v3 =	vld [tilespmem:s23+$0x4140];
	[tilespmem:s21+$0x150] =	vst v2;
	v0 =	vadd.f32 v0, v10  }
0x44: {  	v2 =	vld [tilespmem:s23+$0x4150];
	[tilespmem:s21+$0x160] =	vst v1  }
0x45: {  	v1 =	vld [tilespmem:s23+$0x4160];
	[tilespmem:s21+$0x170] =	vst v0;
	s21 =	smov.u32 s23  }
0x46: {  	v0 =	vld [tilespmem:s21+$0x4170]  }
0x47: {  	v6 =	vld [tilespmem:s21+$0x100]  }
0x48: {  	v7 =	vld [tilespmem:s21+$0x110]  }
.Ltmp5:
0x49: {  	v10 =	vld [tilespmem:s21+$0x120];
	(pc) =	sbr.rel @p0 .LBB2_4-.Ltmp5, $4  }
0x4a: {  	v9 =	vld [tilespmem:s21+$0x130]  }
0x4b: {  	v8 =	vld [tilespmem:s21+$0x140]  }
0x4c: {  	v12 =	vadd.f32 v12, v6;
	v6 =	vld [tilespmem:s21+$0x150]  }
0x4d: {  	s22 =	sadd.s32 $0x200, s22;
	v11 =	vadd.f32 v11, v7;
	v7 =	vld [tilespmem:s21+$0x160]  }
0x4e: {  	[tilespmem:s21+$0x100] =	vst v12;
	v5 =	vadd.f32 v5, v10;
	v63 =	vld [tilespmem:s21+$0x170]  }
0x4f: {  	[tilespmem:s21+$0x110] =	vst v11;
	v4 =	vadd.f32 v4, v9  }
0x50: {  	[tilespmem:s21+$0x120] =	vst v5;
	v3 =	vadd.f32 v3, v8  }
0x51: {  	[tilespmem:s21+$0x130] =	vst v4;
	v2 =	vadd.f32 v2, v6  }
0x52: {  	[tilespmem:s21+$0x140] =	vst v3;
	v1 =	vadd.f32 v1, v7  }
0x53: {  	[tilespmem:s21+$0x150] =	vst v2;
	v0 =	vadd.f32 v0, v63  }
0x54: {  	s20 =	sshll.u32 s20, $0xB;
	[tilespmem:s21+$0x160] =	vst v1  }
.Ltmp6:
0x55: {  	s20 =	sadd.s32 s8, s20;
	[tilespmem:s21+$0x170] =	vst v0;
	(pc) =	sbr.rel .LBB2_6-.Ltmp6, $4  }
0x56: {  	[hbm4b:s20+s1] =	stream.linear.scatter [tilespmem:s13], [sflag:$0x3], $0x4000, $0x38;
	[tilespmem:$0x8100] =	vst v63  }
0x57: {  	_ =	swait.ge [sflag:s17], $0x4000  }
0x58: {  	[sflag:s17] =	ssyncset.done $0x0  }
0x59: {  	[sflag:s17] =	ssyncadd.s32 $0xFFFFC000  }
.LBB2_8:
0x5a: {  	_ =	sfence.sel $0x180000  }
0x5b: {  	[bflag:$0x0] =	sbarrier.arrive $0xFFFF  }
0x5c: {  	p0 =	sne.s32 s4, $0x0;
	_ =	strace $0x9000004D  }
0x5d: {  	s0 =	sadd.s32 @!p0 $0x100000, s0;
	[bflag:$0x2] =	sbarrier.arrive $0xFFFF  }
0x5e: {  	[sflag:s0] =	ssyncadd.tile.s32 @!p0 $0x1;
	_ =	shalt  }
.Lfunc_end2:
_tile_overlayer_lowered:
.L_overlay_start_2:
0x5f: {  	(tag) =	ssettag $0x2  }
0x60: {  	s0 =	rddreg [dreg:$0x0];
	s2 =	stileid.u32  }
0x61: {  	s1 =	rddreg [dreg:$0x1];
	p0 =	sne.s32 s2, $0x0  }
0x62: {  	s3 =	rddreg [dreg:$0x2];
	[bflag:$0x3] =	sbarrier.arrive $0xFFFF;
	s2 =	simm.s32 @!p0 $0x1C03  }
0x63: {  	[timem:s3], [sflag:s2] =	dma.local @!p0 [hbm:s0], s1  }
0x64: {  	s0 =	simm.s32 @!p0 $0x3  }
0x65: {  	_ =	swait.ge @!p0 [sflag:s0], s1  }
0x66: {  	s1 =	ssub.s32 @!p0 $0x0, s1;
	[sflag:s0] =	ssyncset.done @!p0 $0x0  }
0x67: {  	[sflag:s0] =	ssyncadd.s32 @!p0 s1  }
0x68: {  	[bflag:$0x3] =	sbarrier.arrive $0xFFFF  }
0x69: {  	_ =	shalt  }

// kernel: kernel.28.cloned.1.call-start
scs
__scs_entry_jumppad:
0x0: {  	(pc) =	sbr.rel $0x88, $3  }
0x1: {  	(tag) =	ssettag $0x0;
	lr =	simm.s32 $0x1  }
0x2: {  	[smem:$0x3F72] =	sst lr;
	_ =	strace $0xD0000000  }
0x3: {  	_ = 	snop  }
0x4: {  	_ = 	snop  }
0x5: {  	_ = 	snop  }
0x6: {  	_ = 	snop  }
0x7: {  	_ = 	snop  }
__scs_overlays_trampoline_lowered:
0x8: {  	[smem:$0x3F81] =	sst s0  }
0x9: {  	[smem:$0x3F82] =	sst s1  }
0xa: {  	[smem:$0x3F83] =	sst s2  }
0xb: {  	[smem:$0x3F84] =	sst s3  }
0xc: {  	[smem:$0x3F85] =	sst s4  }
0xd: {  	[smem:$0x3F86] =	sst s5  }
0xe: {  	[smem:$0x3F87] =	sst s6  }
0xf: {  	[smem:$0x3F88] =	sst s7  }
0x10: {  	[smem:$0x3F89] =	sst s8  }
0x11: {  	[smem:$0x3F8A] =	sst s9;
	s0 =	simm.s32 @!p0 $0x0  }
0x12: {  	s1 =	sld [smem:$0x3F70];
	s0 =	simm.s32 @p0 $0x1  }
0x13: {  	[smem:$0x3F8B] =	sst s0;
	s0 =	simm.s32 @!p1 $0x0  }
0x14: {  	s2 =	sld [smem:$0x3F6F];
	s0 =	simm.s32 @p1 $0x1  }
0x15: {  	[smem:$0x3F8C] =	sst s0;
	s0 =	simm.s32 @!p2 $0x0  }
0x16: {  	s3 =	sld [smem:$0x3FDB];
	s0 =	simm.s32 @p2 $0x1  }
0x17: {  	s4 =	simm.s32 $0x1BF5;
	[smem:$0x3F8E] =	sst s0  }
0x18: {  	s0 =	sld [smem:$0x3F71];
	_ =	swait.ge [sflag:s4], $0x0  }
0x19: {  	s7 =	sld [smem:$0x3F72]  }
0x1a: {  	s8 =	sadd.s32 $0xFFFFE003, lr  }
0x1b: {  	s9 =	sadd.s32 $0xFFFFFEF7, lr;
	s5 =	simm.s32 $0xFFFFFFFF;
	p2 =	slt.u32 s8, $0xFFFFF086  }
0x1c: {  	p1 =	slt.u32 s9, $0xF7A;
	s5 =	simm.s32 @!p2 $0x0  }
0x1d: {  	s5 =	simm.s32 @p1 $0x1;
	p0 =	seq.s32 s7, s2  }
0x1e: {  	s7 =	smul.u32 @!p0 $0xF7A, s2;
	p2 =	seq.s32 @!p0 s5, $0x0  }
0x1f: {  	s9 =	smul.u32 $0xF7A, s1;
	s8 =	simm.s32 @!p0 $0x1BF5;
	p2 =	por !p2, p0  }
0x20: {  	[sflag:s8] =	ssyncset.s32 @!p0 $0xFFFFF086;
	s6 =	sadd.s32 @!p0 s3, s7;
	s7 =	simm.s32 @!p0 $0x108  }
0x21: {  	s3 =	sadd.s32 s3, s9;
	s6 =	sadd.s32 @!p0 $0x88, s6;
	s7 =	simm.s32 @p2 $0x1082  }
0x22: {  	[simem:s7], [sflag:s8] =	dma.local @!p0 [hbm:s6], $0xF7A  }
0x23: {  	s9 =	sor.u32 $0xD0000000, s2;
	s6 =	simm.s32 $0x108;
	_ =	swait.ge @!p0 [sflag:s8], $0x0  }
0x24: {  	s3 =	sadd.s32 $0x88, s3;
	s6 =	simm.s32 @!p1 $0x1082;
	[sflag:s4] =	ssyncset.s32 $0xFFFFF086  }
0x25: {  	[simem:s6], [sflag:s4] =	dma.local [hbm:s3], $0xF7A  }
0x26: {  	[smem:$0x3F72] =	sst s1;
	(tag) =	ssettag s2;
	_ =	strace s9  }
0x27: {  	s1 =	sld [smem:$0x3F82]  }
0x28: {  	s2 =	sld [smem:$0x3F83]  }
0x29: {  	s4 =	sld [smem:$0x3F85]  }
0x2a: {  	p0 =	seq.s32 s5, $0x0;
	s5 =	sld [smem:$0x3F86]  }
0x2b: {  	s6 =	sld [smem:$0x3F87]  }
0x2c: {  	s7 =	sld [smem:$0x3F88]  }
0x2d: {  	s3 =	simm.s32 $0x108;
	s8 =	sld [smem:$0x3F89]  }
0x2e: {  	s3 =	simm.s32 @!p0 $0x1082;
	s9 =	sld [smem:$0x3F8A]  }
0x2f: {  	lr =	sadd.s32 s0, s3;
	s0 =	sld [smem:$0x3F81]  }
0x30: {  	s3 =	sld [smem:$0x3F84]  }
0x31: {  	[smem:$0x3F8D] =	sst s10  }
0x32: {  	s10 =	sld [smem:$0x3F8B];
	_ =	sdelay $0x3  }
0x33: {  	p0 =	seq.s32 s10, $0x1;
	s10 =	sld [smem:$0x3F8D];
	_ =	sdelay $0x3  }
0x34: {  	[smem:$0x3F8D] =	sst s10  }
0x35: {  	s10 =	sld [smem:$0x3F8C];
	_ =	sdelay $0x3  }
0x36: {  	p1 =	seq.s32 s10, $0x1;
	s10 =	sld [smem:$0x3F8D];
	_ =	sdelay $0x3  }
0x37: {  	[smem:$0x3F8D] =	sst s10  }
0x38: {  	s10 =	sld [smem:$0x3F8E]  }
0x39: {  	_ = 	snop;
	(pc) =	sbr.ind lr, $3  }
0x3a: {  	_ = 	snop  }
0x3b: {  	_ = 	snop  }
0x3c: {  	p2 =	seq.s32 s10, $0x1;
	s10 =	sld [smem:$0x3F8D]  }
0x3d: {  	_ =	shalt  }
0x3e: {  	_ =	shalt  }
0x3f: {  	_ =	shalt  }
0x40: {  	_ =	shalt  }
0x41: {  	_ =	shalt  }
0x42: {  	_ =	shalt  }
0x43: {  	_ =	shalt  }
0x44: {  	_ =	shalt  }
0x45: {  	_ =	shalt  }
0x46: {  	_ =	shalt  }
0x47: {  	_ =	shalt  }
0x48: {  	_ =	shalt  }
0x49: {  	_ =	shalt  }
0x4a: {  	_ =	shalt  }
0x4b: {  	_ =	shalt  }
0x4c: {  	_ =	shalt  }
0x4d: {  	_ =	shalt  }
0x4e: {  	_ =	shalt  }
0x4f: {  	_ =	shalt  }
0x50: {  	_ =	shalt  }
0x51: {  	_ =	shalt  }
0x52: {  	_ =	shalt  }
0x53: {  	_ =	shalt  }
0x54: {  	_ =	shalt  }
0x55: {  	_ =	shalt  }
0x56: {  	_ =	shalt  }
0x57: {  	_ =	shalt  }
0x58: {  	_ =	shalt  }
0x59: {  	_ =	shalt  }
0x5a: {  	_ =	shalt  }
0x5b: {  	_ =	shalt  }
0x5c: {  	_ =	shalt  }
0x5d: {  	_ =	shalt  }
0x5e: {  	_ =	shalt  }
0x5f: {  	_ =	shalt  }
0x60: {  	_ =	shalt  }
0x61: {  	_ =	shalt  }
0x62: {  	_ =	shalt  }
0x63: {  	_ =	shalt  }
0x64: {  	_ =	shalt  }
0x65: {  	_ =	shalt  }
0x66: {  	_ =	shalt  }
0x67: {  	_ =	shalt  }
0x68: {  	_ =	shalt  }
0x69: {  	_ =	shalt  }
0x6a: {  	_ =	shalt  }
0x6b: {  	_ =	shalt  }
0x6c: {  	_ =	shalt  }
0x6d: {  	_ =	shalt  }
0x6e: {  	_ =	shalt  }
0x6f: {  	_ =	shalt  }
0x70: {  	_ =	shalt  }
0x71: {  	_ =	shalt  }
0x72: {  	_ =	shalt  }
0x73: {  	_ =	shalt  }
0x74: {  	_ =	shalt  }
0x75: {  	_ =	shalt  }
0x76: {  	_ =	shalt  }
0x77: {  	_ =	shalt  }
0x78: {  	_ =	shalt  }
0x79: {  	_ =	shalt  }
0x7a: {  	_ =	shalt  }
0x7b: {  	_ =	shalt  }
0x7c: {  	_ =	shalt  }
0x7d: {  	_ =	shalt  }
0x7e: {  	_ =	shalt  }
0x7f: {  	_ =	shalt  }
0x80: {  	_ =	shalt  }
0x81: {  	_ =	shalt  }
0x82: {  	_ =	shalt  }
0x83: {  	_ =	shalt  }
0x84: {  	_ =	shalt  }
0x85: {  	_ =	shalt  }
0x86: {  	_ =	shalt  }
0x87: {  	_ =	shalt  }
.Lfunc_end0:
.L_simem_size_0:
called_computation.3_lowered:
.L_overlay_start_0:
0x88: {  	s2 =	sld [smem:$0x3FD9]  }
0x89: {  	s3 =	sld [smem:$0x3FFE];
	_ =	sdelay $0x1  }
0x8a: {  	s1 =	srdreg.scid  }
0x8b: {  	s0 =	sand.u32 $0x1, s1  }
0x8c: {  	s16 =	sshll.u32 s0, $0xA;
	s2 =	sadd.s32 s3, s2  }
0x8d: {  	s2 =	sadd.s32 s2, s16  }
0x8e: {  	[smem:$0x3F99] =	sst s2  }
0x8f: {  	_ = 	snop  }
0x90: {  	(tm) =	ssettm $0x1  }
0x91: {  	s17 =	sld [smem:$0x3FFB];
	_ =	sdelay $0x3  }
0x92: {  	_ =	strace s17  }
0x93: {  	s2 =	sld [smem:$0x3FFC];
	_ =	sdelay $0x3  }
0x94: {  	_ =	strace s2  }
0x95: {  	s2 =	sld [smem:$0x3FFD];
	_ =	sdelay $0x3  }
0x96: {  	_ =	strace s2  }
0x97: {  	_ =	strace $0x8FFFFFFF  }
0x98: {  	s18 =	sld [smem:$0x3FDB];
	_ =	sdelay $0x1  }
0x99: {  	s19 =	simm.s32 $_scs_section_size  }
0x9a: {  	s4 =	simm.s32 $_size__tile_overlayer_lowered;
	s5 =	simm.s32 $_tile_overlayer_lowered  }
0x9b: {  	s22 =	simm.s32 $0x1BFF;
	s21 =	sshll.u32 s5, $0x1;
	s2 =	sadd.s32 s19, s18  }
0x9c: {  	s6 =	simm.s32 $0x0;
	s20 =	sshll.u32 s4, $0x1;
	s4 =	sadd.s32 s21, s2  }
0x9d: {  	[timem:s6], [sflag:s22] =	dma.local [hbm:s4], s20  }
0x9e: {  	_ =	swait.ge [sflag:s22], s20  }
0x9f: {  	s3 =	ssub.s32 $0x0, s20;
	[sflag:s22] =	ssyncset.done $0x0  }
0xa0: {  	[sflag:s22] =	ssyncadd.s32 s3;
	_ =	sdelay $0x1  }
0xa1: {  	s23 =	simm.s32 $0x1B8B  }
0xa2: {  	_ =	swait.ge [sflag:s23], $0x1  }
0xa3: {  	[sflag:s23] =	ssyncset.done $0x0  }
0xa4: {  	s25 =	simm.s32 $0x1B8E;
	s24 =	sld [smem:$0x3FFE];
	[sflag:s23] =	ssyncadd.s32 $0xFFFFFFFF  }
0xa5: {  	s26 =	simm.s32 $execute0_lowered;
	[smem:$0x3FD2] =	sst s25  }
0xa6: {  	s4 =	sshll.u32 s26, $0x1;
	_ =	strace $0x8000004F;
	[dreg:$0x1] =	wrdreg $0xFFFFFFFF  }
0xa7: {  	s28 =	simm.s32 $_size_execute0_lowered;
	s2 =	sadd.s32 s2, s4;
	[dreg:$0x0] =	wrdreg $0x0  }
0xa8: {  	s4 =	sshll.u32 s28, $0x1;
	[dreg:$0x2] =	wrdreg s2  }
0xa9: {  	[dreg:$0x3] =	wrdreg s4  }
0xaa: {  	[dreg:$0x4] =	wrdreg $0xC0  }
0xab: {  	_ =	task [dreg:s6], $0x5FFFF  }
0xac: {  	[dreg:$0x1] =	wrdreg $0xFFFFFFFF  }
0xad: {  	[dreg:$0x0] =	wrdreg $0x60  }
0xae: {  	[dreg:$0x2] =	wrdreg s24  }
0xaf: {  	[dreg:$0x3] =	wrdreg $0x40800  }
0xb0: {  	[dreg:$0x4] =	wrdreg $0x9  }
0xb1: {  	_ =	task.clear_ibuf [dreg:s6], $0x5FFFF;
	_ =	strace $0x9000004F  }
0xb2: {  	s29 =	simm.s32 $0x9;
	_ =	strace $0x80000051  }
0xb3: {  	_ =	swait.ge [sflag:s29], $0x1  }
0xb4: {  	[sflag:s29] =	ssyncadd.s32 $0xFFFFFFFF  }
0xb5: {  	_ =	strace $0x90000051  }
0xb6: {  	_ =	sfence  }
0xb7: {  	s30 =	sld [smem:$0x0];
	_ =	sdelay $0x2  }
0xb8: {  	s31 =	sshll.u32 s1, $0xD;
	s1 =	sshrl.u32 s1, $0x2  }
0xb9: {  	s3 =	sand.u32 $0x4000, s31;
	s1 =	sadd.s32 s1, s30  }
0xba: {  	s0 =	sor.u32 s3, s0;
	s1 =	sshll.u32 s1, $0x11  }
0xbb: {  	s0 =	sor.u32 s1, s0  }
0xbc: {  	s0 =	sadd.s32 $0x8F2B, s0  }
0xbd: {  	[sflag:s0] =	ssyncadd.remote.s32 $0x1  }
0xbe: {  	_ =	sfence.sel $0xFFFF  }
0xbf: {  	[dreg:$0x0] =	wrdreg $0xFFFFFFFF;
	(pc) =	sbr.abs _section_cstart, $3  }
0xc0: {  	[dreg:$0x1] =	wrdreg $0xFFFFFFFF  }
0xc1: {  	_ =	task.clear_ibuf [dreg:s6], $0x2FFFF;
	_ =	strace $0x9FFFFFFF  }
0xc2: {  	(tm) =	ssettm $0x7FFFFFFF  }
0xc3: {  	_ =	shalt  }
tec
execute0_lowered:
.L_overlay_start_1:
0x0: {  	(tag) =	ssettag $0x1  }
0x1: {  	s4 =	rddreg [dreg:$0x0]  }
0x2: {  	s2 =	rddreg [dreg:$0x1]  }
0x3: {  	s0 =	rddreg [dreg:$0x2]  }
0x4: {  	s3 =	simm.s32 $0x0;
	s1 =	stileid.u32;
	s6 =	srdreg.scid  }
0x5: {  	[smem:$0x7FF] =	sst s3;
	s5 =	sshll.u32 s1, $0xC;
	s21 =	sshll.u32 s1, $0x5  }
0x6: {  	s14 =	sand.u32 $0x1, s6;
	s23 =	smul.u32 $0x50000, s1;
	s17 =	sadd.s32 $0x8C400, s4  }
0x7: {  	s8 =	smul.u32 $0x280, s1;
	_ =	strace $0x80000050;
	s15 =	sadd.s32 s5, s4  }
0x8: {  	s16 =	sadd.s32 s21, s4;
	s22 =	ssub.s32 $0x2, s14;
	s4 =	sshll.u32 s1, $0x1  }
0x9: {  	s19 =	smul.u32 $0x2800, s14;
	s29 =	sshll.u32 s14, $0xB;
	s21 =	sshll.u32 s14, $0x4  }
0xa: {  	s24 =	sshrl.u32 s22, $0x1;
	s25 =	sshrl.u32 s23, $0x2;
	s11 =	sadd.s32 $0x80, s8  }
0xb: {  	s12 =	sadd.s32 $0x100, s8;
	s13 =	sadd.s32 $0x180, s8;
	s20 =	sadd.s32 $0x200, s8  }
0xc: {  	s30 =	sadd.s32 s29, s15;
	s31 =	sadd.s32 s21, s16;
	s18 =	ssub.s32 s22, s24  }
0xd: {  	s5 =	sadd.s32 s25, s2;
	s26 =	sshll.u32 s11, $0x7;
	s7 =	sshll.u32 s12, $0x7  }
0xe: {  	s9 =	sshll.u32 s13, $0x7;
	s10 =	sadd.s32 s8, s19;
	s28 =	sshll.u32 s20, $0x7  }
0xf: {  	s11 =	sadd.s32 s19, s11;
	s12 =	sadd.s32 s19, s12;
	s13 =	sadd.s32 s19, s13  }
0x10: {  	s19 =	sadd.s32 s19, s20;
	s16 =	sadd.s32 $0x56E400, s30;
	s20 =	simm.s32 $0x0  }
0x11: {  	s6 =	sadd.s32 s26, s2;
	s7 =	sadd.s32 s7, s2;
	s8 =	sadd.s32 s9, s2  }
0x12: {  	s10 =	sshll.u32 s10, $0x4;
	s9 =	sadd.s32 s28, s2;
	s11 =	sshll.u32 s11, $0x4  }
0x13: {  	s12 =	sshll.u32 s12, $0x4;
	s13 =	sshll.u32 s13, $0x4;
	s19 =	sshll.u32 s19, $0x4  }
0x14: {  	s15 =	smax.u32 s18, $0x1;
	s18 =	simm.s32 $0x80;
	s10 =	sadd.s32 s17, s10  }
0x15: {  	s11 =	sadd.s32 s17, s11;
	s12 =	sadd.s32 s17, s12;
	s13 =	sadd.s32 s17, s13  }
0x16: {  	v0 =	vimm.f32 $0.0e+00;
	s14 =	sadd.s32 s17, s19;
	s17 =	sadd.s32 $0x11E00, s31;
	s19 =	simm.s32 $0x1  }
.LBB2_1:
0x17: {  	s21 =	simm.s32 $0x0;
	s22 =	simm.s32 $0x200  }
.LBB2_2:
0x18: {  	p0 =	sne.s32 s22, $0xFE00;
	[tilespmem:s21+$0xF0] =	vst v0  }
0x19: {  	[tilespmem:s21+$0x80] =	vst v0  }
0x1a: {  	[tilespmem:s21+$0x90] =	vst v0  }
.Ltmp0:
0x1b: {  	[tilespmem:s21+$0xA0] =	vst v0;
	(pc) =	sbr.rel @p0 .LBB2_2-.Ltmp0, $4  }
0x1c: {  	[tilespmem:s21+$0xB0] =	vst v0  }
0x1d: {  	[tilespmem:s21+$0xC0] =	vst v0  }
0x1e: {  	[tilespmem:s21+$0xD0] =	vst v0  }
0x1f: {  	[tilespmem:s21+$0xE0] =	vst v0;
	s21 =	sshra.s32 s22, $0x2;
	s22 =	sadd.s32 $0x200, s22  }
0x20: {  	[tilespmem:s21+$0xF0] =	vst v0  }
0x21: {  	[tilespmem:s21+$0x80] =	vst v0  }
0x22: {  	[tilespmem:s21+$0x90] =	vst v0  }
0x23: {  	[tilespmem:s21+$0xA0] =	vst v0  }
0x24: {  	[tilespmem:s21+$0xB0] =	vst v0  }
0x25: {  	[tilespmem:s21+$0xC0] =	vst v0  }
0x26: {  	[tilespmem:s21+$0xD0] =	vst v0  }
0x27: {  	[tilespmem:s21+$0xE0] =	vst v0  }
0x28: {  	[spmem:s5] =	stream.linear.scatter [tilespmem:s18], [sflag:$0x1], $0x4000, $0x38;
	[tilespmem:$0x18080] =	vst v63  }
0x29: {  	_ =	swait.ge [sflag:s19], $0x4000  }
0x2a: {  	[sflag:s19] =	ssyncset.done $0x0  }
0x2b: {  	[sflag:s19] =	ssyncadd.s32 $0xFFFFC000  }
0x2c: {  	[spmem:s6] =	stream.linear.scatter [tilespmem:s18], [sflag:$0x1], $0x4000, $0x38;
	[tilespmem:$0x18080] =	vst v63  }
0x2d: {  	_ =	swait.ge [sflag:s19], $0x4000  }
0x2e: {  	[sflag:s19] =	ssyncset.done $0x0  }
0x2f: {  	[sflag:s19] =	ssyncadd.s32 $0xFFFFC000  }
0x30: {  	[spmem:s7] =	stream.linear.scatter [tilespmem:s18], [sflag:$0x1], $0x4000, $0x38;
	[tilespmem:$0x18080] =	vst v63  }
0x31: {  	_ =	swait.ge [sflag:s19], $0x4000  }
0x32: {  	[sflag:s19] =	ssyncset.done $0x0  }
0x33: {  	[sflag:s19] =	ssyncadd.s32 $0xFFFFC000  }
0x34: {  	[spmem:s8] =	stream.linear.scatter [tilespmem:s18], [sflag:$0x1], $0x4000, $0x38;
	[tilespmem:$0x18080] =	vst v63  }
0x35: {  	_ =	swait.ge [sflag:s19], $0x4000  }
0x36: {  	[sflag:s19] =	ssyncset.done $0x0  }
0x37: {  	[sflag:s19] =	ssyncadd.s32 $0xFFFFC000  }
0x38: {  	[spmem:s9] =	stream.linear.scatter [tilespmem:s18], [sflag:$0x1], $0x4000, $0x38;
	[tilespmem:$0x18080] =	vst v63  }
0x39: {  	_ =	swait.ge [sflag:s19], $0x4000  }
0x3a: {  	s30 =	sadd.s32 $0x0, s4;
	[sflag:s19] =	ssyncset.done $0x0  }
0x3b: {  	p0 =	sgt.u32 s30, $0x4E1;
	[sflag:s19] =	ssyncadd.s32 $0xFFFFC000  }
0x3c: {  	s21 =	simm.s32 @!p0 $0x0;
	s23 =	simm.s32 @!p0 $0x2;
	[bflag:$0x0] =	sbarrier.arrive $0xFFFF  }
0x3d: {  	[tilespmem:s21], [sflag:$0x2] =	stream.linear.gather @!p0 [hbm4b:s17+s21], $0x80, $0x38;
	[tilespmem:$0x18080] =	vst v63  }
0x3e: {  	_ =	swait.ge @!p0 [sflag:s23], $0x80  }
0x3f: {  	[sflag:s23] =	ssyncset.done @!p0 $0x0;
	p0 =	por p0, p0  }
0x40: {  	[sflag:s23] =	ssyncadd.s32 @!p0 $0xFFFFFF80;
	s25 =	simm.s32 @!p0 $0x80  }
0x41: {  	[tilespmem:s25], [sflag:$0x2] =	stream.linear.gather @!p0 [hbm4b:s16+s21], $0x4000, $0x38;
	[tilespmem:$0x18080] =	vst v63  }
0x42: {  	_ =	swait.ge @!p0 [sflag:s23], $0x4000  }
0x43: {  	[sflag:s23] =	ssyncset.done @!p0 $0x0  }
0x44: {  	s31 =	sadd.s32 $0x20, s4;
	s24 =	simm.s32 @!p0 $0x1;
	[sflag:s23] =	ssyncadd.s32 @!p0 $0xFFFFC000  }
0x45: {  	[spmem:s2] =	stream.indirect.scatter.add.f32 @!p0 [tilespmem:s25], [sflag:$0x1], $0x80, s21, s25, $0xb8;
	[tilespmem:$0x18080] =	vst v63  }
0x46: {  	s22 =	simm.s32 $0x40;
	p1 =	sgt.u32 s31, $0x4E1;
	_ =	swait.ge @!p0 [sflag:s24], $0x4000  }
0x47: {  	s23 =	sadd.s32 $0x200, s17;
	s21 =	sadd.s32 $0x10000, s16;
	[sflag:s24] =	ssyncset.done @!p0 $0x0  }
.LBB2_4:
0x48: {  	s25 =	simm.s32 @!p1 $0x0;
	s26 =	simm.s32 @!p1 $0x2;
	[sflag:s24] =	ssyncadd.s32 @!p0 $0xFFFFC000  }
0x49: {  	[tilespmem:s25], [sflag:$0x2] =	stream.linear.gather @!p1 [hbm4b:s23+s25], $0x80, $0x38;
	[tilespmem:$0x18080] =	vst v63  }
0x4a: {  	s28 =	smov.u32 s22;
	s22 =	sadd.s32 $0x20, s22;
	_ =	swait.ge @!p1 [sflag:s26], $0x80  }
0x4b: {  	p0 =	por p1, p1;
	p2 =	sne.s32 s22, $0x500;
	[sflag:s26] =	ssyncset.done @!p1 $0x0  }
0x4c: {  	s29 =	simm.s32 @!p0 $0x80;
	[sflag:s26] =	ssyncadd.s32 @!p0 $0xFFFFFF80  }
0x4d: {  	[tilespmem:s29], [sflag:$0x2] =	stream.linear.gather @!p0 [hbm4b:s21+s25], $0x4000, $0x38;
	[tilespmem:$0x18080] =	vst v63  }
0x4e: {  	_ =	swait.ge @!p0 [sflag:s26], $0x4000  }
.Ltmp1:
0x4f: {  	[sflag:s26] =	ssyncset.done @!p0 $0x0;
	(pc) =	sbr.rel @p2 .LBB2_4-.Ltmp1, $4  }
0x50: {  	s24 =	simm.s32 @!p0 $0x1;
	[sflag:s26] =	ssyncadd.s32 @!p0 $0xFFFFC000  }
0x51: {  	[spmem:s2] =	stream.indirect.scatter.add.f32 @!p0 [tilespmem:s29], [sflag:$0x1], $0x80, s25, s29, $0xb8;
	[tilespmem:$0x18080] =	vst v63  }
0x52: {  	s23 =	sadd.s32 $0x200, s23;
	s25 =	sadd.s32 s28, s4;
	_ =	swait.ge @!p0 [sflag:s24], $0x4000  }
0x53: {  	s21 =	sadd.s32 $0x10000, s21;
	p1 =	sgt.u32 s25, $0x4E1;
	[sflag:s24] =	ssyncset.done @!p0 $0x0  }
0x54: {  	s22 =	simm.s32 @!p1 $0x0;
	s25 =	simm.s32 @!p1 $0x2;
	[sflag:s24] =	ssyncadd.s32 @!p0 $0xFFFFC000  }
0x55: {  	[tilespmem:s22], [sflag:$0x2] =	stream.linear.gather @!p1 [hbm4b:s23+s22], $0x80, $0x38;
	[tilespmem:$0x18080] =	vst v63  }
0x56: {  	_ =	swait.ge @!p1 [sflag:s25], $0x80  }
0x57: {  	p0 =	por p1, p1;
	[sflag:s25] =	ssyncset.done @!p1 $0x0  }
0x58: {  	s23 =	simm.s32 @!p0 $0x80;
	[sflag:s25] =	ssyncadd.s32 @!p0 $0xFFFFFF80  }
0x59: {  	[tilespmem:s23], [sflag:$0x2] =	stream.linear.gather @!p0 [hbm4b:s21+s22], $0x4000, $0x38;
	[tilespmem:$0x18080] =	vst v63  }
0x5a: {  	_ =	swait.ge @!p0 [sflag:s25], $0x4000  }
0x5b: {  	[sflag:s25] =	ssyncset.done @!p0 $0x0  }
0x5c: {  	s21 =	simm.s32 @!p0 $0x1;
	[sflag:s25] =	ssyncadd.s32 @!p0 $0xFFFFC000  }
0x5d: {  	[spmem:s2] =	stream.indirect.scatter.add.f32 @!p0 [tilespmem:s23], [sflag:$0x1], $0x80, s22, s23, $0xb8;
	[tilespmem:$0x18080] =	vst v63  }
0x5e: {  	_ =	swait.ge @!p0 [sflag:s21], $0x4000  }
0x5f: {  	[sflag:s21] =	ssyncset.done @!p0 $0x0  }
0x60: {  	[sflag:s21] =	ssyncadd.s32 @!p0 $0xFFFFC000  }
0x61: {  	[bflag:$0x0] =	sbarrier.arrive $0xFFFF  }
0x62: {  	[tilespmem:s18], [sflag:$0x1] =	stream.linear.gather [spmem:s5], $0x4000, $0x38;
	[tilespmem:$0x18080] =	vst v63  }
0x63: {  	_ =	swait.ge [sflag:s19], $0x4000  }
0x64: {  	[sflag:s19] =	ssyncset.done $0x0  }
0x65: {  	[sflag:s19] =	ssyncadd.s32 $0xFFFFC000  }
0x66: {  	[hbm4b:s10+s3] =	stream.linear.scatter [tilespmem:s18], [sflag:$0x1], $0x4000, $0x38;
	[tilespmem:$0x18080] =	vst v63  }
0x67: {  	_ =	swait.ge [sflag:s19], $0x4000  }
0x68: {  	[sflag:s19] =	ssyncset.done $0x0  }
0x69: {  	[sflag:s19] =	ssyncadd.s32 $0xFFFFC000  }
0x6a: {  	[tilespmem:s18], [sflag:$0x1] =	stream.linear.gather [spmem:s6], $0x4000, $0x38;
	[tilespmem:$0x18080] =	vst v63  }
0x6b: {  	_ =	swait.ge [sflag:s19], $0x4000  }
0x6c: {  	[sflag:s19] =	ssyncset.done $0x0  }
0x6d: {  	[sflag:s19] =	ssyncadd.s32 $0xFFFFC000  }
0x6e: {  	[hbm4b:s11+s3] =	stream.linear.scatter [tilespmem:s18], [sflag:$0x1], $0x4000, $0x38;
	[tilespmem:$0x18080] =	vst v63  }
0x6f: {  	_ =	swait.ge [sflag:s19], $0x4000  }
0x70: {  	[sflag:s19] =	ssyncset.done $0x0  }
0x71: {  	[sflag:s19] =	ssyncadd.s32 $0xFFFFC000  }
0x72: {  	[tilespmem:s18], [sflag:$0x1] =	stream.linear.gather [spmem:s7], $0x4000, $0x38;
	[tilespmem:$0x18080] =	vst v63  }
0x73: {  	_ =	swait.ge [sflag:s19], $0x4000  }
0x74: {  	[sflag:s19] =	ssyncset.done $0x0  }
0x75: {  	[sflag:s19] =	ssyncadd.s32 $0xFFFFC000  }
0x76: {  	[hbm4b:s12+s3] =	stream.linear.scatter [tilespmem:s18], [sflag:$0x1], $0x4000, $0x38;
	[tilespmem:$0x18080] =	vst v63  }
0x77: {  	_ =	swait.ge [sflag:s19], $0x4000  }
0x78: {  	[sflag:s19] =	ssyncset.done $0x0  }
0x79: {  	[sflag:s19] =	ssyncadd.s32 $0xFFFFC000  }
0x7a: {  	[tilespmem:s18], [sflag:$0x1] =	stream.linear.gather [spmem:s8], $0x4000, $0x38;
	[tilespmem:$0x18080] =	vst v63  }
0x7b: {  	_ =	swait.ge [sflag:s19], $0x4000  }
0x7c: {  	[sflag:s19] =	ssyncset.done $0x0  }
0x7d: {  	[sflag:s19] =	ssyncadd.s32 $0xFFFFC000  }
0x7e: {  	[hbm4b:s13+s3] =	stream.linear.scatter [tilespmem:s18], [sflag:$0x1], $0x4000, $0x38;
	[tilespmem:$0x18080] =	vst v63  }
0x7f: {  	_ =	swait.ge [sflag:s19], $0x4000  }
0x80: {  	[sflag:s19] =	ssyncset.done $0x0  }
0x81: {  	[sflag:s19] =	ssyncadd.s32 $0xFFFFC000  }
0x82: {  	[tilespmem:s18], [sflag:$0x1] =	stream.linear.gather [spmem:s9], $0x4000, $0x38;
	[tilespmem:$0x18080] =	vst v63  }
0x83: {  	s20 =	sadd.s32 $0x1, s20;
	_ =	swait.ge [sflag:s19], $0x4000  }
0x84: {  	p0 =	sne.s32 s20, s15;
	[sflag:s19] =	ssyncset.done $0x0  }
.Ltmp2:
0x85: {  	[sflag:s19] =	ssyncadd.s32 $0xFFFFC000;
	(pc) =	sbr.rel @p0 .LBB2_1-.Ltmp2, $4  }
0x86: {  	[hbm4b:s14+s3] =	stream.linear.scatter [tilespmem:s18], [sflag:$0x1], $0x4000, $0x38;
	[tilespmem:$0x18080] =	vst v63  }
0x87: {  	_ =	swait.ge [sflag:s19], $0x4000  }
0x88: {  	[sflag:s19] =	ssyncset.done $0x0  }
0x89: {  	[sflag:s19] =	ssyncadd.s32 $0xFFFFC000  }
0x8a: {  	_ =	sfence.sel $0x180000  }
0x8b: {  	[bflag:$0x0] =	sbarrier.arrive $0xFFFF  }
0x8c: {  	p0 =	sne.s32 s1, $0x0;
	_ =	strace $0x90000050  }
0x8d: {  	s0 =	sadd.s32 @!p0 $0x100000, s0;
	[bflag:$0x2] =	sbarrier.arrive $0xFFFF  }
0x8e: {  	[sflag:s0] =	ssyncadd.tile.s32 @!p0 $0x1;
	_ =	shalt  }
.Lfunc_end2:
_tile_overlayer_lowered:
.L_overlay_start_2:
0x8f: {  	(tag) =	ssettag $0x2  }
0x90: {  	s0 =	rddreg [dreg:$0x0];
	s2 =	stileid.u32  }
0x91: {  	s1 =	rddreg [dreg:$0x1];
	p0 =	sne.s32 s2, $0x0  }
0x92: {  	s3 =	rddreg [dreg:$0x2];
	[bflag:$0x3] =	sbarrier.arrive $0xFFFF;
	s2 =	simm.s32 @!p0 $0x1C01  }
0x93: {  	[timem:s3], [sflag:s2] =	dma.local @!p0 [hbm:s0], s1  }
0x94: {  	s0 =	simm.s32 @!p0 $0x1  }
0x95: {  	_ =	swait.ge @!p0 [sflag:s0], s1  }
0x96: {  	s1 =	ssub.s32 @!p0 $0x0, s1;
	[sflag:s0] =	ssyncset.done @!p0 $0x0  }
0x97: {  	[sflag:s0] =	ssyncadd.s32 @!p0 s1  }
0x98: {  	[bflag:$0x3] =	sbarrier.arrive $0xFFFF  }
0x99: {  	_ =	shalt  }

// kernel: kernel.31.cloned.1.call-start
scs
__scs_entry_jumppad:
0x0: {  	(pc) =	sbr.rel $0x88, $3  }
0x1: {  	(tag) =	ssettag $0x0;
	lr =	simm.s32 $0x1  }
0x2: {  	[smem:$0x3F72] =	sst lr;
	_ =	strace $0xD0000000  }
0x3: {  	_ = 	snop  }
0x4: {  	_ = 	snop  }
0x5: {  	_ = 	snop  }
0x6: {  	_ = 	snop  }
0x7: {  	_ = 	snop  }
__scs_overlays_trampoline_lowered:
0x8: {  	[smem:$0x3F81] =	sst s0  }
0x9: {  	[smem:$0x3F82] =	sst s1  }
0xa: {  	[smem:$0x3F83] =	sst s2  }
0xb: {  	[smem:$0x3F84] =	sst s3  }
0xc: {  	[smem:$0x3F85] =	sst s4  }
0xd: {  	[smem:$0x3F86] =	sst s5  }
0xe: {  	[smem:$0x3F87] =	sst s6  }
0xf: {  	[smem:$0x3F88] =	sst s7  }
0x10: {  	[smem:$0x3F89] =	sst s8  }
0x11: {  	[smem:$0x3F8A] =	sst s9;
	s0 =	simm.s32 @!p0 $0x0  }
0x12: {  	s1 =	sld [smem:$0x3F70];
	s0 =	simm.s32 @p0 $0x1  }
0x13: {  	[smem:$0x3F8B] =	sst s0;
	s0 =	simm.s32 @!p1 $0x0  }
0x14: {  	s2 =	sld [smem:$0x3F6F];
	s0 =	simm.s32 @p1 $0x1  }
0x15: {  	[smem:$0x3F8C] =	sst s0;
	s0 =	simm.s32 @!p2 $0x0  }
0x16: {  	s3 =	sld [smem:$0x3FDB];
	s0 =	simm.s32 @p2 $0x1  }
0x17: {  	s4 =	simm.s32 $0x1BF5;
	[smem:$0x3F8E] =	sst s0  }
0x18: {  	s0 =	sld [smem:$0x3F71];
	_ =	swait.ge [sflag:s4], $0x0  }
0x19: {  	s7 =	sld [smem:$0x3F72]  }
0x1a: {  	s8 =	sadd.s32 $0xFFFFE003, lr  }
0x1b: {  	s9 =	sadd.s32 $0xFFFFFEF7, lr;
	s5 =	simm.s32 $0xFFFFFFFF;
	p2 =	slt.u32 s8, $0xFFFFF086  }
0x1c: {  	p1 =	slt.u32 s9, $0xF7A;
	s5 =	simm.s32 @!p2 $0x0  }
0x1d: {  	s5 =	simm.s32 @p1 $0x1;
	p0 =	seq.s32 s7, s2  }
0x1e: {  	s7 =	smul.u32 @!p0 $0xF7A, s2;
	p2 =	seq.s32 @!p0 s5, $0x0  }
0x1f: {  	s9 =	smul.u32 $0xF7A, s1;
	s8 =	simm.s32 @!p0 $0x1BF5;
	p2 =	por !p2, p0  }
0x20: {  	[sflag:s8] =	ssyncset.s32 @!p0 $0xFFFFF086;
	s6 =	sadd.s32 @!p0 s3, s7;
	s7 =	simm.s32 @!p0 $0x108  }
0x21: {  	s3 =	sadd.s32 s3, s9;
	s6 =	sadd.s32 @!p0 $0x88, s6;
	s7 =	simm.s32 @p2 $0x1082  }
0x22: {  	[simem:s7], [sflag:s8] =	dma.local @!p0 [hbm:s6], $0xF7A  }
0x23: {  	s9 =	sor.u32 $0xD0000000, s2;
	s6 =	simm.s32 $0x108;
	_ =	swait.ge @!p0 [sflag:s8], $0x0  }
0x24: {  	s3 =	sadd.s32 $0x88, s3;
	s6 =	simm.s32 @!p1 $0x1082;
	[sflag:s4] =	ssyncset.s32 $0xFFFFF086  }
0x25: {  	[simem:s6], [sflag:s4] =	dma.local [hbm:s3], $0xF7A  }
0x26: {  	[smem:$0x3F72] =	sst s1;
	(tag) =	ssettag s2;
	_ =	strace s9  }
0x27: {  	s1 =	sld [smem:$0x3F82]  }
0x28: {  	s2 =	sld [smem:$0x3F83]  }
0x29: {  	s4 =	sld [smem:$0x3F85]  }
0x2a: {  	p0 =	seq.s32 s5, $0x0;
	s5 =	sld [smem:$0x3F86]  }
0x2b: {  	s6 =	sld [smem:$0x3F87]  }
0x2c: {  	s7 =	sld [smem:$0x3F88]  }
0x2d: {  	s3 =	simm.s32 $0x108;
	s8 =	sld [smem:$0x3F89]  }
0x2e: {  	s3 =	simm.s32 @!p0 $0x1082;
	s9 =	sld [smem:$0x3F8A]  }
0x2f: {  	lr =	sadd.s32 s0, s3;
	s0 =	sld [smem:$0x3F81]  }
0x30: {  	s3 =	sld [smem:$0x3F84]  }
0x31: {  	[smem:$0x3F8D] =	sst s10  }
0x32: {  	s10 =	sld [smem:$0x3F8B];
	_ =	sdelay $0x3  }
0x33: {  	p0 =	seq.s32 s10, $0x1;
	s10 =	sld [smem:$0x3F8D];
	_ =	sdelay $0x3  }
0x34: {  	[smem:$0x3F8D] =	sst s10  }
0x35: {  	s10 =	sld [smem:$0x3F8C];
	_ =	sdelay $0x3  }
0x36: {  	p1 =	seq.s32 s10, $0x1;
	s10 =	sld [smem:$0x3F8D];
	_ =	sdelay $0x3  }
0x37: {  	[smem:$0x3F8D] =	sst s10  }
0x38: {  	s10 =	sld [smem:$0x3F8E]  }
0x39: {  	_ = 	snop;
	(pc) =	sbr.ind lr, $3  }
0x3a: {  	_ = 	snop  }
0x3b: {  	_ = 	snop  }
0x3c: {  	p2 =	seq.s32 s10, $0x1;
	s10 =	sld [smem:$0x3F8D]  }
0x3d: {  	_ =	shalt  }
0x3e: {  	_ =	shalt  }
0x3f: {  	_ =	shalt  }
0x40: {  	_ =	shalt  }
0x41: {  	_ =	shalt  }
0x42: {  	_ =	shalt  }
0x43: {  	_ =	shalt  }
0x44: {  	_ =	shalt  }
0x45: {  	_ =	shalt  }
0x46: {  	_ =	shalt  }
0x47: {  	_ =	shalt  }
0x48: {  	_ =	shalt  }
0x49: {  	_ =	shalt  }
0x4a: {  	_ =	shalt  }
0x4b: {  	_ =	shalt  }
0x4c: {  	_ =	shalt  }
0x4d: {  	_ =	shalt  }
0x4e: {  	_ =	shalt  }
0x4f: {  	_ =	shalt  }
0x50: {  	_ =	shalt  }
0x51: {  	_ =	shalt  }
0x52: {  	_ =	shalt  }
0x53: {  	_ =	shalt  }
0x54: {  	_ =	shalt  }
0x55: {  	_ =	shalt  }
0x56: {  	_ =	shalt  }
0x57: {  	_ =	shalt  }
0x58: {  	_ =	shalt  }
0x59: {  	_ =	shalt  }
0x5a: {  	_ =	shalt  }
0x5b: {  	_ =	shalt  }
0x5c: {  	_ =	shalt  }
0x5d: {  	_ =	shalt  }
0x5e: {  	_ =	shalt  }
0x5f: {  	_ =	shalt  }
0x60: {  	_ =	shalt  }
0x61: {  	_ =	shalt  }
0x62: {  	_ =	shalt  }
0x63: {  	_ =	shalt  }
0x64: {  	_ =	shalt  }
0x65: {  	_ =	shalt  }
0x66: {  	_ =	shalt  }
0x67: {  	_ =	shalt  }
0x68: {  	_ =	shalt  }
0x69: {  	_ =	shalt  }
0x6a: {  	_ =	shalt  }
0x6b: {  	_ =	shalt  }
0x6c: {  	_ =	shalt  }
0x6d: {  	_ =	shalt  }
0x6e: {  	_ =	shalt  }
0x6f: {  	_ =	shalt  }
0x70: {  	_ =	shalt  }
0x71: {  	_ =	shalt  }
0x72: {  	_ =	shalt  }
0x73: {  	_ =	shalt  }
0x74: {  	_ =	shalt  }
0x75: {  	_ =	shalt  }
0x76: {  	_ =	shalt  }
0x77: {  	_ =	shalt  }
0x78: {  	_ =	shalt  }
0x79: {  	_ =	shalt  }
0x7a: {  	_ =	shalt  }
0x7b: {  	_ =	shalt  }
0x7c: {  	_ =	shalt  }
0x7d: {  	_ =	shalt  }
0x7e: {  	_ =	shalt  }
0x7f: {  	_ =	shalt  }
0x80: {  	_ =	shalt  }
0x81: {  	_ =	shalt  }
0x82: {  	_ =	shalt  }
0x83: {  	_ =	shalt  }
0x84: {  	_ =	shalt  }
0x85: {  	_ =	shalt  }
0x86: {  	_ =	shalt  }
0x87: {  	_ =	shalt  }
.Lfunc_end0:
.L_simem_size_0:
called_computation.4_lowered:
.L_overlay_start_0:
0x88: {  	s2 =	sld [smem:$0x3FD9]  }
0x89: {  	s3 =	sld [smem:$0x3FFE];
	_ =	sdelay $0x1  }
0x8a: {  	s1 =	srdreg.scid  }
0x8b: {  	s0 =	sand.u32 $0x1, s1  }
0x8c: {  	s16 =	sshll.u32 s0, $0xA;
	s2 =	sadd.s32 s3, s2  }
0x8d: {  	s2 =	sadd.s32 s2, s16  }
0x8e: {  	[smem:$0x3F99] =	sst s2  }
0x8f: {  	_ = 	snop  }
0x90: {  	(tm) =	ssettm $0x1  }
0x91: {  	s17 =	sld [smem:$0x3FFB];
	_ =	sdelay $0x3  }
0x92: {  	_ =	strace s17  }
0x93: {  	s2 =	sld [smem:$0x3FFC];
	_ =	sdelay $0x3  }
0x94: {  	_ =	strace s2  }
0x95: {  	s2 =	sld [smem:$0x3FFD];
	_ =	sdelay $0x3  }
0x96: {  	_ =	strace s2  }
0x97: {  	_ =	strace $0x8FFFFFFF  }
0x98: {  	s18 =	sld [smem:$0x3FDB];
	_ =	sdelay $0x1  }
0x99: {  	s19 =	simm.s32 $_scs_section_size  }
0x9a: {  	s4 =	simm.s32 $_size__tile_overlayer_lowered;
	s5 =	simm.s32 $_tile_overlayer_lowered  }
0x9b: {  	s22 =	simm.s32 $0x1BFF;
	s21 =	sshll.u32 s5, $0x1;
	s2 =	sadd.s32 s19, s18  }
0x9c: {  	s6 =	simm.s32 $0x0;
	s20 =	sshll.u32 s4, $0x1;
	s4 =	sadd.s32 s21, s2  }
0x9d: {  	[timem:s6], [sflag:s22] =	dma.local [hbm:s4], s20  }
0x9e: {  	_ =	swait.ge [sflag:s22], s20  }
0x9f: {  	s3 =	ssub.s32 $0x0, s20;
	[sflag:s22] =	ssyncset.done $0x0  }
0xa0: {  	[sflag:s22] =	ssyncadd.s32 s3;
	_ =	sdelay $0x1  }
0xa1: {  	s23 =	simm.s32 $0x1B8B  }
0xa2: {  	_ =	swait.ge [sflag:s23], $0x1  }
0xa3: {  	[sflag:s23] =	ssyncset.done $0x0  }
0xa4: {  	s25 =	simm.s32 $0x1B8E;
	s24 =	sld [smem:$0x3FFE];
	[sflag:s23] =	ssyncadd.s32 $0xFFFFFFFF  }
0xa5: {  	s26 =	simm.s32 $execute0_lowered;
	[smem:$0x3FD2] =	sst s25  }
0xa6: {  	s4 =	sshll.u32 s26, $0x1;
	_ =	strace $0x80000052;
	[dreg:$0x1] =	wrdreg $0xFFFFFFFF  }
0xa7: {  	s28 =	simm.s32 $_size_execute0_lowered;
	s2 =	sadd.s32 s2, s4;
	[dreg:$0x0] =	wrdreg $0x0  }
0xa8: {  	s4 =	sshll.u32 s28, $0x1;
	[dreg:$0x2] =	wrdreg s2  }
0xa9: {  	[dreg:$0x3] =	wrdreg s4  }
0xaa: {  	[dreg:$0x4] =	wrdreg $0xC0  }
0xab: {  	_ =	task [dreg:s6], $0x5FFFF  }
0xac: {  	[dreg:$0x1] =	wrdreg $0xFFFFFFFF  }
0xad: {  	[dreg:$0x0] =	wrdreg $0x60  }
0xae: {  	[dreg:$0x2] =	wrdreg s24  }
0xaf: {  	[dreg:$0x3] =	wrdreg $0x9  }
0xb0: {  	_ =	task.clear_ibuf [dreg:s6], $0x4FFFF;
	_ =	strace $0x90000052  }
0xb1: {  	s29 =	simm.s32 $0x9;
	_ =	strace $0x80000054  }
0xb2: {  	_ =	swait.ge [sflag:s29], $0x1  }
0xb3: {  	[sflag:s29] =	ssyncadd.s32 $0xFFFFFFFF  }
0xb4: {  	_ =	strace $0x90000054  }
0xb5: {  	_ =	sfence  }
0xb6: {  	s30 =	sld [smem:$0x0];
	_ =	sdelay $0x2  }
0xb7: {  	s31 =	sshll.u32 s1, $0xD;
	s1 =	sshrl.u32 s1, $0x2  }
0xb8: {  	s3 =	sand.u32 $0x4000, s31;
	s1 =	sadd.s32 s1, s30  }
0xb9: {  	s0 =	sor.u32 s3, s0;
	s1 =	sshll.u32 s1, $0x11  }
0xba: {  	s0 =	sor.u32 s1, s0  }
0xbb: {  	s0 =	sadd.s32 $0x8F2B, s0  }
0xbc: {  	[sflag:s0] =	ssyncadd.remote.s32 $0x1  }
0xbd: {  	_ =	sfence.sel $0xFFFF  }
0xbe: {  	[dreg:$0x0] =	wrdreg $0xFFFFFFFF;
	(pc) =	sbr.abs _section_cstart, $3  }
0xbf: {  	[dreg:$0x1] =	wrdreg $0xFFFFFFFF  }
0xc0: {  	_ =	task.clear_ibuf [dreg:s6], $0x2FFFF;
	_ =	strace $0x9FFFFFFF  }
0xc1: {  	(tm) =	ssettm $0x7FFFFFFF  }
tec
execute0_lowered:
.L_overlay_start_1:
0x0: {  	(tag) =	ssettag $0x1  }
0x1: {  	s8 =	rddreg [dreg:$0x0]  }
0x2: {  	s0 =	rddreg [dreg:$0x1];
	s1 =	simm.s32 $0x0  }
0x3: {  	s3 =	srdreg.scid;
	s4 =	stileid.u32;
	s11 =	simm.s32 $0x4  }
0x4: {  	s12 =	simm.s32 $0x80;
	s13 =	simm.s32 $0x100;
	s14 =	simm.s32 $0x4100  }
0x5: {  	s15 =	simm.s32 $0x1;
	s16 =	simm.s32 $0x2;
	s17 =	simm.s32 $0x3  }
.Ltmp0:
0x6: {  	s18 =	simm.s32 $0x0;
	s3 =	sand.u32 $0x1, s3;
	(pc) =	sbr.rel .LBB2_1-.Ltmp0, $4  }
0x7: {  	[smem:$0x7FF] =	sst s1;
	s2 =	sadd.s32 $0x16E00, s8;
	s9 =	ssub.s32 $0x2, s3  }
0x8: {  	s5 =	sadd.s32 $0x3E000, s8;
	s6 =	sadd.s32 $0x11E00, s8;
	s10 =	sshrl.u32 s9, $0x1  }
0x9: {  	s7 =	sadd.s32 $0xCE00, s8;
	s8 =	sadd.s32 $0x8C400, s8;
	s10 =	ssub.s32 s9, s10  }
0xa: {  	_ =	strace $0x80000053;
	s9 =	sshll.u32 s4, $0x1;
	s10 =	smax.u32 s10, $0x1  }
.LBB2_7:
0xb: {  	s18 =	sadd.s32 $0x1, s18  }
0xc: {  	p0 =	sne.s32 s18, s10  }
.Ltmp1:
0xd: {  	_ = 	snop;
	(pc) =	sbr.rel @!p0 .LBB2_8-.Ltmp1, $1  }
0xe: {  	_ =	sdelay $0x3  }
.LBB2_1:
.Ltmp2:
0xf: {  	(pc) =	sbr.rel .LBB2_2-.Ltmp2, $2  }
0x10: {  	_ =	sdelay $0x2  }
0x11: {  	s19 =	simm.s32 $0x0  }
.LBB2_6:
0x12: {  	s19 =	sadd.s32 $0x1, s19  }
0x13: {  	p0 =	sne.s32 s19, $0x28  }
.Ltmp3:
0x14: {  	_ = 	snop;
	(pc) =	sbr.rel @!p0 .LBB2_7-.Ltmp3, $1  }
0x15: {  	_ =	sdelay $0x3  }
.LBB2_2:
0x16: {  	s20 =	sshll.u32 s19, $0x5  }
0x17: {  	s20 =	sor.u32 s9, s20  }
0x18: {  	p0 =	sgt.u32 s20, $0x4E1  }
.Ltmp4:
0x19: {  	_ = 	snop;
	(pc) =	sbr.rel @p0 .LBB2_6-.Ltmp4, $1  }
0x1a: {  	_ =	sdelay $0x3  }
0x1b: {  	s20 =	sor.u32 s3, s20  }
0x1c: {  	s21 =	sshll.u32 s20, $0x4  }
0x1d: {  	s23 =	simm.s32 $0x0;
	s22 =	sadd.s32 s6, s21  }
0x1e: {  	[tilespmem:s23], [sflag:$0x4] =	stream.linear.gather [hbm4b:s22+s23], $0x80, $0x38;
	[tilespmem:$0x8100] =	vst v63  }
0x1f: {  	_ =	swait.ge [sflag:s11], $0x80  }
0x20: {  	[sflag:s11] =	ssyncset.done $0x0  }
0x21: {  	s21 =	sadd.s32 s7, s21;
	[sflag:s11] =	ssyncadd.s32 $0xFFFFFF80  }
0x22: {  	[tilespmem:s12], [sflag:$0x4] =	stream.linear.gather [hbm4b:s21+s23], $0x80, $0x38;
	[tilespmem:$0x8100] =	vst v63  }
0x23: {  	_ =	swait.ge [sflag:s11], $0x80  }
0x24: {  	[sflag:s11] =	ssyncset.done $0x0  }
0x25: {  	[sflag:s11] =	ssyncadd.s32 $0xFFFFFF80  }
0x26: {  	[tilespmem:s13], [sflag:$0x1] =	stream.indirect.gather [hbm4b:s2+s12], $0x80, s23, s12, $0xb8;
	[tilespmem:$0x8100] =	vst v63  }
0x27: {  	_ = 	snop  }
0x28: {  	[tilespmem:s14], [sflag:$0x2] =	stream.indirect.gather [hbm4b:s5+s12], $0x80, s12, s12, $0xb8;
	[tilespmem:$0x8100] =	vst v63  }
0x29: {  	_ =	swait.ge [sflag:s15], $0x4000  }
0x2a: {  	[sflag:s15] =	ssyncset.done $0x0  }
0x2b: {  	[sflag:s15] =	ssyncadd.s32 $0xFFFFC000  }
0x2c: {  	_ =	swait.ge [sflag:s16], $0x4000  }
0x2d: {  	[sflag:s16] =	ssyncset.done $0x0  }
0x2e: {  	s21 =	simm.s32 $0x0;
	[sflag:s16] =	ssyncadd.s32 $0xFFFFC000  }
0x2f: {  	v7 =	vld [tilespmem:s21+$0x4100]  }
0x30: {  	v11 =	vld [tilespmem:s21+$0x4110]  }
0x31: {  	v5 =	vld [tilespmem:s21+$0x4120]  }
0x32: {  	v4 =	vld [tilespmem:s21+$0x4130]  }
0x33: {  	v3 =	vld [tilespmem:s21+$0x4140]  }
0x34: {  	v2 =	vld [tilespmem:s21+$0x4150]  }
0x35: {  	v1 =	vld [tilespmem:s21+$0x4160]  }
0x36: {  	v0 =	vld [tilespmem:s21+$0x4170]  }
0x37: {  	v12 =	vld [tilespmem:s21+$0x100]  }
0x38: {  	v13 =	vld [tilespmem:s21+$0x110]  }
0x39: {  	v10 =	vld [tilespmem:s21+$0x120]  }
0x3a: {  	v9 =	vld [tilespmem:s21+$0x130]  }
0x3b: {  	v8 =	vld [tilespmem:s21+$0x140]  }
0x3c: {  	v6 =	vld [tilespmem:s21+$0x150];
	v12 =	vadd.f32 v7, v12  }
0x3d: {  	s22 =	simm.s32 $0x200;
	v11 =	vadd.f32 v11, v13;
	v7 =	vld [tilespmem:s21+$0x160]  }
.LBB2_4:
0x3e: {  	s23 =	sshra.s32 s22, $0x2;
	p0 =	sne.s32 s22, $0xFE00;
	[tilespmem:s21+$0x100] =	vst v12;
	v5 =	vadd.f32 v5, v10;
	v10 =	vld [tilespmem:s21+$0x170]  }
0x3f: {  	v12 =	vld [tilespmem:s23+$0x4100];
	[tilespmem:s21+$0x110] =	vst v11;
	v4 =	vadd.f32 v4, v9  }
0x40: {  	v11 =	vld [tilespmem:s23+$0x4110];
	[tilespmem:s21+$0x120] =	vst v5;
	v3 =	vadd.f32 v3, v8  }
0x41: {  	v5 =	vld [tilespmem:s23+$0x4120];
	[tilespmem:s21+$0x130] =	vst v4;
	v2 =	vadd.f32 v2, v6  }
0x42: {  	v4 =	vld [tilespmem:s23+$0x4130];
	[tilespmem:s21+$0x140] =	vst v3;
	v1 =	vadd.f32 v1, v7  }
0x43: {  	v3 =	vld [tilespmem:s23+$0x4140];
	[tilespmem:s21+$0x150] =	vst v2;
	v0 =	vadd.f32 v0, v10  }
0x44: {  	v2 =	vld [tilespmem:s23+$0x4150];
	[tilespmem:s21+$0x160] =	vst v1  }
0x45: {  	v1 =	vld [tilespmem:s23+$0x4160];
	[tilespmem:s21+$0x170] =	vst v0;
	s21 =	smov.u32 s23  }
0x46: {  	v0 =	vld [tilespmem:s21+$0x4170]  }
0x47: {  	v6 =	vld [tilespmem:s21+$0x100]  }
0x48: {  	v7 =	vld [tilespmem:s21+$0x110]  }
.Ltmp5:
0x49: {  	v10 =	vld [tilespmem:s21+$0x120];
	(pc) =	sbr.rel @p0 .LBB2_4-.Ltmp5, $4  }
0x4a: {  	v9 =	vld [tilespmem:s21+$0x130]  }
0x4b: {  	v8 =	vld [tilespmem:s21+$0x140]  }
0x4c: {  	v12 =	vadd.f32 v12, v6;
	v6 =	vld [tilespmem:s21+$0x150]  }
0x4d: {  	s22 =	sadd.s32 $0x200, s22;
	v11 =	vadd.f32 v11, v7;
	v7 =	vld [tilespmem:s21+$0x160]  }
0x4e: {  	[tilespmem:s21+$0x100] =	vst v12;
	v5 =	vadd.f32 v5, v10;
	v63 =	vld [tilespmem:s21+$0x170]  }
0x4f: {  	[tilespmem:s21+$0x110] =	vst v11;
	v4 =	vadd.f32 v4, v9  }
0x50: {  	[tilespmem:s21+$0x120] =	vst v5;
	v3 =	vadd.f32 v3, v8  }
0x51: {  	[tilespmem:s21+$0x130] =	vst v4;
	v2 =	vadd.f32 v2, v6  }
0x52: {  	[tilespmem:s21+$0x140] =	vst v3;
	v1 =	vadd.f32 v1, v7  }
0x53: {  	[tilespmem:s21+$0x150] =	vst v2;
	v0 =	vadd.f32 v0, v63  }
0x54: {  	s20 =	sshll.u32 s20, $0xB;
	[tilespmem:s21+$0x160] =	vst v1  }
.Ltmp6:
0x55: {  	s20 =	sadd.s32 s8, s20;
	[tilespmem:s21+$0x170] =	vst v0;
	(pc) =	sbr.rel .LBB2_6-.Ltmp6, $4  }
0x56: {  	[hbm4b:s20+s1] =	stream.linear.scatter [tilespmem:s13], [sflag:$0x3], $0x4000, $0x38;
	[tilespmem:$0x8100] =	vst v63  }
0x57: {  	_ =	swait.ge [sflag:s17], $0x4000  }
0x58: {  	[sflag:s17] =	ssyncset.done $0x0  }
0x59: {  	[sflag:s17] =	ssyncadd.s32 $0xFFFFC000  }
.LBB2_8:
0x5a: {  	_ =	sfence.sel $0x180000  }
0x5b: {  	[bflag:$0x0] =	sbarrier.arrive $0xFFFF  }
0x5c: {  	p0 =	sne.s32 s4, $0x0;
	_ =	strace $0x90000053  }
0x5d: {  	s0 =	sadd.s32 @!p0 $0x100000, s0;
	[bflag:$0x2] =	sbarrier.arrive $0xFFFF  }
0x5e: {  	[sflag:s0] =	ssyncadd.tile.s32 @!p0 $0x1;
	_ =	shalt  }
.Lfunc_end2:
_tile_overlayer_lowered:
.L_overlay_start_2:
0x5f: {  	(tag) =	ssettag $0x2  }
0x60: {  	s0 =	rddreg [dreg:$0x0];
	s2 =	stileid.u32  }
0x61: {  	s1 =	rddreg [dreg:$0x1];
	p0 =	sne.s32 s2, $0x0  }
0x62: {  	s3 =	rddreg [dreg:$0x2];
	[bflag:$0x3] =	sbarrier.arrive $0xFFFF;
	s2 =	simm.s32 @!p0 $0x1C03  }
0x63: {  	[timem:s3], [sflag:s2] =	dma.local @!p0 [hbm:s0], s1  }
0x64: {  	s0 =	simm.s32 @!p0 $0x3  }
0x65: {  	_ =	swait.ge @!p0 [sflag:s0], s1  }
0x66: {  	s1 =	ssub.s32 @!p0 $0x0, s1;
	[sflag:s0] =	ssyncset.done @!p0 $0x0  }
0x67: {  	[sflag:s0] =	ssyncadd.s32 @!p0 s1  }
0x68: {  	[bflag:$0x3] =	sbarrier.arrive $0xFFFF  }
0x69: {  	_ =	shalt  }

// kernel: kernel.34.cloned.1.call-start
scs
__scs_entry_jumppad:
0x0: {  	(pc) =	sbr.rel $0x88, $3  }
0x1: {  	(tag) =	ssettag $0x0;
	lr =	simm.s32 $0x1  }
0x2: {  	[smem:$0x3F72] =	sst lr;
	_ =	strace $0xD0000000  }
0x3: {  	_ = 	snop  }
0x4: {  	_ = 	snop  }
0x5: {  	_ = 	snop  }
0x6: {  	_ = 	snop  }
0x7: {  	_ = 	snop  }
__scs_overlays_trampoline_lowered:
0x8: {  	[smem:$0x3F81] =	sst s0  }
0x9: {  	[smem:$0x3F82] =	sst s1  }
0xa: {  	[smem:$0x3F83] =	sst s2  }
0xb: {  	[smem:$0x3F84] =	sst s3  }
0xc: {  	[smem:$0x3F85] =	sst s4  }
0xd: {  	[smem:$0x3F86] =	sst s5  }
0xe: {  	[smem:$0x3F87] =	sst s6  }
0xf: {  	[smem:$0x3F88] =	sst s7  }
0x10: {  	[smem:$0x3F89] =	sst s8  }
0x11: {  	[smem:$0x3F8A] =	sst s9;
	s0 =	simm.s32 @!p0 $0x0  }
0x12: {  	s1 =	sld [smem:$0x3F70];
	s0 =	simm.s32 @p0 $0x1  }
0x13: {  	[smem:$0x3F8B] =	sst s0;
	s0 =	simm.s32 @!p1 $0x0  }
0x14: {  	s2 =	sld [smem:$0x3F6F];
	s0 =	simm.s32 @p1 $0x1  }
0x15: {  	[smem:$0x3F8C] =	sst s0;
	s0 =	simm.s32 @!p2 $0x0  }
0x16: {  	s3 =	sld [smem:$0x3FDB];
	s0 =	simm.s32 @p2 $0x1  }
0x17: {  	s4 =	simm.s32 $0x1BF5;
	[smem:$0x3F8E] =	sst s0  }
0x18: {  	s0 =	sld [smem:$0x3F71];
	_ =	swait.ge [sflag:s4], $0x0  }
0x19: {  	s7 =	sld [smem:$0x3F72]  }
0x1a: {  	s8 =	sadd.s32 $0xFFFFE003, lr  }
0x1b: {  	s9 =	sadd.s32 $0xFFFFFEF7, lr;
	s5 =	simm.s32 $0xFFFFFFFF;
	p2 =	slt.u32 s8, $0xFFFFF086  }
0x1c: {  	p1 =	slt.u32 s9, $0xF7A;
	s5 =	simm.s32 @!p2 $0x0  }
0x1d: {  	s5 =	simm.s32 @p1 $0x1;
	p0 =	seq.s32 s7, s2  }
0x1e: {  	s7 =	smul.u32 @!p0 $0xF7A, s2;
	p2 =	seq.s32 @!p0 s5, $0x0  }
0x1f: {  	s9 =	smul.u32 $0xF7A, s1;
	s8 =	simm.s32 @!p0 $0x1BF5;
	p2 =	por !p2, p0  }
0x20: {  	[sflag:s8] =	ssyncset.s32 @!p0 $0xFFFFF086;
	s6 =	sadd.s32 @!p0 s3, s7;
	s7 =	simm.s32 @!p0 $0x108  }
0x21: {  	s3 =	sadd.s32 s3, s9;
	s6 =	sadd.s32 @!p0 $0x88, s6;
	s7 =	simm.s32 @p2 $0x1082  }
0x22: {  	[simem:s7], [sflag:s8] =	dma.local @!p0 [hbm:s6], $0xF7A  }
0x23: {  	s9 =	sor.u32 $0xD0000000, s2;
	s6 =	simm.s32 $0x108;
	_ =	swait.ge @!p0 [sflag:s8], $0x0  }
0x24: {  	s3 =	sadd.s32 $0x88, s3;
	s6 =	simm.s32 @!p1 $0x1082;
	[sflag:s4] =	ssyncset.s32 $0xFFFFF086  }
0x25: {  	[simem:s6], [sflag:s4] =	dma.local [hbm:s3], $0xF7A  }
0x26: {  	[smem:$0x3F72] =	sst s1;
	(tag) =	ssettag s2;
	_ =	strace s9  }
0x27: {  	s1 =	sld [smem:$0x3F82]  }
0x28: {  	s2 =	sld [smem:$0x3F83]  }
0x29: {  	s4 =	sld [smem:$0x3F85]  }
0x2a: {  	p0 =	seq.s32 s5, $0x0;
	s5 =	sld [smem:$0x3F86]  }
0x2b: {  	s6 =	sld [smem:$0x3F87]  }
0x2c: {  	s7 =	sld [smem:$0x3F88]  }
0x2d: {  	s3 =	simm.s32 $0x108;
	s8 =	sld [smem:$0x3F89]  }
0x2e: {  	s3 =	simm.s32 @!p0 $0x1082;
	s9 =	sld [smem:$0x3F8A]  }
0x2f: {  	lr =	sadd.s32 s0, s3;
	s0 =	sld [smem:$0x3F81]  }
0x30: {  	s3 =	sld [smem:$0x3F84]  }
0x31: {  	[smem:$0x3F8D] =	sst s10  }
0x32: {  	s10 =	sld [smem:$0x3F8B];
	_ =	sdelay $0x3  }
0x33: {  	p0 =	seq.s32 s10, $0x1;
	s10 =	sld [smem:$0x3F8D];
	_ =	sdelay $0x3  }
0x34: {  	[smem:$0x3F8D] =	sst s10  }
0x35: {  	s10 =	sld [smem:$0x3F8C];
	_ =	sdelay $0x3  }
0x36: {  	p1 =	seq.s32 s10, $0x1;
	s10 =	sld [smem:$0x3F8D];
	_ =	sdelay $0x3  }
0x37: {  	[smem:$0x3F8D] =	sst s10  }
0x38: {  	s10 =	sld [smem:$0x3F8E]  }
0x39: {  	_ = 	snop;
	(pc) =	sbr.ind lr, $3  }
0x3a: {  	_ = 	snop  }
0x3b: {  	_ = 	snop  }
0x3c: {  	p2 =	seq.s32 s10, $0x1;
	s10 =	sld [smem:$0x3F8D]  }
0x3d: {  	_ =	shalt  }
0x3e: {  	_ =	shalt  }
0x3f: {  	_ =	shalt  }
0x40: {  	_ =	shalt  }
0x41: {  	_ =	shalt  }
0x42: {  	_ =	shalt  }
0x43: {  	_ =	shalt  }
0x44: {  	_ =	shalt  }
0x45: {  	_ =	shalt  }
0x46: {  	_ =	shalt  }
0x47: {  	_ =	shalt  }
0x48: {  	_ =	shalt  }
0x49: {  	_ =	shalt  }
0x4a: {  	_ =	shalt  }
0x4b: {  	_ =	shalt  }
0x4c: {  	_ =	shalt  }
0x4d: {  	_ =	shalt  }
0x4e: {  	_ =	shalt  }
0x4f: {  	_ =	shalt  }
0x50: {  	_ =	shalt  }
0x51: {  	_ =	shalt  }
0x52: {  	_ =	shalt  }
0x53: {  	_ =	shalt  }
0x54: {  	_ =	shalt  }
0x55: {  	_ =	shalt  }
0x56: {  	_ =	shalt  }
0x57: {  	_ =	shalt  }
0x58: {  	_ =	shalt  }
0x59: {  	_ =	shalt  }
0x5a: {  	_ =	shalt  }
0x5b: {  	_ =	shalt  }
0x5c: {  	_ =	shalt  }
0x5d: {  	_ =	shalt  }
0x5e: {  	_ =	shalt  }
0x5f: {  	_ =	shalt  }
0x60: {  	_ =	shalt  }
0x61: {  	_ =	shalt  }
0x62: {  	_ =	shalt  }
0x63: {  	_ =	shalt  }
0x64: {  	_ =	shalt  }
0x65: {  	_ =	shalt  }
0x66: {  	_ =	shalt  }
0x67: {  	_ =	shalt  }
0x68: {  	_ =	shalt  }
0x69: {  	_ =	shalt  }
0x6a: {  	_ =	shalt  }
0x6b: {  	_ =	shalt  }
0x6c: {  	_ =	shalt  }
0x6d: {  	_ =	shalt  }
0x6e: {  	_ =	shalt  }
0x6f: {  	_ =	shalt  }
0x70: {  	_ =	shalt  }
0x71: {  	_ =	shalt  }
0x72: {  	_ =	shalt  }
0x73: {  	_ =	shalt  }
0x74: {  	_ =	shalt  }
0x75: {  	_ =	shalt  }
0x76: {  	_ =	shalt  }
0x77: {  	_ =	shalt  }
0x78: {  	_ =	shalt  }
0x79: {  	_ =	shalt  }
0x7a: {  	_ =	shalt  }
0x7b: {  	_ =	shalt  }
0x7c: {  	_ =	shalt  }
0x7d: {  	_ =	shalt  }
0x7e: {  	_ =	shalt  }
0x7f: {  	_ =	shalt  }
0x80: {  	_ =	shalt  }
0x81: {  	_ =	shalt  }
0x82: {  	_ =	shalt  }
0x83: {  	_ =	shalt  }
0x84: {  	_ =	shalt  }
0x85: {  	_ =	shalt  }
0x86: {  	_ =	shalt  }
0x87: {  	_ =	shalt  }
.Lfunc_end0:
.L_simem_size_0:
called_computation.5_lowered:
.L_overlay_start_0:
0x88: {  	s2 =	sld [smem:$0x3FD9]  }
0x89: {  	s3 =	sld [smem:$0x3FFE];
	_ =	sdelay $0x1  }
0x8a: {  	s1 =	srdreg.scid  }
0x8b: {  	s0 =	sand.u32 $0x1, s1  }
0x8c: {  	s16 =	sshll.u32 s0, $0xA;
	s2 =	sadd.s32 s3, s2  }
0x8d: {  	s2 =	sadd.s32 s2, s16  }
0x8e: {  	[smem:$0x3F99] =	sst s2  }
0x8f: {  	_ = 	snop  }
0x90: {  	(tm) =	ssettm $0x1  }
0x91: {  	s17 =	sld [smem:$0x3FFB];
	_ =	sdelay $0x3  }
0x92: {  	_ =	strace s17  }
0x93: {  	s2 =	sld [smem:$0x3FFC];
	_ =	sdelay $0x3  }
0x94: {  	_ =	strace s2  }
0x95: {  	s2 =	sld [smem:$0x3FFD];
	_ =	sdelay $0x3  }
0x96: {  	_ =	strace s2  }
0x97: {  	_ =	strace $0x8FFFFFFF  }
0x98: {  	s18 =	sld [smem:$0x3FDB];
	_ =	sdelay $0x1  }
0x99: {  	s19 =	simm.s32 $_scs_section_size  }
0x9a: {  	s4 =	simm.s32 $_size__tile_overlayer_lowered;
	s5 =	simm.s32 $_tile_overlayer_lowered  }
0x9b: {  	s22 =	simm.s32 $0x1BFF;
	s21 =	sshll.u32 s5, $0x1;
	s2 =	sadd.s32 s19, s18  }
0x9c: {  	s6 =	simm.s32 $0x0;
	s20 =	sshll.u32 s4, $0x1;
	s4 =	sadd.s32 s21, s2  }
0x9d: {  	[timem:s6], [sflag:s22] =	dma.local [hbm:s4], s20  }
0x9e: {  	_ =	swait.ge [sflag:s22], s20  }
0x9f: {  	s3 =	ssub.s32 $0x0, s20;
	[sflag:s22] =	ssyncset.done $0x0  }
0xa0: {  	[sflag:s22] =	ssyncadd.s32 s3;
	_ =	sdelay $0x1  }
0xa1: {  	s23 =	simm.s32 $0x1B8B  }
0xa2: {  	_ =	swait.ge [sflag:s23], $0x1  }
0xa3: {  	[sflag:s23] =	ssyncset.done $0x0  }
0xa4: {  	s25 =	simm.s32 $0x1B8E;
	s24 =	sld [smem:$0x3FFE];
	[sflag:s23] =	ssyncadd.s32 $0xFFFFFFFF  }
0xa5: {  	s26 =	simm.s32 $execute0_lowered;
	[smem:$0x3FD2] =	sst s25  }
0xa6: {  	s4 =	sshll.u32 s26, $0x1;
	_ =	strace $0x80000055;
	[dreg:$0x1] =	wrdreg $0xFFFFFFFF  }
0xa7: {  	s28 =	simm.s32 $_size_execute0_lowered;
	s2 =	sadd.s32 s2, s4;
	[dreg:$0x0] =	wrdreg $0x0  }
0xa8: {  	s4 =	sshll.u32 s28, $0x1;
	[dreg:$0x2] =	wrdreg s2  }
0xa9: {  	[dreg:$0x3] =	wrdreg s4  }
0xaa: {  	[dreg:$0x4] =	wrdreg $0xC0  }
0xab: {  	_ =	task [dreg:s6], $0x5FFFF  }
0xac: {  	[dreg:$0x1] =	wrdreg $0xFFFFFFFF  }
0xad: {  	[dreg:$0x0] =	wrdreg $0x60  }
0xae: {  	[dreg:$0x2] =	wrdreg s24  }
0xaf: {  	[dreg:$0x3] =	wrdreg $0x40800  }
0xb0: {  	[dreg:$0x4] =	wrdreg $0x9  }
0xb1: {  	_ =	task.clear_ibuf [dreg:s6], $0x5FFFF;
	_ =	strace $0x90000055  }
0xb2: {  	s29 =	simm.s32 $0x9;
	_ =	strace $0x80000057  }
0xb3: {  	_ =	swait.ge [sflag:s29], $0x1  }
0xb4: {  	[sflag:s29] =	ssyncadd.s32 $0xFFFFFFFF  }
0xb5: {  	_ =	strace $0x90000057  }
0xb6: {  	_ =	sfence  }
0xb7: {  	s30 =	sld [smem:$0x0];
	_ =	sdelay $0x2  }
0xb8: {  	s31 =	sshll.u32 s1, $0xD;
	s1 =	sshrl.u32 s1, $0x2  }
0xb9: {  	s3 =	sand.u32 $0x4000, s31;
	s1 =	sadd.s32 s1, s30  }
0xba: {  	s0 =	sor.u32 s3, s0;
	s1 =	sshll.u32 s1, $0x11  }
0xbb: {  	s0 =	sor.u32 s1, s0  }
0xbc: {  	s0 =	sadd.s32 $0x8F2B, s0  }
0xbd: {  	[sflag:s0] =	ssyncadd.remote.s32 $0x1  }
0xbe: {  	_ =	sfence.sel $0xFFFF  }
0xbf: {  	[dreg:$0x0] =	wrdreg $0xFFFFFFFF;
	(pc) =	sbr.abs _section_cstart, $3  }
0xc0: {  	[dreg:$0x1] =	wrdreg $0xFFFFFFFF  }
0xc1: {  	_ =	task.clear_ibuf [dreg:s6], $0x2FFFF;
	_ =	strace $0x9FFFFFFF  }
0xc2: {  	(tm) =	ssettm $0x7FFFFFFF  }
0xc3: {  	_ =	shalt  }
tec
execute0_lowered:
.L_overlay_start_1:
0x0: {  	(tag) =	ssettag $0x1  }
0x1: {  	s4 =	rddreg [dreg:$0x0]  }
0x2: {  	s2 =	rddreg [dreg:$0x1]  }
0x3: {  	s0 =	rddreg [dreg:$0x2]  }
0x4: {  	s3 =	simm.s32 $0x0;
	s1 =	stileid.u32;
	s6 =	srdreg.scid  }
0x5: {  	[smem:$0x7FF] =	sst s3;
	s5 =	sshll.u32 s1, $0xC;
	s21 =	sshll.u32 s1, $0x5  }
0x6: {  	s14 =	sand.u32 $0x1, s6;
	s23 =	smul.u32 $0x50000, s1;
	s17 =	sadd.s32 $0x8C400, s4  }
0x7: {  	s8 =	smul.u32 $0x280, s1;
	_ =	strace $0x80000056;
	s15 =	sadd.s32 s5, s4  }
0x8: {  	s16 =	sadd.s32 s21, s4;
	s22 =	ssub.s32 $0x2, s14;
	s4 =	sshll.u32 s1, $0x1  }
0x9: {  	s19 =	smul.u32 $0x2800, s14;
	s29 =	sshll.u32 s14, $0xB;
	s21 =	sshll.u32 s14, $0x4  }
0xa: {  	s24 =	sshrl.u32 s22, $0x1;
	s25 =	sshrl.u32 s23, $0x2;
	s11 =	sadd.s32 $0x80, s8  }
0xb: {  	s12 =	sadd.s32 $0x100, s8;
	s13 =	sadd.s32 $0x180, s8;
	s20 =	sadd.s32 $0x200, s8  }
0xc: {  	s30 =	sadd.s32 s29, s15;
	s31 =	sadd.s32 s21, s16;
	s18 =	ssub.s32 s22, s24  }
0xd: {  	s5 =	sadd.s32 s25, s2;
	s26 =	sshll.u32 s11, $0x7;
	s7 =	sshll.u32 s12, $0x7  }
0xe: {  	s9 =	sshll.u32 s13, $0x7;
	s10 =	sadd.s32 s8, s19;
	s28 =	sshll.u32 s20, $0x7  }
0xf: {  	s11 =	sadd.s32 s19, s11;
	s12 =	sadd.s32 s19, s12;
	s13 =	sadd.s32 s19, s13  }
0x10: {  	s19 =	sadd.s32 s19, s20;
	s16 =	sadd.s32 $0x56E400, s30;
	s20 =	simm.s32 $0x0  }
0x11: {  	s6 =	sadd.s32 s26, s2;
	s7 =	sadd.s32 s7, s2;
	s8 =	sadd.s32 s9, s2  }
0x12: {  	s10 =	sshll.u32 s10, $0x4;
	s9 =	sadd.s32 s28, s2;
	s11 =	sshll.u32 s11, $0x4  }
0x13: {  	s12 =	sshll.u32 s12, $0x4;
	s13 =	sshll.u32 s13, $0x4;
	s19 =	sshll.u32 s19, $0x4  }
0x14: {  	s15 =	smax.u32 s18, $0x1;
	s18 =	simm.s32 $0x80;
	s10 =	sadd.s32 s17, s10  }
0x15: {  	s11 =	sadd.s32 s17, s11;
	s12 =	sadd.s32 s17, s12;
	s13 =	sadd.s32 s17, s13  }
0x16: {  	v0 =	vimm.f32 $0.0e+00;
	s14 =	sadd.s32 s17, s19;
	s17 =	sadd.s32 $0x11E00, s31;
	s19 =	simm.s32 $0x1  }
.LBB2_1:
0x17: {  	s21 =	simm.s32 $0x0;
	s22 =	simm.s32 $0x200  }
.LBB2_2:
0x18: {  	p0 =	sne.s32 s22, $0xFE00;
	[tilespmem:s21+$0xF0] =	vst v0  }
0x19: {  	[tilespmem:s21+$0x80] =	vst v0  }
0x1a: {  	[tilespmem:s21+$0x90] =	vst v0  }
.Ltmp0:
0x1b: {  	[tilespmem:s21+$0xA0] =	vst v0;
	(pc) =	sbr.rel @p0 .LBB2_2-.Ltmp0, $4  }
0x1c: {  	[tilespmem:s21+$0xB0] =	vst v0  }
0x1d: {  	[tilespmem:s21+$0xC0] =	vst v0  }
0x1e: {  	[tilespmem:s21+$0xD0] =	vst v0  }
0x1f: {  	[tilespmem:s21+$0xE0] =	vst v0;
	s21 =	sshra.s32 s22, $0x2;
	s22 =	sadd.s32 $0x200, s22  }
0x20: {  	[tilespmem:s21+$0xF0] =	vst v0  }
0x21: {  	[tilespmem:s21+$0x80] =	vst v0  }
0x22: {  	[tilespmem:s21+$0x90] =	vst v0  }
0x23: {  	[tilespmem:s21+$0xA0] =	vst v0  }
0x24: {  	[tilespmem:s21+$0xB0] =	vst v0  }
0x25: {  	[tilespmem:s21+$0xC0] =	vst v0  }
0x26: {  	[tilespmem:s21+$0xD0] =	vst v0  }
0x27: {  	[tilespmem:s21+$0xE0] =	vst v0  }
0x28: {  	[spmem:s5] =	stream.linear.scatter [tilespmem:s18], [sflag:$0x1], $0x4000, $0x38;
	[tilespmem:$0x18080] =	vst v63  }
0x29: {  	_ =	swait.ge [sflag:s19], $0x4000  }
0x2a: {  	[sflag:s19] =	ssyncset.done $0x0  }
0x2b: {  	[sflag:s19] =	ssyncadd.s32 $0xFFFFC000  }
0x2c: {  	[spmem:s6] =	stream.linear.scatter [tilespmem:s18], [sflag:$0x1], $0x4000, $0x38;
	[tilespmem:$0x18080] =	vst v63  }
0x2d: {  	_ =	swait.ge [sflag:s19], $0x4000  }
0x2e: {  	[sflag:s19] =	ssyncset.done $0x0  }
0x2f: {  	[sflag:s19] =	ssyncadd.s32 $0xFFFFC000  }
0x30: {  	[spmem:s7] =	stream.linear.scatter [tilespmem:s18], [sflag:$0x1], $0x4000, $0x38;
	[tilespmem:$0x18080] =	vst v63  }
0x31: {  	_ =	swait.ge [sflag:s19], $0x4000  }
0x32: {  	[sflag:s19] =	ssyncset.done $0x0  }
0x33: {  	[sflag:s19] =	ssyncadd.s32 $0xFFFFC000  }
0x34: {  	[spmem:s8] =	stream.linear.scatter [tilespmem:s18], [sflag:$0x1], $0x4000, $0x38;
	[tilespmem:$0x18080] =	vst v63  }
0x35: {  	_ =	swait.ge [sflag:s19], $0x4000  }
0x36: {  	[sflag:s19] =	ssyncset.done $0x0  }
0x37: {  	[sflag:s19] =	ssyncadd.s32 $0xFFFFC000  }
0x38: {  	[spmem:s9] =	stream.linear.scatter [tilespmem:s18], [sflag:$0x1], $0x4000, $0x38;
	[tilespmem:$0x18080] =	vst v63  }
0x39: {  	_ =	swait.ge [sflag:s19], $0x4000  }
0x3a: {  	s30 =	sadd.s32 $0x0, s4;
	[sflag:s19] =	ssyncset.done $0x0  }
0x3b: {  	p0 =	sgt.u32 s30, $0x4E1;
	[sflag:s19] =	ssyncadd.s32 $0xFFFFC000  }
0x3c: {  	s21 =	simm.s32 @!p0 $0x0;
	s23 =	simm.s32 @!p0 $0x2;
	[bflag:$0x0] =	sbarrier.arrive $0xFFFF  }
0x3d: {  	[tilespmem:s21], [sflag:$0x2] =	stream.linear.gather @!p0 [hbm4b:s17+s21], $0x80, $0x38;
	[tilespmem:$0x18080] =	vst v63  }
0x3e: {  	_ =	swait.ge @!p0 [sflag:s23], $0x80  }
0x3f: {  	[sflag:s23] =	ssyncset.done @!p0 $0x0;
	p0 =	por p0, p0  }
0x40: {  	[sflag:s23] =	ssyncadd.s32 @!p0 $0xFFFFFF80;
	s25 =	simm.s32 @!p0 $0x80  }
0x41: {  	[tilespmem:s25], [sflag:$0x2] =	stream.linear.gather @!p0 [hbm4b:s16+s21], $0x4000, $0x38;
	[tilespmem:$0x18080] =	vst v63  }
0x42: {  	_ =	swait.ge @!p0 [sflag:s23], $0x4000  }
0x43: {  	[sflag:s23] =	ssyncset.done @!p0 $0x0  }
0x44: {  	s31 =	sadd.s32 $0x20, s4;
	s24 =	simm.s32 @!p0 $0x1;
	[sflag:s23] =	ssyncadd.s32 @!p0 $0xFFFFC000  }
0x45: {  	[spmem:s2] =	stream.indirect.scatter.add.f32 @!p0 [tilespmem:s25], [sflag:$0x1], $0x80, s21, s25, $0xb8;
	[tilespmem:$0x18080] =	vst v63  }
0x46: {  	s22 =	simm.s32 $0x40;
	p1 =	sgt.u32 s31, $0x4E1;
	_ =	swait.ge @!p0 [sflag:s24], $0x4000  }
0x47: {  	s23 =	sadd.s32 $0x200, s17;
	s21 =	sadd.s32 $0x10000, s16;
	[sflag:s24] =	ssyncset.done @!p0 $0x0  }
.LBB2_4:
0x48: {  	s25 =	simm.s32 @!p1 $0x0;
	s26 =	simm.s32 @!p1 $0x2;
	[sflag:s24] =	ssyncadd.s32 @!p0 $0xFFFFC000  }
0x49: {  	[tilespmem:s25], [sflag:$0x2] =	stream.linear.gather @!p1 [hbm4b:s23+s25], $0x80, $0x38;
	[tilespmem:$0x18080] =	vst v63  }
0x4a: {  	s28 =	smov.u32 s22;
	s22 =	sadd.s32 $0x20, s22;
	_ =	swait.ge @!p1 [sflag:s26], $0x80  }
0x4b: {  	p0 =	por p1, p1;
	p2 =	sne.s32 s22, $0x500;
	[sflag:s26] =	ssyncset.done @!p1 $0x0  }
0x4c: {  	s29 =	simm.s32 @!p0 $0x80;
	[sflag:s26] =	ssyncadd.s32 @!p0 $0xFFFFFF80  }
0x4d: {  	[tilespmem:s29], [sflag:$0x2] =	stream.linear.gather @!p0 [hbm4b:s21+s25], $0x4000, $0x38;
	[tilespmem:$0x18080] =	vst v63  }
0x4e: {  	_ =	swait.ge @!p0 [sflag:s26], $0x4000  }
.Ltmp1:
0x4f: {  	[sflag:s26] =	ssyncset.done @!p0 $0x0;
	(pc) =	sbr.rel @p2 .LBB2_4-.Ltmp1, $4  }
0x50: {  	s24 =	simm.s32 @!p0 $0x1;
	[sflag:s26] =	ssyncadd.s32 @!p0 $0xFFFFC000  }
0x51: {  	[spmem:s2] =	stream.indirect.scatter.add.f32 @!p0 [tilespmem:s29], [sflag:$0x1], $0x80, s25, s29, $0xb8;
	[tilespmem:$0x18080] =	vst v63  }
0x52: {  	s23 =	sadd.s32 $0x200, s23;
	s25 =	sadd.s32 s28, s4;
	_ =	swait.ge @!p0 [sflag:s24], $0x4000  }
0x53: {  	s21 =	sadd.s32 $0x10000, s21;
	p1 =	sgt.u32 s25, $0x4E1;
	[sflag:s24] =	ssyncset.done @!p0 $0x0  }
0x54: {  	s22 =	simm.s32 @!p1 $0x0;
	s25 =	simm.s32 @!p1 $0x2;
	[sflag:s24] =	ssyncadd.s32 @!p0 $0xFFFFC000  }
0x55: {  	[tilespmem:s22], [sflag:$0x2] =	stream.linear.gather @!p1 [hbm4b:s23+s22], $0x80, $0x38;
	[tilespmem:$0x18080] =	vst v63  }
0x56: {  	_ =	swait.ge @!p1 [sflag:s25], $0x80  }
0x57: {  	p0 =	por p1, p1;
	[sflag:s25] =	ssyncset.done @!p1 $0x0  }
0x58: {  	s23 =	simm.s32 @!p0 $0x80;
	[sflag:s25] =	ssyncadd.s32 @!p0 $0xFFFFFF80  }
0x59: {  	[tilespmem:s23], [sflag:$0x2] =	stream.linear.gather @!p0 [hbm4b:s21+s22], $0x4000, $0x38;
	[tilespmem:$0x18080] =	vst v63  }
0x5a: {  	_ =	swait.ge @!p0 [sflag:s25], $0x4000  }
0x5b: {  	[sflag:s25] =	ssyncset.done @!p0 $0x0  }
0x5c: {  	s21 =	simm.s32 @!p0 $0x1;
	[sflag:s25] =	ssyncadd.s32 @!p0 $0xFFFFC000  }
0x5d: {  	[spmem:s2] =	stream.indirect.scatter.add.f32 @!p0 [tilespmem:s23], [sflag:$0x1], $0x80, s22, s23, $0xb8;
	[tilespmem:$0x18080] =	vst v63  }
0x5e: {  	_ =	swait.ge @!p0 [sflag:s21], $0x4000  }
0x5f: {  	[sflag:s21] =	ssyncset.done @!p0 $0x0  }
0x60: {  	[sflag:s21] =	ssyncadd.s32 @!p0 $0xFFFFC000  }
0x61: {  	[bflag:$0x0] =	sbarrier.arrive $0xFFFF  }
0x62: {  	[tilespmem:s18], [sflag:$0x1] =	stream.linear.gather [spmem:s5], $0x4000, $0x38;
	[tilespmem:$0x18080] =	vst v63  }
0x63: {  	_ =	swait.ge [sflag:s19], $0x4000  }
0x64: {  	[sflag:s19] =	ssyncset.done $0x0  }
0x65: {  	[sflag:s19] =	ssyncadd.s32 $0xFFFFC000  }
0x66: {  	[hbm4b:s10+s3] =	stream.linear.scatter [tilespmem:s18], [sflag:$0x1], $0x4000, $0x38;
	[tilespmem:$0x18080] =	vst v63  }
0x67: {  	_ =	swait.ge [sflag:s19], $0x4000  }
0x68: {  	[sflag:s19] =	ssyncset.done $0x0  }
0x69: {  	[sflag:s19] =	ssyncadd.s32 $0xFFFFC000  }
0x6a: {  	[tilespmem:s18], [sflag:$0x1] =	stream.linear.gather [spmem:s6], $0x4000, $0x38;
	[tilespmem:$0x18080] =	vst v63  }
0x6b: {  	_ =	swait.ge [sflag:s19], $0x4000  }
0x6c: {  	[sflag:s19] =	ssyncset.done $0x0  }
0x6d: {  	[sflag:s19] =	ssyncadd.s32 $0xFFFFC000  }
0x6e: {  	[hbm4b:s11+s3] =	stream.linear.scatter [tilespmem:s18], [sflag:$0x1], $0x4000, $0x38;
	[tilespmem:$0x18080] =	vst v63  }
0x6f: {  	_ =	swait.ge [sflag:s19], $0x4000  }
0x70: {  	[sflag:s19] =	ssyncset.done $0x0  }
0x71: {  	[sflag:s19] =	ssyncadd.s32 $0xFFFFC000  }
0x72: {  	[tilespmem:s18], [sflag:$0x1] =	stream.linear.gather [spmem:s7], $0x4000, $0x38;
	[tilespmem:$0x18080] =	vst v63  }
0x73: {  	_ =	swait.ge [sflag:s19], $0x4000  }
0x74: {  	[sflag:s19] =	ssyncset.done $0x0  }
0x75: {  	[sflag:s19] =	ssyncadd.s32 $0xFFFFC000  }
0x76: {  	[hbm4b:s12+s3] =	stream.linear.scatter [tilespmem:s18], [sflag:$0x1], $0x4000, $0x38;
	[tilespmem:$0x18080] =	vst v63  }
0x77: {  	_ =	swait.ge [sflag:s19], $0x4000  }
0x78: {  	[sflag:s19] =	ssyncset.done $0x0  }
0x79: {  	[sflag:s19] =	ssyncadd.s32 $0xFFFFC000  }
0x7a: {  	[tilespmem:s18], [sflag:$0x1] =	stream.linear.gather [spmem:s8], $0x4000, $0x38;
	[tilespmem:$0x18080] =	vst v63  }
0x7b: {  	_ =	swait.ge [sflag:s19], $0x4000  }
0x7c: {  	[sflag:s19] =	ssyncset.done $0x0  }
0x7d: {  	[sflag:s19] =	ssyncadd.s32 $0xFFFFC000  }
0x7e: {  	[hbm4b:s13+s3] =	stream.linear.scatter [tilespmem:s18], [sflag:$0x1], $0x4000, $0x38;
	[tilespmem:$0x18080] =	vst v63  }
0x7f: {  	_ =	swait.ge [sflag:s19], $0x4000  }
0x80: {  	[sflag:s19] =	ssyncset.done $0x0  }
0x81: {  	[sflag:s19] =	ssyncadd.s32 $0xFFFFC000  }
0x82: {  	[tilespmem:s18], [sflag:$0x1] =	stream.linear.gather [spmem:s9], $0x4000, $0x38;
	[tilespmem:$0x18080] =	vst v63  }
0x83: {  	s20 =	sadd.s32 $0x1, s20;
	_ =	swait.ge [sflag:s19], $0x4000  }
0x84: {  	p0 =	sne.s32 s20, s15;
	[sflag:s19] =	ssyncset.done $0x0  }
.Ltmp2:
0x85: {  	[sflag:s19] =	ssyncadd.s32 $0xFFFFC000;
	(pc) =	sbr.rel @p0 .LBB2_1-.Ltmp2, $4  }
0x86: {  	[hbm4b:s14+s3] =	stream.linear.scatter [tilespmem:s18], [sflag:$0x1], $0x4000, $0x38;
	[tilespmem:$0x18080] =	vst v63  }
0x87: {  	_ =	swait.ge [sflag:s19], $0x4000  }
0x88: {  	[sflag:s19] =	ssyncset.done $0x0  }
0x89: {  	[sflag:s19] =	ssyncadd.s32 $0xFFFFC000  }
0x8a: {  	_ =	sfence.sel $0x180000  }
0x8b: {  	[bflag:$0x0] =	sbarrier.arrive $0xFFFF  }
0x8c: {  	p0 =	sne.s32 s1, $0x0;
	_ =	strace $0x90000056  }
0x8d: {  	s0 =	sadd.s32 @!p0 $0x100000, s0;
	[bflag:$0x2] =	sbarrier.arrive $0xFFFF  }
0x8e: {  	[sflag:s0] =	ssyncadd.tile.s32 @!p0 $0x1;
	_ =	shalt  }
.Lfunc_end2:
_tile_overlayer_lowered:
.L_overlay_start_2:
0x8f: {  	(tag) =	ssettag $0x2  }
0x90: {  	s0 =	rddreg [dreg:$0x0];
	s2 =	stileid.u32  }
0x91: {  	s1 =	rddreg [dreg:$0x1];
	p0 =	sne.s32 s2, $0x0  }
0x92: {  	s3 =	rddreg [dreg:$0x2];
	[bflag:$0x3] =	sbarrier.arrive $0xFFFF;
	s2 =	simm.s32 @!p0 $0x1C01  }
0x93: {  	[timem:s3], [sflag:s2] =	dma.local @!p0 [hbm:s0], s1  }
0x94: {  	s0 =	simm.s32 @!p0 $0x1  }
0x95: {  	_ =	swait.ge @!p0 [sflag:s0], s1  }
0x96: {  	s1 =	ssub.s32 @!p0 $0x0, s1;
	[sflag:s0] =	ssyncset.done @!p0 $0x0  }
0x97: {  	[sflag:s0] =	ssyncadd.s32 @!p0 s1  }
0x98: {  	[bflag:$0x3] =	sbarrier.arrive $0xFFFF  }
0x99: {  	_ =	shalt  }

// kernel: kernel.37.cloned.1.call-start
scs
__scs_entry_jumppad:
0x0: {  	(pc) =	sbr.rel $0x88, $3  }
0x1: {  	(tag) =	ssettag $0x0;
	lr =	simm.s32 $0x1  }
0x2: {  	[smem:$0x3F72] =	sst lr;
	_ =	strace $0xD0000000  }
0x3: {  	_ = 	snop  }
0x4: {  	_ = 	snop  }
0x5: {  	_ = 	snop  }
0x6: {  	_ = 	snop  }
0x7: {  	_ = 	snop  }
__scs_overlays_trampoline_lowered:
0x8: {  	[smem:$0x3F81] =	sst s0  }
0x9: {  	[smem:$0x3F82] =	sst s1  }
0xa: {  	[smem:$0x3F83] =	sst s2  }
0xb: {  	[smem:$0x3F84] =	sst s3  }
0xc: {  	[smem:$0x3F85] =	sst s4  }
0xd: {  	[smem:$0x3F86] =	sst s5  }
0xe: {  	[smem:$0x3F87] =	sst s6  }
0xf: {  	[smem:$0x3F88] =	sst s7  }
0x10: {  	[smem:$0x3F89] =	sst s8  }
0x11: {  	[smem:$0x3F8A] =	sst s9;
	s0 =	simm.s32 @!p0 $0x0  }
0x12: {  	s1 =	sld [smem:$0x3F70];
	s0 =	simm.s32 @p0 $0x1  }
0x13: {  	[smem:$0x3F8B] =	sst s0;
	s0 =	simm.s32 @!p1 $0x0  }
0x14: {  	s2 =	sld [smem:$0x3F6F];
	s0 =	simm.s32 @p1 $0x1  }
0x15: {  	[smem:$0x3F8C] =	sst s0;
	s0 =	simm.s32 @!p2 $0x0  }
0x16: {  	s3 =	sld [smem:$0x3FDB];
	s0 =	simm.s32 @p2 $0x1  }
0x17: {  	s4 =	simm.s32 $0x1BF5;
	[smem:$0x3F8E] =	sst s0  }
0x18: {  	s0 =	sld [smem:$0x3F71];
	_ =	swait.ge [sflag:s4], $0x0  }
0x19: {  	s7 =	sld [smem:$0x3F72]  }
0x1a: {  	s8 =	sadd.s32 $0xFFFFE003, lr  }
0x1b: {  	s9 =	sadd.s32 $0xFFFFFEF7, lr;
	s5 =	simm.s32 $0xFFFFFFFF;
	p2 =	slt.u32 s8, $0xFFFFF086  }
0x1c: {  	p1 =	slt.u32 s9, $0xF7A;
	s5 =	simm.s32 @!p2 $0x0  }
0x1d: {  	s5 =	simm.s32 @p1 $0x1;
	p0 =	seq.s32 s7, s2  }
0x1e: {  	s7 =	smul.u32 @!p0 $0xF7A, s2;
	p2 =	seq.s32 @!p0 s5, $0x0  }
0x1f: {  	s9 =	smul.u32 $0xF7A, s1;
	s8 =	simm.s32 @!p0 $0x1BF5;
	p2 =	por !p2, p0  }
0x20: {  	[sflag:s8] =	ssyncset.s32 @!p0 $0xFFFFF086;
	s6 =	sadd.s32 @!p0 s3, s7;
	s7 =	simm.s32 @!p0 $0x108  }
0x21: {  	s3 =	sadd.s32 s3, s9;
	s6 =	sadd.s32 @!p0 $0x88, s6;
	s7 =	simm.s32 @p2 $0x1082  }
0x22: {  	[simem:s7], [sflag:s8] =	dma.local @!p0 [hbm:s6], $0xF7A  }
0x23: {  	s9 =	sor.u32 $0xD0000000, s2;
	s6 =	simm.s32 $0x108;
	_ =	swait.ge @!p0 [sflag:s8], $0x0  }
0x24: {  	s3 =	sadd.s32 $0x88, s3;
	s6 =	simm.s32 @!p1 $0x1082;
	[sflag:s4] =	ssyncset.s32 $0xFFFFF086  }
0x25: {  	[simem:s6], [sflag:s4] =	dma.local [hbm:s3], $0xF7A  }
0x26: {  	[smem:$0x3F72] =	sst s1;
	(tag) =	ssettag s2;
	_ =	strace s9  }
0x27: {  	s1 =	sld [smem:$0x3F82]  }
0x28: {  	s2 =	sld [smem:$0x3F83]  }
0x29: {  	s4 =	sld [smem:$0x3F85]  }
0x2a: {  	p0 =	seq.s32 s5, $0x0;
	s5 =	sld [smem:$0x3F86]  }
0x2b: {  	s6 =	sld [smem:$0x3F87]  }
0x2c: {  	s7 =	sld [smem:$0x3F88]  }
0x2d: {  	s3 =	simm.s32 $0x108;
	s8 =	sld [smem:$0x3F89]  }
0x2e: {  	s3 =	simm.s32 @!p0 $0x1082;
	s9 =	sld [smem:$0x3F8A]  }
0x2f: {  	lr =	sadd.s32 s0, s3;
	s0 =	sld [smem:$0x3F81]  }
0x30: {  	s3 =	sld [smem:$0x3F84]  }
0x31: {  	[smem:$0x3F8D] =	sst s10  }
0x32: {  	s10 =	sld [smem:$0x3F8B];
	_ =	sdelay $0x3  }
0x33: {  	p0 =	seq.s32 s10, $0x1;
	s10 =	sld [smem:$0x3F8D];
	_ =	sdelay $0x3  }
0x34: {  	[smem:$0x3F8D] =	sst s10  }
0x35: {  	s10 =	sld [smem:$0x3F8C];
	_ =	sdelay $0x3  }
0x36: {  	p1 =	seq.s32 s10, $0x1;
	s10 =	sld [smem:$0x3F8D];
	_ =	sdelay $0x3  }
0x37: {  	[smem:$0x3F8D] =	sst s10  }
0x38: {  	s10 =	sld [smem:$0x3F8E]  }
0x39: {  	_ = 	snop;
	(pc) =	sbr.ind lr, $3  }
0x3a: {  	_ = 	snop  }
0x3b: {  	_ = 	snop  }
0x3c: {  	p2 =	seq.s32 s10, $0x1;
	s10 =	sld [smem:$0x3F8D]  }
0x3d: {  	_ =	shalt  }
0x3e: {  	_ =	shalt  }
0x3f: {  	_ =	shalt  }
0x40: {  	_ =	shalt  }
0x41: {  	_ =	shalt  }
0x42: {  	_ =	shalt  }
0x43: {  	_ =	shalt  }
0x44: {  	_ =	shalt  }
0x45: {  	_ =	shalt  }
0x46: {  	_ =	shalt  }
0x47: {  	_ =	shalt  }
0x48: {  	_ =	shalt  }
0x49: {  	_ =	shalt  }
0x4a: {  	_ =	shalt  }
0x4b: {  	_ =	shalt  }
0x4c: {  	_ =	shalt  }
0x4d: {  	_ =	shalt  }
0x4e: {  	_ =	shalt  }
0x4f: {  	_ =	shalt  }
0x50: {  	_ =	shalt  }
0x51: {  	_ =	shalt  }
0x52: {  	_ =	shalt  }
0x53: {  	_ =	shalt  }
0x54: {  	_ =	shalt  }
0x55: {  	_ =	shalt  }
0x56: {  	_ =	shalt  }
0x57: {  	_ =	shalt  }
0x58: {  	_ =	shalt  }
0x59: {  	_ =	shalt  }
0x5a: {  	_ =	shalt  }
0x5b: {  	_ =	shalt  }
0x5c: {  	_ =	shalt  }
0x5d: {  	_ =	shalt  }
0x5e: {  	_ =	shalt  }
0x5f: {  	_ =	shalt  }
0x60: {  	_ =	shalt  }
0x61: {  	_ =	shalt  }
0x62: {  	_ =	shalt  }
0x63: {  	_ =	shalt  }
0x64: {  	_ =	shalt  }
0x65: {  	_ =	shalt  }
0x66: {  	_ =	shalt  }
0x67: {  	_ =	shalt  }
0x68: {  	_ =	shalt  }
0x69: {  	_ =	shalt  }
0x6a: {  	_ =	shalt  }
0x6b: {  	_ =	shalt  }
0x6c: {  	_ =	shalt  }
0x6d: {  	_ =	shalt  }
0x6e: {  	_ =	shalt  }
0x6f: {  	_ =	shalt  }
0x70: {  	_ =	shalt  }
0x71: {  	_ =	shalt  }
0x72: {  	_ =	shalt  }
0x73: {  	_ =	shalt  }
0x74: {  	_ =	shalt  }
0x75: {  	_ =	shalt  }
0x76: {  	_ =	shalt  }
0x77: {  	_ =	shalt  }
0x78: {  	_ =	shalt  }
0x79: {  	_ =	shalt  }
0x7a: {  	_ =	shalt  }
0x7b: {  	_ =	shalt  }
0x7c: {  	_ =	shalt  }
0x7d: {  	_ =	shalt  }
0x7e: {  	_ =	shalt  }
0x7f: {  	_ =	shalt  }
0x80: {  	_ =	shalt  }
0x81: {  	_ =	shalt  }
0x82: {  	_ =	shalt  }
0x83: {  	_ =	shalt  }
0x84: {  	_ =	shalt  }
0x85: {  	_ =	shalt  }
0x86: {  	_ =	shalt  }
0x87: {  	_ =	shalt  }
.Lfunc_end0:
.L_simem_size_0:
called_computation.6_lowered:
.L_overlay_start_0:
0x88: {  	s2 =	sld [smem:$0x3FD9]  }
0x89: {  	s3 =	sld [smem:$0x3FFE];
	_ =	sdelay $0x1  }
0x8a: {  	s1 =	srdreg.scid  }
0x8b: {  	s0 =	sand.u32 $0x1, s1  }
0x8c: {  	s16 =	sshll.u32 s0, $0xA;
	s2 =	sadd.s32 s3, s2  }
0x8d: {  	s2 =	sadd.s32 s2, s16  }
0x8e: {  	[smem:$0x3F99] =	sst s2  }
0x8f: {  	_ = 	snop  }
0x90: {  	(tm) =	ssettm $0x1  }
0x91: {  	s17 =	sld [smem:$0x3FFB];
	_ =	sdelay $0x3  }
0x92: {  	_ =	strace s17  }
0x93: {  	s2 =	sld [smem:$0x3FFC];
	_ =	sdelay $0x3  }
0x94: {  	_ =	strace s2  }
0x95: {  	s2 =	sld [smem:$0x3FFD];
	_ =	sdelay $0x3  }
0x96: {  	_ =	strace s2  }
0x97: {  	_ =	strace $0x8FFFFFFF  }
0x98: {  	s18 =	sld [smem:$0x3FDB];
	_ =	sdelay $0x1  }
0x99: {  	s19 =	simm.s32 $_scs_section_size  }
0x9a: {  	s4 =	simm.s32 $_size__tile_overlayer_lowered;
	s5 =	simm.s32 $_tile_overlayer_lowered  }
0x9b: {  	s22 =	simm.s32 $0x1BFF;
	s21 =	sshll.u32 s5, $0x1;
	s2 =	sadd.s32 s19, s18  }
0x9c: {  	s6 =	simm.s32 $0x0;
	s20 =	sshll.u32 s4, $0x1;
	s4 =	sadd.s32 s21, s2  }
0x9d: {  	[timem:s6], [sflag:s22] =	dma.local [hbm:s4], s20  }
0x9e: {  	_ =	swait.ge [sflag:s22], s20  }
0x9f: {  	s3 =	ssub.s32 $0x0, s20;
	[sflag:s22] =	ssyncset.done $0x0  }
0xa0: {  	[sflag:s22] =	ssyncadd.s32 s3;
	_ =	sdelay $0x1  }
0xa1: {  	s23 =	simm.s32 $0x1B8B  }
0xa2: {  	_ =	swait.ge [sflag:s23], $0x1  }
0xa3: {  	[sflag:s23] =	ssyncset.done $0x0  }
0xa4: {  	s25 =	simm.s32 $0x1B8E;
	s24 =	sld [smem:$0x3FFE];
	[sflag:s23] =	ssyncadd.s32 $0xFFFFFFFF  }
0xa5: {  	s26 =	simm.s32 $execute0_lowered;
	[smem:$0x3FD2] =	sst s25  }
0xa6: {  	s4 =	sshll.u32 s26, $0x1;
	_ =	strace $0x80000058;
	[dreg:$0x1] =	wrdreg $0xFFFFFFFF  }
0xa7: {  	s28 =	simm.s32 $_size_execute0_lowered;
	s2 =	sadd.s32 s2, s4;
	[dreg:$0x0] =	wrdreg $0x0  }
0xa8: {  	s4 =	sshll.u32 s28, $0x1;
	[dreg:$0x2] =	wrdreg s2  }
0xa9: {  	[dreg:$0x3] =	wrdreg s4  }
0xaa: {  	[dreg:$0x4] =	wrdreg $0xC0  }
0xab: {  	_ =	task [dreg:s6], $0x5FFFF  }
0xac: {  	[dreg:$0x1] =	wrdreg $0xFFFFFFFF  }
0xad: {  	[dreg:$0x0] =	wrdreg $0x60  }
0xae: {  	[dreg:$0x2] =	wrdreg s24  }
0xaf: {  	[dreg:$0x3] =	wrdreg $0x9  }
0xb0: {  	_ =	task.clear_ibuf [dreg:s6], $0x4FFFF;
	_ =	strace $0x90000058  }
0xb1: {  	s29 =	simm.s32 $0x9;
	_ =	strace $0x8000005A  }
0xb2: {  	_ =	swait.ge [sflag:s29], $0x1  }
0xb3: {  	[sflag:s29] =	ssyncadd.s32 $0xFFFFFFFF  }
0xb4: {  	_ =	strace $0x9000005A  }
0xb5: {  	_ =	sfence  }
0xb6: {  	s30 =	sld [smem:$0x0];
	_ =	sdelay $0x2  }
0xb7: {  	s31 =	sshll.u32 s1, $0xD;
	s1 =	sshrl.u32 s1, $0x2  }
0xb8: {  	s3 =	sand.u32 $0x4000, s31;
	s1 =	sadd.s32 s1, s30  }
0xb9: {  	s0 =	sor.u32 s3, s0;
	s1 =	sshll.u32 s1, $0x11  }
0xba: {  	s0 =	sor.u32 s1, s0  }
0xbb: {  	s0 =	sadd.s32 $0x8F2B, s0  }
0xbc: {  	[sflag:s0] =	ssyncadd.remote.s32 $0x1  }
0xbd: {  	_ =	sfence.sel $0xFFFF  }
0xbe: {  	[dreg:$0x0] =	wrdreg $0xFFFFFFFF;
	(pc) =	sbr.abs _section_cstart, $3  }
0xbf: {  	[dreg:$0x1] =	wrdreg $0xFFFFFFFF  }
0xc0: {  	_ =	task.clear_ibuf [dreg:s6], $0x2FFFF;
	_ =	strace $0x9FFFFFFF  }
0xc1: {  	(tm) =	ssettm $0x7FFFFFFF  }
tec
execute0_lowered:
.L_overlay_start_1:
0x0: {  	(tag) =	ssettag $0x1  }
0x1: {  	s8 =	rddreg [dreg:$0x0]  }
0x2: {  	s0 =	rddreg [dreg:$0x1];
	s1 =	simm.s32 $0x0  }
0x3: {  	s3 =	srdreg.scid;
	s4 =	stileid.u32;
	s11 =	simm.s32 $0x4  }
0x4: {  	s12 =	simm.s32 $0x80;
	s13 =	simm.s32 $0x100;
	s14 =	simm.s32 $0x4100  }
0x5: {  	s15 =	simm.s32 $0x1;
	s16 =	simm.s32 $0x2;
	s17 =	simm.s32 $0x3  }
.Ltmp0:
0x6: {  	s18 =	simm.s32 $0x0;
	s3 =	sand.u32 $0x1, s3;
	(pc) =	sbr.rel .LBB2_1-.Ltmp0, $4  }
0x7: {  	[smem:$0x7FF] =	sst s1;
	s2 =	sadd.s32 $0x16E00, s8;
	s9 =	ssub.s32 $0x2, s3  }
0x8: {  	s5 =	sadd.s32 $0x3E000, s8;
	s6 =	sadd.s32 $0x11E00, s8;
	s10 =	sshrl.u32 s9, $0x1  }
0x9: {  	s7 =	sadd.s32 $0xCE00, s8;
	s8 =	sadd.s32 $0x8C400, s8;
	s10 =	ssub.s32 s9, s10  }
0xa: {  	_ =	strace $0x80000059;
	s9 =	sshll.u32 s4, $0x1;
	s10 =	smax.u32 s10, $0x1  }
.LBB2_7:
0xb: {  	s18 =	sadd.s32 $0x1, s18  }
0xc: {  	p0 =	sne.s32 s18, s10  }
.Ltmp1:
0xd: {  	_ = 	snop;
	(pc) =	sbr.rel @!p0 .LBB2_8-.Ltmp1, $1  }
0xe: {  	_ =	sdelay $0x3  }
.LBB2_1:
.Ltmp2:
0xf: {  	(pc) =	sbr.rel .LBB2_2-.Ltmp2, $2  }
0x10: {  	_ =	sdelay $0x2  }
0x11: {  	s19 =	simm.s32 $0x0  }
.LBB2_6:
0x12: {  	s19 =	sadd.s32 $0x1, s19  }
0x13: {  	p0 =	sne.s32 s19, $0x28  }
.Ltmp3:
0x14: {  	_ = 	snop;
	(pc) =	sbr.rel @!p0 .LBB2_7-.Ltmp3, $1  }
0x15: {  	_ =	sdelay $0x3  }
.LBB2_2:
0x16: {  	s20 =	sshll.u32 s19, $0x5  }
0x17: {  	s20 =	sor.u32 s9, s20  }
0x18: {  	p0 =	sgt.u32 s20, $0x4E1  }
.Ltmp4:
0x19: {  	_ = 	snop;
	(pc) =	sbr.rel @p0 .LBB2_6-.Ltmp4, $1  }
0x1a: {  	_ =	sdelay $0x3  }
0x1b: {  	s20 =	sor.u32 s3, s20  }
0x1c: {  	s21 =	sshll.u32 s20, $0x4  }
0x1d: {  	s23 =	simm.s32 $0x0;
	s22 =	sadd.s32 s6, s21  }
0x1e: {  	[tilespmem:s23], [sflag:$0x4] =	stream.linear.gather [hbm4b:s22+s23], $0x80, $0x38;
	[tilespmem:$0x8100] =	vst v63  }
0x1f: {  	_ =	swait.ge [sflag:s11], $0x80  }
0x20: {  	[sflag:s11] =	ssyncset.done $0x0  }
0x21: {  	s21 =	sadd.s32 s7, s21;
	[sflag:s11] =	ssyncadd.s32 $0xFFFFFF80  }
0x22: {  	[tilespmem:s12], [sflag:$0x4] =	stream.linear.gather [hbm4b:s21+s23], $0x80, $0x38;
	[tilespmem:$0x8100] =	vst v63  }
0x23: {  	_ =	swait.ge [sflag:s11], $0x80  }
0x24: {  	[sflag:s11] =	ssyncset.done $0x0  }
0x25: {  	[sflag:s11] =	ssyncadd.s32 $0xFFFFFF80  }
0x26: {  	[tilespmem:s13], [sflag:$0x1] =	stream.indirect.gather [hbm4b:s2+s12], $0x80, s23, s12, $0xb8;
	[tilespmem:$0x8100] =	vst v63  }
0x27: {  	_ = 	snop  }
0x28: {  	[tilespmem:s14], [sflag:$0x2] =	stream.indirect.gather [hbm4b:s5+s12], $0x80, s12, s12, $0xb8;
	[tilespmem:$0x8100] =	vst v63  }
0x29: {  	_ =	swait.ge [sflag:s15], $0x4000  }
0x2a: {  	[sflag:s15] =	ssyncset.done $0x0  }
0x2b: {  	[sflag:s15] =	ssyncadd.s32 $0xFFFFC000  }
0x2c: {  	_ =	swait.ge [sflag:s16], $0x4000  }
0x2d: {  	[sflag:s16] =	ssyncset.done $0x0  }
0x2e: {  	s21 =	simm.s32 $0x0;
	[sflag:s16] =	ssyncadd.s32 $0xFFFFC000  }
0x2f: {  	v7 =	vld [tilespmem:s21+$0x4100]  }
0x30: {  	v11 =	vld [tilespmem:s21+$0x4110]  }
0x31: {  	v5 =	vld [tilespmem:s21+$0x4120]  }
0x32: {  	v4 =	vld [tilespmem:s21+$0x4130]  }
0x33: {  	v3 =	vld [tilespmem:s21+$0x4140]  }
0x34: {  	v2 =	vld [tilespmem:s21+$0x4150]  }
0x35: {  	v1 =	vld [tilespmem:s21+$0x4160]  }
0x36: {  	v0 =	vld [tilespmem:s21+$0x4170]  }
0x37: {  	v12 =	vld [tilespmem:s21+$0x100]  }
0x38: {  	v13 =	vld [tilespmem:s21+$0x110]  }
0x39: {  	v10 =	vld [tilespmem:s21+$0x120]  }
0x3a: {  	v9 =	vld [tilespmem:s21+$0x130]  }
0x3b: {  	v8 =	vld [tilespmem:s21+$0x140]  }
0x3c: {  	v6 =	vld [tilespmem:s21+$0x150];
	v12 =	vadd.f32 v7, v12  }
0x3d: {  	s22 =	simm.s32 $0x200;
	v11 =	vadd.f32 v11, v13;
	v7 =	vld [tilespmem:s21+$0x160]  }
.LBB2_4:
0x3e: {  	s23 =	sshra.s32 s22, $0x2;
	p0 =	sne.s32 s22, $0xFE00;
	[tilespmem:s21+$0x100] =	vst v12;
	v5 =	vadd.f32 v5, v10;
	v10 =	vld [tilespmem:s21+$0x170]  }
0x3f: {  	v12 =	vld [tilespmem:s23+$0x4100];
	[tilespmem:s21+$0x110] =	vst v11;
	v4 =	vadd.f32 v4, v9  }
0x40: {  	v11 =	vld [tilespmem:s23+$0x4110];
	[tilespmem:s21+$0x120] =	vst v5;
	v3 =	vadd.f32 v3, v8  }
0x41: {  	v5 =	vld [tilespmem:s23+$0x4120];
	[tilespmem:s21+$0x130] =	vst v4;
	v2 =	vadd.f32 v2, v6  }
0x42: {  	v4 =	vld [tilespmem:s23+$0x4130];
	[tilespmem:s21+$0x140] =	vst v3;
	v1 =	vadd.f32 v1, v7  }
0x43: {  	v3 =	vld [tilespmem:s23+$0x4140];
	[tilespmem:s21+$0x150] =	vst v2;
	v0 =	vadd.f32 v0, v10  }
0x44: {  	v2 =	vld [tilespmem:s23+$0x4150];
	[tilespmem:s21+$0x160] =	vst v1  }
0x45: {  	v1 =	vld [tilespmem:s23+$0x4160];
	[tilespmem:s21+$0x170] =	vst v0;
	s21 =	smov.u32 s23  }
0x46: {  	v0 =	vld [tilespmem:s21+$0x4170]  }
0x47: {  	v6 =	vld [tilespmem:s21+$0x100]  }
0x48: {  	v7 =	vld [tilespmem:s21+$0x110]  }
.Ltmp5:
0x49: {  	v10 =	vld [tilespmem:s21+$0x120];
	(pc) =	sbr.rel @p0 .LBB2_4-.Ltmp5, $4  }
0x4a: {  	v9 =	vld [tilespmem:s21+$0x130]  }
0x4b: {  	v8 =	vld [tilespmem:s21+$0x140]  }
0x4c: {  	v12 =	vadd.f32 v12, v6;
	v6 =	vld [tilespmem:s21+$0x150]  }
0x4d: {  	s22 =	sadd.s32 $0x200, s22;
	v11 =	vadd.f32 v11, v7;
	v7 =	vld [tilespmem:s21+$0x160]  }
0x4e: {  	[tilespmem:s21+$0x100] =	vst v12;
	v5 =	vadd.f32 v5, v10;
	v63 =	vld [tilespmem:s21+$0x170]  }
0x4f: {  	[tilespmem:s21+$0x110] =	vst v11;
	v4 =	vadd.f32 v4, v9  }
0x50: {  	[tilespmem:s21+$0x120] =	vst v5;
	v3 =	vadd.f32 v3, v8  }
0x51: {  	[tilespmem:s21+$0x130] =	vst v4;
	v2 =	vadd.f32 v2, v6  }
0x52: {  	[tilespmem:s21+$0x140] =	vst v3;
	v1 =	vadd.f32 v1, v7  }
0x53: {  	[tilespmem:s21+$0x150] =	vst v2;
	v0 =	vadd.f32 v0, v63  }
0x54: {  	s20 =	sshll.u32 s20, $0xB;
	[tilespmem:s21+$0x160] =	vst v1  }
.Ltmp6:
0x55: {  	s20 =	sadd.s32 s8, s20;
	[tilespmem:s21+$0x170] =	vst v0;
	(pc) =	sbr.rel .LBB2_6-.Ltmp6, $4  }
0x56: {  	[hbm4b:s20+s1] =	stream.linear.scatter [tilespmem:s13], [sflag:$0x3], $0x4000, $0x38;
	[tilespmem:$0x8100] =	vst v63  }
0x57: {  	_ =	swait.ge [sflag:s17], $0x4000  }
0x58: {  	[sflag:s17] =	ssyncset.done $0x0  }
0x59: {  	[sflag:s17] =	ssyncadd.s32 $0xFFFFC000  }
.LBB2_8:
0x5a: {  	_ =	sfence.sel $0x180000  }
0x5b: {  	[bflag:$0x0] =	sbarrier.arrive $0xFFFF  }
0x5c: {  	p0 =	sne.s32 s4, $0x0;
	_ =	strace $0x90000059  }
0x5d: {  	s0 =	sadd.s32 @!p0 $0x100000, s0;
	[bflag:$0x2] =	sbarrier.arrive $0xFFFF  }
0x5e: {  	[sflag:s0] =	ssyncadd.tile.s32 @!p0 $0x1;
	_ =	shalt  }
.Lfunc_end2:
_tile_overlayer_lowered:
.L_overlay_start_2:
0x5f: {  	(tag) =	ssettag $0x2  }
0x60: {  	s0 =	rddreg [dreg:$0x0];
	s2 =	stileid.u32  }
0x61: {  	s1 =	rddreg [dreg:$0x1];
	p0 =	sne.s32 s2, $0x0  }
0x62: {  	s3 =	rddreg [dreg:$0x2];
	[bflag:$0x3] =	sbarrier.arrive $0xFFFF;
	s2 =	simm.s32 @!p0 $0x1C03  }
0x63: {  	[timem:s3], [sflag:s2] =	dma.local @!p0 [hbm:s0], s1  }
0x64: {  	s0 =	simm.s32 @!p0 $0x3  }
0x65: {  	_ =	swait.ge @!p0 [sflag:s0], s1  }
0x66: {  	s1 =	ssub.s32 @!p0 $0x0, s1;
	[sflag:s0] =	ssyncset.done @!p0 $0x0  }
0x67: {  	[sflag:s0] =	ssyncadd.s32 @!p0 s1  }
0x68: {  	[bflag:$0x3] =	sbarrier.arrive $0xFFFF  }
0x69: {  	_ =	shalt  }

// kernel: kernel.40.cloned.1.call-start
scs
__scs_entry_jumppad:
0x0: {  	(pc) =	sbr.rel $0x88, $3  }
0x1: {  	(tag) =	ssettag $0x0;
	lr =	simm.s32 $0x1  }
0x2: {  	[smem:$0x3F72] =	sst lr;
	_ =	strace $0xD0000000  }
0x3: {  	_ = 	snop  }
0x4: {  	_ = 	snop  }
0x5: {  	_ = 	snop  }
0x6: {  	_ = 	snop  }
0x7: {  	_ = 	snop  }
__scs_overlays_trampoline_lowered:
0x8: {  	[smem:$0x3F81] =	sst s0  }
0x9: {  	[smem:$0x3F82] =	sst s1  }
0xa: {  	[smem:$0x3F83] =	sst s2  }
0xb: {  	[smem:$0x3F84] =	sst s3  }
0xc: {  	[smem:$0x3F85] =	sst s4  }
0xd: {  	[smem:$0x3F86] =	sst s5  }
0xe: {  	[smem:$0x3F87] =	sst s6  }
0xf: {  	[smem:$0x3F88] =	sst s7  }
0x10: {  	[smem:$0x3F89] =	sst s8  }
0x11: {  	[smem:$0x3F8A] =	sst s9;
	s0 =	simm.s32 @!p0 $0x0  }
0x12: {  	s1 =	sld [smem:$0x3F70];
	s0 =	simm.s32 @p0 $0x1  }
0x13: {  	[smem:$0x3F8B] =	sst s0;
	s0 =	simm.s32 @!p1 $0x0  }
0x14: {  	s2 =	sld [smem:$0x3F6F];
	s0 =	simm.s32 @p1 $0x1  }
0x15: {  	[smem:$0x3F8C] =	sst s0;
	s0 =	simm.s32 @!p2 $0x0  }
0x16: {  	s3 =	sld [smem:$0x3FDB];
	s0 =	simm.s32 @p2 $0x1  }
0x17: {  	s4 =	simm.s32 $0x1BF5;
	[smem:$0x3F8E] =	sst s0  }
0x18: {  	s0 =	sld [smem:$0x3F71];
	_ =	swait.ge [sflag:s4], $0x0  }
0x19: {  	s7 =	sld [smem:$0x3F72]  }
0x1a: {  	s8 =	sadd.s32 $0xFFFFE003, lr  }
0x1b: {  	s9 =	sadd.s32 $0xFFFFFEF7, lr;
	s5 =	simm.s32 $0xFFFFFFFF;
	p2 =	slt.u32 s8, $0xFFFFF086  }
0x1c: {  	p1 =	slt.u32 s9, $0xF7A;
	s5 =	simm.s32 @!p2 $0x0  }
0x1d: {  	s5 =	simm.s32 @p1 $0x1;
	p0 =	seq.s32 s7, s2  }
0x1e: {  	s7 =	smul.u32 @!p0 $0xF7A, s2;
	p2 =	seq.s32 @!p0 s5, $0x0  }
0x1f: {  	s9 =	smul.u32 $0xF7A, s1;
	s8 =	simm.s32 @!p0 $0x1BF5;
	p2 =	por !p2, p0  }
0x20: {  	[sflag:s8] =	ssyncset.s32 @!p0 $0xFFFFF086;
	s6 =	sadd.s32 @!p0 s3, s7;
	s7 =	simm.s32 @!p0 $0x108  }
0x21: {  	s3 =	sadd.s32 s3, s9;
	s6 =	sadd.s32 @!p0 $0x88, s6;
	s7 =	simm.s32 @p2 $0x1082  }
0x22: {  	[simem:s7], [sflag:s8] =	dma.local @!p0 [hbm:s6], $0xF7A  }
0x23: {  	s9 =	sor.u32 $0xD0000000, s2;
	s6 =	simm.s32 $0x108;
	_ =	swait.ge @!p0 [sflag:s8], $0x0  }
0x24: {  	s3 =	sadd.s32 $0x88, s3;
	s6 =	simm.s32 @!p1 $0x1082;
	[sflag:s4] =	ssyncset.s32 $0xFFFFF086  }
0x25: {  	[simem:s6], [sflag:s4] =	dma.local [hbm:s3], $0xF7A  }
0x26: {  	[smem:$0x3F72] =	sst s1;
	(tag) =	ssettag s2;
	_ =	strace s9  }
0x27: {  	s1 =	sld [smem:$0x3F82]  }
0x28: {  	s2 =	sld [smem:$0x3F83]  }
0x29: {  	s4 =	sld [smem:$0x3F85]  }
0x2a: {  	p0 =	seq.s32 s5, $0x0;
	s5 =	sld [smem:$0x3F86]  }
0x2b: {  	s6 =	sld [smem:$0x3F87]  }
0x2c: {  	s7 =	sld [smem:$0x3F88]  }
0x2d: {  	s3 =	simm.s32 $0x108;
	s8 =	sld [smem:$0x3F89]  }
0x2e: {  	s3 =	simm.s32 @!p0 $0x1082;
	s9 =	sld [smem:$0x3F8A]  }
0x2f: {  	lr =	sadd.s32 s0, s3;
	s0 =	sld [smem:$0x3F81]  }
0x30: {  	s3 =	sld [smem:$0x3F84]  }
0x31: {  	[smem:$0x3F8D] =	sst s10  }
0x32: {  	s10 =	sld [smem:$0x3F8B];
	_ =	sdelay $0x3  }
0x33: {  	p0 =	seq.s32 s10, $0x1;
	s10 =	sld [smem:$0x3F8D];
	_ =	sdelay $0x3  }
0x34: {  	[smem:$0x3F8D] =	sst s10  }
0x35: {  	s10 =	sld [smem:$0x3F8C];
	_ =	sdelay $0x3  }
0x36: {  	p1 =	seq.s32 s10, $0x1;
	s10 =	sld [smem:$0x3F8D];
	_ =	sdelay $0x3  }
0x37: {  	[smem:$0x3F8D] =	sst s10  }
0x38: {  	s10 =	sld [smem:$0x3F8E]  }
0x39: {  	_ = 	snop;
	(pc) =	sbr.ind lr, $3  }
0x3a: {  	_ = 	snop  }
0x3b: {  	_ = 	snop  }
0x3c: {  	p2 =	seq.s32 s10, $0x1;
	s10 =	sld [smem:$0x3F8D]  }
0x3d: {  	_ =	shalt  }
0x3e: {  	_ =	shalt  }
0x3f: {  	_ =	shalt  }
0x40: {  	_ =	shalt  }
0x41: {  	_ =	shalt  }
0x42: {  	_ =	shalt  }
0x43: {  	_ =	shalt  }
0x44: {  	_ =	shalt  }
0x45: {  	_ =	shalt  }
0x46: {  	_ =	shalt  }
0x47: {  	_ =	shalt  }
0x48: {  	_ =	shalt  }
0x49: {  	_ =	shalt  }
0x4a: {  	_ =	shalt  }
0x4b: {  	_ =	shalt  }
0x4c: {  	_ =	shalt  }
0x4d: {  	_ =	shalt  }
0x4e: {  	_ =	shalt  }
0x4f: {  	_ =	shalt  }
0x50: {  	_ =	shalt  }
0x51: {  	_ =	shalt  }
0x52: {  	_ =	shalt  }
0x53: {  	_ =	shalt  }
0x54: {  	_ =	shalt  }
0x55: {  	_ =	shalt  }
0x56: {  	_ =	shalt  }
0x57: {  	_ =	shalt  }
0x58: {  	_ =	shalt  }
0x59: {  	_ =	shalt  }
0x5a: {  	_ =	shalt  }
0x5b: {  	_ =	shalt  }
0x5c: {  	_ =	shalt  }
0x5d: {  	_ =	shalt  }
0x5e: {  	_ =	shalt  }
0x5f: {  	_ =	shalt  }
0x60: {  	_ =	shalt  }
0x61: {  	_ =	shalt  }
0x62: {  	_ =	shalt  }
0x63: {  	_ =	shalt  }
0x64: {  	_ =	shalt  }
0x65: {  	_ =	shalt  }
0x66: {  	_ =	shalt  }
0x67: {  	_ =	shalt  }
0x68: {  	_ =	shalt  }
0x69: {  	_ =	shalt  }
0x6a: {  	_ =	shalt  }
0x6b: {  	_ =	shalt  }
0x6c: {  	_ =	shalt  }
0x6d: {  	_ =	shalt  }
0x6e: {  	_ =	shalt  }
0x6f: {  	_ =	shalt  }
0x70: {  	_ =	shalt  }
0x71: {  	_ =	shalt  }
0x72: {  	_ =	shalt  }
0x73: {  	_ =	shalt  }
0x74: {  	_ =	shalt  }
0x75: {  	_ =	shalt  }
0x76: {  	_ =	shalt  }
0x77: {  	_ =	shalt  }
0x78: {  	_ =	shalt  }
0x79: {  	_ =	shalt  }
0x7a: {  	_ =	shalt  }
0x7b: {  	_ =	shalt  }
0x7c: {  	_ =	shalt  }
0x7d: {  	_ =	shalt  }
0x7e: {  	_ =	shalt  }
0x7f: {  	_ =	shalt  }
0x80: {  	_ =	shalt  }
0x81: {  	_ =	shalt  }
0x82: {  	_ =	shalt  }
0x83: {  	_ =	shalt  }
0x84: {  	_ =	shalt  }
0x85: {  	_ =	shalt  }
0x86: {  	_ =	shalt  }
0x87: {  	_ =	shalt  }
.Lfunc_end0:
.L_simem_size_0:
called_computation.7_lowered:
.L_overlay_start_0:
0x88: {  	s2 =	sld [smem:$0x3FD9]  }
0x89: {  	s3 =	sld [smem:$0x3FFE];
	_ =	sdelay $0x1  }
0x8a: {  	s1 =	srdreg.scid  }
0x8b: {  	s0 =	sand.u32 $0x1, s1  }
0x8c: {  	s16 =	sshll.u32 s0, $0xA;
	s2 =	sadd.s32 s3, s2  }
0x8d: {  	s2 =	sadd.s32 s2, s16  }
0x8e: {  	[smem:$0x3F99] =	sst s2  }
0x8f: {  	_ = 	snop  }
0x90: {  	(tm) =	ssettm $0x1  }
0x91: {  	s17 =	sld [smem:$0x3FFB];
	_ =	sdelay $0x3  }
0x92: {  	_ =	strace s17  }
0x93: {  	s2 =	sld [smem:$0x3FFC];
	_ =	sdelay $0x3  }
0x94: {  	_ =	strace s2  }
0x95: {  	s2 =	sld [smem:$0x3FFD];
	_ =	sdelay $0x3  }
0x96: {  	_ =	strace s2  }
0x97: {  	_ =	strace $0x8FFFFFFF  }
0x98: {  	s18 =	sld [smem:$0x3FDB];
	_ =	sdelay $0x1  }
0x99: {  	s19 =	simm.s32 $_scs_section_size  }
0x9a: {  	s4 =	simm.s32 $_size__tile_overlayer_lowered;
	s5 =	simm.s32 $_tile_overlayer_lowered  }
0x9b: {  	s22 =	simm.s32 $0x1BFF;
	s21 =	sshll.u32 s5, $0x1;
	s2 =	sadd.s32 s19, s18  }
0x9c: {  	s6 =	simm.s32 $0x0;
	s20 =	sshll.u32 s4, $0x1;
	s4 =	sadd.s32 s21, s2  }
0x9d: {  	[timem:s6], [sflag:s22] =	dma.local [hbm:s4], s20  }
0x9e: {  	_ =	swait.ge [sflag:s22], s20  }
0x9f: {  	s3 =	ssub.s32 $0x0, s20;
	[sflag:s22] =	ssyncset.done $0x0  }
0xa0: {  	[sflag:s22] =	ssyncadd.s32 s3;
	_ =	sdelay $0x1  }
0xa1: {  	s23 =	simm.s32 $0x1B8B  }
0xa2: {  	_ =	swait.ge [sflag:s23], $0x1  }
0xa3: {  	[sflag:s23] =	ssyncset.done $0x0  }
0xa4: {  	s25 =	simm.s32 $0x1B8E;
	s24 =	sld [smem:$0x3FFE];
	[sflag:s23] =	ssyncadd.s32 $0xFFFFFFFF  }
0xa5: {  	s26 =	simm.s32 $execute0_lowered;
	[smem:$0x3FD2] =	sst s25  }
0xa6: {  	s4 =	sshll.u32 s26, $0x1;
	_ =	strace $0x8000005B;
	[dreg:$0x1] =	wrdreg $0xFFFFFFFF  }
0xa7: {  	s28 =	simm.s32 $_size_execute0_lowered;
	s2 =	sadd.s32 s2, s4;
	[dreg:$0x0] =	wrdreg $0x0  }
0xa8: {  	s4 =	sshll.u32 s28, $0x1;
	[dreg:$0x2] =	wrdreg s2  }
0xa9: {  	[dreg:$0x3] =	wrdreg s4  }
0xaa: {  	[dreg:$0x4] =	wrdreg $0xC0  }
0xab: {  	_ =	task [dreg:s6], $0x5FFFF  }
0xac: {  	[dreg:$0x1] =	wrdreg $0xFFFFFFFF  }
0xad: {  	[dreg:$0x0] =	wrdreg $0x60  }
0xae: {  	[dreg:$0x2] =	wrdreg s24  }
0xaf: {  	[dreg:$0x3] =	wrdreg $0x40800  }
0xb0: {  	[dreg:$0x4] =	wrdreg $0x9  }
0xb1: {  	_ =	task.clear_ibuf [dreg:s6], $0x5FFFF;
	_ =	strace $0x9000005B  }
0xb2: {  	s29 =	simm.s32 $0x9;
	_ =	strace $0x8000005D  }
0xb3: {  	_ =	swait.ge [sflag:s29], $0x1  }
0xb4: {  	[sflag:s29] =	ssyncadd.s32 $0xFFFFFFFF  }
0xb5: {  	_ =	strace $0x9000005D  }
0xb6: {  	_ =	sfence  }
0xb7: {  	s30 =	sld [smem:$0x0];
	_ =	sdelay $0x2  }
0xb8: {  	s31 =	sshll.u32 s1, $0xD;
	s1 =	sshrl.u32 s1, $0x2  }
0xb9: {  	s3 =	sand.u32 $0x4000, s31;
	s1 =	sadd.s32 s1, s30  }
0xba: {  	s0 =	sor.u32 s3, s0;
	s1 =	sshll.u32 s1, $0x11  }
0xbb: {  	s0 =	sor.u32 s1, s0  }
0xbc: {  	s0 =	sadd.s32 $0x8F2B, s0  }
0xbd: {  	[sflag:s0] =	ssyncadd.remote.s32 $0x1  }
0xbe: {  	_ =	sfence.sel $0xFFFF  }
0xbf: {  	[dreg:$0x0] =	wrdreg $0xFFFFFFFF;
	(pc) =	sbr.abs _section_cstart, $3  }
0xc0: {  	[dreg:$0x1] =	wrdreg $0xFFFFFFFF  }
0xc1: {  	_ =	task.clear_ibuf [dreg:s6], $0x2FFFF;
	_ =	strace $0x9FFFFFFF  }
0xc2: {  	(tm) =	ssettm $0x7FFFFFFF  }
0xc3: {  	_ =	shalt  }
tec
execute0_lowered:
.L_overlay_start_1:
0x0: {  	(tag) =	ssettag $0x1  }
0x1: {  	s4 =	rddreg [dreg:$0x0]  }
0x2: {  	s2 =	rddreg [dreg:$0x1]  }
0x3: {  	s0 =	rddreg [dreg:$0x2]  }
0x4: {  	s3 =	simm.s32 $0x0;
	s1 =	stileid.u32;
	s6 =	srdreg.scid  }
0x5: {  	[smem:$0x7FF] =	sst s3;
	s5 =	sshll.u32 s1, $0xC;
	s21 =	sshll.u32 s1, $0x5  }
0x6: {  	s14 =	sand.u32 $0x1, s6;
	s23 =	smul.u32 $0x50000, s1;
	s17 =	sadd.s32 $0x8C400, s4  }
0x7: {  	s8 =	smul.u32 $0x280, s1;
	_ =	strace $0x8000005C;
	s15 =	sadd.s32 s5, s4  }
0x8: {  	s16 =	sadd.s32 s21, s4;
	s22 =	ssub.s32 $0x2, s14;
	s4 =	sshll.u32 s1, $0x1  }
0x9: {  	s19 =	smul.u32 $0x2800, s14;
	s29 =	sshll.u32 s14, $0xB;
	s21 =	sshll.u32 s14, $0x4  }
0xa: {  	s24 =	sshrl.u32 s22, $0x1;
	s25 =	sshrl.u32 s23, $0x2;
	s11 =	sadd.s32 $0x80, s8  }
0xb: {  	s12 =	sadd.s32 $0x100, s8;
	s13 =	sadd.s32 $0x180, s8;
	s20 =	sadd.s32 $0x200, s8  }
0xc: {  	s30 =	sadd.s32 s29, s15;
	s31 =	sadd.s32 s21, s16;
	s18 =	ssub.s32 s22, s24  }
0xd: {  	s5 =	sadd.s32 s25, s2;
	s26 =	sshll.u32 s11, $0x7;
	s7 =	sshll.u32 s12, $0x7  }
0xe: {  	s9 =	sshll.u32 s13, $0x7;
	s10 =	sadd.s32 s8, s19;
	s28 =	sshll.u32 s20, $0x7  }
0xf: {  	s11 =	sadd.s32 s19, s11;
	s12 =	sadd.s32 s19, s12;
	s13 =	sadd.s32 s19, s13  }
0x10: {  	s19 =	sadd.s32 s19, s20;
	s16 =	sadd.s32 $0x56E400, s30;
	s20 =	simm.s32 $0x0  }
0x11: {  	s6 =	sadd.s32 s26, s2;
	s7 =	sadd.s32 s7, s2;
	s8 =	sadd.s32 s9, s2  }
0x12: {  	s10 =	sshll.u32 s10, $0x4;
	s9 =	sadd.s32 s28, s2;
	s11 =	sshll.u32 s11, $0x4  }
0x13: {  	s12 =	sshll.u32 s12, $0x4;
	s13 =	sshll.u32 s13, $0x4;
	s19 =	sshll.u32 s19, $0x4  }
0x14: {  	s15 =	smax.u32 s18, $0x1;
	s18 =	simm.s32 $0x80;
	s10 =	sadd.s32 s17, s10  }
0x15: {  	s11 =	sadd.s32 s17, s11;
	s12 =	sadd.s32 s17, s12;
	s13 =	sadd.s32 s17, s13  }
0x16: {  	v0 =	vimm.f32 $0.0e+00;
	s14 =	sadd.s32 s17, s19;
	s17 =	sadd.s32 $0x11E00, s31;
	s19 =	simm.s32 $0x1  }
.LBB2_1:
0x17: {  	s21 =	simm.s32 $0x0;
	s22 =	simm.s32 $0x200  }
.LBB2_2:
0x18: {  	p0 =	sne.s32 s22, $0xFE00;
	[tilespmem:s21+$0xF0] =	vst v0  }
0x19: {  	[tilespmem:s21+$0x80] =	vst v0  }
0x1a: {  	[tilespmem:s21+$0x90] =	vst v0  }
.Ltmp0:
0x1b: {  	[tilespmem:s21+$0xA0] =	vst v0;
	(pc) =	sbr.rel @p0 .LBB2_2-.Ltmp0, $4  }
0x1c: {  	[tilespmem:s21+$0xB0] =	vst v0  }
0x1d: {  	[tilespmem:s21+$0xC0] =	vst v0  }
0x1e: {  	[tilespmem:s21+$0xD0] =	vst v0  }
0x1f: {  	[tilespmem:s21+$0xE0] =	vst v0;
	s21 =	sshra.s32 s22, $0x2;
	s22 =	sadd.s32 $0x200, s22  }
0x20: {  	[tilespmem:s21+$0xF0] =	vst v0  }
0x21: {  	[tilespmem:s21+$0x80] =	vst v0  }
0x22: {  	[tilespmem:s21+$0x90] =	vst v0  }
0x23: {  	[tilespmem:s21+$0xA0] =	vst v0  }
0x24: {  	[tilespmem:s21+$0xB0] =	vst v0  }
0x25: {  	[tilespmem:s21+$0xC0] =	vst v0  }
0x26: {  	[tilespmem:s21+$0xD0] =	vst v0  }
0x27: {  	[tilespmem:s21+$0xE0] =	vst v0  }
0x28: {  	[spmem:s5] =	stream.linear.scatter [tilespmem:s18], [sflag:$0x1], $0x4000, $0x38;
	[tilespmem:$0x18080] =	vst v63  }
0x29: {  	_ =	swait.ge [sflag:s19], $0x4000  }
0x2a: {  	[sflag:s19] =	ssyncset.done $0x0  }
0x2b: {  	[sflag:s19] =	ssyncadd.s32 $0xFFFFC000  }
0x2c: {  	[spmem:s6] =	stream.linear.scatter [tilespmem:s18], [sflag:$0x1], $0x4000, $0x38;
	[tilespmem:$0x18080] =	vst v63  }
0x2d: {  	_ =	swait.ge [sflag:s19], $0x4000  }
0x2e: {  	[sflag:s19] =	ssyncset.done $0x0  }
0x2f: {  	[sflag:s19] =	ssyncadd.s32 $0xFFFFC000  }
0x30: {  	[spmem:s7] =	stream.linear.scatter [tilespmem:s18], [sflag:$0x1], $0x4000, $0x38;
	[tilespmem:$0x18080] =	vst v63  }
0x31: {  	_ =	swait.ge [sflag:s19], $0x4000  }
0x32: {  	[sflag:s19] =	ssyncset.done $0x0  }
0x33: {  	[sflag:s19] =	ssyncadd.s32 $0xFFFFC000  }
0x34: {  	[spmem:s8] =	stream.linear.scatter [tilespmem:s18], [sflag:$0x1], $0x4000, $0x38;
	[tilespmem:$0x18080] =	vst v63  }
0x35: {  	_ =	swait.ge [sflag:s19], $0x4000  }
0x36: {  	[sflag:s19] =	ssyncset.done $0x0  }
0x37: {  	[sflag:s19] =	ssyncadd.s32 $0xFFFFC000  }
0x38: {  	[spmem:s9] =	stream.linear.scatter [tilespmem:s18], [sflag:$0x1], $0x4000, $0x38;
	[tilespmem:$0x18080] =	vst v63  }
0x39: {  	_ =	swait.ge [sflag:s19], $0x4000  }
0x3a: {  	s30 =	sadd.s32 $0x0, s4;
	[sflag:s19] =	ssyncset.done $0x0  }
0x3b: {  	p0 =	sgt.u32 s30, $0x4E1;
	[sflag:s19] =	ssyncadd.s32 $0xFFFFC000  }
0x3c: {  	s21 =	simm.s32 @!p0 $0x0;
	s23 =	simm.s32 @!p0 $0x2;
	[bflag:$0x0] =	sbarrier.arrive $0xFFFF  }
0x3d: {  	[tilespmem:s21], [sflag:$0x2] =	stream.linear.gather @!p0 [hbm4b:s17+s21], $0x80, $0x38;
	[tilespmem:$0x18080] =	vst v63  }
0x3e: {  	_ =	swait.ge @!p0 [sflag:s23], $0x80  }
0x3f: {  	[sflag:s23] =	ssyncset.done @!p0 $0x0;
	p0 =	por p0, p0  }
0x40: {  	[sflag:s23] =	ssyncadd.s32 @!p0 $0xFFFFFF80;
	s25 =	simm.s32 @!p0 $0x80  }
0x41: {  	[tilespmem:s25], [sflag:$0x2] =	stream.linear.gather @!p0 [hbm4b:s16+s21], $0x4000, $0x38;
	[tilespmem:$0x18080] =	vst v63  }
0x42: {  	_ =	swait.ge @!p0 [sflag:s23], $0x4000  }
0x43: {  	[sflag:s23] =	ssyncset.done @!p0 $0x0  }
0x44: {  	s31 =	sadd.s32 $0x20, s4;
	s24 =	simm.s32 @!p0 $0x1;
	[sflag:s23] =	ssyncadd.s32 @!p0 $0xFFFFC000  }
0x45: {  	[spmem:s2] =	stream.indirect.scatter.add.f32 @!p0 [tilespmem:s25], [sflag:$0x1], $0x80, s21, s25, $0xb8;
	[tilespmem:$0x18080] =	vst v63  }
0x46: {  	s22 =	simm.s32 $0x40;
	p1 =	sgt.u32 s31, $0x4E1;
	_ =	swait.ge @!p0 [sflag:s24], $0x4000  }
0x47: {  	s23 =	sadd.s32 $0x200, s17;
	s21 =	sadd.s32 $0x10000, s16;
	[sflag:s24] =	ssyncset.done @!p0 $0x0  }
.LBB2_4:
0x48: {  	s25 =	simm.s32 @!p1 $0x0;
	s26 =	simm.s32 @!p1 $0x2;
	[sflag:s24] =	ssyncadd.s32 @!p0 $0xFFFFC000  }
0x49: {  	[tilespmem:s25], [sflag:$0x2] =	stream.linear.gather @!p1 [hbm4b:s23+s25], $0x80, $0x38;
	[tilespmem:$0x18080] =	vst v63  }
0x4a: {  	s28 =	smov.u32 s22;
	s22 =	sadd.s32 $0x20, s22;
	_ =	swait.ge @!p1 [sflag:s26], $0x80  }
0x4b: {  	p0 =	por p1, p1;
	p2 =	sne.s32 s22, $0x500;
	[sflag:s26] =	ssyncset.done @!p1 $0x0  }
0x4c: {  	s29 =	simm.s32 @!p0 $0x80;
	[sflag:s26] =	ssyncadd.s32 @!p0 $0xFFFFFF80  }
0x4d: {  	[tilespmem:s29], [sflag:$0x2] =	stream.linear.gather @!p0 [hbm4b:s21+s25], $0x4000, $0x38;
	[tilespmem:$0x18080] =	vst v63  }
0x4e: {  	_ =	swait.ge @!p0 [sflag:s26], $0x4000  }
.Ltmp1:
0x4f: {  	[sflag:s26] =	ssyncset.done @!p0 $0x0;
	(pc) =	sbr.rel @p2 .LBB2_4-.Ltmp1, $4  }
0x50: {  	s24 =	simm.s32 @!p0 $0x1;
	[sflag:s26] =	ssyncadd.s32 @!p0 $0xFFFFC000  }
0x51: {  	[spmem:s2] =	stream.indirect.scatter.add.f32 @!p0 [tilespmem:s29], [sflag:$0x1], $0x80, s25, s29, $0xb8;
	[tilespmem:$0x18080] =	vst v63  }
0x52: {  	s23 =	sadd.s32 $0x200, s23;
	s25 =	sadd.s32 s28, s4;
	_ =	swait.ge @!p0 [sflag:s24], $0x4000  }
0x53: {  	s21 =	sadd.s32 $0x10000, s21;
	p1 =	sgt.u32 s25, $0x4E1;
	[sflag:s24] =	ssyncset.done @!p0 $0x0  }
0x54: {  	s22 =	simm.s32 @!p1 $0x0;
	s25 =	simm.s32 @!p1 $0x2;
	[sflag:s24] =	ssyncadd.s32 @!p0 $0xFFFFC000  }
0x55: {  	[tilespmem:s22], [sflag:$0x2] =	stream.linear.gather @!p1 [hbm4b:s23+s22], $0x80, $0x38;
	[tilespmem:$0x18080] =	vst v63  }
0x56: {  	_ =	swait.ge @!p1 [sflag:s25], $0x80  }
0x57: {  	p0 =	por p1, p1;
	[sflag:s25] =	ssyncset.done @!p1 $0x0  }
0x58: {  	s23 =	simm.s32 @!p0 $0x80;
	[sflag:s25] =	ssyncadd.s32 @!p0 $0xFFFFFF80  }
0x59: {  	[tilespmem:s23], [sflag:$0x2] =	stream.linear.gather @!p0 [hbm4b:s21+s22], $0x4000, $0x38;
	[tilespmem:$0x18080] =	vst v63  }
0x5a: {  	_ =	swait.ge @!p0 [sflag:s25], $0x4000  }
0x5b: {  	[sflag:s25] =	ssyncset.done @!p0 $0x0  }
0x5c: {  	s21 =	simm.s32 @!p0 $0x1;
	[sflag:s25] =	ssyncadd.s32 @!p0 $0xFFFFC000  }
0x5d: {  	[spmem:s2] =	stream.indirect.scatter.add.f32 @!p0 [tilespmem:s23], [sflag:$0x1], $0x80, s22, s23, $0xb8;
	[tilespmem:$0x18080] =	vst v63  }
0x5e: {  	_ =	swait.ge @!p0 [sflag:s21], $0x4000  }
0x5f: {  	[sflag:s21] =	ssyncset.done @!p0 $0x0  }
0x60: {  	[sflag:s21] =	ssyncadd.s32 @!p0 $0xFFFFC000  }
0x61: {  	[bflag:$0x0] =	sbarrier.arrive $0xFFFF  }
0x62: {  	[tilespmem:s18], [sflag:$0x1] =	stream.linear.gather [spmem:s5], $0x4000, $0x38;
	[tilespmem:$0x18080] =	vst v63  }
0x63: {  	_ =	swait.ge [sflag:s19], $0x4000  }
0x64: {  	[sflag:s19] =	ssyncset.done $0x0  }
0x65: {  	[sflag:s19] =	ssyncadd.s32 $0xFFFFC000  }
0x66: {  	[hbm4b:s10+s3] =	stream.linear.scatter [tilespmem:s18], [sflag:$0x1], $0x4000, $0x38;
	[tilespmem:$0x18080] =	vst v63  }
0x67: {  	_ =	swait.ge [sflag:s19], $0x4000  }
0x68: {  	[sflag:s19] =	ssyncset.done $0x0  }
0x69: {  	[sflag:s19] =	ssyncadd.s32 $0xFFFFC000  }
0x6a: {  	[tilespmem:s18], [sflag:$0x1] =	stream.linear.gather [spmem:s6], $0x4000, $0x38;
	[tilespmem:$0x18080] =	vst v63  }
0x6b: {  	_ =	swait.ge [sflag:s19], $0x4000  }
0x6c: {  	[sflag:s19] =	ssyncset.done $0x0  }
0x6d: {  	[sflag:s19] =	ssyncadd.s32 $0xFFFFC000  }
0x6e: {  	[hbm4b:s11+s3] =	stream.linear.scatter [tilespmem:s18], [sflag:$0x1], $0x4000, $0x38;
	[tilespmem:$0x18080] =	vst v63  }
0x6f: {  	_ =	swait.ge [sflag:s19], $0x4000  }
0x70: {  	[sflag:s19] =	ssyncset.done $0x0  }
0x71: {  	[sflag:s19] =	ssyncadd.s32 $0xFFFFC000  }
0x72: {  	[tilespmem:s18], [sflag:$0x1] =	stream.linear.gather [spmem:s7], $0x4000, $0x38;
	[tilespmem:$0x18080] =	vst v63  }
0x73: {  	_ =	swait.ge [sflag:s19], $0x4000  }
0x74: {  	[sflag:s19] =	ssyncset.done $0x0  }
0x75: {  	[sflag:s19] =	ssyncadd.s32 $0xFFFFC000  }
0x76: {  	[hbm4b:s12+s3] =	stream.linear.scatter [tilespmem:s18], [sflag:$0x1], $0x4000, $0x38;
	[tilespmem:$0x18080] =	vst v63  }
0x77: {  	_ =	swait.ge [sflag:s19], $0x4000  }
0x78: {  	[sflag:s19] =	ssyncset.done $0x0  }
0x79: {  	[sflag:s19] =	ssyncadd.s32 $0xFFFFC000  }
0x7a: {  	[tilespmem:s18], [sflag:$0x1] =	stream.linear.gather [spmem:s8], $0x4000, $0x38;
	[tilespmem:$0x18080] =	vst v63  }
0x7b: {  	_ =	swait.ge [sflag:s19], $0x4000  }
0x7c: {  	[sflag:s19] =	ssyncset.done $0x0  }
0x7d: {  	[sflag:s19] =	ssyncadd.s32 $0xFFFFC000  }
0x7e: {  	[hbm4b:s13+s3] =	stream.linear.scatter [tilespmem:s18], [sflag:$0x1], $0x4000, $0x38;
	[tilespmem:$0x18080] =	vst v63  }
0x7f: {  	_ =	swait.ge [sflag:s19], $0x4000  }
0x80: {  	[sflag:s19] =	ssyncset.done $0x0  }
0x81: {  	[sflag:s19] =	ssyncadd.s32 $0xFFFFC000  }
0x82: {  	[tilespmem:s18], [sflag:$0x1] =	stream.linear.gather [spmem:s9], $0x4000, $0x38;
	[tilespmem:$0x18080] =	vst v63  }
0x83: {  	s20 =	sadd.s32 $0x1, s20;
	_ =	swait.ge [sflag:s19], $0x4000  }
0x84: {  	p0 =	sne.s32 s20, s15;
	[sflag:s19] =	ssyncset.done $0x0  }
.Ltmp2:
0x85: {  	[sflag:s19] =	ssyncadd.s32 $0xFFFFC000;
	(pc) =	sbr.rel @p0 .LBB2_1-.Ltmp2, $4  }
0x86: {  	[hbm4b:s14+s3] =	stream.linear.scatter [tilespmem:s18], [sflag:$0x1], $0x4000, $0x38;
	[tilespmem:$0x18080] =	vst v63  }
0x87: {  	_ =	swait.ge [sflag:s19], $0x4000  }
0x88: {  	[sflag:s19] =	ssyncset.done $0x0  }
0x89: {  	[sflag:s19] =	ssyncadd.s32 $0xFFFFC000  }
0x8a: {  	_ =	sfence.sel $0x180000  }
0x8b: {  	[bflag:$0x0] =	sbarrier.arrive $0xFFFF  }
0x8c: {  	p0 =	sne.s32 s1, $0x0;
	_ =	strace $0x9000005C  }
0x8d: {  	s0 =	sadd.s32 @!p0 $0x100000, s0;
	[bflag:$0x2] =	sbarrier.arrive $0xFFFF  }
0x8e: {  	[sflag:s0] =	ssyncadd.tile.s32 @!p0 $0x1;
	_ =	shalt  }
.Lfunc_end2:
_tile_overlayer_lowered:
.L_overlay_start_2:
0x8f: {  	(tag) =	ssettag $0x2  }
0x90: {  	s0 =	rddreg [dreg:$0x0];
	s2 =	stileid.u32  }
0x91: {  	s1 =	rddreg [dreg:$0x1];
	p0 =	sne.s32 s2, $0x0  }
0x92: {  	s3 =	rddreg [dreg:$0x2];
	[bflag:$0x3] =	sbarrier.arrive $0xFFFF;
	s2 =	simm.s32 @!p0 $0x1C01  }
0x93: {  	[timem:s3], [sflag:s2] =	dma.local @!p0 [hbm:s0], s1  }
0x94: {  	s0 =	simm.s32 @!p0 $0x1  }
0x95: {  	_ =	swait.ge @!p0 [sflag:s0], s1  }
0x96: {  	s1 =	ssub.s32 @!p0 $0x0, s1;
	[sflag:s0] =	ssyncset.done @!p0 $0x0  }
0x97: {  	[sflag:s0] =	ssyncadd.s32 @!p0 s1  }
0x98: {  	[bflag:$0x3] =	sbarrier.arrive $0xFFFF  }
0x99: {  	_ =	shalt  }

</sc_bundles>
